<compile_context>
chip_gen: v7x
topology: tpu7x:2x2x1
jax: 0.10.2.dev20260603
libtpu: 0.0.44.dev20260713+nightly
codegen_flags: <defaults>
</compile_context>

<pallas_src>
import functools

import jax
import jax.numpy as jnp
from jax import lax
from jax.experimental import pallas as pl
from jax.experimental.pallas import tpu as pltpu
from jax.experimental.pallas import tpu_sc as plsc

N = 131072
C = 20
B = 1024
CB = C * B
NC = 2
NS = 16
L = 16
NW = NC * NS
RW = N // NW
RCH = 1024
LCH = RCH * C
NCH = RW // RCH


def _hist_body(lg_h, lab_h, out_h,
               bl0, bl1, bb0, bb1, hcnt, herr, sem0, sem1):
    cid = lax.axis_index("c")
    sid = lax.axis_index("s")
    wid = sid * NC + cid
    rbase = wid * RW

    zv = jnp.zeros((L,), jnp.float32)

    @plsc.parallel_loop(0, CB // L, 1, unroll=8)
    def zero_body(i):
        hcnt[pl.ds(i * L, L)] = zv
        hcnt[pl.ds(CB + i * L, L)] = zv
        herr[pl.ds(i * L, L)] = zv

    bufs = ((bl0, bb0, sem0), (bl1, bb1, sem1))

    def start(g):
        bl, bb, sem = bufs[g & 1]
        row0 = rbase + g * RCH
        return (
            pltpu.async_copy(lg_h.at[pl.ds(row0 * C, LCH)], bl, sem),
            pltpu.async_copy(lab_h.at[pl.ds(row0, RCH)], bb, sem),
        )

    ones = jnp.ones((L,), jnp.float32)
    lanes = lax.iota(jnp.int32, L)
    cls0 = lanes
    cls1 = lanes + (C - L)
    cls0b = cls0 * B
    cls1b = cls1 * B
    hi4f = (lanes >= (2 * L - C)).astype(jnp.float32)
    mask1 = lanes >= (2 * L - C)
    bf = jnp.float32(B)
    bmax = jnp.int32(B - 1)

    pending = start(0)
    for g in range(NCH):
        nxt = start(g + 1) if g + 1 < NCH else None
        for h in pending:
            h.wait()
        vl, vb, _ = bufs[g & 1]

        @plsc.parallel_loop(0, RCH, 1, unroll=8)
        def row_body(j):
            base = j * C
            v0 = vl[pl.ds(base, L)]
            v1 = vl[pl.ds(base + C - L, L)]
            m = jnp.maximum(jnp.max(v0), jnp.max(v1))
            e0 = jnp.exp(v0 - m)
            e1 = jnp.exp(v1 - m)
            s = jnp.sum(e0) + jnp.sum(e1 * hi4f)
            rs = ones / (jnp.zeros((L,), jnp.float32) + s)
            labv = plsc.load_gather(vb, [jnp.full((L,), j, jnp.int32)])
            p0 = e0 * rs
            p1 = e1 * rs
            fg0 = cls0 == labv
            fg1 = cls1 == labv
            err0 = jnp.where(fg0, 1.0 - p0, p0)
            err1 = jnp.where(fg1, 1.0 - p1, p1)
            b0 = jnp.minimum((err0 * bf).astype(jnp.int32), bmax)
            b1 = jnp.minimum((err1 * bf).astype(jnp.int32), bmax)
            j0 = cls0b + b0
            j1 = cls1b + b1
            i0 = jnp.where(fg0, j0 + CB, j0)
            i1 = jnp.where(fg1, j1 + CB, j1)
            plsc.addupdate_scatter(hcnt, [i0], ones)
            plsc.addupdate_scatter(herr, [j0], err0)
            plsc.addupdate_scatter(hcnt, [i1], ones, mask=mask1)
            plsc.addupdate_scatter(herr, [j1], err1, mask=mask1)

        pending = nxt

    pltpu.sync_copy(hcnt.at[pl.ds(0, CB)], out_h.at[0, wid])
    pltpu.sync_copy(hcnt.at[pl.ds(CB, CB)], out_h.at[1, wid])
    pltpu.sync_copy(herr, out_h.at[2, wid])


@functools.lru_cache(maxsize=None)
def _make_hist():
    return pl.kernel(
        _hist_body,
        out_type=jax.ShapeDtypeStruct((3, NW, CB), jnp.float32),
        mesh=plsc.VectorSubcoreMesh(
            core_axis_name="c", subcore_axis_name="s",
            num_cores=NC, num_subcores=NS,
        ),
        scratch_types=[
            pltpu.VMEM((LCH,), jnp.float32),
            pltpu.VMEM((LCH,), jnp.float32),
            pltpu.VMEM((RCH,), jnp.int32),
            pltpu.VMEM((RCH,), jnp.int32),
            pltpu.VMEM((2 * CB,), jnp.float32),
            pltpu.VMEM((CB,), jnp.float32),
            pltpu.SemaphoreType.DMA,
            pltpu.SemaphoreType.DMA,
        ],
        compiler_params=pltpu.CompilerParams(needs_layout_passes=False),
    )


def _finish_body(n0_ref, k_ref, s_ref, o_ref):
    n0 = jnp.sum(n0_ref[...], axis=(0, 1)).reshape(C, B)
    k = jnp.sum(k_ref[...], axis=(0, 1)).reshape(C, B)
    S = jnp.sum(s_ref[...], axis=(0, 1)).reshape(C, B)
    n = n0 + k
    r = lax.broadcasted_iota(jnp.int32, (B, B), 0)
    cc = lax.broadcasted_iota(jnp.int32, (B, B), 1)
    tri = (r <= cc).astype(jnp.float32)
    cn = lax.dot(n, tri, precision=lax.Precision.HIGHEST)
    ck = lax.dot(k, tri, precision=lax.Precision.HIGHEST)
    ntot = cn[:, B - 1:B]
    g = ck[:, B - 1:B]
    ninc = ntot - cn + n
    kinc = g - ck + k
    nexc = ntot - cn
    kexc = g - ck
    jinc = 1.0 - (g - kinc) / jnp.maximum(g + ninc - kinc, 1.0)
    jexc = 1.0 - (g - kexc) / jnp.maximum(g + nexc - kexc, 1.0)
    ebar = S / jnp.maximum(n, 1.0)
    loss_c = jnp.sum(ebar * (jinc - jexc), axis=1, keepdims=True)
    present = (g > 0.0).astype(jnp.float32)
    tot = jnp.sum(loss_c * present, keepdims=True)
    npres = jnp.sum(present, keepdims=True)
    o_ref[...] = jnp.where(npres > 0, tot / jnp.maximum(npres, 1.0), 0.0)


def kernel(logits, labels):
    lg = logits.astype(jnp.float32).reshape(-1)
    lab = labels.astype(jnp.int32)
    h = _make_hist()(lg, lab)
    spec = [
        pl.BlockSpec((1, NW, CB), lambda i: (0, 0, 0)),
        pl.BlockSpec((1, NW, CB), lambda i: (1, 0, 0)),
        pl.BlockSpec((1, NW, CB), lambda i: (2, 0, 0)),
    ]
    res = pl.pallas_call(
        _finish_body,
        grid=(1,),
        in_specs=spec,
        out_specs=pl.BlockSpec((1, 1), lambda i: (0, 0)),
        out_shape=jax.ShapeDtypeStruct((1, 1), jnp.float32),
    )(h, h, h)
    return res[0, 0]

# --- scband reference (transcript-rebuilt; emitter-appended) ---
"""Pipeline reference for scband-lovasz-softmax-10780367913350 (READ-ONLY COPY).

The authoritative reference and input builder live on the scoring server;
editing this copy changes nothing except your own understanding.
"""

import jax, jax.numpy as jnp
import numpy as np


def setup_inputs(seed: int = 0) -> dict:
    key = jax.random.key(seed)
    k1, k2 = jax.random.split(key)
    logits = jax.random.normal(k1, (131072, 20), dtype=jnp.float32)
    labels = jax.random.randint(k2, (131072,), 0, 20, dtype=jnp.int64)
    return {"logits": logits, "labels": labels}


def _lovasz_softmax(logits, labels):
    probas = jax.nn.softmax(logits, axis=1)  # [N, C]
    C = probas.shape[1]
    losses = []
    presents = []
    for c in range(C):
        fg = (labels == c).astype(jnp.float32)
        present = fg.sum() > 0
        errors = jnp.abs(fg - probas[:, c])
        perm = jnp.argsort(-errors)  # descending sort of errors
        errors_sorted = errors[perm]
        fg_sorted = fg[perm]
        gts = fg_sorted.sum()
        intersection = gts - jnp.cumsum(fg_sorted)
        union = gts + jnp.cumsum(1.0 - fg_sorted)
        jaccard = 1.0 - intersection / union
        jaccard = jnp.concatenate([jaccard[:1], jaccard[1:] - jaccard[:-1]])
        grad = jnp.where(gts > 0, jaccard, jnp.zeros_like(jaccard))
        loss_c = jnp.dot(errors_sorted, grad)
        # classes='present': skip classes with no foreground (loss contribution and count)
        losses.append(jnp.where(present, loss_c, 0.0))
        presents.append(present.astype(jnp.float32))
    n_present = sum(presents)
    total = sum(losses)
    return jnp.where(n_present > 0, total / jnp.maximum(n_present, 1.0), jnp.float32(0.0))


def reference(logits, labels):
    return _lovasz_softmax(logits, labels)

if __name__ == "__main__":
    import jax
    _d = setup_inputs()
    print(jax.jit(kernel)(*tuple(_d.values())))

</pallas_src>

<mosaic_0001>
#map = affine_map<(d0, d1) -> (0)>
#map1 = affine_map<(d0, d1) -> (0, 0, 0)>
module attributes {stable_mosaic.version = 14 : i64} {
  func.func @_hist_body(%arg0: i32, %arg1: i32, %arg2: memref<2621440xf32, #tpu.memory_space<hbm>>, %arg3: memref<131072xi32, #tpu.memory_space<hbm>>, %arg4: memref<3x32x20480xf32, #tpu.memory_space<hbm>>, %arg5: memref<20480xf32, #tpu.memory_space<vmem>>, %arg6: memref<20480xf32, #tpu.memory_space<vmem>>, %arg7: memref<1024xi32, #tpu.memory_space<vmem>>, %arg8: memref<1024xi32, #tpu.memory_space<vmem>>, %arg9: memref<40960xf32, #tpu.memory_space<vmem>>, %arg10: memref<20480xf32, #tpu.memory_space<vmem>>, %arg11: memref<!tpu.dma_semaphore, #tpu.memory_space<semaphore_mem>>, %arg12: memref<!tpu.dma_semaphore, #tpu.memory_space<semaphore_mem>>) attributes {dimension_semantics = [#tpu.dimension_semantics<core_parallel>, #tpu.dimension_semantics<subcore_parallel>], iteration_bounds = array<i64: 2, 16>, scalar_prefetch = 0 : i64, scratch_operands = 8 : i64, tpu.core_type = #tpu.core_type<sc_vector_subcore>, window_params = [{transform_indices = #map}, {transform_indices = #map}, {transform_indices = #map1}]} {
    %mul3A = arith.constant 2 : i32
    %mul3A_0 = arith.muli %arg1, %mul3A : i32
    %add3A = arith.addi %mul3A_0, %arg0 : i32
    %mul3A_1 = arith.constant 4096 : i32
    %mul3A_2 = arith.muli %add3A, %mul3A_1 : i32
    %broadcast_in_dim3A = arith.constant 0.000000e+00 : f32
    %broadcast_in_dim3A_3 = vector.broadcast %broadcast_in_dim3A : f32 to vector<16xf32>
    %parallel_loop3A = arith.constant 0 : i32
    %parallel_loop3A_4 = arith.constant 1280 : i32
    %parallel_loop3A_5 = arith.constant 1 : i32
    scf.for %parallel_loop3A_91 = %parallel_loop3A to %parallel_loop3A_4 step %parallel_loop3A_5  : i32 {
      %parallel_loop3A_92 = arith.constant 16 : i32
      %parallel_loop3A_93 = arith.muli %parallel_loop3A_91, %parallel_loop3A_92 : i32
      %parallel_loop3A_94 = arith.index_cast %parallel_loop3A_93 : i32 to index
      %parallel_loop3A_95 = tpu.vector_load %arg9[%parallel_loop3A_94] {strides = array<i32>} : memref<40960xf32, #tpu.memory_space<vmem>>, vector<16xf32>,
      tpu.vector_store %arg9[%parallel_loop3A_94], %broadcast_in_dim3A_3 {strides = array<i32>} : memref<40960xf32, #tpu.memory_space<vmem>>, vector<16xf32>,
      %parallel_loop3A_96 = arith.constant 16 : i32
      %parallel_loop3A_97 = arith.muli %parallel_loop3A_91, %parallel_loop3A_96 : i32
      %parallel_loop3A_98 = arith.constant 20480 : i32
      %parallel_loop3A_99 = arith.addi %parallel_loop3A_98, %parallel_loop3A_97 : i32
      %parallel_loop3A_100 = arith.index_cast %parallel_loop3A_99 : i32 to index
      %parallel_loop3A_101 = tpu.vector_load %arg9[%parallel_loop3A_100] {strides = array<i32>} : memref<40960xf32, #tpu.memory_space<vmem>>, vector<16xf32>,
      tpu.vector_store %arg9[%parallel_loop3A_100], %broadcast_in_dim3A_3 {strides = array<i32>} : memref<40960xf32, #tpu.memory_space<vmem>>, vector<16xf32>,
      %parallel_loop3A_102 = arith.constant 16 : i32
      %parallel_loop3A_103 = arith.muli %parallel_loop3A_91, %parallel_loop3A_102 : i32
      %parallel_loop3A_104 = arith.index_cast %parallel_loop3A_103 : i32 to index
      %parallel_loop3A_105 = tpu.vector_load %arg10[%parallel_loop3A_104] {strides = array<i32>} : memref<20480xf32, #tpu.memory_space<vmem>>, vector<16xf32>,
      tpu.vector_store %arg10[%parallel_loop3A_104], %broadcast_in_dim3A_3 {strides = array<i32>} : memref<20480xf32, #tpu.memory_space<vmem>>, vector<16xf32>,
    } {sc.loop_unroll_factor = 8 : i64, sc.parallel_access}
    %broadcast_in_dim3A_6 = arith.constant 1.000000e+00 : f32
    %broadcast_in_dim3A_7 = vector.broadcast %broadcast_in_dim3A_6 : f32 to vector<16xf32>
    %iota3A = tpu.iota {dimensions = array<i32: 0>} : vector<16xi32>
    %add3A_8 = arith.constant 4 : i32
    %add3A_9 = vector.broadcast %add3A_8 : i32 to vector<16xi32>
    %add3A_10 = arith.addi %iota3A, %add3A_9 : vector<16xi32>
    %mul3A_11 = arith.constant 1024 : i32
    %mul3A_12 = vector.broadcast %mul3A_11 : i32 to vector<16xi32>
    %mul3A_13 = arith.muli %iota3A, %mul3A_12 : vector<16xi32>
    %mul3A_14 = arith.constant 1024 : i32
    %mul3A_15 = vector.broadcast %mul3A_14 : i32 to vector<16xi32>
    %mul3A_16 = arith.muli %add3A_10, %mul3A_15 : vector<16xi32>
    %ge3A = arith.constant 12 : i32
    %ge3A_17 = vector.broadcast %ge3A : i32 to vector<16xi32>
    %ge3A_18 = arith.cmpi sge, %iota3A, %ge3A_17 : vector<16xi32>
    %convert_element_type3A = arith.extui %ge3A_18 : vector<16xi1> to vector<16xi32>
    %convert_element_type3A_19 = arith.sitofp %convert_element_type3A : vector<16xi32> to vector<16xf32>
    %ge3A_20 = arith.constant 12 : i32
    %ge3A_21 = vector.broadcast %ge3A_20 : i32 to vector<16xi32>
    %ge3A_22 = arith.cmpi sge, %iota3A, %ge3A_21 : vector<16xi32>
    %add3A_23 = arith.constant 0 : i32
    %add3A_24 = arith.addi %mul3A_2, %add3A_23 : i32
    %mul3A_25 = arith.constant 20 : i32
    %mul3A_26 = arith.muli %add3A_24, %mul3A_25 : i32
    %dma_start3A = tpu.memref_slice %arg2[%mul3A_26] : memref<2621440xf32, #tpu.memory_space<hbm>> -> memref<20480xf32, #tpu.memory_space<hbm>>
    %dma_start3A_27 = tpu.memref_slice %arg2[%mul3A_26] : memref<2621440xf32, #tpu.memory_space<hbm>> -> memref<20480xf32, #tpu.memory_space<hbm>>
    tpu.enqueue_dma source(%dma_start3A_27 : memref<20480xf32, #tpu.memory_space<hbm>>) target(%arg5 : memref<20480xf32, #tpu.memory_space<vmem>>) target_semaphore(%arg11 : memref<!tpu.dma_semaphore, #tpu.memory_space<semaphore_mem>>)
    %dma_start3A_28 = tpu.memref_slice %arg3[%add3A_24] : memref<131072xi32, #tpu.memory_space<hbm>> -> memref<1024xi32, #tpu.memory_space<hbm>>
    %dma_start3A_29 = tpu.memref_slice %arg3[%add3A_24] : memref<131072xi32, #tpu.memory_space<hbm>> -> memref<1024xi32, #tpu.memory_space<hbm>>
    tpu.enqueue_dma source(%dma_start3A_29 : memref<1024xi32, #tpu.memory_space<hbm>>) target(%arg7 : memref<1024xi32, #tpu.memory_space<vmem>>) target_semaphore(%arg11 : memref<!tpu.dma_semaphore, #tpu.memory_space<semaphore_mem>>)
    %add3A_30 = arith.constant 1024 : i32
    %add3A_31 = arith.addi %mul3A_2, %add3A_30 : i32
    %mul3A_32 = arith.constant 20 : i32
    %mul3A_33 = arith.muli %add3A_31, %mul3A_32 : i32
    %dma_start3A_34 = tpu.memref_slice %arg2[%mul3A_33] : memref<2621440xf32, #tpu.memory_space<hbm>> -> memref<20480xf32, #tpu.memory_space<hbm>>
    %dma_start3A_35 = tpu.memref_slice %arg2[%mul3A_33] : memref<2621440xf32, #tpu.memory_space<hbm>> -> memref<20480xf32, #tpu.memory_space<hbm>>
    tpu.enqueue_dma source(%dma_start3A_35 : memref<20480xf32, #tpu.memory_space<hbm>>) target(%arg6 : memref<20480xf32, #tpu.memory_space<vmem>>) target_semaphore(%arg12 : memref<!tpu.dma_semaphore, #tpu.memory_space<semaphore_mem>>)
    %dma_start3A_36 = tpu.memref_slice %arg3[%add3A_31] : memref<131072xi32, #tpu.memory_space<hbm>> -> memref<1024xi32, #tpu.memory_space<hbm>>
    %dma_start3A_37 = tpu.memref_slice %arg3[%add3A_31] : memref<131072xi32, #tpu.memory_space<hbm>> -> memref<1024xi32, #tpu.memory_space<hbm>>
    tpu.enqueue_dma source(%dma_start3A_37 : memref<1024xi32, #tpu.memory_space<hbm>>) target(%arg8 : memref<1024xi32, #tpu.memory_space<vmem>>) target_semaphore(%arg12 : memref<!tpu.dma_semaphore, #tpu.memory_space<semaphore_mem>>)
    %dma_wait3A = tpu.memref_slice %arg2[%mul3A_26] : memref<2621440xf32, #tpu.memory_space<hbm>> -> memref<20480xf32, #tpu.memory_space<hbm>>
    %dma_wait3A_38 = tpu.memref_slice %arg2[%mul3A_26] : memref<2621440xf32, #tpu.memory_space<hbm>> -> memref<20480xf32, #tpu.memory_space<hbm>>
    tpu.wait_dma2 semaphore(%arg11 : memref<!tpu.dma_semaphore, #tpu.memory_space<semaphore_mem>>) src(%dma_wait3A_38 : memref<20480xf32, #tpu.memory_space<hbm>>) dst(%arg5 : memref<20480xf32, #tpu.memory_space<vmem>>)
    %dma_wait3A_39 = tpu.memref_slice %arg3[%add3A_24] : memref<131072xi32, #tpu.memory_space<hbm>> -> memref<1024xi32, #tpu.memory_space<hbm>>
    %dma_wait3A_40 = tpu.memref_slice %arg3[%add3A_24] : memref<131072xi32, #tpu.memory_space<hbm>> -> memref<1024xi32, #tpu.memory_space<hbm>>
    tpu.wait_dma2 semaphore(%arg11 : memref<!tpu.dma_semaphore, #tpu.memory_space<semaphore_mem>>) src(%dma_wait3A_40 : memref<1024xi32, #tpu.memory_space<hbm>>) dst(%arg7 : memref<1024xi32, #tpu.memory_space<vmem>>)
    %parallel_loop3A_41 = arith.constant 0 : i32
    %parallel_loop3A_42 = arith.constant 1024 : i32
    %parallel_loop3A_43 = arith.constant 1 : i32
    %parallel_loop3A_44 = arith.constant 1.024000e+03 : f32
    %parallel_loop3A_45 = arith.constant 1023 : i32
    scf.for %parallel_loop3A_91 = %parallel_loop3A_41 to %parallel_loop3A_42 step %parallel_loop3A_43  : i32 {
      %parallel_loop3A_92 = arith.constant 20 : i32
      %parallel_loop3A_93 = arith.muli %parallel_loop3A_91, %parallel_loop3A_92 : i32
      %parallel_loop3A_94 = arith.index_cast %parallel_loop3A_93 : i32 to index
      %parallel_loop3A_95 = tpu.vector_load %arg5[%parallel_loop3A_94] {strides = array<i32>} : memref<20480xf32, #tpu.memory_space<vmem>>, vector<16xf32>,
      %parallel_loop3A_96 = arith.constant 20 : i32
      %parallel_loop3A_97 = arith.addi %parallel_loop3A_93, %parallel_loop3A_96 : i32
      %parallel_loop3A_98 = arith.constant 16 : i32
      %parallel_loop3A_99 = arith.subi %parallel_loop3A_97, %parallel_loop3A_98 : i32
      %parallel_loop3A_100 = arith.index_cast %parallel_loop3A_99 : i32 to index
      %parallel_loop3A_101 = tpu.vector_load %arg5[%parallel_loop3A_100] {strides = array<i32>} : memref<20480xf32, #tpu.memory_space<vmem>>, vector<16xf32>,
      %parallel_loop3A_102 = arith.constant true
      %parallel_loop3A_103 = vector.broadcast %parallel_loop3A_102 : i1 to vector<16xi1>
      %parallel_loop3A_104 = tpu.scan <max>, %parallel_loop3A_95 masked %parallel_loop3A_103 : vector<16xf32>, vector<16xi1> -> vector<16xf32>
      %parallel_loop3A_105 = vector.extract %parallel_loop3A_104[15] : f32 from vector<16xf32>
      %parallel_loop3A_106 = arith.constant true
      %parallel_loop3A_107 = vector.broadcast %parallel_loop3A_106 : i1 to vector<16xi1>
      %parallel_loop3A_108 = tpu.scan <max>, %parallel_loop3A_101 masked %parallel_loop3A_107 : vector<16xf32>, vector<16xi1> -> vector<16xf32>
      %parallel_loop3A_109 = vector.extract %parallel_loop3A_108[15] : f32 from vector<16xf32>
      %parallel_loop3A_110 = arith.maximumf %parallel_loop3A_105, %parallel_loop3A_109 : f32
      %parallel_loop3A_111 = vector.broadcast %parallel_loop3A_110 : f32 to vector<16xf32>
      %parallel_loop3A_112 = arith.subf %parallel_loop3A_95, %parallel_loop3A_111 : vector<16xf32>
      %parallel_loop3A_113 = math.exp %parallel_loop3A_112 : vector<16xf32>
      %parallel_loop3A_114 = vector.broadcast %parallel_loop3A_110 : f32 to vector<16xf32>
      %parallel_loop3A_115 = arith.subf %parallel_loop3A_101, %parallel_loop3A_114 : vector<16xf32>
      %parallel_loop3A_116 = math.exp %parallel_loop3A_115 : vector<16xf32>
      %parallel_loop3A_117 = arith.constant true
      %parallel_loop3A_118 = vector.broadcast %parallel_loop3A_117 : i1 to vector<16xi1>
      %parallel_loop3A_119 = tpu.scan <sum>, %parallel_loop3A_113 masked %parallel_loop3A_118 : vector<16xf32>, vector<16xi1> -> vector<16xf32>
      %parallel_loop3A_120 = vector.extract %parallel_loop3A_119[15] : f32 from vector<16xf32>
      %parallel_loop3A_121 = arith.mulf %parallel_loop3A_116, %convert_element_type3A_19 : vector<16xf32>
      %parallel_loop3A_122 = arith.constant true
      %parallel_loop3A_123 = vector.broadcast %parallel_loop3A_122 : i1 to vector<16xi1>
      %parallel_loop3A_124 = tpu.scan <sum>, %parallel_loop3A_121 masked %parallel_loop3A_123 : vector<16xf32>, vector<16xi1> -> vector<16xf32>
      %parallel_loop3A_125 = vector.extract %parallel_loop3A_124[15] : f32 from vector<16xf32>
      %parallel_loop3A_126 = arith.addf %parallel_loop3A_120, %parallel_loop3A_125 : f32
      %parallel_loop3A_127 = arith.constant 0.000000e+00 : f32
      %parallel_loop3A_128 = vector.broadcast %parallel_loop3A_127 : f32 to vector<16xf32>
      %parallel_loop3A_129 = vector.broadcast %parallel_loop3A_126 : f32 to vector<16xf32>
      %parallel_loop3A_130 = arith.addf %parallel_loop3A_128, %parallel_loop3A_129 : vector<16xf32>
      %parallel_loop3A_131 = arith.divf %broadcast_in_dim3A_7, %parallel_loop3A_130 : vector<16xf32>
      %parallel_loop3A_132 = vector.broadcast %parallel_loop3A_91 : i32 to vector<16xi32>
      %parallel_loop3A_133 = tpu.vector_load_idx %arg7[%parallel_loop3A_132] : memref<1024xi32, #tpu.memory_space<vmem>>[vector<16xi32>], vector<16xi32>,
      %parallel_loop3A_134 = arith.mulf %parallel_loop3A_113, %parallel_loop3A_131 : vector<16xf32>
      %parallel_loop3A_135 = arith.mulf %parallel_loop3A_116, %parallel_loop3A_131 : vector<16xf32>
      %parallel_loop3A_136 = arith.cmpi eq, %iota3A, %parallel_loop3A_133 : vector<16xi32>
      %parallel_loop3A_137 = arith.cmpi eq, %add3A_10, %parallel_loop3A_133 : vector<16xi32>
      %parallel_loop3A_138 = arith.constant 1.000000e+00 : f32
      %parallel_loop3A_139 = vector.broadcast %parallel_loop3A_138 : f32 to vector<16xf32>
      %parallel_loop3A_140 = arith.subf %parallel_loop3A_139, %parallel_loop3A_134 : vector<16xf32>
      %parallel_loop3A_141 = arith.select %parallel_loop3A_136, %parallel_loop3A_140, %parallel_loop3A_134 : vector<16xi1>, vector<16xf32>
      %parallel_loop3A_142 = arith.constant 1.000000e+00 : f32
      %parallel_loop3A_143 = vector.broadcast %parallel_loop3A_142 : f32 to vector<16xf32>
      %parallel_loop3A_144 = arith.subf %parallel_loop3A_143, %parallel_loop3A_135 : vector<16xf32>
      %parallel_loop3A_145 = arith.select %parallel_loop3A_137, %parallel_loop3A_144, %parallel_loop3A_135 : vector<16xi1>, vector<16xf32>
      %parallel_loop3A_146 = vector.broadcast %parallel_loop3A_44 : f32 to vector<16xf32>
      %parallel_loop3A_147 = arith.mulf %parallel_loop3A_141, %parallel_loop3A_146 : vector<16xf32>
      %parallel_loop3A_148 = arith.fptosi %parallel_loop3A_147 : vector<16xf32> to vector<16xi32>
      %parallel_loop3A_149 = vector.broadcast %parallel_loop3A_45 : i32 to vector<16xi32>
      %parallel_loop3A_150 = arith.minsi %parallel_loop3A_148, %parallel_loop3A_149 : vector<16xi32>
      %parallel_loop3A_151 = vector.broadcast %parallel_loop3A_44 : f32 to vector<16xf32>
      %parallel_loop3A_152 = arith.mulf %parallel_loop3A_145, %parallel_loop3A_151 : vector<16xf32>
      %parallel_loop3A_153 = arith.fptosi %parallel_loop3A_152 : vector<16xf32> to vector<16xi32>
      %parallel_loop3A_154 = vector.broadcast %parallel_loop3A_45 : i32 to vector<16xi32>
      %parallel_loop3A_155 = arith.minsi %parallel_loop3A_153, %parallel_loop3A_154 : vector<16xi32>
      %parallel_loop3A_156 = arith.addi %mul3A_13, %parallel_loop3A_150 : vector<16xi32>
      %parallel_loop3A_157 = arith.addi %mul3A_16, %parallel_loop3A_155 : vector<16xi32>
      %parallel_loop3A_158 = arith.constant 20480 : i32
      %parallel_loop3A_159 = vector.broadcast %parallel_loop3A_158 : i32 to vector<16xi32>
      %parallel_loop3A_160 = arith.addi %parallel_loop3A_156, %parallel_loop3A_159 : vector<16xi32>
      %parallel_loop3A_161 = arith.select %parallel_loop3A_136, %parallel_loop3A_160, %parallel_loop3A_156 : vector<16xi1>, vector<16xi32>
      %parallel_loop3A_162 = arith.constant 20480 : i32
      %parallel_loop3A_163 = vector.broadcast %parallel_loop3A_162 : i32 to vector<16xi32>
      %parallel_loop3A_164 = arith.addi %parallel_loop3A_157, %parallel_loop3A_163 : vector<16xi32>
      %parallel_loop3A_165 = arith.select %parallel_loop3A_137, %parallel_loop3A_164, %parallel_loop3A_157 : vector<16xi1>, vector<16xi32>
      tpu.vector_store_idx %arg9[%parallel_loop3A_161], %broadcast_in_dim3A_7 {add = true} : memref<40960xf32, #tpu.memory_space<vmem>>[vector<16xi32>], vector<16xf32>,
      tpu.vector_store_idx %arg10[%parallel_loop3A_156], %parallel_loop3A_141 {add = true} : memref<20480xf32, #tpu.memory_space<vmem>>[vector<16xi32>], vector<16xf32>,
      tpu.vector_store_idx %arg9[%parallel_loop3A_165], %broadcast_in_dim3A_7 masked %ge3A_22 {add = true} : memref<40960xf32, #tpu.memory_space<vmem>>[vector<16xi32>], vector<16xf32>, vector<16xi1>
      tpu.vector_store_idx %arg10[%parallel_loop3A_157], %parallel_loop3A_145 masked %ge3A_22 {add = true} : memref<20480xf32, #tpu.memory_space<vmem>>[vector<16xi32>], vector<16xf32>, vector<16xi1>
    } {sc.loop_unroll_factor = 8 : i64, sc.parallel_access}
    %add3A_46 = arith.constant 2048 : i32
    %add3A_47 = arith.addi %mul3A_2, %add3A_46 : i32
    %mul3A_48 = arith.constant 20 : i32
    %mul3A_49 = arith.muli %add3A_47, %mul3A_48 : i32
    %dma_start3A_50 = tpu.memref_slice %arg2[%mul3A_49] : memref<2621440xf32, #tpu.memory_space<hbm>> -> memref<20480xf32, #tpu.memory_space<hbm>>
    %dma_start3A_51 = tpu.memref_slice %arg2[%mul3A_49] : memref<2621440xf32, #tpu.memory_space<hbm>> -> memref<20480xf32, #tpu.memory_space<hbm>>
    tpu.enqueue_dma source(%dma_start3A_51 : memref<20480xf32, #tpu.memory_space<hbm>>) target(%arg5 : memref<20480xf32, #tpu.memory_space<vmem>>) target_semaphore(%arg11 : memref<!tpu.dma_semaphore, #tpu.memory_space<semaphore_mem>>)
    %dma_start3A_52 = tpu.memref_slice %arg3[%add3A_47] : memref<131072xi32, #tpu.memory_space<hbm>> -> memref<1024xi32, #tpu.memory_space<hbm>>
    %dma_start3A_53 = tpu.memref_slice %arg3[%add3A_47] : memref<131072xi32, #tpu.memory_space<hbm>> -> memref<1024xi32, #tpu.memory_space<hbm>>
    tpu.enqueue_dma source(%dma_start3A_53 : memref<1024xi32, #tpu.memory_space<hbm>>) target(%arg7 : memref<1024xi32, #tpu.memory_space<vmem>>) target_semaphore(%arg11 : memref<!tpu.dma_semaphore, #tpu.memory_space<semaphore_mem>>)
    %dma_wait3A_54 = tpu.memref_slice %arg2[%mul3A_33] : memref<2621440xf32, #tpu.memory_space<hbm>> -> memref<20480xf32, #tpu.memory_space<hbm>>
    %dma_wait3A_55 = tpu.memref_slice %arg2[%mul3A_33] : memref<2621440xf32, #tpu.memory_space<hbm>> -> memref<20480xf32, #tpu.memory_space<hbm>>
    tpu.wait_dma2 semaphore(%arg12 : memref<!tpu.dma_semaphore, #tpu.memory_space<semaphore_mem>>) src(%dma_wait3A_55 : memref<20480xf32, #tpu.memory_space<hbm>>) dst(%arg6 : memref<20480xf32, #tpu.memory_space<vmem>>)
    %dma_wait3A_56 = tpu.memref_slice %arg3[%add3A_31] : memref<131072xi32, #tpu.memory_space<hbm>> -> memref<1024xi32, #tpu.memory_space<hbm>>
    %dma_wait3A_57 = tpu.memref_slice %arg3[%add3A_31] : memref<131072xi32, #tpu.memory_space<hbm>> -> memref<1024xi32, #tpu.memory_space<hbm>>
    tpu.wait_dma2 semaphore(%arg12 : memref<!tpu.dma_semaphore, #tpu.memory_space<semaphore_mem>>) src(%dma_wait3A_57 : memref<1024xi32, #tpu.memory_space<hbm>>) dst(%arg8 : memref<1024xi32, #tpu.memory_space<vmem>>)
    %parallel_loop3A_58 = arith.constant 0 : i32
    %parallel_loop3A_59 = arith.constant 1024 : i32
    %parallel_loop3A_60 = arith.constant 1 : i32
    %parallel_loop3A_61 = arith.constant 1.024000e+03 : f32
    %parallel_loop3A_62 = arith.constant 1023 : i32
    scf.for %parallel_loop3A_91 = %parallel_loop3A_58 to %parallel_loop3A_59 step %parallel_loop3A_60  : i32 {
      %parallel_loop3A_92 = arith.constant 20 : i32
      %parallel_loop3A_93 = arith.muli %parallel_loop3A_91, %parallel_loop3A_92 : i32
      %parallel_loop3A_94 = arith.index_cast %parallel_loop3A_93 : i32 to index
      %parallel_loop3A_95 = tpu.vector_load %arg6[%parallel_loop3A_94] {strides = array<i32>} : memref<20480xf32, #tpu.memory_space<vmem>>, vector<16xf32>,
      %parallel_loop3A_96 = arith.constant 20 : i32
      %parallel_loop3A_97 = arith.addi %parallel_loop3A_93, %parallel_loop3A_96 : i32
      %parallel_loop3A_98 = arith.constant 16 : i32
      %parallel_loop3A_99 = arith.subi %parallel_loop3A_97, %parallel_loop3A_98 : i32
      %parallel_loop3A_100 = arith.index_cast %parallel_loop3A_99 : i32 to index
      %parallel_loop3A_101 = tpu.vector_load %arg6[%parallel_loop3A_100] {strides = array<i32>} : memref<20480xf32, #tpu.memory_space<vmem>>, vector<16xf32>,
      %parallel_loop3A_102 = arith.constant true
      %parallel_loop3A_103 = vector.broadcast %parallel_loop3A_102 : i1 to vector<16xi1>
      %parallel_loop3A_104 = tpu.scan <max>, %parallel_loop3A_95 masked %parallel_loop3A_103 : vector<16xf32>, vector<16xi1> -> vector<16xf32>
      %parallel_loop3A_105 = vector.extract %parallel_loop3A_104[15] : f32 from vector<16xf32>
      %parallel_loop3A_106 = arith.constant true
      %parallel_loop3A_107 = vector.broadcast %parallel_loop3A_106 : i1 to vector<16xi1>
      %parallel_loop3A_108 = tpu.scan <max>, %parallel_loop3A_101 masked %parallel_loop3A_107 : vector<16xf32>, vector<16xi1> -> vector<16xf32>
      %parallel_loop3A_109 = vector.extract %parallel_loop3A_108[15] : f32 from vector<16xf32>
      %parallel_loop3A_110 = arith.maximumf %parallel_loop3A_105, %parallel_loop3A_109 : f32
      %parallel_loop3A_111 = vector.broadcast %parallel_loop3A_110 : f32 to vector<16xf32>
      %parallel_loop3A_112 = arith.subf %parallel_loop3A_95, %parallel_loop3A_111 : vector<16xf32>
      %parallel_loop3A_113 = math.exp %parallel_loop3A_112 : vector<16xf32>
      %parallel_loop3A_114 = vector.broadcast %parallel_loop3A_110 : f32 to vector<16xf32>
      %parallel_loop3A_115 = arith.subf %parallel_loop3A_101, %parallel_loop3A_114 : vector<16xf32>
      %parallel_loop3A_116 = math.exp %parallel_loop3A_115 : vector<16xf32>
      %parallel_loop3A_117 = arith.constant true
      %parallel_loop3A_118 = vector.broadcast %parallel_loop3A_117 : i1 to vector<16xi1>
      %parallel_loop3A_119 = tpu.scan <sum>, %parallel_loop3A_113 masked %parallel_loop3A_118 : vector<16xf32>, vector<16xi1> -> vector<16xf32>
      %parallel_loop3A_120 = vector.extract %parallel_loop3A_119[15] : f32 from vector<16xf32>
      %parallel_loop3A_121 = arith.mulf %parallel_loop3A_116, %convert_element_type3A_19 : vector<16xf32>
      %parallel_loop3A_122 = arith.constant true
      %parallel_loop3A_123 = vector.broadcast %parallel_loop3A_122 : i1 to vector<16xi1>
      %parallel_loop3A_124 = tpu.scan <sum>, %parallel_loop3A_121 masked %parallel_loop3A_123 : vector<16xf32>, vector<16xi1> -> vector<16xf32>
      %parallel_loop3A_125 = vector.extract %parallel_loop3A_124[15] : f32 from vector<16xf32>
      %parallel_loop3A_126 = arith.addf %parallel_loop3A_120, %parallel_loop3A_125 : f32
      %parallel_loop3A_127 = arith.constant 0.000000e+00 : f32
      %parallel_loop3A_128 = vector.broadcast %parallel_loop3A_127 : f32 to vector<16xf32>
      %parallel_loop3A_129 = vector.broadcast %parallel_loop3A_126 : f32 to vector<16xf32>
      %parallel_loop3A_130 = arith.addf %parallel_loop3A_128, %parallel_loop3A_129 : vector<16xf32>
      %parallel_loop3A_131 = arith.divf %broadcast_in_dim3A_7, %parallel_loop3A_130 : vector<16xf32>
      %parallel_loop3A_132 = vector.broadcast %parallel_loop3A_91 : i32 to vector<16xi32>
      %parallel_loop3A_133 = tpu.vector_load_idx %arg8[%parallel_loop3A_132] : memref<1024xi32, #tpu.memory_space<vmem>>[vector<16xi32>], vector<16xi32>,
      %parallel_loop3A_134 = arith.mulf %parallel_loop3A_113, %parallel_loop3A_131 : vector<16xf32>
      %parallel_loop3A_135 = arith.mulf %parallel_loop3A_116, %parallel_loop3A_131 : vector<16xf32>
      %parallel_loop3A_136 = arith.cmpi eq, %iota3A, %parallel_loop3A_133 : vector<16xi32>
      %parallel_loop3A_137 = arith.cmpi eq, %add3A_10, %parallel_loop3A_133 : vector<16xi32>
      %parallel_loop3A_138 = arith.constant 1.000000e+00 : f32
      %parallel_loop3A_139 = vector.broadcast %parallel_loop3A_138 : f32 to vector<16xf32>
      %parallel_loop3A_140 = arith.subf %parallel_loop3A_139, %parallel_loop3A_134 : vector<16xf32>
      %parallel_loop3A_141 = arith.select %parallel_loop3A_136, %parallel_loop3A_140, %parallel_loop3A_134 : vector<16xi1>, vector<16xf32>
      %parallel_loop3A_142 = arith.constant 1.000000e+00 : f32
      %parallel_loop3A_143 = vector.broadcast %parallel_loop3A_142 : f32 to vector<16xf32>
      %parallel_loop3A_144 = arith.subf %parallel_loop3A_143, %parallel_loop3A_135 : vector<16xf32>
      %parallel_loop3A_145 = arith.select %parallel_loop3A_137, %parallel_loop3A_144, %parallel_loop3A_135 : vector<16xi1>, vector<16xf32>
      %parallel_loop3A_146 = vector.broadcast %parallel_loop3A_61 : f32 to vector<16xf32>
      %parallel_loop3A_147 = arith.mulf %parallel_loop3A_141, %parallel_loop3A_146 : vector<16xf32>
      %parallel_loop3A_148 = arith.fptosi %parallel_loop3A_147 : vector<16xf32> to vector<16xi32>
      %parallel_loop3A_149 = vector.broadcast %parallel_loop3A_62 : i32 to vector<16xi32>
      %parallel_loop3A_150 = arith.minsi %parallel_loop3A_148, %parallel_loop3A_149 : vector<16xi32>
      %parallel_loop3A_151 = vector.broadcast %parallel_loop3A_61 : f32 to vector<16xf32>
      %parallel_loop3A_152 = arith.mulf %parallel_loop3A_145, %parallel_loop3A_151 : vector<16xf32>
      %parallel_loop3A_153 = arith.fptosi %parallel_loop3A_152 : vector<16xf32> to vector<16xi32>
      %parallel_loop3A_154 = vector.broadcast %parallel_loop3A_62 : i32 to vector<16xi32>
      %parallel_loop3A_155 = arith.minsi %parallel_loop3A_153, %parallel_loop3A_154 : vector<16xi32>
      %parallel_loop3A_156 = arith.addi %mul3A_13, %parallel_loop3A_150 : vector<16xi32>
      %parallel_loop3A_157 = arith.addi %mul3A_16, %parallel_loop3A_155 : vector<16xi32>
      %parallel_loop3A_158 = arith.constant 20480 : i32
      %parallel_loop3A_159 = vector.broadcast %parallel_loop3A_158 : i32 to vector<16xi32>
      %parallel_loop3A_160 = arith.addi %parallel_loop3A_156, %parallel_loop3A_159 : vector<16xi32>
      %parallel_loop3A_161 = arith.select %parallel_loop3A_136, %parallel_loop3A_160, %parallel_loop3A_156 : vector<16xi1>, vector<16xi32>
      %parallel_loop3A_162 = arith.constant 20480 : i32
      %parallel_loop3A_163 = vector.broadcast %parallel_loop3A_162 : i32 to vector<16xi32>
      %parallel_loop3A_164 = arith.addi %parallel_loop3A_157, %parallel_loop3A_163 : vector<16xi32>
      %parallel_loop3A_165 = arith.select %parallel_loop3A_137, %parallel_loop3A_164, %parallel_loop3A_157 : vector<16xi1>, vector<16xi32>
      tpu.vector_store_idx %arg9[%parallel_loop3A_161], %broadcast_in_dim3A_7 {add = true} : memref<40960xf32, #tpu.memory_space<vmem>>[vector<16xi32>], vector<16xf32>,
      tpu.vector_store_idx %arg10[%parallel_loop3A_156], %parallel_loop3A_141 {add = true} : memref<20480xf32, #tpu.memory_space<vmem>>[vector<16xi32>], vector<16xf32>,
      tpu.vector_store_idx %arg9[%parallel_loop3A_165], %broadcast_in_dim3A_7 masked %ge3A_22 {add = true} : memref<40960xf32, #tpu.memory_space<vmem>>[vector<16xi32>], vector<16xf32>, vector<16xi1>
      tpu.vector_store_idx %arg10[%parallel_loop3A_157], %parallel_loop3A_145 masked %ge3A_22 {add = true} : memref<20480xf32, #tpu.memory_space<vmem>>[vector<16xi32>], vector<16xf32>, vector<16xi1>
    } {sc.loop_unroll_factor = 8 : i64, sc.parallel_access}
    %add3A_63 = arith.constant 3072 : i32
    %add3A_64 = arith.addi %mul3A_2, %add3A_63 : i32
    %mul3A_65 = arith.constant 20 : i32
    %mul3A_66 = arith.muli %add3A_64, %mul3A_65 : i32
    %dma_start3A_67 = tpu.memref_slice %arg2[%mul3A_66] : memref<2621440xf32, #tpu.memory_space<hbm>> -> memref<20480xf32, #tpu.memory_space<hbm>>
    %dma_start3A_68 = tpu.memref_slice %arg2[%mul3A_66] : memref<2621440xf32, #tpu.memory_space<hbm>> -> memref<20480xf32, #tpu.memory_space<hbm>>
    tpu.enqueue_dma source(%dma_start3A_68 : memref<20480xf32, #tpu.memory_space<hbm>>) target(%arg6 : memref<20480xf32, #tpu.memory_space<vmem>>) target_semaphore(%arg12 : memref<!tpu.dma_semaphore, #tpu.memory_space<semaphore_mem>>)
    %dma_start3A_69 = tpu.memref_slice %arg3[%add3A_64] : memref<131072xi32, #tpu.memory_space<hbm>> -> memref<1024xi32, #tpu.memory_space<hbm>>
    %dma_start3A_70 = tpu.memref_slice %arg3[%add3A_64] : memref<131072xi32, #tpu.memory_space<hbm>> -> memref<1024xi32, #tpu.memory_space<hbm>>
    tpu.enqueue_dma source(%dma_start3A_70 : memref<1024xi32, #tpu.memory_space<hbm>>) target(%arg8 : memref<1024xi32, #tpu.memory_space<vmem>>) target_semaphore(%arg12 : memref<!tpu.dma_semaphore, #tpu.memory_space<semaphore_mem>>)
    %dma_wait3A_71 = tpu.memref_slice %arg2[%mul3A_49] : memref<2621440xf32, #tpu.memory_space<hbm>> -> memref<20480xf32, #tpu.memory_space<hbm>>
    %dma_wait3A_72 = tpu.memref_slice %arg2[%mul3A_49] : memref<2621440xf32, #tpu.memory_space<hbm>> -> memref<20480xf32, #tpu.memory_space<hbm>>
    tpu.wait_dma2 semaphore(%arg11 : memref<!tpu.dma_semaphore, #tpu.memory_space<semaphore_mem>>) src(%dma_wait3A_72 : memref<20480xf32, #tpu.memory_space<hbm>>) dst(%arg5 : memref<20480xf32, #tpu.memory_space<vmem>>)
    %dma_wait3A_73 = tpu.memref_slice %arg3[%add3A_47] : memref<131072xi32, #tpu.memory_space<hbm>> -> memref<1024xi32, #tpu.memory_space<hbm>>
    %dma_wait3A_74 = tpu.memref_slice %arg3[%add3A_47] : memref<131072xi32, #tpu.memory_space<hbm>> -> memref<1024xi32, #tpu.memory_space<hbm>>
    tpu.wait_dma2 semaphore(%arg11 : memref<!tpu.dma_semaphore, #tpu.memory_space<semaphore_mem>>) src(%dma_wait3A_74 : memref<1024xi32, #tpu.memory_space<hbm>>) dst(%arg7 : memref<1024xi32, #tpu.memory_space<vmem>>)
    %parallel_loop3A_75 = arith.constant 0 : i32
    %parallel_loop3A_76 = arith.constant 1024 : i32
    %parallel_loop3A_77 = arith.constant 1 : i32
    %parallel_loop3A_78 = arith.constant 1.024000e+03 : f32
    %parallel_loop3A_79 = arith.constant 1023 : i32
    scf.for %parallel_loop3A_91 = %parallel_loop3A_75 to %parallel_loop3A_76 step %parallel_loop3A_77  : i32 {
      %parallel_loop3A_92 = arith.constant 20 : i32
      %parallel_loop3A_93 = arith.muli %parallel_loop3A_91, %parallel_loop3A_92 : i32
      %parallel_loop3A_94 = arith.index_cast %parallel_loop3A_93 : i32 to index
      %parallel_loop3A_95 = tpu.vector_load %arg5[%parallel_loop3A_94] {strides = array<i32>} : memref<20480xf32, #tpu.memory_space<vmem>>, vector<16xf32>,
      %parallel_loop3A_96 = arith.constant 20 : i32
      %parallel_loop3A_97 = arith.addi %parallel_loop3A_93, %parallel_loop3A_96 : i32
      %parallel_loop3A_98 = arith.constant 16 : i32
      %parallel_loop3A_99 = arith.subi %parallel_loop3A_97, %parallel_loop3A_98 : i32
      %parallel_loop3A_100 = arith.index_cast %parallel_loop3A_99 : i32 to index
      %parallel_loop3A_101 = tpu.vector_load %arg5[%parallel_loop3A_100] {strides = array<i32>} : memref<20480xf32, #tpu.memory_space<vmem>>, vector<16xf32>,
      %parallel_loop3A_102 = arith.constant true
      %parallel_loop3A_103 = vector.broadcast %parallel_loop3A_102 : i1 to vector<16xi1>
      %parallel_loop3A_104 = tpu.scan <max>, %parallel_loop3A_95 masked %parallel_loop3A_103 : vector<16xf32>, vector<16xi1> -> vector<16xf32>
      %parallel_loop3A_105 = vector.extract %parallel_loop3A_104[15] : f32 from vector<16xf32>
      %parallel_loop3A_106 = arith.constant true
      %parallel_loop3A_107 = vector.broadcast %parallel_loop3A_106 : i1 to vector<16xi1>
      %parallel_loop3A_108 = tpu.scan <max>, %parallel_loop3A_101 masked %parallel_loop3A_107 : vector<16xf32>, vector<16xi1> -> vector<16xf32>
      %parallel_loop3A_109 = vector.extract %parallel_loop3A_108[15] : f32 from vector<16xf32>
      %parallel_loop3A_110 = arith.maximumf %parallel_loop3A_105, %parallel_loop3A_109 : f32
      %parallel_loop3A_111 = vector.broadcast %parallel_loop3A_110 : f32 to vector<16xf32>
      %parallel_loop3A_112 = arith.subf %parallel_loop3A_95, %parallel_loop3A_111 : vector<16xf32>
      %parallel_loop3A_113 = math.exp %parallel_loop3A_112 : vector<16xf32>
      %parallel_loop3A_114 = vector.broadcast %parallel_loop3A_110 : f32 to vector<16xf32>
      %parallel_loop3A_115 = arith.subf %parallel_loop3A_101, %parallel_loop3A_114 : vector<16xf32>
      %parallel_loop3A_116 = math.exp %parallel_loop3A_115 : vector<16xf32>
      %parallel_loop3A_117 = arith.constant true
      %parallel_loop3A_118 = vector.broadcast %parallel_loop3A_117 : i1 to vector<16xi1>
      %parallel_loop3A_119 = tpu.scan <sum>, %parallel_loop3A_113 masked %parallel_loop3A_118 : vector<16xf32>, vector<16xi1> -> vector<16xf32>
      %parallel_loop3A_120 = vector.extract %parallel_loop3A_119[15] : f32 from vector<16xf32>
      %parallel_loop3A_121 = arith.mulf %parallel_loop3A_116, %convert_element_type3A_19 : vector<16xf32>
      %parallel_loop3A_122 = arith.constant true
      %parallel_loop3A_123 = vector.broadcast %parallel_loop3A_122 : i1 to vector<16xi1>
      %parallel_loop3A_124 = tpu.scan <sum>, %parallel_loop3A_121 masked %parallel_loop3A_123 : vector<16xf32>, vector<16xi1> -> vector<16xf32>
      %parallel_loop3A_125 = vector.extract %parallel_loop3A_124[15] : f32 from vector<16xf32>
      %parallel_loop3A_126 = arith.addf %parallel_loop3A_120, %parallel_loop3A_125 : f32
      %parallel_loop3A_127 = arith.constant 0.000000e+00 : f32
      %parallel_loop3A_128 = vector.broadcast %parallel_loop3A_127 : f32 to vector<16xf32>
      %parallel_loop3A_129 = vector.broadcast %parallel_loop3A_126 : f32 to vector<16xf32>
      %parallel_loop3A_130 = arith.addf %parallel_loop3A_128, %parallel_loop3A_129 : vector<16xf32>
      %parallel_loop3A_131 = arith.divf %broadcast_in_dim3A_7, %parallel_loop3A_130 : vector<16xf32>
      %parallel_loop3A_132 = vector.broadcast %parallel_loop3A_91 : i32 to vector<16xi32>
      %parallel_loop3A_133 = tpu.vector_load_idx %arg7[%parallel_loop3A_132] : memref<1024xi32, #tpu.memory_space<vmem>>[vector<16xi32>], vector<16xi32>,
      %parallel_loop3A_134 = arith.mulf %parallel_loop3A_113, %parallel_loop3A_131 : vector<16xf32>
      %parallel_loop3A_135 = arith.mulf %parallel_loop3A_116, %parallel_loop3A_131 : vector<16xf32>
      %parallel_loop3A_136 = arith.cmpi eq, %iota3A, %parallel_loop3A_133 : vector<16xi32>
      %parallel_loop3A_137 = arith.cmpi eq, %add3A_10, %parallel_loop3A_133 : vector<16xi32>
      %parallel_loop3A_138 = arith.constant 1.000000e+00 : f32
      %parallel_loop3A_139 = vector.broadcast %parallel_loop3A_138 : f32 to vector<16xf32>
      %parallel_loop3A_140 = arith.subf %parallel_loop3A_139, %parallel_loop3A_134 : vector<16xf32>
      %parallel_loop3A_141 = arith.select %parallel_loop3A_136, %parallel_loop3A_140, %parallel_loop3A_134 : vector<16xi1>, vector<16xf32>
      %parallel_loop3A_142 = arith.constant 1.000000e+00 : f32
      %parallel_loop3A_143 = vector.broadcast %parallel_loop3A_142 : f32 to vector<16xf32>
      %parallel_loop3A_144 = arith.subf %parallel_loop3A_143, %parallel_loop3A_135 : vector<16xf32>
      %parallel_loop3A_145 = arith.select %parallel_loop3A_137, %parallel_loop3A_144, %parallel_loop3A_135 : vector<16xi1>, vector<16xf32>
      %parallel_loop3A_146 = vector.broadcast %parallel_loop3A_78 : f32 to vector<16xf32>
      %parallel_loop3A_147 = arith.mulf %parallel_loop3A_141, %parallel_loop3A_146 : vector<16xf32>
      %parallel_loop3A_148 = arith.fptosi %parallel_loop3A_147 : vector<16xf32> to vector<16xi32>
      %parallel_loop3A_149 = vector.broadcast %parallel_loop3A_79 : i32 to vector<16xi32>
      %parallel_loop3A_150 = arith.minsi %parallel_loop3A_148, %parallel_loop3A_149 : vector<16xi32>
      %parallel_loop3A_151 = vector.broadcast %parallel_loop3A_78 : f32 to vector<16xf32>
      %parallel_loop3A_152 = arith.mulf %parallel_loop3A_145, %parallel_loop3A_151 : vector<16xf32>
      %parallel_loop3A_153 = arith.fptosi %parallel_loop3A_152 : vector<16xf32> to vector<16xi32>
      %parallel_loop3A_154 = vector.broadcast %parallel_loop3A_79 : i32 to vector<16xi32>
      %parallel_loop3A_155 = arith.minsi %parallel_loop3A_153, %parallel_loop3A_154 : vector<16xi32>
      %parallel_loop3A_156 = arith.addi %mul3A_13, %parallel_loop3A_150 : vector<16xi32>
      %parallel_loop3A_157 = arith.addi %mul3A_16, %parallel_loop3A_155 : vector<16xi32>
      %parallel_loop3A_158 = arith.constant 20480 : i32
      %parallel_loop3A_159 = vector.broadcast %parallel_loop3A_158 : i32 to vector<16xi32>
      %parallel_loop3A_160 = arith.addi %parallel_loop3A_156, %parallel_loop3A_159 : vector<16xi32>
      %parallel_loop3A_161 = arith.select %parallel_loop3A_136, %parallel_loop3A_160, %parallel_loop3A_156 : vector<16xi1>, vector<16xi32>
      %parallel_loop3A_162 = arith.constant 20480 : i32
      %parallel_loop3A_163 = vector.broadcast %parallel_loop3A_162 : i32 to vector<16xi32>
      %parallel_loop3A_164 = arith.addi %parallel_loop3A_157, %parallel_loop3A_163 : vector<16xi32>
      %parallel_loop3A_165 = arith.select %parallel_loop3A_137, %parallel_loop3A_164, %parallel_loop3A_157 : vector<16xi1>, vector<16xi32>
      tpu.vector_store_idx %arg9[%parallel_loop3A_161], %broadcast_in_dim3A_7 {add = true} : memref<40960xf32, #tpu.memory_space<vmem>>[vector<16xi32>], vector<16xf32>,
      tpu.vector_store_idx %arg10[%parallel_loop3A_156], %parallel_loop3A_141 {add = true} : memref<20480xf32, #tpu.memory_space<vmem>>[vector<16xi32>], vector<16xf32>,
      tpu.vector_store_idx %arg9[%parallel_loop3A_165], %broadcast_in_dim3A_7 masked %ge3A_22 {add = true} : memref<40960xf32, #tpu.memory_space<vmem>>[vector<16xi32>], vector<16xf32>, vector<16xi1>
      tpu.vector_store_idx %arg10[%parallel_loop3A_157], %parallel_loop3A_145 masked %ge3A_22 {add = true} : memref<20480xf32, #tpu.memory_space<vmem>>[vector<16xi32>], vector<16xf32>, vector<16xi1>
    } {sc.loop_unroll_factor = 8 : i64, sc.parallel_access}
    %dma_wait3A_80 = tpu.memref_slice %arg2[%mul3A_66] : memref<2621440xf32, #tpu.memory_space<hbm>> -> memref<20480xf32, #tpu.memory_space<hbm>>
    %dma_wait3A_81 = tpu.memref_slice %arg2[%mul3A_66] : memref<2621440xf32, #tpu.memory_space<hbm>> -> memref<20480xf32, #tpu.memory_space<hbm>>
    tpu.wait_dma2 semaphore(%arg12 : memref<!tpu.dma_semaphore, #tpu.memory_space<semaphore_mem>>) src(%dma_wait3A_81 : memref<20480xf32, #tpu.memory_space<hbm>>) dst(%arg6 : memref<20480xf32, #tpu.memory_space<vmem>>)
    %dma_wait3A_82 = tpu.memref_slice %arg3[%add3A_64] : memref<131072xi32, #tpu.memory_space<hbm>> -> memref<1024xi32, #tpu.memory_space<hbm>>
    %dma_wait3A_83 = tpu.memref_slice %arg3[%add3A_64] : memref<131072xi32, #tpu.memory_space<hbm>> -> memref<1024xi32, #tpu.memory_space<hbm>>
    tpu.wait_dma2 semaphore(%arg12 : memref<!tpu.dma_semaphore, #tpu.memory_space<semaphore_mem>>) src(%dma_wait3A_83 : memref<1024xi32, #tpu.memory_space<hbm>>) dst(%arg8 : memref<1024xi32, #tpu.memory_space<vmem>>)
    %parallel_loop3A_84 = arith.constant 0 : i32
    %parallel_loop3A_85 = arith.constant 1024 : i32
    %parallel_loop3A_86 = arith.constant 1 : i32
    %parallel_loop3A_87 = arith.constant 1.024000e+03 : f32
    %parallel_loop3A_88 = arith.constant 1023 : i32
    scf.for %parallel_loop3A_91 = %parallel_loop3A_84 to %parallel_loop3A_85 step %parallel_loop3A_86  : i32 {
      %parallel_loop3A_92 = arith.constant 20 : i32
      %parallel_loop3A_93 = arith.muli %parallel_loop3A_91, %parallel_loop3A_92 : i32
      %parallel_loop3A_94 = arith.index_cast %parallel_loop3A_93 : i32 to index
      %parallel_loop3A_95 = tpu.vector_load %arg6[%parallel_loop3A_94] {strides = array<i32>} : memref<20480xf32, #tpu.memory_space<vmem>>, vector<16xf32>,
      %parallel_loop3A_96 = arith.constant 20 : i32
      %parallel_loop3A_97 = arith.addi %parallel_loop3A_93, %parallel_loop3A_96 : i32
      %parallel_loop3A_98 = arith.constant 16 : i32
      %parallel_loop3A_99 = arith.subi %parallel_loop3A_97, %parallel_loop3A_98 : i32
      %parallel_loop3A_100 = arith.index_cast %parallel_loop3A_99 : i32 to index
      %parallel_loop3A_101 = tpu.vector_load %arg6[%parallel_loop3A_100] {strides = array<i32>} : memref<20480xf32, #tpu.memory_space<vmem>>, vector<16xf32>,
      %parallel_loop3A_102 = arith.constant true
      %parallel_loop3A_103 = vector.broadcast %parallel_loop3A_102 : i1 to vector<16xi1>
      %parallel_loop3A_104 = tpu.scan <max>, %parallel_loop3A_95 masked %parallel_loop3A_103 : vector<16xf32>, vector<16xi1> -> vector<16xf32>
      %parallel_loop3A_105 = vector.extract %parallel_loop3A_104[15] : f32 from vector<16xf32>
      %parallel_loop3A_106 = arith.constant true
      %parallel_loop3A_107 = vector.broadcast %parallel_loop3A_106 : i1 to vector<16xi1>
      %parallel_loop3A_108 = tpu.scan <max>, %parallel_loop3A_101 masked %parallel_loop3A_107 : vector<16xf32>, vector<16xi1> -> vector<16xf32>
      %parallel_loop3A_109 = vector.extract %parallel_loop3A_108[15] : f32 from vector<16xf32>
      %parallel_loop3A_110 = arith.maximumf %parallel_loop3A_105, %parallel_loop3A_109 : f32
      %parallel_loop3A_111 = vector.broadcast %parallel_loop3A_110 : f32 to vector<16xf32>
      %parallel_loop3A_112 = arith.subf %parallel_loop3A_95, %parallel_loop3A_111 : vector<16xf32>
      %parallel_loop3A_113 = math.exp %parallel_loop3A_112 : vector<16xf32>
      %parallel_loop3A_114 = vector.broadcast %parallel_loop3A_110 : f32 to vector<16xf32>
      %parallel_loop3A_115 = arith.subf %parallel_loop3A_101, %parallel_loop3A_114 : vector<16xf32>
      %parallel_loop3A_116 = math.exp %parallel_loop3A_115 : vector<16xf32>
      %parallel_loop3A_117 = arith.constant true
      %parallel_loop3A_118 = vector.broadcast %parallel_loop3A_117 : i1 to vector<16xi1>
      %parallel_loop3A_119 = tpu.scan <sum>, %parallel_loop3A_113 masked %parallel_loop3A_118 : vector<16xf32>, vector<16xi1> -> vector<16xf32>
      %parallel_loop3A_120 = vector.extract %parallel_loop3A_119[15] : f32 from vector<16xf32>
      %parallel_loop3A_121 = arith.mulf %parallel_loop3A_116, %convert_element_type3A_19 : vector<16xf32>
      %parallel_loop3A_122 = arith.constant true
      %parallel_loop3A_123 = vector.broadcast %parallel_loop3A_122 : i1 to vector<16xi1>
      %parallel_loop3A_124 = tpu.scan <sum>, %parallel_loop3A_121 masked %parallel_loop3A_123 : vector<16xf32>, vector<16xi1> -> vector<16xf32>
      %parallel_loop3A_125 = vector.extract %parallel_loop3A_124[15] : f32 from vector<16xf32>
      %parallel_loop3A_126 = arith.addf %parallel_loop3A_120, %parallel_loop3A_125 : f32
      %parallel_loop3A_127 = arith.constant 0.000000e+00 : f32
      %parallel_loop3A_128 = vector.broadcast %parallel_loop3A_127 : f32 to vector<16xf32>
      %parallel_loop3A_129 = vector.broadcast %parallel_loop3A_126 : f32 to vector<16xf32>
      %parallel_loop3A_130 = arith.addf %parallel_loop3A_128, %parallel_loop3A_129 : vector<16xf32>
      %parallel_loop3A_131 = arith.divf %broadcast_in_dim3A_7, %parallel_loop3A_130 : vector<16xf32>
      %parallel_loop3A_132 = vector.broadcast %parallel_loop3A_91 : i32 to vector<16xi32>
      %parallel_loop3A_133 = tpu.vector_load_idx %arg8[%parallel_loop3A_132] : memref<1024xi32, #tpu.memory_space<vmem>>[vector<16xi32>], vector<16xi32>,
      %parallel_loop3A_134 = arith.mulf %parallel_loop3A_113, %parallel_loop3A_131 : vector<16xf32>
      %parallel_loop3A_135 = arith.mulf %parallel_loop3A_116, %parallel_loop3A_131 : vector<16xf32>
      %parallel_loop3A_136 = arith.cmpi eq, %iota3A, %parallel_loop3A_133 : vector<16xi32>
      %parallel_loop3A_137 = arith.cmpi eq, %add3A_10, %parallel_loop3A_133 : vector<16xi32>
      %parallel_loop3A_138 = arith.constant 1.000000e+00 : f32
      %parallel_loop3A_139 = vector.broadcast %parallel_loop3A_138 : f32 to vector<16xf32>
      %parallel_loop3A_140 = arith.subf %parallel_loop3A_139, %parallel_loop3A_134 : vector<16xf32>
      %parallel_loop3A_141 = arith.select %parallel_loop3A_136, %parallel_loop3A_140, %parallel_loop3A_134 : vector<16xi1>, vector<16xf32>
      %parallel_loop3A_142 = arith.constant 1.000000e+00 : f32
      %parallel_loop3A_143 = vector.broadcast %parallel_loop3A_142 : f32 to vector<16xf32>
      %parallel_loop3A_144 = arith.subf %parallel_loop3A_143, %parallel_loop3A_135 : vector<16xf32>
      %parallel_loop3A_145 = arith.select %parallel_loop3A_137, %parallel_loop3A_144, %parallel_loop3A_135 : vector<16xi1>, vector<16xf32>
      %parallel_loop3A_146 = vector.broadcast %parallel_loop3A_87 : f32 to vector<16xf32>
      %parallel_loop3A_147 = arith.mulf %parallel_loop3A_141, %parallel_loop3A_146 : vector<16xf32>
      %parallel_loop3A_148 = arith.fptosi %parallel_loop3A_147 : vector<16xf32> to vector<16xi32>
      %parallel_loop3A_149 = vector.broadcast %parallel_loop3A_88 : i32 to vector<16xi32>
      %parallel_loop3A_150 = arith.minsi %parallel_loop3A_148, %parallel_loop3A_149 : vector<16xi32>
      %parallel_loop3A_151 = vector.broadcast %parallel_loop3A_87 : f32 to vector<16xf32>
      %parallel_loop3A_152 = arith.mulf %parallel_loop3A_145, %parallel_loop3A_151 : vector<16xf32>
      %parallel_loop3A_153 = arith.fptosi %parallel_loop3A_152 : vector<16xf32> to vector<16xi32>
      %parallel_loop3A_154 = vector.broadcast %parallel_loop3A_88 : i32 to vector<16xi32>
      %parallel_loop3A_155 = arith.minsi %parallel_loop3A_153, %parallel_loop3A_154 : vector<16xi32>
      %parallel_loop3A_156 = arith.addi %mul3A_13, %parallel_loop3A_150 : vector<16xi32>
      %parallel_loop3A_157 = arith.addi %mul3A_16, %parallel_loop3A_155 : vector<16xi32>
      %parallel_loop3A_158 = arith.constant 20480 : i32
      %parallel_loop3A_159 = vector.broadcast %parallel_loop3A_158 : i32 to vector<16xi32>
      %parallel_loop3A_160 = arith.addi %parallel_loop3A_156, %parallel_loop3A_159 : vector<16xi32>
      %parallel_loop3A_161 = arith.select %parallel_loop3A_136, %parallel_loop3A_160, %parallel_loop3A_156 : vector<16xi1>, vector<16xi32>
      %parallel_loop3A_162 = arith.constant 20480 : i32
      %parallel_loop3A_163 = vector.broadcast %parallel_loop3A_162 : i32 to vector<16xi32>
      %parallel_loop3A_164 = arith.addi %parallel_loop3A_157, %parallel_loop3A_163 : vector<16xi32>
      %parallel_loop3A_165 = arith.select %parallel_loop3A_137, %parallel_loop3A_164, %parallel_loop3A_157 : vector<16xi1>, vector<16xi32>
      tpu.vector_store_idx %arg9[%parallel_loop3A_161], %broadcast_in_dim3A_7 {add = true} : memref<40960xf32, #tpu.memory_space<vmem>>[vector<16xi32>], vector<16xf32>,
      tpu.vector_store_idx %arg10[%parallel_loop3A_156], %parallel_loop3A_141 {add = true} : memref<20480xf32, #tpu.memory_space<vmem>>[vector<16xi32>], vector<16xf32>,
      tpu.vector_store_idx %arg9[%parallel_loop3A_165], %broadcast_in_dim3A_7 masked %ge3A_22 {add = true} : memref<40960xf32, #tpu.memory_space<vmem>>[vector<16xi32>], vector<16xf32>, vector<16xi1>
      tpu.vector_store_idx %arg10[%parallel_loop3A_157], %parallel_loop3A_145 masked %ge3A_22 {add = true} : memref<20480xf32, #tpu.memory_space<vmem>>[vector<16xi32>], vector<16xf32>, vector<16xi1>
    } {sc.loop_unroll_factor = 8 : i64, sc.parallel_access}
    %run_scoped3A = arith.constant 0 : i32
    "tpu.region"() ({
      %run_scoped3A_91 = tpu.sem_alloc : memref<!tpu.dma_semaphore, #tpu.memory_space<semaphore_mem>>
      %dma_start3A_92 = arith.constant 0 : i32
      %dma_start3A_93 = tpu.memref_slice %arg9[%dma_start3A_92] : memref<40960xf32, #tpu.memory_space<vmem>> -> memref<20480xf32, #tpu.memory_space<vmem>>
      %dma_start3A_94 = arith.constant 0 : i32
      %dma_start3A_95 = tpu.memref_slice %arg4[%run_scoped3A, %add3A, %dma_start3A_94] : memref<3x32x20480xf32, #tpu.memory_space<hbm>> -> memref<1x1x20480xf32, #tpu.memory_space<hbm>>
      %dma_start3A_96 = tpu.memref_squeeze %dma_start3A_95 : memref<1x1x20480xf32, #tpu.memory_space<hbm>> -> memref<20480xf32, #tpu.memory_space<hbm>>
      %dma_start3A_97 = arith.constant 0 : i32
      %dma_start3A_98 = tpu.memref_slice %arg4[%run_scoped3A, %add3A, %dma_start3A_97] : memref<3x32x20480xf32, #tpu.memory_space<hbm>> -> memref<1x1x20480xf32, #tpu.memory_space<hbm>>
      %dma_start3A_99 = tpu.memref_squeeze %dma_start3A_98 : memref<1x1x20480xf32, #tpu.memory_space<hbm>> -> memref<20480xf32, #tpu.memory_space<hbm>>
      %dma_start3A_100 = arith.constant 0 : i32
      %dma_start3A_101 = tpu.memref_slice %arg9[%dma_start3A_100] : memref<40960xf32, #tpu.memory_space<vmem>> -> memref<20480xf32, #tpu.memory_space<vmem>>
      tpu.enqueue_dma source(%dma_start3A_101 : memref<20480xf32, #tpu.memory_space<vmem>>) target(%dma_start3A_99 : memref<20480xf32, #tpu.memory_space<hbm>>) target_semaphore(%run_scoped3A_91 : memref<!tpu.dma_semaphore, #tpu.memory_space<semaphore_mem>>)
      %dma_wait3A_102 = arith.constant 0 : i32
      %dma_wait3A_103 = tpu.memref_slice %arg9[%dma_wait3A_102] : memref<40960xf32, #tpu.memory_space<vmem>> -> memref<20480xf32, #tpu.memory_space<vmem>>
      %dma_wait3A_104 = arith.constant 0 : i32
      %dma_wait3A_105 = tpu.memref_slice %arg4[%run_scoped3A, %add3A, %dma_wait3A_104] : memref<3x32x20480xf32, #tpu.memory_space<hbm>> -> memref<1x1x20480xf32, #tpu.memory_space<hbm>>
      %dma_wait3A_106 = tpu.memref_squeeze %dma_wait3A_105 : memref<1x1x20480xf32, #tpu.memory_space<hbm>> -> memref<20480xf32, #tpu.memory_space<hbm>>
      %dma_wait3A_107 = arith.constant 0 : i32
      %dma_wait3A_108 = tpu.memref_slice %arg4[%run_scoped3A, %add3A, %dma_wait3A_107] : memref<3x32x20480xf32, #tpu.memory_space<hbm>> -> memref<1x1x20480xf32, #tpu.memory_space<hbm>>
      %dma_wait3A_109 = tpu.memref_squeeze %dma_wait3A_108 : memref<1x1x20480xf32, #tpu.memory_space<hbm>> -> memref<20480xf32, #tpu.memory_space<hbm>>
      %dma_wait3A_110 = arith.constant 0 : i32
      %dma_wait3A_111 = tpu.memref_slice %arg9[%dma_wait3A_110] : memref<40960xf32, #tpu.memory_space<vmem>> -> memref<20480xf32, #tpu.memory_space<vmem>>
      tpu.wait_dma2 semaphore(%run_scoped3A_91 : memref<!tpu.dma_semaphore, #tpu.memory_space<semaphore_mem>>) src(%dma_wait3A_111 : memref<20480xf32, #tpu.memory_space<vmem>>) dst(%dma_wait3A_109 : memref<20480xf32, #tpu.memory_space<hbm>>)
      tpu.yield
    }) : () -> ()
    %run_scoped3A_89 = arith.constant 1 : i32
    "tpu.region"() ({
      %run_scoped3A_91 = tpu.sem_alloc : memref<!tpu.dma_semaphore, #tpu.memory_space<semaphore_mem>>
      %dma_start3A_92 = arith.constant 20480 : i32
      %dma_start3A_93 = tpu.memref_slice %arg9[%dma_start3A_92] : memref<40960xf32, #tpu.memory_space<vmem>> -> memref<20480xf32, #tpu.memory_space<vmem>>
      %dma_start3A_94 = arith.constant 0 : i32
      %dma_start3A_95 = tpu.memref_slice %arg4[%run_scoped3A_89, %add3A, %dma_start3A_94] : memref<3x32x20480xf32, #tpu.memory_space<hbm>> -> memref<1x1x20480xf32, #tpu.memory_space<hbm>>
      %dma_start3A_96 = tpu.memref_squeeze %dma_start3A_95 : memref<1x1x20480xf32, #tpu.memory_space<hbm>> -> memref<20480xf32, #tpu.memory_space<hbm>>
      %dma_start3A_97 = arith.constant 0 : i32
      %dma_start3A_98 = tpu.memref_slice %arg4[%run_scoped3A_89, %add3A, %dma_start3A_97] : memref<3x32x20480xf32, #tpu.memory_space<hbm>> -> memref<1x1x20480xf32, #tpu.memory_space<hbm>>
      %dma_start3A_99 = tpu.memref_squeeze %dma_start3A_98 : memref<1x1x20480xf32, #tpu.memory_space<hbm>> -> memref<20480xf32, #tpu.memory_space<hbm>>
      %dma_start3A_100 = arith.constant 20480 : i32
      %dma_start3A_101 = tpu.memref_slice %arg9[%dma_start3A_100] : memref<40960xf32, #tpu.memory_space<vmem>> -> memref<20480xf32, #tpu.memory_space<vmem>>
      tpu.enqueue_dma source(%dma_start3A_101 : memref<20480xf32, #tpu.memory_space<vmem>>) target(%dma_start3A_99 : memref<20480xf32, #tpu.memory_space<hbm>>) target_semaphore(%run_scoped3A_91 : memref<!tpu.dma_semaphore, #tpu.memory_space<semaphore_mem>>)
      %dma_wait3A_102 = arith.constant 20480 : i32
      %dma_wait3A_103 = tpu.memref_slice %arg9[%dma_wait3A_102] : memref<40960xf32, #tpu.memory_space<vmem>> -> memref<20480xf32, #tpu.memory_space<vmem>>
      %dma_wait3A_104 = arith.constant 0 : i32
      %dma_wait3A_105 = tpu.memref_slice %arg4[%run_scoped3A_89, %add3A, %dma_wait3A_104] : memref<3x32x20480xf32, #tpu.memory_space<hbm>> -> memref<1x1x20480xf32, #tpu.memory_space<hbm>>
      %dma_wait3A_106 = tpu.memref_squeeze %dma_wait3A_105 : memref<1x1x20480xf32, #tpu.memory_space<hbm>> -> memref<20480xf32, #tpu.memory_space<hbm>>
      %dma_wait3A_107 = arith.constant 0 : i32
      %dma_wait3A_108 = tpu.memref_slice %arg4[%run_scoped3A_89, %add3A, %dma_wait3A_107] : memref<3x32x20480xf32, #tpu.memory_space<hbm>> -> memref<1x1x20480xf32, #tpu.memory_space<hbm>>
      %dma_wait3A_109 = tpu.memref_squeeze %dma_wait3A_108 : memref<1x1x20480xf32, #tpu.memory_space<hbm>> -> memref<20480xf32, #tpu.memory_space<hbm>>
      %dma_wait3A_110 = arith.constant 20480 : i32
      %dma_wait3A_111 = tpu.memref_slice %arg9[%dma_wait3A_110] : memref<40960xf32, #tpu.memory_space<vmem>> -> memref<20480xf32, #tpu.memory_space<vmem>>
      tpu.wait_dma2 semaphore(%run_scoped3A_91 : memref<!tpu.dma_semaphore, #tpu.memory_space<semaphore_mem>>) src(%dma_wait3A_111 : memref<20480xf32, #tpu.memory_space<vmem>>) dst(%dma_wait3A_109 : memref<20480xf32, #tpu.memory_space<hbm>>)
      tpu.yield
    }) : () -> ()
    %run_scoped3A_90 = arith.constant 2 : i32
    "tpu.region"() ({
      %run_scoped3A_91 = tpu.sem_alloc : memref<!tpu.dma_semaphore, #tpu.memory_space<semaphore_mem>>
      %dma_start3A_92 = arith.constant 0 : i32
      %dma_start3A_93 = tpu.memref_slice %arg4[%run_scoped3A_90, %add3A, %dma_start3A_92] : memref<3x32x20480xf32, #tpu.memory_space<hbm>> -> memref<1x1x20480xf32, #tpu.memory_space<hbm>>
      %dma_start3A_94 = tpu.memref_squeeze %dma_start3A_93 : memref<1x1x20480xf32, #tpu.memory_space<hbm>> -> memref<20480xf32, #tpu.memory_space<hbm>>
      %dma_start3A_95 = arith.constant 0 : i32
      %dma_start3A_96 = tpu.memref_slice %arg4[%run_scoped3A_90, %add3A, %dma_start3A_95] : memref<3x32x20480xf32, #tpu.memory_space<hbm>> -> memref<1x1x20480xf32, #tpu.memory_space<hbm>>
      %dma_start3A_97 = tpu.memref_squeeze %dma_start3A_96 : memref<1x1x20480xf32, #tpu.memory_space<hbm>> -> memref<20480xf32, #tpu.memory_space<hbm>>
      tpu.enqueue_dma source(%arg10 : memref<20480xf32, #tpu.memory_space<vmem>>) target(%dma_start3A_97 : memref<20480xf32, #tpu.memory_space<hbm>>) target_semaphore(%run_scoped3A_91 : memref<!tpu.dma_semaphore, #tpu.memory_space<semaphore_mem>>)
      %dma_wait3A_98 = arith.constant 0 : i32
      %dma_wait3A_99 = tpu.memref_slice %arg4[%run_scoped3A_90, %add3A, %dma_wait3A_98] : memref<3x32x20480xf32, #tpu.memory_space<hbm>> -> memref<1x1x20480xf32, #tpu.memory_space<hbm>>
      %dma_wait3A_100 = tpu.memref_squeeze %dma_wait3A_99 : memref<1x1x20480xf32, #tpu.memory_space<hbm>> -> memref<20480xf32, #tpu.memory_space<hbm>>
      %dma_wait3A_101 = arith.constant 0 : i32
      %dma_wait3A_102 = tpu.memref_slice %arg4[%run_scoped3A_90, %add3A, %dma_wait3A_101] : memref<3x32x20480xf32, #tpu.memory_space<hbm>> -> memref<1x1x20480xf32, #tpu.memory_space<hbm>>
      %dma_wait3A_103 = tpu.memref_squeeze %dma_wait3A_102 : memref<1x1x20480xf32, #tpu.memory_space<hbm>> -> memref<20480xf32, #tpu.memory_space<hbm>>
      tpu.wait_dma2 semaphore(%run_scoped3A_91 : memref<!tpu.dma_semaphore, #tpu.memory_space<semaphore_mem>>) src(%arg10 : memref<20480xf32, #tpu.memory_space<vmem>>) dst(%dma_wait3A_103 : memref<20480xf32, #tpu.memory_space<hbm>>)
      tpu.yield
    }) : () -> ()
    return
  }
}

module attributes {stable_mosaic.version = 14 : i64} {
  func.func @_finish_body(%arg0: i32, %arg1: memref<1x32x20480xf32, #tpu.memory_space<vmem>>, %arg2: memref<1x32x20480xf32, #tpu.memory_space<vmem>>, %arg3: memref<1x32x20480xf32, #tpu.memory_space<vmem>>, %arg4: memref<1x1xf32, #tpu.memory_space<vmem>>) attributes {dimension_semantics = [#tpu.dimension_semantics<arbitrary>], iteration_bounds = array<i64: 1>, scalar_prefetch = 0 : i64, scratch_operands = 0 : i64, tpu.core_type = #tpu.core_type<tc>, window_params = [{transform_indices = @transform_0, window_bounds = array<i64: 1, 32, 20480>}, {transform_indices = @transform_1, window_bounds = array<i64: 1, 32, 20480>}, {transform_indices = @transform_2, window_bounds = array<i64: 1, 32, 20480>}, {pipeline_mode = #tpu.pipeline_mode<synchronous>, transform_indices = @transform_3, window_bounds = array<i64: 1, 1>}]} {
    %get3A = arith.constant 0 : index
    %get3A_0 = arith.constant 0 : index
    %get3A_1 = arith.constant 0 : index
    %get3A_2 = vector.load %arg1[%get3A, %get3A_0, %get3A_1] : memref<1x32x20480xf32, #tpu.memory_space<vmem>>, vector<1x32x20480xf32>
    %reduce_sum3A = arith.constant dense<0.000000e+00> : vector<20480xf32>
    %reduce_sum3A_3 = vector.multi_reduction <add>, %get3A_2, %reduce_sum3A [0, 1] : vector<1x32x20480xf32> to vector<20480xf32>
    %reshape3A = vector.shape_cast %reduce_sum3A_3 : vector<20480xf32> to vector<20x1024xf32>
    %get3A_4 = arith.constant 0 : index
    %get3A_5 = arith.constant 0 : index
    %get3A_6 = arith.constant 0 : index
    %get3A_7 = vector.load %arg2[%get3A_4, %get3A_5, %get3A_6] : memref<1x32x20480xf32, #tpu.memory_space<vmem>>, vector<1x32x20480xf32>
    %reduce_sum3A_8 = arith.constant dense<0.000000e+00> : vector<20480xf32>
    %reduce_sum3A_9 = vector.multi_reduction <add>, %get3A_7, %reduce_sum3A_8 [0, 1] : vector<1x32x20480xf32> to vector<20480xf32>
    %reshape3A_10 = vector.shape_cast %reduce_sum3A_9 : vector<20480xf32> to vector<20x1024xf32>
    %get3A_11 = arith.constant 0 : index
    %get3A_12 = arith.constant 0 : index
    %get3A_13 = arith.constant 0 : index
    %get3A_14 = vector.load %arg3[%get3A_11, %get3A_12, %get3A_13] : memref<1x32x20480xf32, #tpu.memory_space<vmem>>, vector<1x32x20480xf32>
    %reduce_sum3A_15 = arith.constant dense<0.000000e+00> : vector<20480xf32>
    %reduce_sum3A_16 = vector.multi_reduction <add>, %get3A_14, %reduce_sum3A_15 [0, 1] : vector<1x32x20480xf32> to vector<20480xf32>
    %reshape3A_17 = vector.shape_cast %reduce_sum3A_16 : vector<20480xf32> to vector<20x1024xf32>
    %add3A = arith.addf %reshape3A, %reshape3A_10 : vector<20x1024xf32>
    %iota3A = tpu.iota {dimensions = array<i32: 0>} : vector<1024x1024xi32>
    %iota3A_18 = tpu.iota {dimensions = array<i32: 1>} : vector<1024x1024xi32>
    %le3A = arith.cmpi sle, %iota3A, %iota3A_18 : vector<1024x1024xi32>
    %convert_element_type3A = arith.extui %le3A : vector<1024x1024xi1> to vector<1024x1024xi32>
    %convert_element_type3A_19 = arith.sitofp %convert_element_type3A : vector<1024x1024xi32> to vector<1024x1024xf32>
    %dot_general3A = arith.constant dense<0.000000e+00> : vector<20x1024xf32>
    %dot_general3A_20 = tpu.matmul %add3A, %convert_element_type3A_19, %dot_general3A {dimension_numbers = #tpu.dot_dimension_numbers<[1], [0], [0], [1], [0, 0, 1, 1], [], []>, precision = #tpu.contract_precision<fp32>, transpose_lhs_hint = false} : vector<20x1024xf32>, vector<1024x1024xf32>, vector<20x1024xf32> -> vector<20x1024xf32>
    %dot_general3A_21 = arith.constant dense<0.000000e+00> : vector<20x1024xf32>
    %dot_general3A_22 = tpu.matmul %reshape3A_10, %convert_element_type3A_19, %dot_general3A_21 {dimension_numbers = #tpu.dot_dimension_numbers<[1], [0], [0], [1], [0, 0, 1, 1], [], []>, precision = #tpu.contract_precision<fp32>, transpose_lhs_hint = false} : vector<20x1024xf32>, vector<1024x1024xf32>, vector<20x1024xf32> -> vector<20x1024xf32>
    %slice3A = vector.extract_strided_slice %dot_general3A_20 {offsets = [0, 1023], sizes = [20, 1], strides = [1, 1]} : vector<20x1024xf32> to vector<20x1xf32>
    %slice3A_23 = vector.extract_strided_slice %dot_general3A_22 {offsets = [0, 1023], sizes = [20, 1], strides = [1, 1]} : vector<20x1024xf32> to vector<20x1xf32>
    %sub3A = vector.broadcast %slice3A : vector<20x1xf32> to vector<20x1024xf32>
    %sub3A_24 = arith.subf %sub3A, %dot_general3A_20 : vector<20x1024xf32>
    %add3A_25 = arith.addf %sub3A_24, %add3A : vector<20x1024xf32>
    %sub3A_26 = vector.broadcast %slice3A_23 : vector<20x1xf32> to vector<20x1024xf32>
    %sub3A_27 = arith.subf %sub3A_26, %dot_general3A_22 : vector<20x1024xf32>
    %add3A_28 = arith.addf %sub3A_27, %reshape3A_10 : vector<20x1024xf32>
    %sub3A_29 = vector.broadcast %slice3A : vector<20x1xf32> to vector<20x1024xf32>
    %sub3A_30 = arith.subf %sub3A_29, %dot_general3A_20 : vector<20x1024xf32>
    %sub3A_31 = vector.broadcast %slice3A_23 : vector<20x1xf32> to vector<20x1024xf32>
    %sub3A_32 = arith.subf %sub3A_31, %dot_general3A_22 : vector<20x1024xf32>
    %sub3A_33 = vector.broadcast %slice3A_23 : vector<20x1xf32> to vector<20x1024xf32>
    %sub3A_34 = arith.subf %sub3A_33, %add3A_28 : vector<20x1024xf32>
    %add3A_35 = vector.broadcast %slice3A_23 : vector<20x1xf32> to vector<20x1024xf32>
    %add3A_36 = arith.addf %add3A_35, %add3A_25 : vector<20x1024xf32>
    %sub3A_37 = arith.subf %add3A_36, %add3A_28 : vector<20x1024xf32>
    %max3A = arith.constant 1.000000e+00 : f32
    %max3A_38 = vector.broadcast %max3A : f32 to vector<20x1024xf32>
    %max3A_39 = arith.maximumf %sub3A_37, %max3A_38 : vector<20x1024xf32>
    %div3A = arith.divf %sub3A_34, %max3A_39 : vector<20x1024xf32>
    %sub3A_40 = arith.constant 1.000000e+00 : f32
    %sub3A_41 = vector.broadcast %sub3A_40 : f32 to vector<20x1024xf32>
    %sub3A_42 = arith.subf %sub3A_41, %div3A : vector<20x1024xf32>
    %sub3A_43 = vector.broadcast %slice3A_23 : vector<20x1xf32> to vector<20x1024xf32>
    %sub3A_44 = arith.subf %sub3A_43, %sub3A_32 : vector<20x1024xf32>
    %add3A_45 = vector.broadcast %slice3A_23 : vector<20x1xf32> to vector<20x1024xf32>
    %add3A_46 = arith.addf %add3A_45, %sub3A_30 : vector<20x1024xf32>
    %sub3A_47 = arith.subf %add3A_46, %sub3A_32 : vector<20x1024xf32>
    %max3A_48 = arith.constant 1.000000e+00 : f32
    %max3A_49 = vector.broadcast %max3A_48 : f32 to vector<20x1024xf32>
    %max3A_50 = arith.maximumf %sub3A_47, %max3A_49 : vector<20x1024xf32>
    %div3A_51 = arith.divf %sub3A_44, %max3A_50 : vector<20x1024xf32>
    %sub3A_52 = arith.constant 1.000000e+00 : f32
    %sub3A_53 = vector.broadcast %sub3A_52 : f32 to vector<20x1024xf32>
    %sub3A_54 = arith.subf %sub3A_53, %div3A_51 : vector<20x1024xf32>
    %max3A_55 = arith.constant 1.000000e+00 : f32
    %max3A_56 = vector.broadcast %max3A_55 : f32 to vector<20x1024xf32>
    %max3A_57 = arith.maximumf %add3A, %max3A_56 : vector<20x1024xf32>
    %div3A_58 = arith.divf %reshape3A_17, %max3A_57 : vector<20x1024xf32>
    %sub3A_59 = arith.subf %sub3A_42, %sub3A_54 : vector<20x1024xf32>
    %mul3A = arith.mulf %div3A_58, %sub3A_59 : vector<20x1024xf32>
    %reduce_sum3A_60 = arith.constant dense<0.000000e+00> : vector<20xf32>
    %reduce_sum3A_61 = vector.multi_reduction <add>, %mul3A, %reduce_sum3A_60 [1] : vector<20x1024xf32> to vector<20xf32>
    %broadcast_in_dim3A = vector.shape_cast %reduce_sum3A_61 : vector<20xf32> to vector<20x1xf32>
    %gt3A = arith.constant 0.000000e+00 : f32
    %gt3A_62 = vector.broadcast %gt3A : f32 to vector<20x1xf32>
    %gt3A_63 = arith.cmpf ogt, %slice3A_23, %gt3A_62 : vector<20x1xf32>
    %convert_element_type3A_64 = arith.extui %gt3A_63 : vector<20x1xi1> to vector<20x1xi32>
    %convert_element_type3A_65 = arith.sitofp %convert_element_type3A_64 : vector<20x1xi32> to vector<20x1xf32>
    %mul3A_66 = arith.mulf %broadcast_in_dim3A, %convert_element_type3A_65 : vector<20x1xf32>
    %reduce_sum3A_67 = vector.shape_cast %mul3A_66 : vector<20x1xf32> to vector<1x20x1xf32>
    %reduce_sum3A_68 = arith.constant dense<0.000000e+00> : vector<1xf32>
    %reduce_sum3A_69 = vector.multi_reduction <add>, %reduce_sum3A_67, %reduce_sum3A_68 [1, 2] : vector<1x20x1xf32> to vector<1xf32>
    %reduce_sum3A_70 = vector.shape_cast %reduce_sum3A_69 : vector<1xf32> to vector<1x1x1xf32>
    %reduce_sum3A_71 = vector.extract %reduce_sum3A_70[0, 0, 0] : f32 from vector<1x1x1xf32>
    %broadcast_in_dim3A_72 = vector.broadcast %reduce_sum3A_71 : f32 to vector<1x1xf32>
    %reduce_sum3A_73 = vector.shape_cast %convert_element_type3A_65 : vector<20x1xf32> to vector<1x20x1xf32>
    %reduce_sum3A_74 = arith.constant dense<0.000000e+00> : vector<1xf32>
    %reduce_sum3A_75 = vector.multi_reduction <add>, %reduce_sum3A_73, %reduce_sum3A_74 [1, 2] : vector<1x20x1xf32> to vector<1xf32>
    %reduce_sum3A_76 = vector.shape_cast %reduce_sum3A_75 : vector<1xf32> to vector<1x1x1xf32>
    %reduce_sum3A_77 = vector.extract %reduce_sum3A_76[0, 0, 0] : f32 from vector<1x1x1xf32>
    %broadcast_in_dim3A_78 = vector.broadcast %reduce_sum3A_77 : f32 to vector<1x1xf32>
    %gt3A_79 = arith.constant 0.000000e+00 : f32
    %gt3A_80 = vector.broadcast %gt3A_79 : f32 to vector<1x1xf32>
    %gt3A_81 = arith.cmpf ogt, %broadcast_in_dim3A_78, %gt3A_80 : vector<1x1xf32>
    %max3A_82 = arith.constant 1.000000e+00 : f32
    %max3A_83 = vector.broadcast %max3A_82 : f32 to vector<1x1xf32>
    %max3A_84 = arith.maximumf %broadcast_in_dim3A_78, %max3A_83 : vector<1x1xf32>
    %div3A_85 = arith.divf %broadcast_in_dim3A_72, %max3A_84 : vector<1x1xf32>
    %jit3A = arith.constant 0.000000e+00 : f32
    %broadcast_in_dim3A_86 = vector.broadcast %jit3A : f32 to vector<1x1xf32>
    %select_n3A = arith.select %gt3A_81, %div3A_85, %broadcast_in_dim3A_86 : vector<1x1xi1>, vector<1x1xf32>
    %swap3A = arith.constant 0 : index
    %swap3A_87 = arith.constant 0 : index
    %swap3A_88 = vector.load %arg4[%swap3A, %swap3A_87] : memref<1x1xf32, #tpu.memory_space<vmem>>, vector<1x1xf32>
    tpu.vector_store %arg4[%swap3A, %swap3A_87], %select_n3A {strides = array<i32>} : memref<1x1xf32, #tpu.memory_space<vmem>>, vector<1x1xf32>,
    return
  }
  func.func @transform_0(%arg0: i32) -> (i32, i32, i32) {
    %c0_i32 = arith.constant 0 : i32
    %c0_i32_0 = arith.constant 0 : i32
    %c0_i32_1 = arith.constant 0 : i32
    %c0_i32_2 = arith.constant 0 : i32
    return %c0_i32, %c0_i32_0, %c0_i32_1 : i32, i32, i32
  }
  func.func @transform_1(%arg0: i32) -> (i32, i32, i32) {
    %c1_i32 = arith.constant 1 : i32
    %c0_i32 = arith.constant 0 : i32
    %c0_i32_0 = arith.constant 0 : i32
    %c0_i32_1 = arith.constant 0 : i32
    return %c1_i32, %c0_i32, %c0_i32_0 : i32, i32, i32
  }
  func.func @transform_2(%arg0: i32) -> (i32, i32, i32) {
    %c2_i32 = arith.constant 2 : i32
    %c0_i32 = arith.constant 0 : i32
    %c0_i32_0 = arith.constant 0 : i32
    %c0_i32_1 = arith.constant 0 : i32
    return %c2_i32, %c0_i32, %c0_i32_0 : i32, i32, i32
  }
  func.func @transform_3(%arg0: i32) -> (i32, i32) {
    %c0_i32 = arith.constant 0 : i32
    %c0_i32_0 = arith.constant 0 : i32
    %c0_i32_1 = arith.constant 0 : i32
    return %c0_i32, %c0_i32_0 : i32, i32
  }
}

</mosaic_0001>

<sc_bundles>
// kernel: kernel.4.cloned.1.call-start
scs
__scs_entry_jumppad:
0x0: {  	(pc) =	sbr.rel $0x88, $3  }
0x1: {  	(tag) =	ssettag $0x0;
	lr =	simm.s32 $0x1  }
0x2: {  	[smem:$0x3F9F] =	sst lr;
	_ =	strace $0xD0000000  }
0x3: {  	_ = 	snop  }
0x4: {  	_ = 	snop  }
0x5: {  	_ = 	snop  }
0x6: {  	_ = 	snop  }
0x7: {  	_ = 	snop  }
__scs_overlays_trampoline_lowered:
0x8: {  	[smem:$0x3FAE] =	sst s0  }
0x9: {  	[smem:$0x3FAF] =	sst s1  }
0xa: {  	[smem:$0x3FB0] =	sst s2  }
0xb: {  	[smem:$0x3FB1] =	sst s3  }
0xc: {  	[smem:$0x3FB2] =	sst s4  }
0xd: {  	[smem:$0x3FB3] =	sst s5  }
0xe: {  	[smem:$0x3FB4] =	sst s6  }
0xf: {  	[smem:$0x3FB5] =	sst s7  }
0x10: {  	[smem:$0x3FB6] =	sst s8  }
0x11: {  	[smem:$0x3FB7] =	sst s9;
	s0 =	simm.s32 @!p0 $0x0  }
0x12: {  	s1 =	sld [smem:$0x3F9D];
	s0 =	simm.s32 @p0 $0x1  }
0x13: {  	[smem:$0x3FB8] =	sst s0;
	s0 =	simm.s32 @!p1 $0x0  }
0x14: {  	s2 =	sld [smem:$0x3F9C];
	s0 =	simm.s32 @p1 $0x1  }
0x15: {  	[smem:$0x3FB9] =	sst s0;
	s0 =	simm.s32 @!p2 $0x0  }
0x16: {  	s3 =	sld [smem:$0x3FDB];
	s0 =	simm.s32 @p2 $0x1  }
0x17: {  	s4 =	simm.s32 $0x1BF5;
	[smem:$0x3FBB] =	sst s0  }
0x18: {  	s0 =	sld [smem:$0x3F9E];
	_ =	swait.ge [sflag:s4], $0x0  }
0x19: {  	s7 =	sld [smem:$0x3F9F]  }
0x1a: {  	s8 =	sadd.s32 $0xFFFFE003, lr  }
0x1b: {  	s9 =	sadd.s32 $0xFFFFFEF7, lr;
	s5 =	simm.s32 $0xFFFFFFFF;
	p2 =	slt.u32 s8, $0xFFFFF086  }
0x1c: {  	p1 =	slt.u32 s9, $0xF7A;
	s5 =	simm.s32 @!p2 $0x0  }
0x1d: {  	s5 =	simm.s32 @p1 $0x1;
	p0 =	seq.s32 s7, s2  }
0x1e: {  	s7 =	smul.u32 @!p0 $0xF7A, s2;
	p2 =	seq.s32 @!p0 s5, $0x0  }
0x1f: {  	s9 =	smul.u32 $0xF7A, s1;
	s8 =	simm.s32 @!p0 $0x1BF5;
	p2 =	por !p2, p0  }
0x20: {  	[sflag:s8] =	ssyncset.s32 @!p0 $0xFFFFF086;
	s6 =	sadd.s32 @!p0 s3, s7;
	s7 =	simm.s32 @!p0 $0x108  }
0x21: {  	s3 =	sadd.s32 s3, s9;
	s6 =	sadd.s32 @!p0 $0x88, s6;
	s7 =	simm.s32 @p2 $0x1082  }
0x22: {  	[simem:s7], [sflag:s8] =	dma.local @!p0 [hbm:s6], $0xF7A  }
0x23: {  	s9 =	sor.u32 $0xD0000000, s2;
	s6 =	simm.s32 $0x108;
	_ =	swait.ge @!p0 [sflag:s8], $0x0  }
0x24: {  	s3 =	sadd.s32 $0x88, s3;
	s6 =	simm.s32 @!p1 $0x1082;
	[sflag:s4] =	ssyncset.s32 $0xFFFFF086  }
0x25: {  	[simem:s6], [sflag:s4] =	dma.local [hbm:s3], $0xF7A  }
0x26: {  	[smem:$0x3F9F] =	sst s1;
	(tag) =	ssettag s2;
	_ =	strace s9  }
0x27: {  	s1 =	sld [smem:$0x3FAF]  }
0x28: {  	s2 =	sld [smem:$0x3FB0]  }
0x29: {  	s4 =	sld [smem:$0x3FB2]  }
0x2a: {  	p0 =	seq.s32 s5, $0x0;
	s5 =	sld [smem:$0x3FB3]  }
0x2b: {  	s6 =	sld [smem:$0x3FB4]  }
0x2c: {  	s7 =	sld [smem:$0x3FB5]  }
0x2d: {  	s3 =	simm.s32 $0x108;
	s8 =	sld [smem:$0x3FB6]  }
0x2e: {  	s3 =	simm.s32 @!p0 $0x1082;
	s9 =	sld [smem:$0x3FB7]  }
0x2f: {  	lr =	sadd.s32 s0, s3;
	s0 =	sld [smem:$0x3FAE]  }
0x30: {  	s3 =	sld [smem:$0x3FB1]  }
0x31: {  	[smem:$0x3FBA] =	sst s10  }
0x32: {  	s10 =	sld [smem:$0x3FB8];
	_ =	sdelay $0x3  }
0x33: {  	p0 =	seq.s32 s10, $0x1;
	s10 =	sld [smem:$0x3FBA];
	_ =	sdelay $0x3  }
0x34: {  	[smem:$0x3FBA] =	sst s10  }
0x35: {  	s10 =	sld [smem:$0x3FB9];
	_ =	sdelay $0x3  }
0x36: {  	p1 =	seq.s32 s10, $0x1;
	s10 =	sld [smem:$0x3FBA];
	_ =	sdelay $0x3  }
0x37: {  	[smem:$0x3FBA] =	sst s10  }
0x38: {  	s10 =	sld [smem:$0x3FBB]  }
0x39: {  	_ = 	snop;
	(pc) =	sbr.ind lr, $3  }
0x3a: {  	_ = 	snop  }
0x3b: {  	_ = 	snop  }
0x3c: {  	p2 =	seq.s32 s10, $0x1;
	s10 =	sld [smem:$0x3FBA]  }
0x3d: {  	_ =	shalt  }
0x3e: {  	_ =	shalt  }
0x3f: {  	_ =	shalt  }
0x40: {  	_ =	shalt  }
0x41: {  	_ =	shalt  }
0x42: {  	_ =	shalt  }
0x43: {  	_ =	shalt  }
0x44: {  	_ =	shalt  }
0x45: {  	_ =	shalt  }
0x46: {  	_ =	shalt  }
0x47: {  	_ =	shalt  }
0x48: {  	_ =	shalt  }
0x49: {  	_ =	shalt  }
0x4a: {  	_ =	shalt  }
0x4b: {  	_ =	shalt  }
0x4c: {  	_ =	shalt  }
0x4d: {  	_ =	shalt  }
0x4e: {  	_ =	shalt  }
0x4f: {  	_ =	shalt  }
0x50: {  	_ =	shalt  }
0x51: {  	_ =	shalt  }
0x52: {  	_ =	shalt  }
0x53: {  	_ =	shalt  }
0x54: {  	_ =	shalt  }
0x55: {  	_ =	shalt  }
0x56: {  	_ =	shalt  }
0x57: {  	_ =	shalt  }
0x58: {  	_ =	shalt  }
0x59: {  	_ =	shalt  }
0x5a: {  	_ =	shalt  }
0x5b: {  	_ =	shalt  }
0x5c: {  	_ =	shalt  }
0x5d: {  	_ =	shalt  }
0x5e: {  	_ =	shalt  }
0x5f: {  	_ =	shalt  }
0x60: {  	_ =	shalt  }
0x61: {  	_ =	shalt  }
0x62: {  	_ =	shalt  }
0x63: {  	_ =	shalt  }
0x64: {  	_ =	shalt  }
0x65: {  	_ =	shalt  }
0x66: {  	_ =	shalt  }
0x67: {  	_ =	shalt  }
0x68: {  	_ =	shalt  }
0x69: {  	_ =	shalt  }
0x6a: {  	_ =	shalt  }
0x6b: {  	_ =	shalt  }
0x6c: {  	_ =	shalt  }
0x6d: {  	_ =	shalt  }
0x6e: {  	_ =	shalt  }
0x6f: {  	_ =	shalt  }
0x70: {  	_ =	shalt  }
0x71: {  	_ =	shalt  }
0x72: {  	_ =	shalt  }
0x73: {  	_ =	shalt  }
0x74: {  	_ =	shalt  }
0x75: {  	_ =	shalt  }
0x76: {  	_ =	shalt  }
0x77: {  	_ =	shalt  }
0x78: {  	_ =	shalt  }
0x79: {  	_ =	shalt  }
0x7a: {  	_ =	shalt  }
0x7b: {  	_ =	shalt  }
0x7c: {  	_ =	shalt  }
0x7d: {  	_ =	shalt  }
0x7e: {  	_ =	shalt  }
0x7f: {  	_ =	shalt  }
0x80: {  	_ =	shalt  }
0x81: {  	_ =	shalt  }
0x82: {  	_ =	shalt  }
0x83: {  	_ =	shalt  }
0x84: {  	_ =	shalt  }
0x85: {  	_ =	shalt  }
0x86: {  	_ =	shalt  }
0x87: {  	_ =	shalt  }
.Lfunc_end0:
.L_simem_size_0:
called_computation_lowered:
.L_overlay_start_0:
0x88: {  	s2 =	sld [smem:$0x3FD9]  }
0x89: {  	s3 =	sld [smem:$0x3FFE];
	_ =	sdelay $0x1  }
0x8a: {  	s1 =	srdreg.scid  }
0x8b: {  	s0 =	sand.u32 $0x1, s1  }
0x8c: {  	s17 =	sshll.u32 s0, $0xA;
	s2 =	sadd.s32 s3, s2  }
0x8d: {  	s2 =	sadd.s32 s2, s17  }
0x8e: {  	[smem:$0x3FC6] =	sst s2  }
0x8f: {  	_ = 	snop  }
0x90: {  	s2 =	sld [smem:$0x3FC8];
	(tm) =	ssettm $0x1  }
0x91: {  	s18 =	sld [smem:$0x3FFB];
	_ =	sdelay $0x3  }
0x92: {  	_ =	strace s18  }
0x93: {  	s3 =	sld [smem:$0x3FFC];
	_ =	sdelay $0x3  }
0x94: {  	_ =	strace s3  }
0x95: {  	s3 =	sld [smem:$0x3FFD];
	_ =	sdelay $0x3  }
0x96: {  	_ =	strace s3  }
0x97: {  	_ =	strace $0x8FFFFFFF  }
0x98: {  	s19 =	sld [smem:$0x3FDB];
	_ =	sdelay $0x1  }
0x99: {  	s4 =	simm.s32 $_scs_section_size  }
0x9a: {  	s5 =	simm.s32 $_size__tile_overlayer_lowered;
	s6 =	simm.s32 $_tile_overlayer_lowered  }
0x9b: {  	s22 =	simm.s32 $0x1BFF;
	s21 =	sshll.u32 s6, $0x1;
	s3 =	sadd.s32 s4, s19  }
0x9c: {  	s7 =	simm.s32 $0x0;
	s20 =	sshll.u32 s5, $0x1;
	s5 =	sadd.s32 s21, s3  }
0x9d: {  	[timem:s7], [sflag:s22] =	dma.local [hbm:s5], s20  }
0x9e: {  	_ =	swait.ge [sflag:s22], s20  }
0x9f: {  	s4 =	ssub.s32 $0x0, s20;
	[sflag:s22] =	ssyncset.done $0x0  }
0xa0: {  	[sflag:s22] =	ssyncadd.s32 s4;
	_ =	sdelay $0x1  }
0xa1: {  	s23 =	simm.s32 $0x1B8B  }
0xa2: {  	_ =	swait.ge [sflag:s23], $0x1  }
0xa3: {  	[sflag:s23] =	ssyncset.done $0x0  }
0xa4: {  	s25 =	simm.s32 $0x1B8E;
	s24 =	sld [smem:$0x3FFE];
	[sflag:s23] =	ssyncadd.s32 $0xFFFFFFFF  }
0xa5: {  	s26 =	simm.s32 $execute0_lowered;
	[smem:$0x3FD2] =	sst s25  }
0xa6: {  	s5 =	sshll.u32 s26, $0x1;
	_ =	strace $0x80000046;
	[dreg:$0x1] =	wrdreg $0xFFFFFFFF  }
0xa7: {  	s28 =	simm.s32 $_size_execute0_lowered;
	s3 =	sadd.s32 s3, s5;
	[dreg:$0x0] =	wrdreg $0x0  }
0xa8: {  	s5 =	sshll.u32 s28, $0x1;
	[dreg:$0x2] =	wrdreg s3  }
0xa9: {  	[dreg:$0x3] =	wrdreg s5  }
0xaa: {  	[dreg:$0x4] =	wrdreg $0xC0  }
0xab: {  	_ =	task [dreg:s7], $0x5FFFF  }
0xac: {  	[dreg:$0x1] =	wrdreg $0xFFFFFFFF  }
0xad: {  	[dreg:$0x0] =	wrdreg $0x60  }
0xae: {  	[dreg:$0x2] =	wrdreg s24  }
0xaf: {  	[dreg:$0x3] =	wrdreg s2  }
0xb0: {  	[dreg:$0x4] =	wrdreg $0x9  }
0xb1: {  	_ =	task.clear_ibuf [dreg:s7], $0x5FFFF;
	_ =	strace $0x90000046  }
0xb2: {  	s29 =	simm.s32 $0x9;
	_ =	strace $0x80000048  }
0xb3: {  	_ =	swait.ge [sflag:s29], $0x1  }
0xb4: {  	[sflag:s29] =	ssyncadd.s32 $0xFFFFFFFF  }
0xb5: {  	_ =	strace $0x90000048  }
0xb6: {  	_ =	sfence  }
0xb7: {  	s30 =	sld [smem:$0x0];
	_ =	sdelay $0x2  }
0xb8: {  	s31 =	sshll.u32 s1, $0xD;
	s1 =	sshrl.u32 s1, $0x2  }
0xb9: {  	s3 =	sand.u32 $0x4000, s31;
	s1 =	sadd.s32 s1, s30  }
0xba: {  	s0 =	sor.u32 s3, s0;
	s1 =	sshll.u32 s1, $0x11  }
0xbb: {  	s0 =	sor.u32 s1, s0  }
0xbc: {  	s0 =	sadd.s32 $0x8F2B, s0  }
0xbd: {  	[sflag:s0] =	ssyncadd.remote.s32 $0x1  }
0xbe: {  	_ =	sfence.sel $0xFFFF  }
0xbf: {  	[dreg:$0x0] =	wrdreg $0xFFFFFFFF;
	(pc) =	sbr.abs _section_cstart, $3  }
0xc0: {  	[dreg:$0x1] =	wrdreg $0xFFFFFFFF  }
0xc1: {  	_ =	task.clear_ibuf [dreg:s7], $0x2FFFF;
	_ =	strace $0x9FFFFFFF  }
0xc2: {  	(tm) =	ssettm $0x7FFFFFFF  }
0xc3: {  	_ =	shalt  }
tec
execute0_lowered:
.L_overlay_start_1:
0x0: {  	(tag) =	ssettag $0x1  }
0x1: {  	s0 =	rddreg [dreg:$0x0]  }
0x2: {  	s1 =	rddreg [dreg:$0x1];
	s2 =	simm.s32 $0x0;
	s3 =	srdreg.scid  }
0x3: {  	s13 =	stileid.u32;
	s15 =	simm.s32 $0xA000;
	s17 =	simm.s32 $0xA400  }
0x4: {  	s18 =	simm.s32 $0x1;
	s19 =	simm.s32 $0xA800;
	s20 =	simm.s32 $0x14800  }
0x5: {  	[smem:$0x7FF] =	sst s2;
	s3 =	sand.u32 $0x1, s3;
	s4 =	sshll.u32 s13, $0x1  }
0x6: {  	s9 =	sadd.s32 $0x200600, s0;
	s0 =	sadd.s32 $0x600, s0;
	s13 =	sshrl.u32 s13, $0x2  }
0x7: {  	_ =	strace $0x80000047;
	s8 =	sor.u32 s3, s4;
	s13 =	smul.u32 $0x28000, s13  }
0x8: {  	s3 =	ssub.s32 $0x2, s3;
	s7 =	sshll.u32 s8, $0xC;
	s4 =	smul.u32 $0x2800, s8  }
0x9: {  	s5 =	sshrl.u32 s3, $0x1;
	s21 =	sshll.u32 s8, $0x9;
	s14 =	sshll.u32 s8, $0x7  }
0xa: {  	s6 =	sor.u32 $0x400, s7;
	s3 =	ssub.s32 s3, s5;
	s11 =	sor.u32 $0x800, s7  }
0xb: {  	s12 =	sor.u32 $0xC00, s7;
	s26 =	sand.u32 $0x380, s14;
	s10 =	smul.u32 $0x14, s6  }
0xc: {  	s4 =	sadd.s32 s9, s4;
	s23 =	smul.u32 $0x14, s11;
	s6 =	sshrl.u32 s6, $0x3  }
0xd: {  	s25 =	smul.u32 $0x14, s12;
	s11 =	sshrl.u32 s11, $0x3;
	s28 =	sshrl.u32 s12, $0x3  }
0xe: {  	s14 =	smax.u32 s3, $0x1;
	[dreg:$0x3] =	wrdreg s4;
	s4 =	sadd.s32 s1, s21  }
0xf: {  	vm0 =	vcmask $0x2F00;
	v5 =	vimm.f32 $1.000000000e+00;
	s6 =	sadd.s32 s1, s6;
	s8 =	sadd.s32 s1, s11;
	s11 =	sor.u32 s13, s26  }
0x10: {  	v3 =	vlaneseq.u32;
	v1 =	vsel vm0, $0x0, v5;
	s21 =	simm.s32 $0x2;
	s22 =	sshrl.u32 s10, $0x3;
	[dreg:$0x4] =	wrdreg s4  }
0x11: {  	v4 =	vmul.u32 $0x400, v3;
	v48 =	vadd.s32 $0x4, v3;
	[tilespmem:$0x1FFA0] =	vst v1;
	s10 =	sshrl.u32 s23, $0x3;
	s29 =	sadd.s32 $0xA0000, s11;
	s30 =	sadd.s32 $0x140000, s11  }
0x12: {  	[tilespmem:$0x1FFB0] =	vst v48;
	s11 =	sshrl.u32 s11, $0x3;
	s23 =	simm.s32 $0x400;
	s24 =	sadd.s32 s9, s22  }
0x13: {  	v43 =	vadd.s32 $0x5000, v4;
	[tilespmem:$0x1FFE0] =	vst v4;
	s7 =	sadd.s32 s9, s10;
	s10 =	sshrl.u32 s25, $0x3;
	s31 =	sshrl.u32 s30, $0x3  }
0x14: {  	v36 =	vadd.s32 $0x6000, v4;
	[tilespmem:$0x1FFC0] =	vst v43;
	s11 =	sadd.s32 s0, s11;
	s22 =	simm.s32 $0x80;
	[dreg:$0x5] =	wrdreg s24  }
0x15: {  	v7 =	vadd.s32 $0x1000, v4;
	[tilespmem:$0x1FFD0] =	vst v36;
	s9 =	sadd.s32 s9, s10;
	s10 =	sadd.s32 s1, s28;
	s1 =	sshrl.u32 s29, $0x3  }
0x16: {  	v0 =	vimm.f32 $0.0e+00;
	[tilespmem:$0x1FFF0] =	vst v7;
	s13 =	sadd.s32 s0, s31;
	s24 =	simm.s32 $0x3;
	s12 =	sadd.s32 s0, s1  }
.LBB2_1:
0x17: {  	s0 =	simm.s32 $0x0  }
0x18: {  	[tilespmem:s0+$0x14870] =	vst v0  }
0x19: {  	[tilespmem:s0+$0xA800] =	vst v0  }
0x1a: {  	[tilespmem:s0+$0xF800] =	vst v0  }
0x1b: {  	[tilespmem:s0+$0x14800] =	vst v0  }
0x1c: {  	[tilespmem:s0+$0xA810] =	vst v0  }
0x1d: {  	[tilespmem:s0+$0xF810] =	vst v0  }
0x1e: {  	[tilespmem:s0+$0x14810] =	vst v0  }
0x1f: {  	[tilespmem:s0+$0xA820] =	vst v0  }
0x20: {  	[tilespmem:s0+$0xF820] =	vst v0  }
0x21: {  	[tilespmem:s0+$0x14820] =	vst v0  }
0x22: {  	[tilespmem:s0+$0xA830] =	vst v0  }
0x23: {  	[tilespmem:s0+$0xF830] =	vst v0  }
0x24: {  	[tilespmem:s0+$0x14830] =	vst v0  }
0x25: {  	[tilespmem:s0+$0xA840] =	vst v0  }
0x26: {  	[tilespmem:s0+$0xF840] =	vst v0  }
0x27: {  	[tilespmem:s0+$0x14840] =	vst v0  }
0x28: {  	[tilespmem:s0+$0xA850] =	vst v0  }
0x29: {  	[tilespmem:s0+$0xF850] =	vst v0  }
0x2a: {  	[tilespmem:s0+$0x14850] =	vst v0  }
0x2b: {  	[tilespmem:s0+$0xA860] =	vst v0  }
0x2c: {  	[tilespmem:s0+$0xF860] =	vst v0  }
0x2d: {  	[tilespmem:s0+$0x14860] =	vst v0  }
0x2e: {  	s1 =	simm.s32 $0x0;
	s3 =	simm.s32 $0x200;
	[tilespmem:s0+$0xA870] =	vst v0  }
.LBB2_2:
0x2f: {  	s1 =	sadd.s32 $0x8, s1;
	[tilespmem:s0+$0xF870] =	vst v0;
	s0 =	sshra.s32 s3, $0x2  }
0x30: {  	[tilespmem:s0+$0x14870] =	vst v0;
	p0 =	slt.u32 s1, $0x4F8  }
0x31: {  	[tilespmem:s0+$0xA800] =	vst v0  }
0x32: {  	[tilespmem:s0+$0xF800] =	vst v0  }
0x33: {  	[tilespmem:s0+$0x14800] =	vst v0  }
0x34: {  	[tilespmem:s0+$0xA810] =	vst v0  }
0x35: {  	[tilespmem:s0+$0xF810] =	vst v0  }
0x36: {  	[tilespmem:s0+$0x14810] =	vst v0  }
0x37: {  	[tilespmem:s0+$0xA820] =	vst v0  }
0x38: {  	[tilespmem:s0+$0xF820] =	vst v0  }
0x39: {  	[tilespmem:s0+$0x14820] =	vst v0  }
0x3a: {  	[tilespmem:s0+$0xA830] =	vst v0  }
0x3b: {  	[tilespmem:s0+$0xF830] =	vst v0  }
0x3c: {  	[tilespmem:s0+$0x14830] =	vst v0  }
0x3d: {  	[tilespmem:s0+$0xA840] =	vst v0  }
0x3e: {  	[tilespmem:s0+$0xF840] =	vst v0  }
0x3f: {  	[tilespmem:s0+$0x14840] =	vst v0  }
0x40: {  	[tilespmem:s0+$0xA850] =	vst v0  }
0x41: {  	[tilespmem:s0+$0xF850] =	vst v0  }
.Ltmp0:
0x42: {  	[tilespmem:s0+$0x14850] =	vst v0;
	(pc) =	sbr.rel @p0 .LBB2_2-.Ltmp0, $4  }
0x43: {  	[tilespmem:s0+$0xA860] =	vst v0  }
0x44: {  	[tilespmem:s0+$0xF860] =	vst v0  }
0x45: {  	[tilespmem:s0+$0x14860] =	vst v0  }
0x46: {  	s3 =	sadd.s32 $0x200, s3;
	[tilespmem:s0+$0xA870] =	vst v0  }
0x47: {  	[tilespmem:s0+$0xF870] =	vst v0  }
0x48: {  	s26 =	simm.s32 $0x0;
	s0 =	rddreg [dreg:$0x3]  }
0x49: {  	[tilespmem:s26], [sflag:$0x1] =	stream.linear.gather [hbm4b:s0+s26], $0x5000, $0x38;
	[tilespmem:$0x19800] =	vst v63  }
0x4a: {  	s5 =	rddreg [dreg:$0x4]  }
0x4b: {  	[tilespmem:s15], [sflag:$0x1] =	stream.linear.gather [hbm4b:s5+s26], $0x400, $0x38;
	[tilespmem:$0x19800] =	vst v63  }
0x4c: {  	s1 =	simm.s32 $0x5000;
	s16 =	rddreg [dreg:$0x5]  }
0x4d: {  	[tilespmem:s1], [sflag:$0x2] =	stream.linear.gather [hbm4b:s16+s26], $0x5000, $0x38;
	[tilespmem:$0x19800] =	vst v63  }
0x4e: {  	_ = 	snop  }
0x4f: {  	[tilespmem:s17], [sflag:$0x2] =	stream.linear.gather [hbm4b:s6+s26], $0x400, $0x38;
	[tilespmem:$0x19800] =	vst v63  }
0x50: {  	_ =	swait.ge [sflag:s18], $0x5000  }
0x51: {  	[sflag:s18] =	ssyncset.done $0x0  }
0x52: {  	[sflag:s18] =	ssyncadd.s32 $0xFFFFB000  }
0x53: {  	_ =	swait.ge [sflag:s18], $0x400  }
0x54: {  	[sflag:s18] =	ssyncset.done $0x0  }
0x55: {  	s25 =	simm.s32 $0x50;
	[sflag:s18] =	ssyncadd.s32 $0xFFFFFC00  }
0x56: {  	v1 =	vld [tilespmem:s25+$0x3C]  }
0x57: {  	v10 =	vld [tilespmem:s25+$0x40]  }
0x58: {  	v11 =	vld [tilespmem:s25+$0xFFFFFFB4]  }
0x59: {  	v9 =	vld [tilespmem:s25+$0xFFFFFFC4]  }
0x5a: {  	v12 =	vld [tilespmem:s25+$0xFFFFFFC8]  }
0x5b: {  	v15 =	vld [tilespmem:s25+$0xFFFFFFD8];
	(xrf0) =	vmax.scan.msk.f32 $0xffff, v1  }
0x5c: {  	v13 =	vld [tilespmem:s25+$0xFFFFFFDC];
	(xrf0) =	vmax.scan.msk.f32 $0xffff, v10  }
0x5d: {  	v16 =	vld [tilespmem:s25+$0xFFFFFFEC];
	(xrf0) =	vmax.scan.msk.f32 $0xffff, v11  }
0x5e: {  	v17 =	vld [tilespmem:s25+$0xFFFFFFF0];
	(xrf0) =	vmax.scan.msk.f32 $0xffff, v9  }
0x5f: {  	v2 =	vld [tilespmem:s25+$0x0];
	(xrf0) =	vmax.scan.msk.f32 $0xffff, v12  }
0x60: {  	v18 =	vld [tilespmem:s25+$0x4];
	(xrf0) =	vmax.scan.msk.f32 $0xffff, v15  }
0x61: {  	(xrf0) =	vmax.scan.msk.f32 $0xffff, v13;
	v0, _, _ =	vpop (xrf0)  }
0x62: {  	v14 =	vld [tilespmem:s25+$0x14];
	(xrf0) =	vmax.scan.msk.f32 $0xffff, v16;
	(v2sf) =	vpush v0, $0xF;
	v20, _, _ =	vpop (xrf0)  }
0x63: {  	v19 =	vld [tilespmem:s25+$0x18];
	v21, _, _ =	vpop (xrf0);
	(xrf0) =	vmax.scan.msk.f32 $0xffff, v17;
	(v2sf) =	vpush v20, $0xF  }
0x64: {  	v0 =	vld [tilespmem:s25+$0x28];
	(v2sf) =	vpush v21, $0xF;
	v21, _, _ =	vpop (xrf0);
	(xrf0) =	vmax.scan.msk.f32 $0xffff, v2  }
0x65: {  	v20 =	vld [tilespmem:s25+$0x2C];
	(v2sf) =	vpush v21, $0xF;
	v21, _, _ =	vpop (xrf0);
	(xrf0) =	vmax.scan.msk.f32 $0xffff, v18  }
0x66: {  	(v2sf) =	vpush v21, $0xF;
	v21, _, _ =	vpop (xrf0)  }
0x67: {  	(xrf0) =	vmax.scan.msk.f32 $0xffff, v14;
	(v2sf) =	vpush v21, $0xF;
	v21, _, _ =	vpop (xrf0)  }
0x68: {  	v22 =	vld [tilespmem:s25+$0xFFFFFFB0];
	(xrf0) =	vmax.scan.msk.f32 $0xffff, v19;
	(v2sf) =	vpush v21, $0xF;
	v21, _, _ =	vpop (xrf0)  }
0x69: {  	(xrf0) =	vmax.scan.msk.f32 $0xffff, v0;
	(v2sf) =	vpush v21, $0xF;
	v21, _, _ =	vpop (xrf0)  }
0x6a: {  	(xrf0) =	vmax.scan.msk.f32 $0xffff, v20;
	(v2sf) =	vpush v21, $0xF;
	v21, _, _ =	vpop (xrf0)  }
0x6b: {  	(v2sf) =	vpush v21, $0xF;
	v21, _, _ =	vpop (xrf0)  }
0x6c: {  	(v2sf) =	vpush v21, $0xF  }
0x6d: {  	(xrf0) =	vmax.scan.msk.f32 $0xffff, v22;
	v21, _, _ =	vpop (xrf0)  }
0x6e: {  	(v2sf) =	vpush v21, $0xF;
	v21, _, _ =	vpop (xrf0)  }
0x6f: {  	(v2sf) =	vpush v21, $0xF;
	v21, _, _ =	vpop (xrf0)  }
0x70: {  	(v2sf) =	vpush v21, $0xF;
	v21, _, _ =	vpop (xrf0)  }
0x71: {  	(v2sf) =	vpush v21, $0xF;
	s1 =	spop (v2sf)  }
0x72: {  	s3 =	spop (v2sf)  }
0x73: {  	v21, _, _ =	vpop (xrf0);
	s0 =	smax.f32 s1, s3;
	s1 =	spop (v2sf)  }
0x74: {  	(v2sf) =	vpush v21, $0xF;
	s4 =	spop (v2sf)  }
0x75: {  	v21 =	vmov s0;
	s3 =	spop (v2sf)  }
0x76: {  	v1 =	vsub.f32 v1, v21;
	s16 =	spop (v2sf)  }
0x77: {  	v10 =	vsub.f32 v10, v21;
	s25 =	spop (v2sf)  }
0x78: {  	s0 =	smax.f32 s4, s3;
	v1 =	vmul.f32 $1.442695020e+00, v1;
	s28 =	spop (v2sf)  }
0x79: {  	v10 =	vmul.f32 $1.442695020e+00, v10;
	v21 =	vmov s0;
	s5 =	spop (v2sf)  }
0x7a: {  	s16 =	smax.f32 s16, s25;
	(erf) = vpow2.f32 v1;
	v1 =	vsub.f32 v12, v21;
	s25 =	spop (v2sf)  }
0x7b: {  	(erf) = vpow2.f32 v10;
	s4 =	spop (v2sf)  }
0x7c: {  	v23 =	vmov s16;
	v1 =	vmul.f32 $1.442695020e+00, v1;
	s0 =	smax.f32 s25, s4  }
0x7d: {  	v52 =	vsub.f32 v13, v23;
	s3 =	smax.f32 s28, s5;
	s5 =	spop (v2sf);
	v25 =	vmov s0  }
0x7e: {  	v24 =	vmov s3;
	s16 =	spop (v2sf);
	(erf) = vpow2.f32 v1;
	v1 =	vsub.f32 v18, v25  }
0x7f: {  	v12 =	vsub.f32 v17, v24;
	s4 =	spop (v2sf)  }
0x80: {  	v58 =	vld [tilespmem:$0x1FFA0];
	v10 =	vmul.f32 $1.442695020e+00, v52;
	s3 =	smax.f32 s5, s16;
	s5 =	spop (v2sf);
	v1 =	vmul.f32 $1.442695020e+00, v1  }
0x81: {  	v12 =	vmul.f32 $1.442695020e+00, v12;
	v18 =	vmov s3;
	s0 =	smax.f32 s4, s5  }
0x82: {  	(erf) = vpow2.f32 v10;
	v53 =	vsub.f32 v19, v18;
	v19 =	vmov s0  }
0x83: {  	s16 =	spop (v2sf);
	(erf) = vpow2.f32 v12;
	v12 =	vsub.f32 v20, v19;
	v20 =	vpop (erf)  }
0x84: {  	s25 =	smax.f32 s16, s1;
	(erf) = vpow2.f32 v1;
	v1 =	vpop (erf)  }
0x85: {  	v26 =	vmov s25;
	v10 =	vmul.f32 $1.442695020e+00, v53;
	(xrf2) =	vadd.scan.msk.f32 $0xffff, v20;
	v13 =	vmul.f32 v58, v1  }
0x86: {  	v11 =	vsub.f32 v11, v26  }
0x87: {  	v12 =	vmul.f32 $1.442695020e+00, v12;
	(erf) = vpow2.f32 v10;
	(xrf2) =	vadd.scan.msk.f32 $0xffff, v13  }
0x88: {  	v54 =	vmul.f32 $1.442695020e+00, v11  }
0x89: {  	(erf) = vpow2.f32 v12  }
0x8a: {  	(erf) = vpow2.f32 v54  }
0x8b: {  	v17 =	vpop (erf)  }
0x8c: {  	v13 =	vpop (erf)  }
0x8d: {  	v12 =	vpop (erf)  }
0x8e: {  	v11 =	vpop (erf)  }
0x8f: {  	v22 =	vsub.f32 v22, v26;
	v27, _, _ =	vpop (xrf2)  }
0x90: {  	v21 =	vsub.f32 v9, v21;
	v10 =	vpop (erf)  }
0x91: {  	v22 =	vmul.f32 $1.442695020e+00, v22;
	v28 =	vmul.f32 v58, v17;
	(v2sf) =	vpush v27, $0xF;
	v27, _, _ =	vpop (xrf2)  }
0x92: {  	v15 =	vsub.f32 v15, v23;
	v9 =	vpop (erf);
	(v2sf) =	vpush v27, $0xF  }
0x93: {  	v21 =	vmul.f32 $1.442695020e+00, v21;
	(erf) = vpow2.f32 v22;
	(xrf2) =	vadd.scan.msk.f32 $0xffff, v28;
	v26 =	vpop (erf)  }
0x94: {  	v15 =	vmul.f32 $1.442695020e+00, v15;
	v22 =	vmul.f32 v58, v26  }
0x95: {  	v16 =	vsub.f32 v16, v24;
	(erf) = vpow2.f32 v21;
	v27 =	vmul.f32 v58, v13  }
0x96: {  	(erf) = vpow2.f32 v15;
	v21 =	vmul.f32 v58, v12;
	(xrf2) =	vadd.scan.msk.f32 $0xffff, v22  }
0x97: {  	v16 =	vmul.f32 $1.442695020e+00, v16;
	v22 =	vmul.f32 v58, v11;
	(xrf2) =	vadd.scan.msk.f32 $0xffff, v27  }
0x98: {  	(xrf2) =	vadd.scan.msk.f32 $0xffff, v21;
	v21 =	vmul.f32 v58, v10  }
0x99: {  	v14 =	vsub.f32 v14, v18;
	(erf) = vpow2.f32 v16;
	(xrf2) =	vadd.scan.msk.f32 $0xffff, v22  }
0x9a: {  	v15 =	vmul.f32 v58, v9;
	(xrf2) =	vadd.scan.msk.f32 $0xffff, v21;
	v21 =	vsub.f32 v2, v25  }
0x9b: {  	v14 =	vmul.f32 $1.442695020e+00, v14  }
0x9c: {  	v2 =	vpop (erf);
	(xrf2) =	vadd.scan.msk.f32 $0xffff, v15;
	v15 =	vmul.f32 $1.442695020e+00, v21  }
0x9d: {  	v16, _, _ =	vpop (xrf2);
	(xrf2) =	vadd.scan.msk.f32 $0xffff, v2  }
0x9e: {  	v28 =	vpop (erf);
	(erf) = vpow2.f32 v15  }
0x9f: {  	(erf) = vpow2.f32 v14;
	v14 =	vpop (erf)  }
0xa0: {  	v0 =	vsub.f32 v0, v19;
	v15, _, _ =	vpop (xrf2);
	(xrf2) =	vadd.scan.msk.f32 $0xffff, v28;
	s1 =	spop (v2sf)  }
0xa1: {  	(v2sf) =	vpush v16, $0xF;
	v18, _, _ =	vpop (xrf2);
	s3 =	spop (v2sf)  }
0xa2: {  	v0 =	vmul.f32 $1.442695020e+00, v0;
	(v2sf) =	vpush v15, $0xF;
	v15 =	vpop (erf);
	s0 =	sadd.f32 s3, s1  }
0xa3: {  	v21, _, _ =	vpop (xrf2);
	(v2sf) =	vpush v18, $0xF  }
0xa4: {  	v16, _, _ =	vpop (xrf2);
	(v2sf) =	vpush v21, $0xF;
	(xrf2) =	vadd.scan.msk.f32 $0xffff, v14;
	v18 =	vmov s0  }
0xa5: {  	v19, _, _ =	vpop (xrf2);
	(v2sf) =	vpush v16, $0xF;
	v18 =	vadd.f32 $0.0e+00, v18  }
0xa6: {  	(erf) = vpow2.f32 v0;
	(v2sf) =	vpush v19, $0xF;
	v0, _, _ =	vpop (xrf2)  }
0xa7: {  	(xrf2) =	vadd.scan.msk.f32 $0xffff, v15;
	(v2sf) =	vpush v0, $0xF;
	v0, _, _ =	vpop (xrf2);
	v18 =	vbroadcast v18, $0x0  }
0xa8: {  	(v2sf) =	vpush v0, $0xF  }
0xa9: {  	v16 =	vpop (erf);
	(erf) = vrcp.f32 v18  }
0xaa: {  	v0, _, _ =	vpop (xrf2)  }
0xab: {  	s4 =	simm.s32 $0x7;
	(xrf2) =	vadd.scan.msk.f32 $0xffff, v16;
	(v2sf) =	vpush v0, $0xF  }
0xac: {  	v19 =	vmov s26;
	v0 =	vmov s4  }
0xad: {  	v18 =	vpop (erf)  }
0xae: {  	s5 =	simm.s32 $0x1;
	v21, _, _ =	vpop (xrf2);
	(xrf2) =	vadd.scan.msk.f32 $0xffff, v18  }
0xaf: {  	v23 =	vmov s5;
	s25 =	simm.s32 $0x3;
	v22 =	vand.u32 $0xFFFFFFF8, v19;
	v19 =	vpop (erf)  }
0xb0: {  	s16 =	simm.s32 $0x2;
	v23 =	vand.u32 $0xFFFFFFF9, v23;
	v24 =	vmov s25;
	s4 =	spop (v2sf);
	(v2sf) =	vpush v21, $0xF;
	(xrf2) =	vadd.scan.msk.f32 $0xffff, v19  }
0xb1: {  	v23 =	vbroadcast v23, $0x0;
	v24 =	vand.u32 $0xFFFFFFFB, v24;
	s26 =	simm.s32 $0x4;
	v21 =	vmov s16;
	v30, _, _ =	vpop (xrf2);
	s5 =	spop (v2sf);
	v0 =	vld.idx.msk [tilespmem:v0+s15+$0x0], $0xffff  }
0xb2: {  	v24 =	vbroadcast v24, $0x0;
	v25 =	vmov s26;
	v21 =	vand.u32 $0xFFFFFFFA, v21;
	s28 =	spop (v2sf);
	v31 =	vpop (erf)  }
0xb3: {  	s1 =	simm.s32 $0x5;
	s3 =	simm.s32 $0x6;
	v22 =	vbroadcast v22, $0x0;
	(v2sf) =	vpush v30, $0xF;
	s25 =	spop (v2sf);
	v20 =	vmul.f32 v31, v20  }
0xb4: {  	v27 =	vmov s1;
	v29 =	vmov s3;
	v25 =	vand.u32 $0xFFFFFFFC, v25;
	s16 =	spop (v2sf)  }
0xb5: {  	v30 =	vbroadcast v21, $0x0;
	v21, _, _ =	vpop (xrf2);
	s3 =	spop (v2sf);
	v1 =	vmul.f32 v31, v1;
	v32 =	vsub.f32 $1.000000000e+00, v20  }
0xb6: {  	v25 =	vbroadcast v25, $0x0;
	(v2sf) =	vpush v21, $0xF;
	vm1 =	veq.s32 v0, v3;
	s0 =	spop (v2sf)  }
0xb7: {  	v27 =	vand.u32 $0xFFFFFFFD, v27;
	s29 =	spop (v2sf);
	v31 =	vsub.f32 $1.000000000e+00, v1;
	v3 =	vsel vm1, v32, v20  }
0xb8: {  	v29 =	vand.u32 $0xFFFFFFFE, v29;
	v27 =	vbroadcast v27, $0x0;
	vm2 =	veq.s32 v0, v48;
	s1 =	sadd.f32 s5, s29;
	v20, _, _ =	vpop (xrf2);
	[tilespmem:$0x1FF40] =	vst v3  }
0xb9: {  	v32 =	vmul.f32 $1.024000000e+03, v3;
	(v2sf) =	vpush v20, $0xF;
	v3 =	vsel vm2, v31, v1;
	v33 =	vld.idx.msk [tilespmem:v22+s15+$0x0], $0xffff  }
0xba: {  	s29 =	spop (v2sf);
	v22 =	vbroadcast v29, $0x0;
	v0 =	vld.idx.msk [tilespmem:v23+s15+$0x0], $0xffff;
	v23, _, _ =	vpop (xrf2);
	v29 =	vmov s1;
	v31 =	vmul.f32 $1.024000000e+03, v3  }
0xbb: {  	s26 =	sadd.f32 s4, s29;
	[tilespmem:$0x1FF50] =	vst v3;
	v1 =	vtrunc.f32 v32;
	(v2sf) =	vpush v23, $0xF;
	v23 =	vadd.f32 $0.0e+00, v29  }
0xbc: {  	v35 =	vld.idx.msk [tilespmem:v25+s15+$0x0], $0xffff;
	v1 =	vcvt.f32.s32 v1;
	v25 =	vtrunc.f32 v31  }
0xbd: {  	v34 =	vld.idx.msk [tilespmem:v24+s15+$0x0], $0xffff;
	v24 =	vmov s26;
	v23 =	vbroadcast v23, $0x0;
	v25 =	vcvt.f32.s32 v25  }
0xbe: {  	v20 =	vlaneseq.u32;
	s1 =	simm.s32 $0xF0;
	v30 =	vld.idx.msk [tilespmem:v30+s15+$0x0], $0xffff;
	v24 =	vadd.f32 $0.0e+00, v24;
	vm3 =	vlt.s32 v1, $0x3FF  }
0xbf: {  	s4 =	spop (v2sf);
	v39 =	vld [tilespmem:s1+$0x3C];
	v1 =	vnsel vm3, $0x3FF, v1;
	(erf) = vrcp.f32 v23;
	vm3 =	vlt.s32 v25, $0x3FF  }
0xc0: {  	v40 =	vld [tilespmem:s1+$0x40];
	s5 =	sadd.f32 s28, s4;
	vm14 =	veq.s32 v33, v20;
	vm13 =	veq.s32 v33, v48;
	vm12 =	veq.s32 v0, v20  }
0xc1: {  	vm10 =	veq.s32 v0, v48;
	v42 =	vld.idx.msk [tilespmem:v22+s15+$0x0], $0xffff;
	v22 =	vbroadcast v24, $0x0;
	v23 =	vadd.s32 v4, v1  }
0xc2: {  	v31 =	vld.idx.msk [tilespmem:v27+s15+$0x0], $0xffff;
	s4 =	spop (v2sf);
	v1 =	vadd.s32 v43, v1;
	v24 =	vnsel vm3, $0x3FF, v25;
	v25 =	vmov s5  }
0xc3: {  	v27 =	vld [tilespmem:s1+$0xFFFFFFB4];
	s25 =	sadd.f32 s25, s4;
	vm11 =	veq.s32 v30, v20;
	vm9 =	veq.s32 v30, v48;
	v29 =	vadd.f32 $0.0e+00, v25  }
0xc4: {  	v3 =	vmovc v36;
	(xrf0) =	vmax.scan.msk.f32 $0xffff, v39;
	v21 =	vadd.s32 v7, v24;
	v24 =	vadd.s32 v36, v24;
	v36 =	vld [tilespmem:s1+$0xFFFFFFC4];
	(erf) = vrcp.f32 v22  }
0xc5: {  	v37 =	vld [tilespmem:s1+$0xFFFFFFC8];
	s5 =	spop (v2sf);
	v25 =	vsel vm1, v1, v23;
	(xrf0) =	vmax.scan.msk.f32 $0xffff, v40;
	v1 =	vbroadcast v29, $0x0;
	v29 =	vmov s25  }
0xc6: {  	vm7 =	veq.s32 v34, v20;
	vm8 =	veq.s32 v34, v48;
	s16 =	sadd.f32 s16, s5;
	v55 =	vadd.f32 $0.0e+00, v29;
	v29 =	vld [tilespmem:s1+$0xFFFFFFD8]  }
0xc7: {  	v6 =	vmovc v48;
	v41 =	vld [tilespmem:s1+$0xFFFFFFDC];
	vm5 =	veq.s32 v35, v20;
	vm6 =	veq.s32 v35, v48;
	vm1 =	veq.s32 v31, v20  }
0xc8: {  	v8 =	vmovc v43;
	v32 =	vld [tilespmem:s1+$0xFFFFFFEC];
	v20 =	vlaneseq.u32;
	v24 =	vsel vm2, v24, v21;
	(xrf0) =	vmax.scan.msk.f32 $0xffff, v27;
	v0 =	vmov s16;
	s25 =	spop (v2sf)  }
0xc9: {  	v43 =	vld [tilespmem:s1+$0xFFFFFFF0];
	vm2 =	veq.s32 v31, v6;
	v0 =	vadd.f32 $0.0e+00, v0;
	v47 =	vbroadcast v55, $0x0;
	(xrf0) =	vmax.scan.msk.f32 $0xffff, v36;
	v30 =	vpop (erf);
	s3 =	sadd.f32 s3, s25  }
0xca: {  	v38 =	vld [tilespmem:s1+$0x0];
	vm4 =	veq.s32 v42, v20;
	(xrf0) =	vmax.scan.msk.f32 $0xffff, v37;
	v2 =	vmul.f32 v30, v2;
	v26 =	vmul.f32 v30, v26;
	v30, _, _ =	vpop (xrf0)  }
0xcb: {  	v44 =	vld [tilespmem:s1+$0x4];
	v48 =	vbroadcast v0, $0x0;
	(xrf0) =	vmax.scan.msk.f32 $0xffff, v29;
	(v2sf) =	vpush v30, $0xF;
	v59, _, _ =	vpop (xrf0);
	v0 =	vmov s3  }
0xcc: {  	(erf) = vrcp.f32 v1;
	s26 =	spop (v2sf);
	(xrf0) =	vmax.scan.msk.f32 $0xffff, v41;
	(v2sf) =	vpush v59, $0xF;
	v57 =	vadd.f32 $0.0e+00, v0;
	v0 =	vld [tilespmem:s1+$0x14]  }
0xcd: {  	v45 =	vld [tilespmem:s1+$0x18];
	vm3 =	veq.s32 v42, v6;
	(erf) = vrcp.f32 v47;
	v56 =	vpop (erf);
	s0 =	sadd.f32 s0, s26;
	v31 =	vsub.f32 $1.000000000e+00, v2;
	(xrf0) =	vmax.scan.msk.f32 $0xffff, v32  }
0xce: {  	(erf) = vrcp.f32 v48;
	v30 =	vld [tilespmem:s1+$0x28];
	v49, _, _ =	vpop (xrf0);
	v54 =	vsub.f32 $1.000000000e+00, v26;
	v28 =	vmul.f32 v56, v28;
	(xrf0) =	vmax.scan.msk.f32 $0xffff, v43  }
0xcf: {  	v46 =	vld [tilespmem:s1+$0x2C];
	(v2sf) =	vpush v49, $0xF;
	v62, _, _ =	vpop (xrf0);
	v63 =	vmul.f32 v56, v17;
	v60 =	vmov s0;
	(xrf0) =	vmax.scan.msk.f32 $0xffff, v38  }
0xd0: {  	v17 =	vld [tilespmem:s1+$0xFFFFFFB0];
	(v2sf) =	vpush v62, $0xF;
	v55, _, _ =	vpop (xrf0);
	v35 =	vsel vm14, v31, v2;
	v34 =	vsel vm13, v54, v26;
	(xrf0) =	vmax.scan.msk.f32 $0xffff, v44  }
0xd1: {  	v50 =	vbroadcast v57, $0x0;
	v61 =	vadd.f32 $0.0e+00, v60;
	(v2sf) =	vpush v55, $0xF;
	v31, _, _ =	vpop (xrf0);
	(xrf0) =	vmax.scan.msk.f32 $0xffff, v0  }
0xd2: {  	v2 =	vsub.f32 $1.000000000e+00, v28;
	v51 =	vmul.f32 $1.024000000e+03, v35;
	(v2sf) =	vpush v31, $0xF;
	v26, _, _ =	vpop (xrf0);
	(xrf0) =	vmax.scan.msk.f32 $0xffff, v45  }
0xd3: {  	v56 =	vbroadcast v61, $0x0;
	v31 =	vsub.f32 $1.000000000e+00, v63;
	(v2sf) =	vpush v26, $0xF;
	v26, _, _ =	vpop (xrf0);
	(xrf0) =	vmax.scan.msk.f32 $0xffff, v30  }
0xd4: {  	v33 =	vsel vm12, v2, v28;
	v2 =	vmul.f32 $1.024000000e+03, v34;
	(v2sf) =	vpush v26, $0xF;
	v1, _, _ =	vpop (xrf0);
	(xrf0) =	vmax.scan.msk.f32 $0xffff, v46  }
0xd5: {  	(erf) = vrcp.f32 v50;
	v57 =	vtrunc.f32 v51;
	(v2sf) =	vpush v1, $0xF;
	v1, _, _ =	vpop (xrf0);
	(xrf0) =	vmax.scan.msk.f32 $0xffff, v17  }
0xd6: {  	v28 =	vmul.f32 $1.024000000e+03, v33;
	v59 =	vcvt.f32.s32 v57;
	(v2sf) =	vpush v1, $0xF;
	v1, _, _ =	vpop (xrf0)  }
0xd7: {  	v20 =	vsel vm10, v31, v63;
	v2 =	vtrunc.f32 v2;
	(v2sf) =	vpush v1, $0xF;
	v1, _, _ =	vpop (xrf0)  }
0xd8: {  	(erf) = vrcp.f32 v56;
	v28 =	vtrunc.f32 v28;
	(v2sf) =	vpush v1, $0xF;
	v1, _, _ =	vpop (xrf0)  }
0xd9: {  	v31 =	vmul.f32 $1.024000000e+03, v20;
	vm15 =	vlt.s32 v59, $0x3FF;
	(v2sf) =	vpush v1, $0xF;
	v1, _, _ =	vpop (xrf0)  }
0xda: {  	v60 =	vcvt.f32.s32 v2;
	v2 =	vnsel vm15, $0x3FF, v59;
	s4 =	spop (v2sf);
	(v2sf) =	vpush v1, $0xF;
	v1, _, _ =	vpop (xrf0)  }
0xdb: {  	v31 =	vtrunc.f32 v31;
	s5 =	spop (v2sf);
	(v2sf) =	vpush v1, $0xF;
	v1 =	vcvt.f32.s32 v28;
	v28, _, _ =	vpop (xrf0)  }
0xdc: {  	vm15 =	vlt.s32 v60, $0x3FF;
	v42 =	vcvt.f32.s32 v31;
	s1 =	smax.f32 s4, s5;
	(v2sf) =	vpush v28, $0xF;
	v28 =	vpop (erf)  }
0xdd: {  	v31 =	vnsel vm15, $0x3FF, v60;
	v62 =	vmov s1;
	v14 =	vmul.f32 v28, v14;
	v61 =	vpop (erf)  }
0xde: {  	vm15 =	vlt.s32 v1, $0x3FF;
	v13 =	vmul.f32 v28, v13;
	v15 =	vmul.f32 v61, v15;
	v28 =	vpop (erf)  }
0xdf: {  	s0 =	spop (v2sf);
	v39 =	vsub.f32 v39, v62;
	v12 =	vmul.f32 v61, v12;
	v47 =	vmul.f32 v28, v16  }
0xe0: {  	s16 =	spop (v2sf);
	v16 =	vpop (erf);
	v11 =	vmul.f32 v28, v11;
	v28 =	vnsel vm15, $0x3FF, v1;
	v48 =	vsub.f32 $1.000000000e+00, v13  }
0xe1: {  	s25 =	spop (v2sf);
	v50 =	vmul.f32 v16, v18;
	v18 =	vsub.f32 v40, v62;
	v1 =	vmul.f32 v16, v10  }
0xe2: {  	s1 =	smax.f32 s16, s25;
	v63 =	vpop (erf);
	v16 =	vmul.f32 $1.442695020e+00, v39;
	v40 =	vsub.f32 $1.000000000e+00, v14;
	v61 =	vsub.f32 $1.000000000e+00, v12  }
0xe3: {  	s26 =	spop (v2sf);
	v39 =	vmul.f32 v63, v19;
	v19 =	vmov s1;
	v9 =	vmul.f32 v63, v9  }
0xe4: {  	s4 =	spop (v2sf);
	v62 =	vsub.f32 $1.000000000e+00, v47;
	v63 =	vsub.f32 $1.000000000e+00, v11;
	v18 =	vmul.f32 $1.442695020e+00, v18  }
0xe5: {  	s5 =	spop (v2sf);
	s3 =	smax.f32 s26, s4;
	v36 =	vsub.f32 v36, v19;
	(erf) = vpow2.f32 v16;
	v16 =	vsub.f32 v37, v19  }
0xe6: {  	s25 =	spop (v2sf);
	v19 =	vmov s3;
	v52 =	vsub.f32 $1.000000000e+00, v50;
	(erf) = vpow2.f32 v18  }
0xe7: {  	v51 =	vsel vm8, v61, v12;
	s26 =	spop (v2sf);
	s1 =	smax.f32 s5, s25;
	v18 =	vsub.f32 v41, v19;
	v16 =	vmul.f32 $1.442695020e+00, v16  }
0xe8: {  	s4 =	spop (v2sf);
	v19 =	vsub.f32 v29, v19;
	v29 =	vmov s1;
	v49 =	vmul.f32 $1.442695020e+00, v36  }
0xe9: {  	v41 =	vsel vm11, v40, v14;
	v40 =	vsel vm9, v48, v13;
	v14 =	vsel vm5, v62, v47;
	s5 =	spop (v2sf)  }
0xea: {  	v13 =	vsel vm6, v63, v11;
	v12 =	vsel vm1, v52, v50;
	v53 =	vsub.f32 v43, v29;
	s3 =	smax.f32 s26, s4;
	s25 =	spop (v2sf)  }
0xeb: {  	v29 =	vsub.f32 v32, v29;
	v63 =	vmul.f32 $1.024000000e+03, v12;
	v54 =	vmov s3;
	s26 =	spop (v2sf)  }
0xec: {  	v18 =	vmul.f32 $1.442695020e+00, v18;
	v19 =	vmul.f32 $1.442695020e+00, v19;
	v55 =	vsub.f32 v44, v54;
	s4 =	spop (v2sf)  }
0xed: {  	(erf) = vpow2.f32 v16;
	v16 =	vmul.f32 $1.442695020e+00, v53;
	v32 =	vsub.f32 v38, v54;
	s16 =	spop (v2sf)  }
0xee: {  	v53 =	vsub.f32 $1.000000000e+00, v1;
	(erf) = vpow2.f32 v18;
	s1 =	smax.f32 s5, s25;
	v18 =	vmul.f32 $1.442695020e+00, v55;
	v36 =	vpop (erf);
	s0 =	smax.f32 s16, s0  }
0xef: {  	(erf) = vpow2.f32 v16;
	v56 =	vmov s1;
	v60 =	vmov s0;
	v37 =	vpop (erf)  }
0xf0: {  	s5 =	smax.f32 s26, s4;
	(erf) = vpow2.f32 v18;
	v18 =	vsub.f32 v27, v60;
	v27 =	vmul.f32 v58, v37  }
0xf1: {  	v47 =	vtrunc.f32 v63;
	v57 =	vsub.f32 v45, v56;
	v59 =	vmov s5;
	(xrf2) =	vadd.scan.msk.f32 $0xffff, v36  }
0xf2: {  	v29 =	vmul.f32 $1.442695020e+00, v29;
	v47 =	vcvt.f32.s32 v47;
	v16 =	vsub.f32 v46, v59;
	(xrf2) =	vadd.scan.msk.f32 $0xffff, v27  }
0xf3: {  	v32 =	vmul.f32 $1.442695020e+00, v32;
	v61 =	vsel vm2, v53, v1;
	v45 =	vmul.f32 $1.442695020e+00, v57  }
0xf4: {  	v1 =	vmul.f32 $1.024000000e+03, v51;
	v17 =	vsub.f32 v17, v60;
	v16 =	vmul.f32 $1.442695020e+00, v16  }
0xf5: {  	v54 =	vsub.f32 $1.000000000e+00, v39;
	(erf) = vpow2.f32 v45;
	v18 =	vmul.f32 $1.442695020e+00, v18  }
0xf6: {  	v17 =	vmul.f32 $1.442695020e+00, v17;
	(erf) = vpow2.f32 v16  }
0xf7: {  	v62 =	vsel vm4, v54, v39;
	v39 =	vmul.f32 $1.024000000e+03, v13;
	(erf) = vpow2.f32 v18  }
0xf8: {  	v11 =	vmul.f32 $1.024000000e+03, v61;
	v27 =	vpop (erf);
	(erf) = vpow2.f32 v17  }
0xf9: {  	v0 =	vsub.f32 v0, v56;
	v39 =	vtrunc.f32 v39;
	v16 =	vpop (erf);
	(erf) = vpow2.f32 v49  }
0xfa: {  	v56 =	vsub.f32 $1.000000000e+00, v9;
	v63 =	vtrunc.f32 v11;
	v17 =	vpop (erf);
	(erf) = vpow2.f32 v19  }
0xfb: {  	[tilespmem:$0x1FF60] =	vst v20;
	v39 =	vcvt.f32.s32 v39;
	v20 =	vsub.f32 v30, v59;
	(erf) = vpow2.f32 v29;
	v29, _, _ =	vpop (xrf2)  }
0xfc: {  	v0 =	vmul.f32 $1.442695020e+00, v0;
	v46 =	vmul.f32 $1.024000000e+03, v14;
	(v2sf) =	vpush v29, $0xF;
	v59, _, _ =	vpop (xrf2)  }
0xfd: {  	v9 =	vsel vm3, v56, v9;
	v60 =	vmul.f32 $1.024000000e+03, v41;
	(v2sf) =	vpush v59, $0xF  }
0xfe: {  	v53 =	vmul.f32 $1.024000000e+03, v9;
	v46 =	vtrunc.f32 v46  }
0xff: {  	v43 =	vmul.f32 $1.442695020e+00, v20;
	v46 =	vcvt.f32.s32 v46  }
0x100: {  	vm15 =	vlt.s32 v42, $0x3FF;
	v45 =	vmul.f32 v58, v27;
	v20 =	vmul.f32 v58, v16  }
0x101: {  	v44 =	vadd.s32 v4, v2;
	[tilespmem:$0x1FF20] =	vst v62;
	v49 =	vmul.f32 $1.024000000e+03, v62;
	v62 =	vtrunc.f32 v1;
	v18 =	vpop (erf)  }
0x102: {  	v30 =	vsub.f32 $1.000000000e+00, v15;
	v55 =	vmul.f32 v58, v17;
	v57 =	vmul.f32 v58, v18  }
0x103: {  	v2 =	vadd.s32 v8, v2;
	[tilespmem:$0x1FEE0] =	vst v18;
	(erf) = vpow2.f32 v32;
	v32 =	vtrunc.f32 v60;
	v18 =	vpop (erf)  }
0x104: {  	v48 =	vsel vm7, v30, v15;
	(xrf2) =	vadd.scan.msk.f32 $0xffff, v45;
	(erf) = vpow2.f32 v0;
	v0 =	vmul.f32 v58, v18;
	v15 =	vpop (erf)  }
0x105: {  	v54 =	vnsel vm15, $0x3FF, v42;
	v29 =	vmul.f32 v58, v15;
	v38 =	vpop (erf);
	v59 =	vmul.f32 $1.024000000e+03, v48  }
0x106: {  	[tilespmem:$0x1FF30] =	vst v9;
	v9 =	vadd.s32 v3, v31;
	v30 =	vmul.f32 v58, v38;
	v58 =	vmul.f32 $1.024000000e+03, v40  }
0x107: {  	[tilespmem:$0x1FF10] =	vst v61;
	v1 =	vadd.s32 v7, v31;
	v31 =	vcvt.f32.s32 v32;
	(erf) = vpow2.f32 v43  }
0x108: {  	v11 =	vsel vm14, v2, v44;
	v61 =	vtrunc.f32 v59;
	v60 =	vtrunc.f32 v58;
	(xrf2) =	vadd.scan.msk.f32 $0xffff, v30  }
0x109: {  	vm14 =	vlt.s32 v31, $0x3FF;
	v59 =	vtrunc.f32 v53;
	(xrf2) =	vadd.scan.msk.f32 $0xffff, v20;
	v2 =	vcvt.f32.s32 v60  }
0x10a: {  	v31 =	vnsel vm14, $0x3FF, v31;
	v58 =	vtrunc.f32 v49;
	v60 =	vcvt.f32.s32 v61  }
0x10b: {  	v61 =	vcvt.f32.s32 v62;
	v62 =	vcvt.f32.s32 v63;
	vm15 =	vlt.s32 v2, $0x3FF;
	s25 =	spop (v2sf)  }
0x10c: {  	v63 =	vcvt.f32.s32 v58;
	(xrf2) =	vadd.scan.msk.f32 $0xffff, v55;
	vm14 =	vlt.s32 v60, $0x3FF;
	v53 =	vnsel vm15, $0x3FF, v2;
	s26 =	spop (v2sf)  }
0x10d: {  	vm15 =	vlt.s32 v61, $0x3FF;
	v2 =	vcvt.f32.s32 v59;
	v55 =	vnsel vm14, $0x3FF, v60;
	s0 =	sadd.f32 s26, s25  }
0x10e: {  	v49, _, _ =	vpop (xrf2);
	(xrf2) =	vadd.scan.msk.f32 $0xffff, v57;
	vm14 =	vlt.s32 v46, $0x3FF;
	v59 =	vadd.s32 v4, v28;
	v28 =	vadd.s32 v8, v28  }
0x10f: {  	(xrf2) =	vadd.scan.msk.f32 $0xffff, v0;
	v56 =	vnsel vm15, $0x3FF, v61;
	vm15 =	vlt.s32 v39, $0x3FF;
	v43 =	vmov s0  }
0x110: {  	v46 =	vnsel vm14, $0x3FF, v46;
	vm14 =	vlt.s32 v47, $0x3FF;
	v32 =	vadd.f32 $0.0e+00, v43  }
0x111: {  	[tilespmem:$0x1FEF0] =	vst v14;
	v30 =	vpop (erf);
	v61 =	vsel vm12, v28, v59;
	v28 =	vadd.s32 v3, v54;
	v58 =	vnsel vm15, $0x3FF, v39  }
0x112: {  	[tilespmem:$0x1FF00] =	vst v12;
	vm15 =	vlt.s32 v62, $0x3FF;
	v42 =	vnsel vm14, $0x3FF, v47;
	v50, _, _ =	vpop (xrf2);
	v0 =	vbroadcast v32, $0x0  }
0x113: {  	s3 =	simm.s32 $0xF;
	[tilespmem:v25+s19+$0x0] =	vst.idx.add.f32.msk $0xffff, v5;
	v47 =	vnsel vm15, $0x3FF, v62;
	v62 =	vadd.s32 v7, v54;
	v54 =	vadd.s32 v4, v31;
	v10, _, _ =	vpop (xrf2)  }
0x114: {  	(xrf2) =	vadd.scan.msk.f32 $0xffff, v29;
	v29 =	vpop (erf);
	v43 =	vmov s3;
	(erf) = vrcp.f32 v0;
	v0 =	vadd.s32 v8, v31  }
0x115: {  	vm0 =	vcmask $0x3F30;
	v26 =	vsel vm11, v0, v54;
	v0 =	vld [tilespmem:$0x1FF40]  }
0x116: {  	v60, _, _ =	vpop (xrf2)  }
0x117: {  	s4 =	simm.s32 $0x8;
	(xrf2) =	vadd.scan.msk.f32 $0xffff, v30;
	v14 =	vpop (erf)  }
0x118: {  	v19 =	vsel vm13, v9, v1;
	v25 =	vmov s4;
	v45, _, _ =	vpop (xrf2);
	(xrf2) =	vadd.scan.msk.f32 $0xffff, v29  }
0x119: {  	(v2sf) =	vpush v49, $0xF;
	v52 =	vadd.s32 v4, v55;
	vm14 =	vlt.s32 v63, $0x3FF;
	v49, _, _ =	vpop (xrf2);
	(xrf2) =	vadd.scan.msk.f32 $0xffff, v14;
	v39 =	vld.idx.msk [tilespmem:v43+s15+$0x0], $0xffff  }
0x11a: {  	vm15 =	vlt.s32 v2, $0x3FF;
	v20 =	vnsel vm14, $0x3FF, v63;
	(v2sf) =	vpush v50, $0xF;
	[tilespmem:v23+s20+$0x0] =	vst.idx.add.f32.msk $0xffff, v0  }
0x11b: {  	v22 =	vnsel vm15, $0x3FF, v2;
	v63 =	vsel vm10, v28, v62;
	(v2sf) =	vpush v10, $0xF;
	[tilespmem:v24+s19+$0x0] =	vst.idx.add.f32.msk vm0, v5  }
0x11c: {  	v2 =	vadd.s32 v7, v53;
	v28 =	vadd.s32 v3, v53;
	(v2sf) =	vpush v60, $0xF;
	v31 =	vpop (erf);
	v0 =	vld [tilespmem:$0x1FF50]  }
0x11d: {  	s16 =	simm.s32 $0xA;
	v53 =	vsel vm9, v28, v2;
	(v2sf) =	vpush v45, $0xF;
	v12 =	vpop (erf);
	v23 =	vand.u32 $0xFFFFFFF8, v25;
	[tilespmem:v11+s19+$0x0] =	vst.idx.add.f32.msk $0xffff, v5  }
0x11e: {  	s5 =	simm.s32 $0x9;
	v50 =	vadd.s32 v3, v56;
	(v2sf) =	vpush v49, $0xF;
	v32 =	vpop (erf);
	v24 =	vmov s16;
	[tilespmem:v61+s19+$0x0] =	vst.idx.add.f32.msk $0xffff, v5  }
0x11f: {  	v49 =	vlaneseq.u32;
	v10 =	vpop (erf);
	v25 =	vmov s5;
	v24 =	vand.u32 $0xFFFFFFFA, v24;
	[tilespmem:v44+s20+$0x0] =	vst.idx.add.f32.msk $0xffff, v35  }
0x120: {  	s25 =	simm.s32 $0xB;
	v60 =	vbroadcast v23, $0x0;
	v25 =	vand.u32 $0xFFFFFFF9, v25;
	v23, _, _ =	vpop (xrf2);
	v24 =	vbroadcast v24, $0x0;
	[tilespmem:v19+s19+$0x0] =	vst.idx.add.f32.msk vm0, v5  }
0x121: {  	s26 =	simm.s32 $0xC;
	v25 =	vbroadcast v25, $0x0;
	(v2sf) =	vpush v23, $0xF;
	v23, _, _ =	vpop (xrf2);
	[tilespmem:v21+s20+$0x0] =	vst.idx.add.f32.msk vm0, v0;
	v21 =	vmov s25  }
0x122: {  	v57 =	vmov s26;
	vm9 =	veq.s32 v39, v49;
	(v2sf) =	vpush v23, $0xF;
	[tilespmem:v1+s20+$0x0] =	vst.idx.add.f32.msk vm0, v34;
	v1, _, _ =	vpop (xrf2)  }
0x123: {  	[tilespmem:v59+s20+$0x0] =	vst.idx.add.f32.msk $0xffff, v33;
	v59 =	vadd.s32 v8, v46;
	v19 =	vand.u32 $0xFFFFFFFC, v57;
	(v2sf) =	vpush v1, $0xF;
	v1, _, _ =	vpop (xrf2)  }
0x124: {  	s3 =	simm.s32 $0xD;
	(xrf2) =	vadd.scan.msk.f32 $0xffff, v31;
	v23 =	vadd.s32 v8, v55;
	v19 =	vbroadcast v19, $0x0;
	v35 =	vand.u32 $0xFFFFFFFB, v21;
	v21 =	vpop (erf)  }
0x125: {  	[tilespmem:v63+s19+$0x0] =	vst.idx.add.f32.msk vm0, v5;
	v0 =	vmov s3;
	(v2sf) =	vpush v1, $0xF;
	v36 =	vmul.f32 v21, v36  }
0x126: {  	v11 =	vand.u32 $0xFFFFFFFD, v0;
	v1 =	vld.idx.msk [tilespmem:v24+s15+$0x0], $0xffff;
	v37 =	vmul.f32 v21, v37;
	v21 =	vadd.s32 v7, v56  }
0x127: {  	(xrf2) =	vadd.scan.msk.f32 $0xffff, v12;
	v63 =	vld.idx.msk [tilespmem:v25+s15+$0x0], $0xffff;
	v25 =	vadd.s32 v3, v58;
	v9 =	vsel vm8, v50, v21;
	v50 =	vsub.f32 $1.000000000e+00, v36  }
0x128: {  	(xrf2) =	vadd.scan.msk.f32 $0xffff, v32;
	v56 =	vsel vm7, v23, v52;
	vm7 =	veq.s32 v39, v6;
	v55 =	vsub.f32 $1.000000000e+00, v37  }
0x129: {  	(xrf2) =	vadd.scan.msk.f32 $0xffff, v10;
	v39 =	vadd.s32 v4, v46;
	v23 =	vmovc v10;
	v10 =	vbroadcast v11, $0x0;
	v57 =	vsel vm9, v50, v36  }
0x12a: {  	v46 =	vsel vm5, v59, v39;
	v0 =	vsel vm7, v55, v37;
	v43 =	vmul.f32 $1.024000000e+03, v57  }
0x12b: {  	vm12 =	veq.s32 v1, v6;
	v55 =	vbroadcast v35, $0x0;
	v44 =	vmul.f32 $1.024000000e+03, v0  }
0x12c: {  	v49 =	vld.idx.msk [tilespmem:v60+s15+$0x0], $0xffff;
	v36 =	vadd.s32 v7, v58;
	v37 =	vadd.s32 v4, v42;
	v45 =	vtrunc.f32 v43  }
0x12d: {  	s4 =	simm.s32 $0xE;
	v35 =	vadd.s32 v7, v47;
	v42 =	vadd.s32 v8, v42;
	v50 =	vtrunc.f32 v44;
	v43 =	vld [tilespmem:$0x1FF60]  }
0x12e: {  	s16 =	spop (v2sf);
	v44 =	vsel vm6, v25, v36;
	[tilespmem:v26+s19+$0x0] =	vst.idx.add.f32.msk $0xffff, v5;
	v26 =	vmov s4;
	v33 =	vcvt.f32.s32 v45  }
0x12f: {  	s5 =	spop (v2sf);
	[tilespmem:v56+s19+$0x0] =	vst.idx.add.f32.msk $0xffff, v5;
	v34 =	vcvt.f32.s32 v50;
	v50 =	vadd.s32 v3, v47;
	v26 =	vand.u32 $0xFFFFFFFE, v26;
	v45, _, _ =	vpop (xrf2)  }
0x130: {  	s3 =	spop (v2sf);
	[tilespmem:v54+s20+$0x0] =	vst.idx.add.f32.msk $0xffff, v41;
	v47 =	vsel vm1, v42, v37;
	vm5 =	vlt.s32 v33, $0x3FF;
	(v2sf) =	vpush v45, $0xF  }
0x131: {  	s1 =	spop (v2sf);
	[tilespmem:v52+s20+$0x0] =	vst.idx.add.f32.msk $0xffff, v48;
	v26 =	vbroadcast v26, $0x0;
	v42 =	vsel vm2, v50, v35;
	v24 =	vnsel vm5, $0x3FF, v33  }
0x132: {  	s0 =	spop (v2sf);
	[tilespmem:v53+s19+$0x0] =	vst.idx.add.f32.msk vm0, v5;
	vm6 =	vlt.s32 v34, $0x3FF;
	v59, _, _ =	vpop (xrf2);
	v61 =	vadd.s32 v4, v24;
	v24 =	vadd.s32 v8, v24  }
0x133: {  	s31 =	spop (v2sf);
	[tilespmem:v2+s20+$0x0] =	vst.idx.add.f32.msk vm0, v40;
	v25 =	vnsel vm6, $0x3FF, v34;
	(v2sf) =	vpush v59, $0xF;
	v24 =	vsel vm9, v24, v61  }
0x134: {  	s30 =	spop (v2sf);
	vm2 =	vmmov vm0;
	[tilespmem:v62+s20+$0x0] =	vst.idx.add.f32.msk vm0, v43;
	v2, _, _ =	vpop (xrf2);
	v62 =	vadd.s32 v7, v25;
	v25 =	vadd.s32 v3, v25  }
0x135: {  	s28 =	spop (v2sf);
	[tilespmem:v9+s19+$0x0] =	vst.idx.add.f32.msk vm0, v5;
	v34 =	vadd.s32 v4, v20;
	(v2sf) =	vpush v2, $0xF;
	v2 =	vsel vm7, v25, v62  }
0x136: {  	s26 =	simm.s32 $0x10;
	v58 =	vld.idx.msk [tilespmem:v55+s15+$0x0], $0xffff;
	s25 =	sadd.f32 s5, s28;
	s28 =	simm.s32 $0x12;
	v33 =	vadd.s32 v7, v22;
	v20 =	vadd.s32 v8, v20;
	v22 =	vadd.s32 v3, v22  }
0x137: {  	s29 =	simm.s32 $0x11;
	[tilespmem:v21+s20+$0x0] =	vst.idx.add.f32.msk vm0, v51;
	v11 =	vmov s28;
	v41 =	vsel vm4, v20, v34;
	v20 =	vmov s26  }
0x138: {  	s4 =	spop (v2sf);
	v40 =	vsel vm3, v22, v33;
	v22 =	vmov s29;
	s29 =	simm.s32 $0x14;
	v20 =	vand.u32 $0xFFFFFFF8, v20;
	[tilespmem:v24+s19+$0x0] =	vst.idx.add.f32.msk $0xffff, v5  }
0x139: {  	s28 =	simm.s32 $0x13;
	s16 =	sadd.f32 s16, s4;
	v43 =	vmov s29;
	v22 =	vand.u32 $0xFFFFFFF9, v22;
	v3 =	vbroadcast v20, $0x0;
	v25, _, _ =	vpop (xrf2);
	[tilespmem:v61+s20+$0x0] =	vst.idx.add.f32.msk $0xffff, v57  }
0x13a: {  	(v2sf) =	vpush v25, $0xF;
	v25 =	vmov s25;
	v24 =	vmov s28;
	[tilespmem:v2+s19+$0x0] =	vst.idx.add.f32.msk vm0, v5  }
0x13b: {  	v25 =	vadd.f32 $0.0e+00, v25;
	v56 =	vand.u32 $0xFFFFFFFB, v24;
	[tilespmem:v62+s20+$0x0] =	vst.idx.add.f32.msk vm0, v0;
	v0 =	vmov s16  }
0x13c: {  	v60 =	vld.idx.msk [tilespmem:v26+s15+$0x0], $0xffff;
	v26 =	vand.u32 $0xFFFFFFFA, v11;
	v21 =	vmovc v3;
	v3 =	vbroadcast v56, $0x0;
	v0 =	vadd.f32 $0.0e+00, v0  }
0x13d: {  	v55 =	vld.idx.msk [tilespmem:v10+s15+$0x0], $0xffff;
	s5 =	spop (v2sf);
	s28 =	simm.s32 $0x15;
	v25 =	vbroadcast v25, $0x0;
	v57 =	vand.u32 $0xFFFFFFFC, v43;
	v24 =	vbroadcast v26, $0x0  }
0x13e: {  	v59 =	vld.idx.msk [tilespmem:v19+s15+$0x0], $0xffff;
	s3 =	sadd.f32 s3, s5;
	v45 =	vmov s28;
	[tilespmem:$0x1FF70] =	vst v3;
	v3 =	vbroadcast v57, $0x0;
	v0 =	vbroadcast v0, $0x0  }
0x13f: {  	s29 =	simm.s32 $0x16;
	s28 =	simm.s32 $0x190;
	v61 =	vand.u32 $0xFFFFFFFD, v45;
	(erf) = vrcp.f32 v25;
	v25 =	vbroadcast v22, $0x0;
	s16 =	spop (v2sf)  }
0x140: {  	v2 =	vmov s29;
	v54 =	vld [tilespmem:s28+$0x3C];
	[tilespmem:$0x1FF80] =	vst v3;
	(erf) = vrcp.f32 v0;
	v0 =	vbroadcast v61, $0x0;
	s1 =	sadd.f32 s1, s16  }
0x141: {  	v22 =	vmov s3;
	v26 =	vand.u32 $0xFFFFFFFE, v2;
	v2 =	vlaneseq.u32;
	v56 =	vld [tilespmem:s28+$0x40]  }
0x142: {  	v62 =	vadd.f32 $0.0e+00, v22;
	vm6 =	veq.s32 v49, v2;
	v48 =	vld [tilespmem:s28+$0xFFFFFFB4];
	s25 =	spop (v2sf);
	[tilespmem:$0x1FF90] =	vst v0;
	v0 =	vmov s1  }
0x143: {  	vm7 =	veq.s32 v63, v2;
	v2 =	vlaneseq.u32;
	s0 =	sadd.f32 s0, s25;
	v53 =	vld [tilespmem:s28+$0xFFFFFFC4];
	v0 =	vadd.f32 $0.0e+00, v0  }
0x144: {  	vm5 =	veq.s32 v63, v6;
	vm0 =	veq.s32 v49, v6;
	vm4 =	veq.s32 v1, v2;
	v57 =	vld [tilespmem:s28+$0xFFFFFFC8]  }
0x145: {  	s29 =	simm.s32 $0x18;
	v61 =	vbroadcast v62, $0x0;
	(xrf0) =	vmax.scan.msk.f32 $0xffff, v54;
	v52 =	vld [tilespmem:s28+$0xFFFFFFD8];
	v1 =	vmov s0;
	s0 =	spop (v2sf);
	v0 =	vbroadcast v0, $0x0  }
.LBB2_4:
0x146: {  	v10 =	vimm.s32 $0x0;
	v19 =	vld [tilespmem:$0x1FFB0]  }
0x147: {  	v8 =	vimm.s32 $0x0;
	v6 =	vlaneseq.u32;
	v3 =	vimm.s32 $0x0  }
0x148: {  	s0 =	sadd.f32 s31, s0;
	v5 =	vimm.s32 $0x0;
	v9 =	vsel vm0, $0xFFFFFFFF, v10;
	vm1 =	veq.s32 v59, v6  }
0x149: {  	v7 =	vsel vm7, $0xFFFFFFFF, v8;
	vm13 =	veq.s32 v58, v6;
	[tilespmem:$0x1FE30] =	vst v9;
	v3 =	vsel vm1, $0xFFFFFFFF, v3  }
0x14a: {  	v8 =	vimm.s32 $0x0;
	v50 =	vmov s0;
	[tilespmem:$0x1FE20] =	vst v3;
	vm9 =	veq.s32 v55, v6  }
0x14b: {  	v62 =	vld [tilespmem:s28+$0xFFFFFFDC];
	v3 =	vimm.s32 $0x0;
	(xrf0) =	vmax.scan.msk.f32 $0xffff, v56;
	vm8 =	veq.s32 v59, v19;
	v4 =	vsel vm9, $0xFFFFFFFF, v5  }
0x14c: {  	(xrf0) =	vmax.scan.msk.f32 $0xffff, v48;
	vm11 =	veq.s32 v55, v19;
	v3 =	vsel vm8, $0xFFFFFFFF, v3;
	[tilespmem:$0x1FE60] =	vst v4  }
0x14d: {  	vm14 =	veq.s32 v58, v19;
	v58 =	vld [tilespmem:s28+$0xFFFFFFEC];
	(xrf0) =	vmax.scan.msk.f32 $0xffff, v53;
	v4 =	vsel vm11, $0xFFFFFFFF, v8;
	[tilespmem:$0x1FE50] =	vst v3  }
0x14e: {  	v59 =	vld [tilespmem:s28+$0xFFFFFFF0];
	vm10 =	veq.s32 v60, v19;
	v3 =	vlaneseq.u32;
	v2 =	vpop (erf);
	(xrf0) =	vmax.scan.msk.f32 $0xffff, v57;
	[tilespmem:$0x1FE80] =	vst v4  }
0x14f: {  	v45 =	vld [tilespmem:s28+$0x0];
	v10, _, _ =	vpop (xrf0);
	v49 =	vmul.f32 v2, v30;
	(xrf0) =	vmax.scan.msk.f32 $0xffff, v52;
	vm3 =	veq.s32 v60, v3;
	v3 =	vimm.s32 $0x0  }
0x150: {  	v63 =	vld [tilespmem:s28+$0x4];
	v51 =	vmul.f32 v2, v38;
	v2 =	vadd.f32 $0.0e+00, v50;
	v9 =	vpop (erf);
	v3 =	vsel vm3, $0xFFFFFFFF, v3;
	(xrf0) =	vmax.scan.msk.f32 $0xffff, v62  }
0x151: {  	v38 =	vld [tilespmem:s28+$0x14];
	s1 =	spop (v2sf);
	(v2sf) =	vpush v10, $0xF;
	v5 =	vmul.f32 v9, v27;
	[tilespmem:$0x1FE90] =	vst v3;
	v3 =	vimm.s32 $0x0  }
0x152: {  	v43 =	vld [tilespmem:s28+$0x18];
	s0 =	sadd.f32 s30, s1;
	v50 =	vsub.f32 $1.000000000e+00, v49;
	v4 =	vbroadcast v2, $0x0;
	(xrf0) =	vmax.scan.msk.f32 $0xffff, v58;
	v11, _, _ =	vpop (xrf0);
	v3 =	vsel vm10, $0xFFFFFFFF, v3  }
0x153: {  	v20 =	vld [tilespmem:s28+$0x28];
	(v2sf) =	vpush v11, $0xF;
	[tilespmem:$0x1FEB0] =	vst v3;
	v3 =	vmul.f32 v9, v29;
	v9, _, _ =	vpop (xrf0);
	(xrf0) =	vmax.scan.msk.f32 $0xffff, v59  }
0x154: {  	v60 =	vld [tilespmem:s28+$0x2C];
	v10 =	vsub.f32 $1.000000000e+00, v51;
	v2 =	vmov s0;
	(v2sf) =	vpush v9, $0xF;
	v11, _, _ =	vpop (xrf0);
	(xrf0) =	vmax.scan.msk.f32 $0xffff, v45  }
0x155: {  	v55 =	vsel vm6, v50, v49;
	v50 =	vsub.f32 $1.000000000e+00, v3;
	(v2sf) =	vpush v11, $0xF;
	v6, _, _ =	vpop (xrf0);
	(xrf0) =	vmax.scan.msk.f32 $0xffff, v63  }
0x156: {  	v2 =	vadd.f32 $0.0e+00, v2;
	(v2sf) =	vpush v6, $0xF;
	v6, _, _ =	vpop (xrf0);
	(xrf0) =	vmax.scan.msk.f32 $0xffff, v38  }
0x157: {  	v9 =	vsel vm0, v10, v51;
	v51 =	vsel vm7, v50, v3;
	(v2sf) =	vpush v6, $0xF;
	v3, _, _ =	vpop (xrf0);
	(xrf0) =	vmax.scan.msk.f32 $0xffff, v43  }
0x158: {  	v1 =	vadd.f32 $0.0e+00, v1;
	[tilespmem:$0x1FE40] =	vst v7;
	(v2sf) =	vpush v3, $0xF;
	v3, _, _ =	vpop (xrf0);
	(xrf0) =	vmax.scan.msk.f32 $0xffff, v20  }
0x159: {  	(erf) = vrcp.f32 v61;
	v7 =	vbroadcast v2, $0x0;
	v2 =	vld [tilespmem:s28+$0xFFFFFFB0];
	(v2sf) =	vpush v3, $0xF;
	v3, _, _ =	vpop (xrf0);
	(xrf0) =	vmax.scan.msk.f32 $0xffff, v60  }
0x15a: {  	(erf) = vrcp.f32 v0;
	[tilespmem:$0x1FE70] =	vst v9;
	v6 =	vmul.f32 $1.024000000e+03, v9;
	v9 =	vld [tilespmem:$0x1FEF0];
	(v2sf) =	vpush v3, $0xF;
	v0, _, _ =	vpop (xrf0)  }
0x15b: {  	v1 =	vbroadcast v1, $0x0;
	(v2sf) =	vpush v0, $0xF;
	v0, _, _ =	vpop (xrf0)  }
0x15c: {  	v27 =	vimm.f32 $1.000000000e+00;
	(v2sf) =	vpush v0, $0xF;
	v0, _, _ =	vpop (xrf0)  }
0x15d: {  	(erf) = vrcp.f32 v1;
	v8 =	vmul.f32 $1.024000000e+03, v55;
	(v2sf) =	vpush v0, $0xF;
	v0, _, _ =	vpop (xrf0)  }
0x15e: {  	[tilespmem:v46+s19+$0x0] =	vst.idx.add.f32.msk $0xffff, v27;
	v49 =	vsub.f32 $1.000000000e+00, v5;
	(xrf0) =	vmax.scan.msk.f32 $0xffff, v2;
	(v2sf) =	vpush v0, $0xF;
	v0, _, _ =	vpop (xrf0)  }
0x15f: {  	(erf) = vrcp.f32 v4;
	v3 =	vtrunc.f32 v8;
	[tilespmem:v39+s20+$0x0] =	vst.idx.add.f32.msk $0xffff, v9;
	(v2sf) =	vpush v0, $0xF;
	v0, _, _ =	vpop (xrf0)  }
0x160: {  	v49 =	vsel vm5, v49, v5;
	[tilespmem:$0x1FEA0] =	vst v51;
	v3 =	vcvt.f32.s32 v3;
	(v2sf) =	vpush v0, $0xF;
	v0 =	vld [tilespmem:$0x1FF00]  }
0x161: {  	v50 =	vmul.f32 $1.024000000e+03, v51;
	v51 =	vmul.f32 $1.024000000e+03, v49;
	[tilespmem:v44+s19+$0x0] =	vst.idx.add.f32.msk vm2, v27  }
0x162: {  	(erf) = vrcp.f32 v7;
	v1 =	vtrunc.f32 v6;
	vm15 =	vlt.s32 v3, $0x3FF;
	[tilespmem:v36+s20+$0x0] =	vst.idx.add.f32.msk vm2, v13  }
0x163: {  	v1 =	vcvt.f32.s32 v1;
	v36 =	vnsel vm15, $0x3FF, v3;
	v3 =	vld [tilespmem:$0x1FEE0]  }
0x164: {  	[tilespmem:v47+s19+$0x0] =	vst.idx.add.f32.msk $0xffff, v27;
	v8 =	vtrunc.f32 v50;
	v10 =	vtrunc.f32 v51;
	v11, _, _ =	vpop (xrf0)  }
0x165: {  	v4 =	vcvt.f32.s32 v8;
	v39 =	vcvt.f32.s32 v10;
	vm0 =	vlt.s32 v1, $0x3FF;
	[tilespmem:v37+s20+$0x0] =	vst.idx.add.f32.msk $0xffff, v0;
	v0 =	vpop (erf)  }
0x166: {  	s3 =	spop (v2sf);
	v37 =	vnsel vm0, $0x3FF, v1;
	v1 =	vld [tilespmem:$0x1FF10];
	v13 =	vmul.f32 v0, v14;
	v14 =	vmul.f32 v0, v16;
	v0 =	vpop (erf)  }
0x167: {  	s1 =	spop (v2sf);
	(v2sf) =	vpush v11, $0xF;
	v31 =	vmul.f32 v0, v31;
	v11 =	vmul.f32 v0, v17;
	v0 =	vpop (erf)  }
0x168: {  	s0 =	spop (v2sf);
	v30 =	vmul.f32 v0, v12;
	v12 =	vmul.f32 v0, v3;
	v3 =	vld [tilespmem:$0x1FF20]  }
0x169: {  	vm1 =	vlt.s32 v4, $0x3FF;
	vm15 =	vlt.s32 v39, $0x3FF;
	s4 =	spop (v2sf);
	v0 =	vpop (erf)  }
0x16a: {  	s1 =	smax.f32 s3, s1;
	s3 =	spop (v2sf);
	vm0 =	vmmov vm12;
	[tilespmem:v42+s19+$0x0] =	vst.idx.add.f32.msk vm2, v27;
	v5 =	vsub.f32 $1.000000000e+00, v13;
	v10 =	vmul.f32 v0, v32  }
0x16b: {  	s5 =	spop (v2sf);
	v0 =	vmul.f32 v0, v18;
	v32 =	vpop (erf);
	[tilespmem:v35+s20+$0x0] =	vst.idx.add.f32.msk vm2, v1;
	v35 =	vnsel vm1, $0x3FF, v4;
	v1 =	vmov s1  }
0x16c: {  	[tilespmem:v41+s19+$0x0] =	vst.idx.add.f32.msk $0xffff, v27;
	s16 =	spop (v2sf);
	s1 =	smax.f32 s4, s3;
	v29 =	vmul.f32 v32, v23;
	v28 =	vmul.f32 v32, v15;
	v61 =	vsub.f32 $1.000000000e+00, v12  }
0x16d: {  	s25 =	spop (v2sf);
	[tilespmem:v34+s20+$0x0] =	vst.idx.add.f32.msk $0xffff, v3;
	v3 =	vsub.f32 v54, v1;
	v1 =	vsub.f32 v56, v1;
	v34 =	vmov s1;
	s1 =	smax.f32 s5, s16  }
0x16e: {  	s4 =	spop (v2sf);
	v41 =	vsub.f32 v53, v34;
	v4 =	vsub.f32 v57, v34;
	v44 =	vmov s1  }
0x16f: {  	s5 =	spop (v2sf);
	s1 =	smax.f32 s25, s4;
	v57 =	vsub.f32 $1.000000000e+00, v31;
	v3 =	vmul.f32 $1.442695020e+00, v3;
	v1 =	vmul.f32 $1.442695020e+00, v1  }
0x170: {  	[tilespmem:$0x1FEC0] =	vst v49;
	s16 =	spop (v2sf);
	v46 =	vsub.f32 v62, v44;
	v47 =	vsub.f32 v52, v44;
	v49 =	vmov s1  }
0x171: {  	s1 =	smax.f32 s5, s16;
	v4 =	vmul.f32 $1.442695020e+00, v4;
	v50 =	vsub.f32 v58, v49;
	v7 =	vsub.f32 v59, v49  }
0x172: {  	v15 =	vmov s1;
	v58 =	vsub.f32 $1.000000000e+00, v11;
	v59 =	vsub.f32 $1.000000000e+00, v30  }
0x173: {  	s25 =	spop (v2sf);
	(erf) = vpow2.f32 v3;
	v3 =	vsub.f32 $1.000000000e+00, v14;
	v8 =	vmul.f32 $1.442695020e+00, v46  }
0x174: {  	v42 =	vld [tilespmem:$0x1FF30];
	s4 =	spop (v2sf);
	v6 =	vmul.f32 $1.442695020e+00, v47;
	v52 =	vsub.f32 v45, v15;
	v15 =	vsub.f32 v63, v15  }
0x175: {  	s1 =	smax.f32 s25, s4;
	v63 =	vsub.f32 $1.000000000e+00, v29;
	(erf) = vpow2.f32 v1;
	v1 =	vmul.f32 $1.442695020e+00, v41  }
0x176: {  	s5 =	spop (v2sf);
	v51 =	vmul.f32 $1.442695020e+00, v7;
	v9 =	vmul.f32 $1.442695020e+00, v50;
	v16 =	vmov s1  }
0x177: {  	s16 =	spop (v2sf);
	v49 =	vsel vm14, v58, v11;
	(erf) = vpow2.f32 v4;
	v53 =	vmul.f32 $1.442695020e+00, v15  }
0x178: {  	[tilespmem:v40+s19+$0x0] =	vst.idx.add.f32.msk vm2, v27;
	v15 =	vsub.f32 v38, v16;
	v16 =	vsub.f32 v43, v16;
	s1 =	smax.f32 s5, s16;
	v7 =	vmul.f32 $1.442695020e+00, v52  }
0x179: {  	[tilespmem:v33+s20+$0x0] =	vst.idx.add.f32.msk vm2, v42;
	v33 =	vmul.f32 $1.024000000e+03, v49;
	(erf) = vpow2.f32 v8;
	v17 =	vmov s1  }
0x17a: {  	s25 =	spop (v2sf);
	v52 =	vsel vm13, v57, v31;
	(erf) = vpow2.f32 v51;
	v56 =	vsub.f32 v20, v17;
	v20 =	vld [tilespmem:$0x1FFA0]  }
0x17b: {  	v57 =	vld [tilespmem:$0x1FE20];
	s0 =	smax.f32 s25, s0;
	v16 =	vmul.f32 $1.442695020e+00, v16;
	v18 =	vsub.f32 v60, v17;
	v33 =	vtrunc.f32 v33  }
0x17c: {  	v54 =	vmov s0;
	v15 =	vmul.f32 $1.442695020e+00, v15;
	v33 =	vcvt.f32.s32 v33  }
0x17d: {  	v4 =	vsub.f32 v48, v54;
	v17 =	vmul.f32 $1.442695020e+00, v18;
	v41 =	vpop (erf);
	(erf) = vpow2.f32 v53  }
0x17e: {  	v2 =	vsub.f32 v2, v54;
	v8 =	vmul.f32 $1.442695020e+00, v56;
	v40 =	vpop (erf);
	(xrf2) =	vadd.scan.msk.f32 $0xffff, v41;
	(erf) = vpow2.f32 v16  }
0x17f: {  	v54 =	vsel vm4, v5, v13;
	v4 =	vmul.f32 $1.442695020e+00, v4;
	v18 =	vmul.f32 v20, v40  }
0x180: {  	v53 =	vsel vm12, v3, v14;
	vm12 =	vnez.u8 v57;
	v16 =	vpop (erf);
	(erf) = vpow2.f32 v17  }
0x181: {  	v2 =	vmul.f32 $1.442695020e+00, v2;
	v13 =	vsel vm12, v59, v30;
	(erf) = vpow2.f32 v4;
	(xrf2) =	vadd.scan.msk.f32 $0xffff, v18  }
0x182: {  	v47 =	vsub.f32 $1.000000000e+00, v28;
	v34 =	vmul.f32 $1.024000000e+03, v13;
	v60 =	vmul.f32 v20, v16;
	v43 =	vpop (erf)  }
0x183: {  	v5 =	vnsel vm15, $0x3FF, v39;
	v62 =	vmul.f32 v20, v43;
	(erf) = vpow2.f32 v2  }
0x184: {  	v45 =	vpop (erf);
	v18 =	vsel vm8, v61, v12;
	v34 =	vtrunc.f32 v34;
	(erf) = vpow2.f32 v1  }
0x185: {  	v2 =	vsub.f32 $1.000000000e+00, v10;
	v46 =	vmul.f32 v20, v45;
	v39 =	vmul.f32 $1.024000000e+03, v18  }
0x186: {  	vm15 =	vlt.s32 v33, $0x3FF;
	v34 =	vcvt.f32.s32 v34;
	(erf) = vpow2.f32 v6;
	v50 =	vpop (erf)  }
0x187: {  	v59 =	vsel vm9, v2, v10;
	v6 =	vmul.f32 $1.024000000e+03, v53;
	(erf) = vpow2.f32 v9;
	v51 =	vpop (erf)  }
0x188: {  	v61 =	vsel vm10, v47, v28;
	v47 =	vmul.f32 $1.024000000e+03, v59;
	v39 =	vtrunc.f32 v39;
	v56, _, _ =	vpop (xrf2);
	(xrf2) =	vadd.scan.msk.f32 $0xffff, v60  }
0x189: {  	[tilespmem:$0x1FED0] =	vst v16;
	v1 =	vsub.f32 $1.000000000e+00, v0;
	v6 =	vtrunc.f32 v6;
	(erf) = vpow2.f32 v7;
	v16 =	vpop (erf)  }
0x18a: {  	v17 =	vld [tilespmem:$0x1FFF0];
	v2 =	vsel vm3, v63, v29;
	v63 =	vtrunc.f32 v47;
	v6 =	vcvt.f32.s32 v6;
	v48 =	vpop (erf)  }
0x18b: {  	v60 =	vsel vm11, v1, v0;
	(v2sf) =	vpush v56, $0xF;
	v0 =	vmul.f32 v20, v48;
	v58, _, _ =	vpop (xrf2)  }
0x18c: {  	v14 =	vld [tilespmem:$0x1FFD0];
	[tilespmem:$0x1FEF0] =	vst v13;
	v3 =	vmul.f32 v20, v50;
	(erf) = vpow2.f32 v15;
	(v2sf) =	vpush v58, $0xF  }
0x18d: {  	v13 =	vld [tilespmem:$0x1FFC0];
	vm10 =	vmmov vm4;
	v7 =	vmul.f32 v20, v51;
	(erf) = vpow2.f32 v8;
	(xrf2) =	vadd.scan.msk.f32 $0xffff, v0  }
0x18e: {  	vm9 =	vmmov vm5;
	v15 =	vld [tilespmem:$0x1FFE0];
	v1 =	vmul.f32 $1.024000000e+03, v54;
	v8 =	vmul.f32 $1.024000000e+03, v52  }
0x18f: {  	s4 =	sadd.s32 $0x7, s26;
	v42 =	vadd.s32 v17, v37;
	v4 =	vmul.f32 v20, v16;
	v57 =	vmul.f32 $1.024000000e+03, v60  }
0x190: {  	[tilespmem:$0x1FF30] =	vst v61;
	v9 =	vmov s4;
	v1 =	vtrunc.f32 v1;
	v8 =	vtrunc.f32 v8  }
0x191: {  	[tilespmem:$0x1FF20] =	vst v2;
	vm7 =	vlt.s32 v6, $0x3FF;
	v57 =	vtrunc.f32 v57;
	v1 =	vcvt.f32.s32 v1  }
0x192: {  	v58 =	vmul.f32 $1.024000000e+03, v2;
	v2 =	vadd.s32 v14, v37;
	v37 =	vmul.f32 $1.024000000e+03, v61;
	(xrf2) =	vadd.scan.msk.f32 $0xffff, v62;
	v62, _, _ =	vpop (xrf2)  }
0x193: {  	v0 =	vadd.s32 v15, v36;
	v36 =	vadd.s32 v13, v36;
	(xrf2) =	vadd.scan.msk.f32 $0xffff, v46;
	(v2sf) =	vpush v62, $0xF  }
0x194: {  	v8 =	vcvt.f32.s32 v8;
	v37 =	vtrunc.f32 v37;
	(xrf2) =	vadd.scan.msk.f32 $0xffff, v3;
	v3 =	vsel vm6, v36, v0  }
0x195: {  	vm11 =	vmmov vm0;
	[tilespmem:$0x1FF10] =	vst v60;
	v60 =	vcvt.f32.s32 v57;
	v37 =	vcvt.f32.s32 v37  }
0x196: {  	[tilespmem:$0x1FF00] =	vst v59;
	v61 =	vadd.s32 v15, v35;
	v36 =	vcvt.f32.s32 v39;
	v39 =	vcvt.f32.s32 v63  }
0x197: {  	vm8 =	vlt.s32 v1, $0x3FF;
	v58 =	vtrunc.f32 v58;
	vm1 =	vlt.s32 v37, $0x3FF;
	v59, _, _ =	vpop (xrf2);
	(xrf2) =	vadd.scan.msk.f32 $0xffff, v7  }
0x198: {  	[tilespmem:$0x1FEE0] =	vst v50;
	v22 =	vld.idx.msk [tilespmem:v9+s15+$0x0], $0xffff;
	v47 =	vnsel vm1, $0x3FF, v37;
	vm4 =	vlt.s32 v39, $0x3FF;
	(v2sf) =	vpush v59, $0xF  }
0x199: {  	v30 =	vpop (erf);
	v62 =	vcvt.f32.s32 v58;
	v44 =	vnsel vm4, $0x3FF, v39;
	v59 =	vnsel vm15, $0x3FF, v33;
	[tilespmem:v3+s19+$0x0] =	vst.idx.add.f32.msk $0xffff, v27  }
0x19a: {  	v50 =	vpop (erf);
	s1 =	spop (v2sf);
	[tilespmem:v0+s20+$0x0] =	vst.idx.add.f32.msk $0xffff, v55;
	v0 =	vnsel vm8, $0x3FF, v1;
	v1 =	vnsel vm7, $0x3FF, v6;
	v6 =	vadd.s32 v14, v59  }
0x19b: {  	v29 =	vpop (erf);
	v7 =	vadd.s32 v15, v0;
	v55 =	vadd.s32 v13, v0;
	v0 =	vadd.s32 v17, v59;
	v59 =	vld [tilespmem:$0x1FE30];
	s3 =	spop (v2sf)  }
0x19c: {  	vm6 =	vlt.s32 v8, $0x3FF;
	v11, _, _ =	vpop (xrf2);
	(xrf2) =	vadd.scan.msk.f32 $0xffff, v4;
	v37 =	vadd.s32 v15, v44;
	v9 =	vadd.s32 v13, v44;
	v44 =	vld [tilespmem:$0x1FE40];
	s0 =	sadd.f32 s3, s1  }
0x19d: {  	vm5 =	vlt.s32 v60, $0x3FF;
	v46 =	vadd.s32 v13, v35;
	v58 =	vnsel vm6, $0x3FF, v8;
	v57, _, _ =	vpop (xrf2);
	(xrf2) =	vadd.scan.msk.f32 $0xffff, v30  }
0x19e: {  	v31 =	vpop (erf);
	vm0 =	vlt.s32 v62, $0x3FF;
	(v2sf) =	vpush v11, $0xF;
	v3 =	vmov s0  }
0x19f: {  	v8 =	vnsel vm0, $0x3FF, v62;
	(v2sf) =	vpush v57, $0xF;
	v63, _, _ =	vpop (xrf2);
	v3 =	vadd.f32 $0.0e+00, v3  }
0x1a0: {  	v38 =	vpop (erf);
	v20 =	vadd.s32 v17, v1;
	(v2sf) =	vpush v63, $0xF;
	vm0 =	vnez.u8 v59  }
0x1a1: {  	v10, _, _ =	vpop (xrf2);
	v2 =	vsel vm0, v2, v42;
	vm0 =	vnez.u8 v44;
	v3 =	vbroadcast v3, $0x0  }
0x1a2: {  	v32 =	vpop (erf);
	s0 =	spop (v2sf);
	(v2sf) =	vpush v10, $0xF;
	v10 =	vsel vm0, v46, v61;
	vm0 =	vcmask $0x3F30  }
0x1a3: {  	v28 =	vpop (erf);
	(xrf2) =	vadd.scan.msk.f32 $0xffff, v50;
	(erf) = vrcp.f32 v3;
	v3 =	vnsel vm5, $0x3FF, v60;
	v60 =	vadd.s32 v14, v1  }
0x1a4: {  	vm2 =	vlt.s32 v34, $0x3FF;
	v12 =	vsel vm11, v60, v20;
	v60 =	vlaneseq.u32  }
0x1a5: {  	vm1 =	veq.s32 v22, v19;
	v33 =	vnsel vm2, $0x3FF, v34;
	vm2 =	veq.s32 v22, v60;
	v22 =	vld [tilespmem:$0x1FE50]  }
0x1a6: {  	v57 =	vld.idx.msk [tilespmem:v21+s15+$0x0], $0xffff;
	v11, _, _ =	vpop (xrf2)  }
0x1a7: {  	v39 =	vadd.s32 v15, v33;
	v21 =	vadd.s32 v13, v33;
	v63 =	vld.idx.msk [tilespmem:v24+s15+$0x0], $0xffff;
	s3 =	spop (v2sf);
	(v2sf) =	vpush v11, $0xF;
	v24, _, _ =	vpop (xrf2)  }
0x1a8: {  	v33 =	vadd.s32 v17, v47;
	(v2sf) =	vpush v24, $0xF;
	v24 =	vadd.s32 v14, v47;
	v47 =	vld [tilespmem:$0x1FF80]  }
0x1a9: {  	v26 =	vbroadcast v26, $0x0;
	[tilespmem:v2+s19+$0x0] =	vst.idx.add.f32.msk vm0, v27  }
0x1aa: {  	(xrf2) =	vadd.scan.msk.f32 $0xffff, v29;
	vm0 =	vnez.u8 v22;
	v22 =	vld [tilespmem:$0x1FE60]  }
0x1ab: {  	vm3 =	vlt.s32 v36, $0x3FF  }
0x1ac: {  	v34 =	vnsel vm3, $0x3FF, v36;
	v23 =	vpop (erf)  }
0x1ad: {  	v62 =	vld.idx.msk [tilespmem:v25+s15+$0x0], $0xffff;
	v36 =	vadd.s32 v17, v34;
	v25 =	vadd.s32 v14, v34;
	v44, _, _ =	vpop (xrf2);
	v41 =	vmul.f32 v23, v41  }
0x1ae: {  	s1 =	spop (v2sf);
	(v2sf) =	vpush v44, $0xF;
	v44 =	vsel vm0, v25, v36  }
0x1af: {  	v60 =	vld.idx.msk [tilespmem:v26+s15+$0x0], $0xffff;
	v23 =	vmul.f32 v23, v40;
	v40 =	vsub.f32 $1.000000000e+00, v41;
	vm0 =	vnez.u8 v22  }
0x1b0: {  	v59 =	vld.idx.msk [tilespmem:v47+s15+$0x0], $0xffff;
	v47 =	vsel vm0, v9, v37;
	vm0 =	vcmask $0x3F30  }
0x1b1: {  	v25 =	vld [tilespmem:$0x1FE70];
	v26 =	vsel vm2, v40, v41;
	v40 =	vsub.f32 $1.000000000e+00, v23  }
0x1b2: {  	v4 =	vadd.s32 v13, v58;
	v1 =	vadd.s32 v15, v58;
	v58 =	vld [tilespmem:$0x1FF70]  }
0x1b3: {  	v2 =	vsel vm1, v40, v23;
	v40 =	vld [tilespmem:$0x1FEA0]  }
0x1b4: {  	[tilespmem:v10+s19+$0x0] =	vst.idx.add.f32.msk $0xffff, v27;
	v41, _, _ =	vpop (xrf2)  }
0x1b5: {  	s16 =	spop (v2sf);
	(v2sf) =	vpush v41, $0xF;
	v41 =	vld [tilespmem:$0x1FE90]  }
0x1b6: {  	(xrf2) =	vadd.scan.msk.f32 $0xffff, v31;
	[tilespmem:v42+s20+$0x0] =	vst.idx.add.f32.msk vm0, v25  }
0x1b7: {  	v25 =	vld [tilespmem:$0x1FE80]  }
0x1b8: {  	v56 =	vadd.s32 v17, v5;
	v5 =	vadd.s32 v14, v5;
	[tilespmem:v61+s20+$0x0] =	vst.idx.add.f32.msk $0xffff, v40  }
0x1b9: {  	v5 =	vsel vm9, v5, v56;
	vm3 =	vcmask $0x3F30;
	(xrf2) =	vadd.scan.msk.f32 $0xffff, v38;
	v40 =	vld [tilespmem:$0x1FEB0]  }
0x1ba: {  	v34 =	vadd.s32 v15, v8;
	v46 =	vsel vm12, v21, v39;
	v21 =	vmul.f32 $1.024000000e+03, v26  }
0x1bb: {  	v8 =	vadd.s32 v13, v8;
	v35 =	vadd.s32 v17, v3;
	v3 =	vadd.s32 v14, v3  }
0x1bc: {  	v11 =	vsel vm10, v55, v7;
	(xrf2) =	vadd.scan.msk.f32 $0xffff, v32;
	v9 =	vtrunc.f32 v21;
	vm0 =	vnez.u8 v25  }
0x1bd: {  	v42 =	vsel vm0, v3, v35;
	v3 =	vcvt.f32.s32 v9;
	vm0 =	vnez.u8 v41  }
0x1be: {  	v4 =	vsel vm13, v4, v1;
	v55 =	vld [tilespmem:$0x1FF90];
	v41 =	vsel vm0, v8, v34;
	vm0 =	vnez.u8 v40  }
0x1bf: {  	v10 =	vld [tilespmem:$0x1FEC0];
	v40 =	vsel vm0, v24, v33;
	vm0 =	vlt.s32 v3, $0x3FF  }
0x1c0: {  	v58 =	vld.idx.msk [tilespmem:v58+s15+$0x0], $0xffff;
	(xrf2) =	vadd.scan.msk.f32 $0xffff, v28;
	v22, _, _ =	vpop (xrf2);
	v3 =	vnsel vm0, $0x3FF, v3;
	vm0 =	vcmask $0x3F30  }
0x1c1: {  	[tilespmem:v11+s19+$0x0] =	vst.idx.add.f32.msk $0xffff, v27;
	s25 =	spop (v2sf);
	(v2sf) =	vpush v22, $0xF;
	v21 =	vmul.f32 $1.024000000e+03, v2  }
0x1c2: {  	[tilespmem:v5+s19+$0x0] =	vst.idx.add.f32.msk vm3, v27;
	v5 =	vadd.s32 v15, v3;
	v3 =	vadd.s32 v13, v3  }
0x1c3: {  	[tilespmem:v4+s19+$0x0] =	vst.idx.add.f32.msk $0xffff, v27;
	v61, _, _ =	vpop (xrf2);
	v8 =	vtrunc.f32 v21;
	v3 =	vsel vm2, v3, v5;
	vm2 =	vcmask $0x3F30  }
0x1c4: {  	[tilespmem:v7+s20+$0x0] =	vst.idx.add.f32.msk $0xffff, v54;
	s31 =	spop (v2sf);
	(v2sf) =	vpush v61, $0xF;
	v8 =	vcvt.f32.s32 v8  }
0x1c5: {  	v6 =	vsel vm14, v6, v0;
	vm5 =	veq.s32 v62, v19;
	[tilespmem:v1+s20+$0x0] =	vst.idx.add.f32.msk $0xffff, v52  }
0x1c6: {  	s30 =	spop (v2sf);
	v15 =	vmov v16;
	v16 =	vmov v43;
	v43, _, _ =	vpop (xrf2);
	[tilespmem:v56+s20+$0x0] =	vst.idx.add.f32.msk vm0, v10;
	vm0 =	vlt.s32 v8, $0x3FF  }
0x1c7: {  	vm12 =	veq.s32 v63, v19;
	v55 =	vld.idx.msk [tilespmem:v55+s15+$0x0], $0xffff;
	s4 =	spop (v2sf);
	v13 =	vmovc v18;
	(v2sf) =	vpush v43, $0xF;
	v8 =	vnsel vm0, $0x3FF, v8  }
0x1c8: {  	s3 =	sadd.f32 s3, s4;
	s4 =	sadd.s32 $0x3, s29;
	v18 =	vmovc v51;
	v51 =	vmov s29;
	[tilespmem:v3+s19+$0x0] =	vst.idx.add.f32.msk $0xffff, v27;
	v7 =	vadd.s32 v17, v8;
	v8 =	vadd.s32 v14, v8  }
0x1c9: {  	v1 =	vmov s4;
	s4 =	sadd.s32 $0x5, s29;
	v9 =	vand.u32 $0xFFFFFFF8, v51;
	[tilespmem:v12+s19+$0x0] =	vst.idx.add.f32.msk vm2, v27;
	v8 =	vsel vm1, v8, v7  }
0x1ca: {  	s5 =	sadd.s32 $0x1, s29;
	v1 =	vand.u32 $0xFFFFFFFB, v1;
	v54, _, _ =	vpop (xrf2);
	v21 =	vbroadcast v9, $0x0;
	v3 =	vmov s4;
	[tilespmem:v5+s20+$0x0] =	vst.idx.add.f32.msk $0xffff, v26  }
0x1cb: {  	v12 =	vmov s3;
	s3 =	spop (v2sf);
	(v2sf) =	vpush v54, $0xF;
	[tilespmem:v20+s20+$0x0] =	vst.idx.add.f32.msk vm2, v53;
	v53 =	vmov s5;
	s5 =	sadd.s32 $0x2, s29  }
0x1cc: {  	v3 =	vand.u32 $0xFFFFFFFD, v3;
	[tilespmem:v6+s19+$0x0] =	vst.idx.add.f32.msk vm2, v27;
	v22 =	vadd.f32 $0.0e+00, v12;
	s0 =	sadd.f32 s0, s3;
	v56 =	vmov s5;
	s5 =	sadd.s32 $0x4, s29  }
0x1cd: {  	s4 =	spop (v2sf);
	[tilespmem:v0+s20+$0x0] =	vst.idx.add.f32.msk vm2, v49;
	v0 =	vbroadcast v1, $0x0;
	v43 =	vand.u32 $0xFFFFFFF9, v53;
	v61 =	vmov s5  }
0x1ce: {  	v17 =	vmovc v45;
	s5 =	sadd.s32 $0x6, s29;
	v45 =	vbroadcast v22, $0x0;
	v20 =	vmov s0;
	v4 =	vand.u32 $0xFFFFFFFA, v56;
	s0 =	sadd.f32 s1, s4;
	[tilespmem:v8+s19+$0x0] =	vst.idx.add.f32.msk vm2, v27  }
0x1cf: {  	s28 =	sadd.s32 $0xA0, s28;
	v25 =	vbroadcast v43, $0x0;
	v9 =	vmov s5;
	[tilespmem:v7+s20+$0x0] =	vst.idx.add.f32.msk vm2, v2;
	v2 =	vand.u32 $0xFFFFFFFC, v61  }
0x1d0: {  	v14 =	vmovc v29;
	v29 =	vmovc v50;
	v53 =	vld [tilespmem:s28+$0xFFFFFFC4];
	v50 =	vadd.f32 $0.0e+00, v20;
	s5 =	spop (v2sf);
	v61 =	vmov s0;
	v1 =	vbroadcast v2, $0x0  }
0x1d1: {  	p0 =	slt.u32 s29, $0x3F8;
	[tilespmem:$0x1FF70] =	vst v0;
	v24 =	vbroadcast v4, $0x0;
	(erf) = vrcp.f32 v45;
	s0 =	sadd.f32 s16, s5;
	v54 =	vld [tilespmem:s28+$0x3C];
	v0 =	vadd.f32 $0.0e+00, v61  }
.Ltmp1:
0x1d2: {  	vm0 =	veq.s32 v57, v19;
	v52 =	vld [tilespmem:s28+$0xFFFFFFD8];
	v51 =	vbroadcast v50, $0x0;
	[tilespmem:$0x1FF80] =	vst v1;
	v1 =	vbroadcast v3, $0x0;
	(pc) =	sbr.rel @p0 .LBB2_4-.Ltmp1, $4  }
0x1d3: {  	v12 =	vmovc v38;
	v38 =	vmovc v48;
	v48 =	vld [tilespmem:s28+$0xFFFFFFB4];
	v26 =	vand.u32 $0xFFFFFFFE, v9;
	s16 =	spop (v2sf);
	v61 =	vbroadcast v0, $0x0;
	v0 =	vmov s0  }
0x1d4: {  	v27 =	vld [tilespmem:$0x1FED0];
	(erf) = vrcp.f32 v51;
	s0 =	sadd.f32 s25, s16;
	v0 =	vadd.f32 $0.0e+00, v0;
	[tilespmem:$0x1FF90] =	vst v1;
	v1 =	vlaneseq.u32  }
0x1d5: {  	v56 =	vld [tilespmem:s28+$0x40];
	vm6 =	veq.s32 v57, v1;
	vm7 =	veq.s32 v62, v1;
	v1 =	vlaneseq.u32  }
0x1d6: {  	s26 =	smov.u32 s29;
	v23 =	vmovc v28;
	s29 =	sadd.s32 $0x8, s29;
	v57 =	vld [tilespmem:s28+$0xFFFFFFC8];
	(xrf0) =	vmax.scan.msk.f32 $0xffff, v54;
	v0 =	vbroadcast v0, $0x0;
	vm4 =	veq.s32 v63, v1;
	v1 =	vmov s0;
	s0 =	spop (v2sf)  }
0x1d7: {  	v51 =	vld [tilespmem:$0x1FFB0];
	_ =	sdelay $0x4  }
0x1d8: {  	v4 =	vlaneseq.u32;
	v2 =	vimm.s32 $0x0;
	(xrf0) =	vmax.scan.msk.f32 $0xffff, v56;
	vm1 =	veq.s32 v58, v51  }
0x1d9: {  	v1 =	vadd.f32 $0.0e+00, v1;
	s0 =	sadd.f32 s31, s0;
	v8 =	vlaneseq.u32;
	v2 =	vsel vm1, $0xFFFFFFFF, v2  }
0x1da: {  	v62 =	vld [tilespmem:s28+$0xFFFFFFDC];
	vm10 =	veq.s32 v58, v4;
	vm11 =	veq.s32 v59, v4;
	(xrf0) =	vmax.scan.msk.f32 $0xffff, v48;
	[tilespmem:$0x1FD00] =	vst v2  }
0x1db: {  	vm8 =	veq.s32 v55, v4;
	vm9 =	veq.s32 v60, v8;
	v45 =	vmov s0;
	v49 =	vld [tilespmem:s28+$0xFFFFFFEC]  }
0x1dc: {  	v4 =	vadd.f32 $0.0e+00, v45;
	(xrf0) =	vmax.scan.msk.f32 $0xffff, v53;
	vm3 =	veq.s32 v60, v51;
	v58 =	vimm.s32 $0x0;
	v19 =	vld [tilespmem:s28+$0xFFFFFFF0];
	v2 =	vpop (erf)  }
0x1dd: {  	v7, _, _ =	vpop (xrf0);
	vm1 =	veq.s32 v59, v51;
	(xrf0) =	vmax.scan.msk.f32 $0xffff, v57;
	v8 =	vsel vm3, $0xFFFFFFFF, v58;
	v50 =	vld [tilespmem:s28+$0x0];
	v3 =	vmul.f32 v2, v30  }
0x1de: {  	s5 =	spop (v2sf);
	(v2sf) =	vpush v7, $0xF;
	(xrf0) =	vmax.scan.msk.f32 $0xffff, v52;
	v63 =	vld [tilespmem:s28+$0x4];
	[tilespmem:$0x1FD10] =	vst v8;
	v59, _, _ =	vpop (xrf0);
	v5 =	vmul.f32 v2, v38  }
0x1df: {  	(xrf0) =	vmax.scan.msk.f32 $0xffff, v62;
	v2 =	vpop (erf);
	v38 =	vld [tilespmem:s28+$0x14];
	(v2sf) =	vpush v59, $0xF;
	v6 =	vsub.f32 $1.000000000e+00, v3  }
0x1e0: {  	v60 =	vld [tilespmem:s28+$0x18];
	v10, _, _ =	vpop (xrf0);
	v8 =	vmul.f32 v2, v29;
	v7 =	vmul.f32 v2, v27;
	v11 =	vsub.f32 $1.000000000e+00, v5;
	(xrf0) =	vmax.scan.msk.f32 $0xffff, v49  }
0x1e1: {  	s0 =	sadd.f32 s30, s5;
	vm13 =	veq.s32 v55, v51;
	v45 =	vld [tilespmem:s28+$0x28];
	(v2sf) =	vpush v10, $0xF;
	(xrf0) =	vmax.scan.msk.f32 $0xffff, v19;
	v55 =	vsel vm6, v6, v3  }
0x1e2: {  	v58 =	vld [tilespmem:s28+$0x2C];
	v2, _, _ =	vpop (xrf0);
	v3 =	vsub.f32 $1.000000000e+00, v8;
	v43 =	vsel vm0, v11, v5;
	v11 =	vsub.f32 $1.000000000e+00, v7;
	(xrf0) =	vmax.scan.msk.f32 $0xffff, v50  }
0x1e3: {  	v1 =	vbroadcast v1, $0x0;
	v9 =	vmov s0;
	(v2sf) =	vpush v2, $0xF;
	v10, _, _ =	vpop (xrf0);
	v2 =	vld [tilespmem:s28+$0xFFFFFFB0];
	(xrf0) =	vmax.scan.msk.f32 $0xffff, v63  }
0x1e4: {  	(v2sf) =	vpush v10, $0xF;
	v59, _, _ =	vpop (xrf0);
	v27 =	vsel vm7, v3, v8;
	v3 =	vadd.f32 $0.0e+00, v9;
	(xrf0) =	vmax.scan.msk.f32 $0xffff, v38  }
0x1e5: {  	(erf) = vrcp.f32 v61;
	(v2sf) =	vpush v59, $0xF;
	v10, _, _ =	vpop (xrf0);
	(xrf0) =	vmax.scan.msk.f32 $0xffff, v60  }
0x1e6: {  	(v2sf) =	vpush v10, $0xF;
	v9 =	vsel vm5, v11, v7;
	v3 =	vbroadcast v3, $0x0;
	v11, _, _ =	vpop (xrf0);
	(xrf0) =	vmax.scan.msk.f32 $0xffff, v45  }
0x1e7: {  	(erf) = vrcp.f32 v0;
	v4 =	vbroadcast v4, $0x0;
	(v2sf) =	vpush v11, $0xF;
	v0, _, _ =	vpop (xrf0);
	(xrf0) =	vmax.scan.msk.f32 $0xffff, v58  }
0x1e8: {  	(erf) = vrcp.f32 v1;
	(v2sf) =	vpush v0, $0xF;
	(xrf0) =	vmax.scan.msk.f32 $0xffff, v2;
	v1, _, _ =	vpop (xrf0)  }
0x1e9: {  	(erf) = vrcp.f32 v4;
	(v2sf) =	vpush v1, $0xF;
	v61, _, _ =	vpop (xrf0)  }
0x1ea: {  	v59 =	vmul.f32 $1.024000000e+03, v55;
	(erf) = vrcp.f32 v3;
	(v2sf) =	vpush v61, $0xF;
	v3, _, _ =	vpop (xrf0)  }
0x1eb: {  	v10 =	vimm.s32 $0x0;
	v8 =	vmul.f32 $1.024000000e+03, v9;
	(v2sf) =	vpush v3, $0xF;
	v3, _, _ =	vpop (xrf0)  }
0x1ec: {  	[tilespmem:$0x1FD20] =	vst v9;
	v5 =	vtrunc.f32 v59;
	v9 =	vimm.s32 $0x0;
	(v2sf) =	vpush v3, $0xF;
	v3, _, _ =	vpop (xrf0)  }
0x1ed: {  	v5 =	vcvt.f32.s32 v5;
	v0 =	vmul.f32 $1.024000000e+03, v43;
	(v2sf) =	vpush v3, $0xF;
	v3, _, _ =	vpop (xrf0)  }
0x1ee: {  	v6 =	vsel vm7, $0xFFFFFFFF, v9;
	v4 =	vtrunc.f32 v8;
	(v2sf) =	vpush v3, $0xF;
	v3, _, _ =	vpop (xrf0)  }
0x1ef: {  	s16 =	spop (v2sf);
	v1 =	vmul.f32 $1.024000000e+03, v27;
	v0 =	vtrunc.f32 v0;
	(v2sf) =	vpush v3, $0xF  }
0x1f0: {  	[tilespmem:$0x1FE40] =	vst v6;
	v6 =	vsel vm0, $0xFFFFFFFF, v10;
	vm0 =	vlt.s32 v5, $0x3FF;
	v0 =	vcvt.f32.s32 v0;
	s1 =	spop (v2sf)  }
0x1f1: {  	v59 =	vcvt.f32.s32 v4;
	v61 =	vnsel vm0, $0x3FF, v5;
	v1 =	vtrunc.f32 v1;
	s1 =	smax.f32 s16, s1;
	s0 =	spop (v2sf)  }
0x1f2: {  	v1 =	vcvt.f32.s32 v1;
	vm0 =	vlt.s32 v0, $0x3FF;
	v9 =	vmov s1;
	s25 =	spop (v2sf);
	v3 =	vpop (erf)  }
0x1f3: {  	v10 =	vsub.f32 v54, v9;
	v9 =	vsub.f32 v56, v9;
	s3 =	spop (v2sf);
	v4 =	vmul.f32 v3, v14;
	v11 =	vpop (erf)  }
0x1f4: {  	[tilespmem:$0x1FE30] =	vst v6;
	v3 =	vmul.f32 v3, v16;
	v14 =	vnsel vm0, $0x3FF, v0;
	s4 =	spop (v2sf);
	v6 =	vmul.f32 v11, v31  }
0x1f5: {  	vm0 =	vlt.s32 v1, $0x3FF;
	v5 =	vmul.f32 v11, v17;
	v7 =	vpop (erf);
	v10 =	vmul.f32 $1.442695020e+00, v10;
	s5 =	spop (v2sf)  }
0x1f6: {  	s1 =	smax.f32 s25, s3;
	v54 =	vnsel vm0, $0x3FF, v1;
	v9 =	vmul.f32 $1.442695020e+00, v9;
	v8 =	vmul.f32 v7, v12;
	v11 =	vpop (erf);
	s16 =	spop (v2sf)  }
0x1f7: {  	v12 =	vmov s1;
	s1 =	smax.f32 s4, s5;
	v1 =	vmul.f32 v11, v32;
	v11 =	vmul.f32 v11, v18;
	s25 =	spop (v2sf)  }
0x1f8: {  	v0 =	vld [tilespmem:$0x1FEE0];
	v16 =	vsub.f32 v53, v12;
	v12 =	vsub.f32 v57, v12;
	v17 =	vpop (erf);
	v53 =	vmov s1;
	s4 =	spop (v2sf)  }
0x1f9: {  	v56 =	vmovc v21;
	(erf) = vpow2.f32 v10;
	v21 =	vmul.f32 v17, v15;
	v15 =	vsub.f32 v62, v53;
	s5 =	spop (v2sf)  }
0x1fa: {  	v20 =	vmul.f32 v17, v23;
	(erf) = vpow2.f32 v9;
	s1 =	smax.f32 s16, s25;
	s25 =	spop (v2sf)  }
0x1fb: {  	v12 =	vmul.f32 $1.442695020e+00, v12;
	v15 =	vmul.f32 $1.442695020e+00, v15;
	v17 =	vmov s1;
	s16 =	smax.f32 s4, s5;
	s4 =	spop (v2sf)  }
0x1fc: {  	v18 =	vsub.f32 v49, v17;
	v17 =	vsub.f32 v19, v17;
	v19 =	vmov s16;
	s5 =	spop (v2sf)  }
0x1fd: {  	v7 =	vmul.f32 v7, v0;
	(erf) = vpow2.f32 v12;
	v12 =	vsub.f32 v63, v19;
	s1 =	smax.f32 s25, s4;
	s16 =	spop (v2sf)  }
0x1fe: {  	(erf) = vpow2.f32 v15;
	v17 =	vmul.f32 $1.442695020e+00, v17;
	v22 =	vmov s1;
	s25 =	smax.f32 s5, s16;
	s4 =	spop (v2sf)  }
0x1ff: {  	v12 =	vmul.f32 $1.442695020e+00, v12;
	v15 =	vsub.f32 v60, v22;
	s0 =	smax.f32 s4, s0;
	v28 =	vmov s25  }
0x200: {  	(erf) = vpow2.f32 v17;
	v17 =	vmov s0;
	v29 =	vsub.f32 v58, v28  }
0x201: {  	v16 =	vmul.f32 $1.442695020e+00, v16;
	v15 =	vmul.f32 $1.442695020e+00, v15;
	v30 =	vsub.f32 v48, v17;
	v48 =	vld [tilespmem:$0x1FFA0]  }
0x202: {  	(erf) = vpow2.f32 v12;
	v2 =	vsub.f32 v2, v17;
	v12 =	vmul.f32 $1.442695020e+00, v29  }
0x203: {  	(erf) = vpow2.f32 v15;
	v29 =	vmul.f32 $1.442695020e+00, v30  }
0x204: {  	v10 =	vsub.f32 v52, v53;
	v53 =	vpop (erf);
	v2 =	vmul.f32 $1.442695020e+00, v2;
	(erf) = vpow2.f32 v12  }
0x205: {  	v0 =	vld [tilespmem:$0x1FD00];
	v52 =	vpop (erf);
	v58 =	vsub.f32 $1.000000000e+00, v7;
	v15 =	vsub.f32 v38, v22;
	(erf) = vpow2.f32 v29  }
0x206: {  	v12 =	vsub.f32 v45, v28;
	v28 =	vpop (erf);
	v17 =	vmul.f32 v48, v52;
	(erf) = vpow2.f32 v2  }
0x207: {  	(xrf2) =	vadd.scan.msk.f32 $0xffff, v53;
	v22 =	vsub.f32 $1.000000000e+00, v6;
	(erf) = vpow2.f32 v16;
	v16 =	vmul.f32 v48, v28  }
0x208: {  	(xrf2) =	vadd.scan.msk.f32 $0xffff, v17  }
0x209: {  	vm3 =	vmmov vm10;
	(xrf2) =	vadd.scan.msk.f32 $0xffff, v16;
	v16 =	vsel vm10, v22, v6;
	v22 =	vsel vm1, v58, v7  }
0x20a: {  	v60 =	vsub.f32 $1.000000000e+00, v1;
	vm10 =	vnez.u8 v0;
	v0 =	vimm.f32 $1.000000000e+00;
	[tilespmem:$0x1FD30] =	vst v22  }
0x20b: {  	[tilespmem:v46+s19+$0x0] =	vst.idx.add.f32.msk $0xffff, v0  }
0x20c: {  	v38 =	vsel vm8, v60, v1;
	v1 =	vld [tilespmem:$0x1FEF0]  }
0x20d: {  	v10 =	vmul.f32 $1.442695020e+00, v10  }
0x20e: {  	v31 =	vsub.f32 $1.000000000e+00, v3;
	v57 =	vsub.f32 $1.000000000e+00, v4;
	v18 =	vmul.f32 $1.442695020e+00, v18  }
0x20f: {  	v62 =	vsub.f32 $1.000000000e+00, v11;
	v19 =	vsub.f32 v50, v19;
	v29 =	vpop (erf);
	(erf) = vpow2.f32 v10  }
0x210: {  	(erf) = vpow2.f32 v18;
	v18 =	vsel vm12, v31, v3;
	v3 =	vsub.f32 $1.000000000e+00, v20;
	[tilespmem:$0x1FD40] =	vst v38  }
0x211: {  	v50 =	vsel vm4, v57, v4;
	v57 =	vsel vm13, v62, v11;
	[tilespmem:v39+s20+$0x0] =	vst.idx.add.f32.msk $0xffff, v1  }
0x212: {  	v58 =	vsel vm9, v3, v20;
	[tilespmem:$0x1FD50] =	vst v57  }
0x213: {  	[tilespmem:$0x1FD60] =	vst v58  }
0x214: {  	[tilespmem:v44+s19+$0x0] =	vst.idx.add.f32.msk vm2, v0  }
0x215: {  	v44 =	vld [tilespmem:$0x1FD10]  }
0x216: {  	v15 =	vmul.f32 $1.442695020e+00, v15  }
0x217: {  	v19 =	vmul.f32 $1.442695020e+00, v19  }
0x218: {  	v30 =	vpop (erf)  }
0x219: {  	vm7 =	vmmov vm8;
	v63 =	vsub.f32 $1.000000000e+00, v21;
	v31 =	vpop (erf);
	(erf) = vpow2.f32 v19  }
0x21a: {  	vm8 =	vmmov vm9;
	(erf) = vpow2.f32 v15;
	v15, _, _ =	vpop (xrf2);
	vm9 =	vnez.u8 v44  }
0x21b: {  	(v2sf) =	vpush v15, $0xF;
	v15 =	vsel vm9, v63, v21  }
0x21c: {  	[tilespmem:$0x1FD70] =	vst v15  }
0x21d: {  	[tilespmem:v36+s20+$0x0] =	vst.idx.add.f32.msk vm2, v13  }
0x21e: {  	v2 =	vmul.f32 $1.442695020e+00, v12;
	v12 =	vsub.f32 $1.000000000e+00, v8;
	v63 =	vld [tilespmem:$0x1FFE0]  }
0x21f: {  	[tilespmem:v47+s19+$0x0] =	vst.idx.add.f32.msk $0xffff, v0  }
0x220: {  	v19 =	vsel vm11, v12, v8;
	v12 =	vld [tilespmem:$0x1FF00];
	_ =	sdelay $0x3  }
0x221: {  	v23 =	vld [tilespmem:$0x1FFF0]  }
0x222: {  	[tilespmem:v37+s20+$0x0] =	vst.idx.add.f32.msk $0xffff, v12  }
0x223: {  	v17 =	vsub.f32 $1.000000000e+00, v5;
	v62 =	vld [tilespmem:$0x1FFC0]  }
0x224: {  	v10 =	vmul.f32 v48, v29;
	v45 =	vpop (erf)  }
0x225: {  	v9 =	vmul.f32 v48, v30;
	v17 =	vsel vm10, v17, v5;
	v5 =	vmul.f32 v48, v31;
	v32 =	vpop (erf)  }
0x226: {  	v6 =	vmul.f32 $1.024000000e+03, v18;
	v8 =	vmul.f32 $1.024000000e+03, v16;
	v39 =	vpop (erf)  }
0x227: {  	v1 =	vmul.f32 v48, v39;
	v21 =	vmul.f32 $1.024000000e+03, v22  }
0x228: {  	v22 =	vmul.f32 $1.024000000e+03, v38;
	v13 =	vadd.s32 v63, v61;
	v38 =	vadd.s32 v62, v61;
	v61 =	vld [tilespmem:$0x1FFD0]  }
0x229: {  	vm15 =	vlt.s32 v59, $0x3FF;
	v3 =	vmul.f32 $1.024000000e+03, v50;
	v11 =	vmul.f32 $1.024000000e+03, v17;
	[tilespmem:v42+s19+$0x0] =	vst.idx.add.f32.msk vm2, v0  }
0x22a: {  	v4 =	vnsel vm15, $0x3FF, v59;
	v20 =	vmul.f32 $1.024000000e+03, v19;
	v49, _, _ =	vpop (xrf2);
	(xrf2) =	vadd.scan.msk.f32 $0xffff, v1;
	v59 =	vmul.f32 $1.024000000e+03, v15;
	v15 =	vld [tilespmem:$0x1FF10]  }
0x22b: {  	(erf) = vpow2.f32 v2;
	v2 =	vmul.f32 v48, v45;
	(v2sf) =	vpush v49, $0xF;
	(xrf2) =	vadd.scan.msk.f32 $0xffff, v10  }
0x22c: {  	v6 =	vtrunc.f32 v6;
	v8 =	vtrunc.f32 v8;
	(xrf2) =	vadd.scan.msk.f32 $0xffff, v9  }
0x22d: {  	v3 =	vtrunc.f32 v3;
	v46 =	vtrunc.f32 v11;
	(xrf2) =	vadd.scan.msk.f32 $0xffff, v5  }
0x22e: {  	v6 =	vcvt.f32.s32 v6;
	v7 =	vmul.f32 v48, v32;
	v12, _, _ =	vpop (xrf2);
	(xrf2) =	vadd.scan.msk.f32 $0xffff, v2;
	[tilespmem:v41+s19+$0x0] =	vst.idx.add.f32.msk $0xffff, v0  }
0x22f: {  	vm14 =	vmmov vm5;
	v3 =	vcvt.f32.s32 v3;
	v47 =	vtrunc.f32 v20;
	[tilespmem:v35+s20+$0x0] =	vst.idx.add.f32.msk vm2, v15  }
0x230: {  	vm5 =	vmmov vm1;
	v58 =	vmul.f32 $1.024000000e+03, v58;
	v9 =	vcvt.f32.s32 v47;
	v47 =	vld [tilespmem:$0x1FF20]  }
0x231: {  	v8 =	vcvt.f32.s32 v8;
	vm1 =	vlt.s32 v6, $0x3FF;
	v57 =	vmul.f32 $1.024000000e+03, v57;
	v36 =	vpop (erf);
	(xrf2) =	vadd.scan.msk.f32 $0xffff, v7  }
0x232: {  	vm0 =	vlt.s32 v3, $0x3FF;
	v49 =	vtrunc.f32 v22;
	v22 =	vtrunc.f32 v58;
	(xrf2) =	vadd.scan.msk.f32 $0xffff, v36  }
0x233: {  	v6 =	vnsel vm1, $0x3FF, v6;
	v5 =	vcvt.f32.s32 v46;
	v2 =	vtrunc.f32 v21  }
0x234: {  	v21 =	vtrunc.f32 v57;
	v57 =	vtrunc.f32 v59;
	(v2sf) =	vpush v12, $0xF;
	v59, _, _ =	vpop (xrf2)  }
0x235: {  	v44 =	vcvt.f32.s32 v22;
	(v2sf) =	vpush v59, $0xF;
	v22, _, _ =	vpop (xrf2);
	v58 =	vsel vm6, v38, v13;
	[tilespmem:v34+s20+$0x0] =	vst.idx.add.f32.msk $0xffff, v47  }
0x236: {  	v3 =	vnsel vm0, $0x3FF, v3;
	vm0 =	vlt.s32 v8, $0x3FF;
	(v2sf) =	vpush v22, $0xF;
	v22, _, _ =	vpop (xrf2);
	[tilespmem:v40+s19+$0x0] =	vst.idx.add.f32.msk vm2, v0  }
0x237: {  	v8 =	vnsel vm0, $0x3FF, v8;
	vm1 =	vlt.s32 v5, $0x3FF;
	(v2sf) =	vpush v22, $0xF;
	v22, _, _ =	vpop (xrf2);
	v11 =	vld [tilespmem:$0x1FF30]  }
0x238: {  	v60 =	vcvt.f32.s32 v49;
	vm0 =	vlt.s32 v9, $0x3FF;
	v2 =	vcvt.f32.s32 v2;
	v49, _, _ =	vpop (xrf2)  }
0x239: {  	v26 =	vbroadcast v26, $0x0;
	v5 =	vnsel vm1, $0x3FF, v5;
	s5 =	spop (v2sf);
	v9 =	vnsel vm0, $0x3FF, v9;
	v35 =	vpop (erf)  }
0x23a: {  	s16 =	spop (v2sf);
	v7 =	vcvt.f32.s32 v57;
	(v2sf) =	vpush v22, $0xF;
	v15 =	vpop (erf);
	(xrf2) =	vadd.scan.msk.f32 $0xffff, v35;
	[tilespmem:v58+s19+$0x0] =	vst.idx.add.f32.msk $0xffff, v0  }
0x23b: {  	s0 =	sadd.f32 s16, s5;
	vm1 =	vlt.s32 v2, $0x3FF;
	(v2sf) =	vpush v49, $0xF;
	v57, _, _ =	vpop (xrf2);
	(xrf2) =	vadd.scan.msk.f32 $0xffff, v15;
	[tilespmem:v13+s20+$0x0] =	vst.idx.add.f32.msk $0xffff, v55  }
0x23c: {  	v12 =	vadd.s32 v63, v54;
	(v2sf) =	vpush v57, $0xF;
	v40 =	vnsel vm1, $0x3FF, v2;
	v2, _, _ =	vpop (xrf2);
	[tilespmem:v33+s20+$0x0] =	vst.idx.add.f32.msk vm2, v11  }
0x23d: {  	v20 =	vadd.s32 v62, v54;
	v54 =	vmov s0;
	(v2sf) =	vpush v2, $0xF;
	v2 =	vld [tilespmem:$0x1FE30]  }
0x23e: {  	s25 =	sadd.s32 $0x7, s26;
	vm0 =	vlt.s32 v60, $0x3FF;
	v21 =	vcvt.f32.s32 v21;
	v10 =	vadd.f32 $0.0e+00, v54;
	v58 =	vld [tilespmem:$0x1FF70]  }
0x23f: {  	v1 =	vadd.s32 v23, v14;
	v37 =	vadd.s32 v23, v4;
	v22 =	vmov s25;
	v59 =	vld [tilespmem:$0x1FE40]  }
0x240: {  	vm15 =	vlt.s32 v21, $0x3FF;
	v38 =	vnsel vm0, $0x3FF, v60;
	v10 =	vbroadcast v10, $0x0;
	v33 =	vpop (erf);
	v60 =	vld [tilespmem:$0x1FF80]  }
0x241: {  	v46 =	vld.idx.msk [tilespmem:v56+s15+$0x0], $0xffff;
	vm6 =	vlt.s32 v44, $0x3FF;
	v14 =	vadd.s32 v61, v14;
	v4 =	vadd.s32 v61, v4;
	(xrf2) =	vadd.scan.msk.f32 $0xffff, v33  }
0x242: {  	(erf) = vrcp.f32 v10;
	v47 =	vld.idx.msk [tilespmem:v25+s15+$0x0], $0xffff;
	v34 =	vadd.s32 v63, v3;
	v3 =	vadd.s32 v62, v3;
	v25 =	vpop (erf)  }
0x243: {  	v4 =	vsel vm14, v4, v37;
	v3 =	vsel vm4, v3, v34;
	v55 =	vld.idx.msk [tilespmem:v24+s15+$0x0], $0xffff;
	v24 =	vpop (erf);
	vm0 =	vnez.u8 v2  }
0x244: {  	v54 =	vld.idx.msk [tilespmem:v22+s15+$0x0], $0xffff;
	v11 =	vadd.s32 v23, v6;
	(xrf2) =	vadd.scan.msk.f32 $0xffff, v25;
	v2, _, _ =	vpop (xrf2);
	vm1 =	vnez.u8 v59;
	v13 =	vsel vm0, v14, v1  }
0x245: {  	v6 =	vadd.s32 v61, v6;
	v41 =	vld [tilespmem:$0x1FF90];
	(xrf2) =	vadd.scan.msk.f32 $0xffff, v24;
	(v2sf) =	vpush v2, $0xF;
	v57 =	vsel vm1, v20, v12;
	v42, _, _ =	vpop (xrf2)  }
0x246: {  	v59 =	vnsel vm15, $0x3FF, v21;
	v21 =	vadd.s32 v63, v38;
	(v2sf) =	vpush v42, $0xF;
	v42 =	vld.idx.msk [tilespmem:v26+s15+$0x0], $0xffff  }
0x247: {  	v14 =	vmovc v23;
	vm0 =	vlt.s32 v7, $0x3FF;
	v2 =	vadd.s32 v63, v8;
	v8 =	vadd.s32 v62, v8;
	v56 =	vld.idx.msk [tilespmem:v58+s15+$0x0], $0xffff  }
0x248: {  	v23 =	vpop (erf);
	v20 =	vadd.s32 v63, v9;
	v22 =	vadd.s32 v14, v5;
	v5 =	vadd.s32 v61, v5;
	v58 =	vld.idx.msk [tilespmem:v60+s15+$0x0], $0xffff  }
0x249: {  	s4 =	spop (v2sf);
	(xrf2) =	vadd.scan.msk.f32 $0xffff, v23;
	v10 =	vadd.s32 v14, v59;
	v59 =	vadd.s32 v61, v59;
	[tilespmem:v13+s19+$0x0] =	vst.idx.add.f32.msk vm2, v0  }
0x24a: {  	s5 =	spop (v2sf);
	vm15 =	vcmask $0x3F30;
	v49 =	vmovc v14;
	v8 =	vsel vm3, v8, v2;
	v60 =	vadd.s32 v62, v9;
	[tilespmem:v57+s19+$0x0] =	vst.idx.add.f32.msk $0xffff, v0  }
0x24b: {  	s25 =	spop (v2sf);
	v26 =	vnsel vm6, $0x3FF, v44;
	v13 =	vadd.s32 v14, v40;
	v40 =	vadd.s32 v61, v40;
	[tilespmem:v1+s20+$0x0] =	vst.idx.add.f32.msk vm2, v43;
	v43, _, _ =	vpop (xrf2)  }
0x24c: {  	s16 =	spop (v2sf);
	v44 =	vpop (erf);
	v57 =	vadd.s32 v62, v38;
	[tilespmem:v12+s20+$0x0] =	vst.idx.add.f32.msk $0xffff, v27;
	v12 =	vadd.s32 v63, v26;
	(v2sf) =	vpush v43, $0xF  }
0x24d: {  	s3 =	spop (v2sf);
	v1 =	vnsel vm0, $0x3FF, v7;
	[tilespmem:v4+s19+$0x0] =	vst.idx.add.f32.msk vm2, v0;
	v4 =	vadd.s32 v62, v26;
	v26 =	vmul.f32 v44, v53  }
0x24e: {  	s1 =	spop (v2sf);
	v7 =	vmul.f32 v44, v52;
	v38 =	vsel vm5, v40, v13;
	v40 =	vsel vm7, v57, v21;
	v27, _, _ =	vpop (xrf2)  }
0x24f: {  	s0 =	spop (v2sf);
	v9 =	vadd.s32 v14, v1;
	v14 =	vld [tilespmem:$0x1FD20];
	(v2sf) =	vpush v27, $0xF;
	v27, _, _ =	vpop (xrf2);
	v53 =	vsub.f32 $1.000000000e+00, v26  }
0x250: {  	s26 =	spop (v2sf);
	v1 =	vadd.s32 v61, v1;
	v44 =	vsel vm10, v5, v22;
	(v2sf) =	vpush v27, $0xF  }
0x251: {  	s5 =	sadd.f32 s5, s26;
	v43 =	vsel vm11, v60, v20;
	vm11 =	veq.s32 v47, v51;
	[tilespmem:v3+s19+$0x0] =	vst.idx.add.f32.msk $0xffff, v0;
	v0 =	vlaneseq.u32  }
0x252: {  	vm4 =	veq.s32 v56, v51;
	v3 =	vsel vm12, v6, v11;
	vm1 =	veq.s32 v54, v0  }
0x253: {  	v52 =	vsub.f32 $1.000000000e+00, v7;
	v5 =	vsel vm1, v53, v26;
	v26 =	vmov s5;
	v53, _, _ =	vpop (xrf2)  }
0x254: {  	v6 =	vmul.f32 $1.024000000e+03, v5;
	[tilespmem:v37+s20+$0x0] =	vst.idx.add.f32.msk vm2, v14;
	vm2 =	veq.s32 v54, v51;
	(v2sf) =	vpush v53, $0xF;
	s26 =	spop (v2sf)  }
0x255: {  	v27 =	vsel vm8, v4, v12;
	v26 =	vadd.f32 $0.0e+00, v26;
	v52 =	vsel vm2, v52, v7;
	s4 =	sadd.f32 s4, s26  }
0x256: {  	v37 =	vsel vm13, v59, v10;
	v6 =	vtrunc.f32 v6;
	v54 =	vmul.f32 $1.024000000e+03, v52  }
0x257: {  	v59 =	vbroadcast v26, $0x0;
	v6 =	vcvt.f32.s32 v6;
	v26 =	vmov s4  }
0x258: {  	vm13 =	veq.s32 v46, v51;
	v7 =	vtrunc.f32 v54;
	v54 =	vadd.f32 $0.0e+00, v26  }
0x259: {  	s26 =	spop (v2sf);
	(erf) = vrcp.f32 v59;
	vm0 =	vlt.s32 v6, $0x3FF;
	v60 =	vcvt.f32.s32 v7  }
0x25a: {  	s4 =	sadd.f32 s25, s26;
	v26 =	vsel vm9, v1, v9;
	v1 =	vnsel vm0, $0x3FF, v6;
	v57 =	vbroadcast v54, $0x0  }
0x25b: {  	vm9 =	veq.s32 v55, v51;
	vm0 =	vlt.s32 v60, $0x3FF;
	v7 =	vadd.s32 v63, v1;
	s5 =	spop (v2sf)  }
0x25c: {  	v1 =	vadd.s32 v62, v1;
	v59 =	vmov s4;
	s4 =	sadd.f32 s16, s5;
	(erf) = vrcp.f32 v57  }
0x25d: {  	v4 =	vnsel vm0, $0x3FF, v60;
	v53 =	vadd.f32 $0.0e+00, v59;
	v6 =	vsel vm1, v1, v7  }
0x25e: {  	v54 =	vadd.s32 v49, v4;
	v1 =	vadd.s32 v61, v4;
	s25 =	spop (v2sf);
	v60 =	vmov s4  }
0x25f: {  	v4 =	vsel vm2, v1, v54;
	v1 =	vbroadcast v53, $0x0;
	s3 =	sadd.f32 s3, s25;
	s26 =	spop (v2sf);
	v53 =	vadd.f32 $0.0e+00, v60  }
0x260: {  	vm0 =	vcmask $0x3F30;
	v57 =	vlaneseq.u32;
	vm2 =	veq.s32 v58, v51;
	s1 =	sadd.f32 s1, s26  }
0x261: {  	vm14 =	veq.s32 v46, v57;
	vm12 =	veq.s32 v47, v57;
	v59 =	vmov s3  }
0x262: {  	vm10 =	veq.s32 v55, v57;
	v47 =	vadd.f32 $0.0e+00, v59;
	v60 =	vmov s1  }
0x263: {  	vm8 =	veq.s32 v56, v57;
	v46 =	vbroadcast v53, $0x0;
	v55 =	vadd.f32 $0.0e+00, v60;
	s4 =	spop (v2sf);
	v53 =	vpop (erf)  }
0x264: {  	vm3 =	veq.s32 v58, v57;
	v47 =	vbroadcast v47, $0x0;
	s0 =	sadd.f32 s0, s4;
	v36 =	vmul.f32 v53, v36  }
0x265: {  	v58 =	vmov v51;
	v55 =	vbroadcast v55, $0x0;
	v53 =	vmul.f32 v53, v39;
	v51 =	vpop (erf)  }
0x266: {  	v60 =	vmov s0;
	v39 =	vsub.f32 $1.000000000e+00, v36;
	v35 =	vmul.f32 v51, v35  }
0x267: {  	v41 =	vld.idx.msk [tilespmem:v41+s15+$0x0], $0xffff;
	v51 =	vmul.f32 v51, v28;
	v60 =	vadd.f32 $0.0e+00, v60;
	(erf) = vrcp.f32 v1  }
0x268: {  	v1 =	vsub.f32 $1.000000000e+00, v53;
	(erf) = vrcp.f32 v46;
	[tilespmem:v34+s20+$0x0] =	vst.idx.add.f32.msk $0xffff, v50;
	v50 =	vimm.f32 $1.000000000e+00  }
0x269: {  	v39 =	vsel vm14, v39, v36;
	v46 =	vsub.f32 $1.000000000e+00, v35;
	v56 =	vbroadcast v60, $0x0;
	[tilespmem:v3+s19+$0x0] =	vst.idx.add.f32.msk vm0, v50  }
0x26a: {  	(erf) = vrcp.f32 v47;
	v36 =	vsel vm13, v1, v53;
	v60 =	vsub.f32 $1.000000000e+00, v51;
	[tilespmem:v6+s19+$0x0] =	vst.idx.add.f32.msk $0xffff, v50  }
0x26b: {  	vm0 =	vcmask $0x3F30;
	(erf) = vrcp.f32 v55;
	v53 =	vmul.f32 $1.024000000e+03, v39;
	[tilespmem:v7+s20+$0x0] =	vst.idx.add.f32.msk $0xffff, v5  }
0x26c: {  	v1 =	vsel vm12, v46, v35;
	v35 =	vsel vm11, v60, v51;
	[tilespmem:v4+s19+$0x0] =	vst.idx.add.f32.msk vm15, v50;
	vm15 =	vcmask $0x3F30  }
0x26d: {  	vm1 =	veq.s32 v41, v57;
	v57 =	vmul.f32 $1.024000000e+03, v36;
	v60 =	vmul.f32 $1.024000000e+03, v35  }
0x26e: {  	(erf) = vrcp.f32 v56;
	v47 =	vmul.f32 $1.024000000e+03, v1  }
0x26f: {  	v55 =	vtrunc.f32 v53;
	v56 =	vtrunc.f32 v57  }
0x270: {  	v57 =	vcvt.f32.s32 v55;
	v0 =	vcvt.f32.s32 v56  }
0x271: {  	vm7 =	veq.s32 v41, v58;
	v3 =	vtrunc.f32 v47;
	v41 =	vtrunc.f32 v60;
	[tilespmem:v11+s20+$0x0] =	vst.idx.add.f32.msk vm0, v18;
	v60 =	vpop (erf)  }
0x272: {  	v3 =	vcvt.f32.s32 v3;
	vm0 =	vlt.s32 v57, $0x3FF;
	v47 =	vpop (erf);
	[tilespmem:v54+s20+$0x0] =	vst.idx.add.f32.msk vm15, v52;
	vm15 =	vcmask $0x3F30  }
0x273: {  	[tilespmem:v8+s19+$0x0] =	vst.idx.add.f32.msk $0xffff, v50;
	v8 =	vcvt.f32.s32 v41;
	v41 =	vnsel vm0, $0x3FF, v57;
	vm0 =	vlt.s32 v0, $0x3FF;
	v51 =	vpop (erf)  }
0x274: {  	[tilespmem:v2+s20+$0x0] =	vst.idx.add.f32.msk $0xffff, v16;
	v2 =	vmul.f32 v60, v29;
	v6 =	vnsel vm0, $0x3FF, v0;
	v0 =	vmul.f32 v47, v30;
	v30 =	vpop (erf)  }
0x275: {  	v53 =	vmul.f32 v30, v45  }
0x276: {  	vm0 =	vlt.s32 v3, $0x3FF;
	v5 =	vmul.f32 v51, v31;
	v31 =	vsub.f32 $1.000000000e+00, v2  }
0x277: {  	v3 =	vnsel vm0, $0x3FF, v3;
	v28 =	vsub.f32 $1.000000000e+00, v53  }
0x278: {  	vm0 =	vlt.s32 v8, $0x3FF;
	v31 =	vsel vm9, v31, v2;
	[tilespmem:v44+s19+$0x0] =	vst.idx.add.f32.msk vm15, v50;
	vm15 =	vcmask $0x3F30  }
0x279: {  	v2 =	vsel vm7, v28, v53;
	v53 =	vnsel vm0, $0x3FF, v8;
	vm0 =	vcmask $0x3F30;
	_ =	sdelay $0x2  }
0x27a: {  	[tilespmem:v43+s19+$0x0] =	vst.idx.add.f32.msk $0xffff, v50  }
0x27b: {  	[tilespmem:v20+s20+$0x0] =	vst.idx.add.f32.msk $0xffff, v19  }
0x27c: {  	[tilespmem:v22+s20+$0x0] =	vst.idx.add.f32.msk vm15, v17  }
0x27d: {  	[tilespmem:v38+s19+$0x0] =	vst.idx.add.f32.msk vm0, v50;
	vm0 =	vcmask $0x3F30  }
0x27e: {  	v14 =	vld [tilespmem:$0x1FD30];
	_ =	sdelay $0x3  }
0x27f: {  	[tilespmem:v40+s19+$0x0] =	vst.idx.add.f32.msk $0xffff, v50  }
0x280: {  	[tilespmem:v13+s20+$0x0] =	vst.idx.add.f32.msk vm0, v14  }
0x281: {  	vm0 =	vcmask $0x3F30;
	v14 =	vld [tilespmem:$0x1FD40];
	_ =	sdelay $0x4  }
0x282: {  	[tilespmem:v21+s20+$0x0] =	vst.idx.add.f32.msk $0xffff, v14  }
0x283: {  	[tilespmem:v37+s19+$0x0] =	vst.idx.add.f32.msk vm0, v50;
	vm0 =	vcmask $0x3F30  }
0x284: {  	v14 =	vld [tilespmem:$0x1FD50];
	_ =	sdelay $0x3  }
0x285: {  	[tilespmem:v27+s19+$0x0] =	vst.idx.add.f32.msk $0xffff, v50  }
0x286: {  	[tilespmem:v10+s20+$0x0] =	vst.idx.add.f32.msk vm0, v14  }
0x287: {  	vm0 =	vcmask $0x3F30;
	v14 =	vld [tilespmem:$0x1FD60]  }
0x288: {  	vm5 =	veq.s32 v42, v58;
	v59 =	vlaneseq.u32;
	v11 =	vmul.f32 v60, v15  }
0x289: {  	vm6 =	veq.s32 v42, v59;
	v20 =	vadd.s32 v63, v41;
	v29 =	vmul.f32 v47, v33  }
0x28a: {  	v42 =	vadd.s32 v62, v41;
	v7 =	vmul.f32 v30, v24;
	v24 =	vpop (erf);
	v30 =	vsub.f32 $1.000000000e+00, v11  }
0x28b: {  	v16 =	vsel vm14, v42, v20;
	v54 =	vsub.f32 $1.000000000e+00, v29;
	v23 =	vmul.f32 v24, v23  }
0x28c: {  	v25 =	vmul.f32 v51, v25;
	v55 =	vsub.f32 $1.000000000e+00, v0;
	v30 =	vsel vm10, v30, v11;
	[tilespmem:v12+s20+$0x0] =	vst.idx.add.f32.msk $0xffff, v14  }
0x28d: {  	v29 =	vsel vm8, v54, v29;
	v60 =	vsub.f32 $1.000000000e+00, v23;
	[tilespmem:v26+s19+$0x0] =	vst.idx.add.f32.msk vm0, v50;
	vm0 =	vcmask $0x3F30  }
0x28e: {  	v33 =	vsel vm4, v55, v0;
	v52 =	vmul.f32 $1.024000000e+03, v30;
	v19 =	vmul.f32 $1.024000000e+03, v29;
	v14 =	vld [tilespmem:$0x1FD70]  }
0x28f: {  	v0 =	vsel vm6, v60, v23;
	v60 =	vmul.f32 $1.024000000e+03, v31;
	v23 =	vadd.s32 v49, v6  }
0x290: {  	v4 =	vtrunc.f32 v52;
	v45 =	vtrunc.f32 v19;
	v22 =	vsub.f32 $1.000000000e+00, v7  }
0x291: {  	v19 =	vadd.s32 v49, v53;
	v4 =	vcvt.f32.s32 v4;
	v8 =	vtrunc.f32 v60  }
0x292: {  	v8 =	vcvt.f32.s32 v8;
	v22 =	vsel vm1, v22, v7;
	v7 =	vadd.s32 v61, v53  }
0x293: {  	v6 =	vadd.s32 v61, v6;
	v7 =	vsel vm11, v7, v19;
	[tilespmem:v9+s20+$0x0] =	vst.idx.add.f32.msk vm0, v14;
	vm0 =	vlt.s32 v4, $0x3FF  }
0x294: {  	vm11 =	vcmask $0x3F30;
	v4 =	vnsel vm0, $0x3FF, v4;
	vm0 =	vlt.s32 v8, $0x3FF  }
0x295: {  	v6 =	vsel vm13, v6, v23;
	v8 =	vnsel vm0, $0x3FF, v8;
	vm0 =	vcmask $0x3F30  }
0x296: {  	v24 =	vmul.f32 v24, v32;
	v56 =	vsub.f32 $1.000000000e+00, v25  }
0x297: {  	v57 =	vsub.f32 $1.000000000e+00, v5;
	v13 =	vmul.f32 $1.024000000e+03, v33  }
0x298: {  	v51 =	vsub.f32 $1.000000000e+00, v24;
	v25 =	vsel vm3, v56, v25;
	v44 =	vadd.s32 v63, v3;
	[tilespmem:v16+s19+$0x0] =	vst.idx.add.f32.msk $0xffff, v50  }
0x299: {  	v3 =	vadd.s32 v62, v3;
	v13 =	vtrunc.f32 v13;
	v10 =	vcvt.f32.s32 v45;
	[tilespmem:v20+s20+$0x0] =	vst.idx.add.f32.msk $0xffff, v39  }
0x29a: {  	v47 =	vcvt.f32.s32 v13;
	[tilespmem:v6+s19+$0x0] =	vst.idx.add.f32.msk vm11, v50;
	v13 =	vadd.s32 v49, v8;
	v8 =	vadd.s32 v61, v8  }
0x29b: {  	v3 =	vsel vm12, v3, v44;
	v8 =	vsel vm9, v8, v13;
	[tilespmem:v23+s20+$0x0] =	vst.idx.add.f32.msk vm0, v36;
	vm0 =	vlt.s32 v10, $0x3FF  }
0x29c: {  	vm9 =	vcmask $0x3F30;
	v10 =	vnsel vm0, $0x3FF, v10;
	vm0 =	vlt.s32 v47, $0x3FF  }
0x29d: {  	v5 =	vsel vm2, v57, v5;
	v6 =	vnsel vm0, $0x3FF, v47;
	vm0 =	vcmask $0x3F30  }
0x29e: {  	v18 =	vmul.f32 $1.024000000e+03, v25;
	v11 =	vsel vm5, v51, v24;
	v24 =	vmul.f32 $1.024000000e+03, v5;
	_ =	sdelay $0x1  }
0x29f: {  	v18 =	vtrunc.f32 v18;
	v12 =	vtrunc.f32 v24;
	[tilespmem:v3+s19+$0x0] =	vst.idx.add.f32.msk $0xffff, v50  }
0x2a0: {  	v3 =	vcvt.f32.s32 v18;
	[tilespmem:v44+s20+$0x0] =	vst.idx.add.f32.msk $0xffff, v1;
	v16 =	vadd.s32 v63, v4;
	v4 =	vadd.s32 v62, v4  }
0x2a1: {  	v51 =	vcvt.f32.s32 v12;
	[tilespmem:v7+s19+$0x0] =	vst.idx.add.f32.msk vm9, v50;
	v12 =	vadd.s32 v49, v6;
	v6 =	vadd.s32 v61, v6  }
0x2a2: {  	v4 =	vsel vm10, v4, v16;
	v6 =	vsel vm4, v6, v12;
	[tilespmem:v19+s20+$0x0] =	vst.idx.add.f32.msk vm0, v35;
	vm0 =	vlt.s32 v3, $0x3FF  }
0x2a3: {  	vm4 =	vcmask $0x3F30;
	v3 =	vnsel vm0, $0x3FF, v3;
	vm0 =	vlt.s32 v51, $0x3FF  }
0x2a4: {  	v7 =	vnsel vm0, $0x3FF, v51;
	vm0 =	vcmask $0x3F30  }
0x2a5: {  	v28 =	vmul.f32 $1.024000000e+03, v22;
	_ =	sdelay $0x1  }
0x2a6: {  	v17 =	vmul.f32 $1.024000000e+03, v2;
	v15 =	vtrunc.f32 v28;
	[tilespmem:v4+s19+$0x0] =	vst.idx.add.f32.msk $0xffff, v50  }
0x2a7: {  	v52 =	vcvt.f32.s32 v15;
	[tilespmem:v16+s20+$0x0] =	vst.idx.add.f32.msk $0xffff, v30  }
0x2a8: {  	v17 =	vtrunc.f32 v17;
	v1 =	vadd.s32 v63, v10;
	v10 =	vadd.s32 v62, v10;
	[tilespmem:v8+s19+$0x0] =	vst.idx.add.f32.msk vm4, v50  }
0x2a9: {  	v53 =	vcvt.f32.s32 v17;
	v10 =	vsel vm8, v10, v1;
	[tilespmem:v13+s20+$0x0] =	vst.idx.add.f32.msk vm0, v31;
	vm0 =	vlt.s32 v52, $0x3FF  }
0x2aa: {  	v13 =	vadd.s32 v49, v7;
	v7 =	vadd.s32 v61, v7;
	v4 =	vnsel vm0, $0x3FF, v52  }
0x2ab: {  	v7 =	vsel vm2, v7, v13;
	vm0 =	vlt.s32 v53, $0x3FF;
	vm2 =	vcmask $0x3F30  }
0x2ac: {  	v8 =	vnsel vm0, $0x3FF, v53;
	vm0 =	vcmask $0x3F30  }
0x2ad: {  	v21 =	vmul.f32 $1.024000000e+03, v0;
	v15 =	vadd.s32 v63, v3;
	v3 =	vadd.s32 v62, v3  }
0x2ae: {  	v43 =	vmul.f32 $1.024000000e+03, v11;
	v3 =	vsel vm3, v3, v15  }
0x2af: {  	v46 =	vtrunc.f32 v21;
	[tilespmem:v10+s19+$0x0] =	vst.idx.add.f32.msk $0xffff, v50  }
0x2b0: {  	v14 =	vtrunc.f32 v43;
	v9 =	vcvt.f32.s32 v46;
	[tilespmem:v1+s20+$0x0] =	vst.idx.add.f32.msk $0xffff, v29  }
0x2b1: {  	v54 =	vcvt.f32.s32 v14;
	v1 =	vadd.s32 v63, v4;
	v4 =	vadd.s32 v62, v4;
	[tilespmem:v6+s19+$0x0] =	vst.idx.add.f32.msk vm2, v50  }
0x2b2: {  	v4 =	vsel vm1, v4, v1;
	[tilespmem:v12+s20+$0x0] =	vst.idx.add.f32.msk vm0, v33;
	vm0 =	vlt.s32 v9, $0x3FF  }
0x2b3: {  	[tilespmem:v3+s19+$0x0] =	vst.idx.add.f32.msk $0xffff, v50;
	vm1 =	vcmask $0x3F30;
	v3 =	vnsel vm0, $0x3FF, v9;
	vm0 =	vlt.s32 v54, $0x3FF  }
0x2b4: {  	v6 =	vnsel vm0, $0x3FF, v54;
	vm0 =	vcmask $0x3F30;
	_ =	sdelay $0x3  }
0x2b5: {  	[tilespmem:v15+s20+$0x0] =	vst.idx.add.f32.msk $0xffff, v25  }
0x2b6: {  	[tilespmem:v7+s19+$0x0] =	vst.idx.add.f32.msk vm1, v50  }
0x2b7: {  	v55 =	vadd.s32 v49, v8;
	v8 =	vadd.s32 v61, v8;
	[tilespmem:v13+s20+$0x0] =	vst.idx.add.f32.msk vm0, v5;
	vm0 =	vcmask $0x3F30  }
0x2b8: {  	v8 =	vsel vm7, v8, v55;
	_ =	sdelay $0x2  }
0x2b9: {  	[tilespmem:v4+s19+$0x0] =	vst.idx.add.f32.msk $0xffff, v50  }
0x2ba: {  	[tilespmem:v1+s20+$0x0] =	vst.idx.add.f32.msk $0xffff, v22  }
0x2bb: {  	[tilespmem:v8+s19+$0x0] =	vst.idx.add.f32.msk vm0, v50;
	vm0 =	vcmask $0x3F30;
	_ =	sdelay $0x3  }
0x2bc: {  	v9 =	vadd.s32 v63, v3;
	v3 =	vadd.s32 v62, v3  }
0x2bd: {  	v3 =	vsel vm6, v3, v9  }
0x2be: {  	v57 =	vadd.s32 v49, v6;
	v6 =	vadd.s32 v61, v6;
	[tilespmem:v55+s20+$0x0] =	vst.idx.add.f32.msk vm0, v2;
	vm0 =	vcmask $0x3F30  }
0x2bf: {  	v60 =	vsel vm5, v6, v57;
	_ =	sdelay $0x2  }
0x2c0: {  	[tilespmem:v3+s19+$0x0] =	vst.idx.add.f32.msk $0xffff, v50  }
0x2c1: {  	[tilespmem:v9+s20+$0x0] =	vst.idx.add.f32.msk $0xffff, v0  }
0x2c2: {  	[tilespmem:v60+s19+$0x0] =	vst.idx.add.f32.msk vm0, v50;
	vm0 =	vcmask $0x3F30;
	_ =	sdelay $0x5  }
0x2c3: {  	s26 =	simm.s32 $0x0;
	[tilespmem:v57+s20+$0x0] =	vst.idx.add.f32.msk vm0, v11  }
0x2c4: {  	[tilespmem:s26], [sflag:$0x1] =	stream.linear.gather [hbm4b:s7+s26], $0x5000, $0x38;
	[tilespmem:$0x19800] =	vst v63  }
0x2c5: {  	_ = 	snop  }
0x2c6: {  	[tilespmem:s15], [sflag:$0x1] =	stream.linear.gather [hbm4b:s8+s26], $0x400, $0x38;
	[tilespmem:$0x19800] =	vst v63  }
0x2c7: {  	_ =	swait.ge [sflag:s21], $0x5000  }
0x2c8: {  	[sflag:s21] =	ssyncset.done $0x0  }
0x2c9: {  	[sflag:s21] =	ssyncadd.s32 $0xFFFFB000  }
0x2ca: {  	_ =	swait.ge [sflag:s21], $0x400  }
0x2cb: {  	[sflag:s21] =	ssyncset.done $0x0  }
0x2cc: {  	s5 =	simm.s32 $0x5050;
	[sflag:s21] =	ssyncadd.s32 $0xFFFFFC00  }
0x2cd: {  	v1 =	vld [tilespmem:s5+$0x3C]  }
0x2ce: {  	v3 =	vld [tilespmem:s5+$0x40]  }
0x2cf: {  	v32 =	vld [tilespmem:s5+$0xFFFFFFB4]  }
0x2d0: {  	v33 =	vld [tilespmem:s5+$0xFFFFFFC4]  }
0x2d1: {  	v34 =	vld [tilespmem:s5+$0xFFFFFFC8]  }
0x2d2: {  	v15 =	vld [tilespmem:s5+$0xFFFFFFD8];
	(xrf0) =	vmax.scan.msk.f32 $0xffff, v1  }
0x2d3: {  	v35 =	vld [tilespmem:s5+$0xFFFFFFDC];
	(xrf0) =	vmax.scan.msk.f32 $0xffff, v3  }
0x2d4: {  	v16 =	vld [tilespmem:s5+$0xFFFFFFEC];
	(xrf0) =	vmax.scan.msk.f32 $0xffff, v32  }
0x2d5: {  	v36 =	vld [tilespmem:s5+$0xFFFFFFF0];
	(xrf0) =	vmax.scan.msk.f32 $0xffff, v33  }
0x2d6: {  	v2 =	vld [tilespmem:s5+$0x0];
	(xrf0) =	vmax.scan.msk.f32 $0xffff, v34  }
0x2d7: {  	v37 =	vld [tilespmem:s5+$0x4];
	(xrf0) =	vmax.scan.msk.f32 $0xffff, v15  }
0x2d8: {  	(xrf0) =	vmax.scan.msk.f32 $0xffff, v35;
	v0, _, _ =	vpop (xrf0)  }
0x2d9: {  	(xrf0) =	vmax.scan.msk.f32 $0xffff, v16;
	(v2sf) =	vpush v0, $0xF;
	v39, _, _ =	vpop (xrf0)  }
0x2da: {  	v14 =	vld [tilespmem:s5+$0x14];
	v12, _, _ =	vpop (xrf0);
	(xrf0) =	vmax.scan.msk.f32 $0xffff, v36;
	(v2sf) =	vpush v39, $0xF  }
0x2db: {  	v38 =	vld [tilespmem:s5+$0x18];
	(v2sf) =	vpush v12, $0xF;
	v12, _, _ =	vpop (xrf0);
	(xrf0) =	vmax.scan.msk.f32 $0xffff, v2  }
0x2dc: {  	v0 =	vld [tilespmem:s5+$0x28];
	(v2sf) =	vpush v12, $0xF;
	v12, _, _ =	vpop (xrf0);
	(xrf0) =	vmax.scan.msk.f32 $0xffff, v37  }
0x2dd: {  	v40 =	vld [tilespmem:s5+$0x2C];
	(v2sf) =	vpush v12, $0xF;
	v12, _, _ =	vpop (xrf0)  }
0x2de: {  	(v2sf) =	vpush v12, $0xF;
	v12, _, _ =	vpop (xrf0)  }
0x2df: {  	v18 =	vld [tilespmem:s5+$0xFFFFFFB0];
	(xrf0) =	vmax.scan.msk.f32 $0xffff, v14;
	(v2sf) =	vpush v12, $0xF;
	v12, _, _ =	vpop (xrf0)  }
0x2e0: {  	(xrf0) =	vmax.scan.msk.f32 $0xffff, v38;
	(v2sf) =	vpush v12, $0xF;
	v12, _, _ =	vpop (xrf0)  }
0x2e1: {  	(xrf0) =	vmax.scan.msk.f32 $0xffff, v0;
	(v2sf) =	vpush v12, $0xF;
	v12, _, _ =	vpop (xrf0)  }
0x2e2: {  	(xrf0) =	vmax.scan.msk.f32 $0xffff, v40;
	(v2sf) =	vpush v12, $0xF;
	v12, _, _ =	vpop (xrf0)  }
0x2e3: {  	(v2sf) =	vpush v12, $0xF  }
0x2e4: {  	(xrf0) =	vmax.scan.msk.f32 $0xffff, v18  }
0x2e5: {  	v12, _, _ =	vpop (xrf0)  }
0x2e6: {  	(v2sf) =	vpush v12, $0xF;
	v12, _, _ =	vpop (xrf0)  }
0x2e7: {  	(v2sf) =	vpush v12, $0xF;
	v12, _, _ =	vpop (xrf0)  }
0x2e8: {  	(v2sf) =	vpush v12, $0xF;
	v12, _, _ =	vpop (xrf0);
	s16 =	spop (v2sf)  }
0x2e9: {  	(v2sf) =	vpush v12, $0xF;
	s25 =	spop (v2sf)  }
0x2ea: {  	v12, _, _ =	vpop (xrf0);
	s1 =	spop (v2sf)  }
0x2eb: {  	(v2sf) =	vpush v12, $0xF;
	s0 =	smax.f32 s16, s25;
	s3 =	spop (v2sf)  }
0x2ec: {  	v12 =	vmov s0;
	s4 =	spop (v2sf)  }
0x2ed: {  	v1 =	vsub.f32 v1, v12;
	s5 =	spop (v2sf)  }
0x2ee: {  	v3 =	vsub.f32 v3, v12;
	s25 =	spop (v2sf)  }
0x2ef: {  	s0 =	smax.f32 s3, s4;
	v1 =	vmul.f32 $1.442695020e+00, v1;
	s16 =	spop (v2sf)  }
0x2f0: {  	v3 =	vmul.f32 $1.442695020e+00, v3;
	v19 =	vmov s0;
	s3 =	spop (v2sf)  }
0x2f1: {  	s5 =	smax.f32 s5, s25;
	(erf) = vpow2.f32 v1;
	v1 =	vsub.f32 v34, v19;
	s25 =	spop (v2sf)  }
0x2f2: {  	(erf) = vpow2.f32 v3;
	v3 =	vmov s5;
	s5 =	spop (v2sf)  }
0x2f3: {  	v1 =	vmul.f32 $1.442695020e+00, v1;
	s0 =	smax.f32 s25, s5  }
0x2f4: {  	s3 =	smax.f32 s16, s3;
	v41 =	vsub.f32 v35, v3;
	v21 =	vmov s0  }
0x2f5: {  	v42 =	vmov s3;
	s16 =	spop (v2sf);
	(erf) = vpow2.f32 v1;
	v1 =	vsub.f32 v37, v21  }
0x2f6: {  	v7 =	vsub.f32 v36, v42;
	s25 =	spop (v2sf)  }
0x2f7: {  	v5 =	vmul.f32 $1.442695020e+00, v41;
	s4 =	spop (v2sf);
	v1 =	vmul.f32 $1.442695020e+00, v1  }
0x2f8: {  	s3 =	smax.f32 s16, s25;
	v7 =	vmul.f32 $1.442695020e+00, v7;
	s16 =	spop (v2sf)  }
0x2f9: {  	v43 =	vmov s3;
	(erf) = vpow2.f32 v5;
	s0 =	smax.f32 s4, s16  }
0x2fa: {  	v44 =	vsub.f32 v38, v43;
	s25 =	spop (v2sf);
	(erf) = vpow2.f32 v7;
	v22 =	vmov s0;
	v20 =	vpop (erf)  }
0x2fb: {  	s4 =	smax.f32 s25, s1;
	v45 =	vsub.f32 v40, v22;
	(erf) = vpow2.f32 v1;
	v1 =	vpop (erf)  }
0x2fc: {  	v46 =	vmov s4;
	v5 =	vmul.f32 $1.442695020e+00, v44;
	(xrf2) =	vadd.scan.msk.f32 $0xffff, v20;
	v47 =	vmul.f32 v48, v1  }
0x2fd: {  	v4 =	vsub.f32 v32, v46  }
0x2fe: {  	v7 =	vmul.f32 $1.442695020e+00, v45;
	(erf) = vpow2.f32 v5;
	(xrf2) =	vadd.scan.msk.f32 $0xffff, v47  }
0x2ff: {  	v4 =	vmul.f32 $1.442695020e+00, v4  }
0x300: {  	(erf) = vpow2.f32 v7  }
0x301: {  	(erf) = vpow2.f32 v4  }
0x302: {  	v17 =	vpop (erf)  }
0x303: {  	v13 =	vpop (erf)  }
0x304: {  	v12 =	vpop (erf)  }
0x305: {  	v51 =	vsub.f32 v18, v46;
	v11 =	vpop (erf)  }
0x306: {  	v52 =	vsub.f32 v33, v19;
	v50, _, _ =	vpop (xrf2)  }
0x307: {  	v3 =	vsub.f32 v15, v3;
	v5 =	vmul.f32 $1.442695020e+00, v51;
	v18 =	vmul.f32 v48, v17;
	v10 =	vpop (erf)  }
0x308: {  	v32 =	vsub.f32 v16, v42;
	(v2sf) =	vpush v50, $0xF;
	v53, _, _ =	vpop (xrf2)  }
0x309: {  	v7 =	vmul.f32 $1.442695020e+00, v52;
	(erf) = vpow2.f32 v5;
	(xrf2) =	vadd.scan.msk.f32 $0xffff, v18;
	v9 =	vpop (erf);
	(v2sf) =	vpush v53, $0xF  }
0x30a: {  	v3 =	vmul.f32 $1.442695020e+00, v3;
	v34 =	vmul.f32 $1.442695020e+00, v32;
	v26 =	vpop (erf)  }
0x30b: {  	(erf) = vpow2.f32 v7;
	v54 =	vmul.f32 v48, v26  }
0x30c: {  	v55 =	vmul.f32 v48, v13;
	(erf) = vpow2.f32 v3  }
0x30d: {  	v57 =	vmul.f32 v48, v12;
	(erf) = vpow2.f32 v34;
	(xrf2) =	vadd.scan.msk.f32 $0xffff, v54  }
0x30e: {  	v60 =	vmul.f32 v48, v11;
	(xrf2) =	vadd.scan.msk.f32 $0xffff, v55  }
0x30f: {  	v33 =	vmul.f32 v48, v10;
	(xrf2) =	vadd.scan.msk.f32 $0xffff, v57  }
0x310: {  	v3 =	vmul.f32 v48, v9;
	(xrf2) =	vadd.scan.msk.f32 $0xffff, v60  }
0x311: {  	v35 =	vsub.f32 v2, v21;
	(xrf2) =	vadd.scan.msk.f32 $0xffff, v33  }
0x312: {  	v2 =	vpop (erf);
	(xrf2) =	vadd.scan.msk.f32 $0xffff, v3  }
0x313: {  	v36, _, _ =	vpop (xrf2);
	v3 =	vmul.f32 $1.442695020e+00, v35;
	(xrf2) =	vadd.scan.msk.f32 $0xffff, v2  }
0x314: {  	v28 =	vpop (erf)  }
0x315: {  	v37 =	vsub.f32 v14, v43;
	v14 =	vpop (erf)  }
0x316: {  	v0 =	vsub.f32 v0, v22;
	v15 =	vpop (erf);
	(erf) = vpow2.f32 v3  }
0x317: {  	(v2sf) =	vpush v36, $0xF;
	v3, _, _ =	vpop (xrf2);
	(xrf2) =	vadd.scan.msk.f32 $0xffff, v28;
	s5 =	spop (v2sf)  }
0x318: {  	v0 =	vmul.f32 $1.442695020e+00, v0;
	v5 =	vmul.f32 $1.442695020e+00, v37;
	v38, _, _ =	vpop (xrf2);
	(v2sf) =	vpush v3, $0xF;
	s16 =	spop (v2sf)  }
0x319: {  	v7, _, _ =	vpop (xrf2);
	(v2sf) =	vpush v38, $0xF;
	s0 =	sadd.f32 s16, s5  }
0x31a: {  	(erf) = vpow2.f32 v5;
	v39, _, _ =	vpop (xrf2);
	(v2sf) =	vpush v7, $0xF  }
0x31b: {  	(erf) = vpow2.f32 v0;
	(xrf2) =	vadd.scan.msk.f32 $0xffff, v14;
	v40, _, _ =	vpop (xrf2);
	(v2sf) =	vpush v39, $0xF;
	v3 =	vmov s0  }
0x31c: {  	(xrf2) =	vadd.scan.msk.f32 $0xffff, v15;
	(v2sf) =	vpush v40, $0xF;
	v0, _, _ =	vpop (xrf2);
	v3 =	vadd.f32 $0.0e+00, v3  }
0x31d: {  	s4 =	simm.s32 $0x3;
	(v2sf) =	vpush v0, $0xF;
	v0, _, _ =	vpop (xrf2)  }
0x31e: {  	s3 =	simm.s32 $0x2;
	v44 =	vmov s4;
	(v2sf) =	vpush v0, $0xF;
	v3 =	vbroadcast v3, $0x0  }
0x31f: {  	v43 =	vmov s3;
	v6 =	vand.u32 $0xFFFFFFFB, v44;
	v16 =	vpop (erf)  }
0x320: {  	v6 =	vbroadcast v6, $0x0;
	v4 =	vand.u32 $0xFFFFFFFA, v43;
	(xrf2) =	vadd.scan.msk.f32 $0xffff, v16;
	(erf) = vrcp.f32 v3  }
0x321: {  	v4 =	vbroadcast v4, $0x0;
	v0, _, _ =	vpop (xrf2)  }
0x322: {  	s25 =	simm.s32 $0x7;
	(v2sf) =	vpush v0, $0xF  }
0x323: {  	v18 =	vpop (erf);
	v0 =	vmov s25  }
0x324: {  	s1 =	simm.s32 $0x1;
	s5 =	simm.s32 $0x4;
	v19 =	vpop (erf);
	(xrf2) =	vadd.scan.msk.f32 $0xffff, v18  }
0x325: {  	v42 =	vmov s1;
	v45 =	vmov s5;
	v41, _, _ =	vpop (xrf2);
	(xrf2) =	vadd.scan.msk.f32 $0xffff, v19  }
0x326: {  	v6 =	vld.idx.msk [tilespmem:v6+s17+$0x0], $0xffff;
	s4 =	spop (v2sf);
	v7 =	vand.u32 $0xFFFFFFFC, v45;
	v3 =	vmov s26;
	(v2sf) =	vpush v41, $0xF;
	v22, _, _ =	vpop (xrf2)  }
0x327: {  	v4 =	vld.idx.msk [tilespmem:v4+s17+$0x0], $0xffff;
	v7 =	vbroadcast v7, $0x0;
	v3 =	vand.u32 $0xFFFFFFF8, v3;
	(v2sf) =	vpush v22, $0xF;
	s1 =	spop (v2sf)  }
0x328: {  	s25 =	simm.s32 $0x6;
	v3 =	vbroadcast v3, $0x0;
	v0 =	vld.idx.msk [tilespmem:v0+s17+$0x0], $0xffff;
	s5 =	spop (v2sf)  }
0x329: {  	s16 =	simm.s32 $0x5;
	v21 =	vmov s25;
	s25 =	spop (v2sf);
	v23 =	vpop (erf)  }
0x32a: {  	v5 =	vand.u32 $0xFFFFFFF9, v42;
	v46 =	vmov s16;
	v22, _, _ =	vpop (xrf2);
	s16 =	spop (v2sf);
	v20 =	vmul.f32 v23, v20  }
0x32b: {  	v31 =	vlaneseq.u32;
	v5 =	vbroadcast v5, $0x0;
	(v2sf) =	vpush v22, $0xF;
	s3 =	spop (v2sf)  }
0x32c: {  	vm7 =	veq.s32 v6, v31;
	s0 =	spop (v2sf);
	v1 =	vmul.f32 v23, v1;
	v24 =	vsub.f32 $1.000000000e+00, v20  }
0x32d: {  	vm8 =	veq.s32 v6, v58;
	vm11 =	veq.s32 v4, v31;
	v7 =	vld.idx.msk [tilespmem:v7+s17+$0x0], $0xffff;
	vm1 =	veq.s32 v0, v59;
	s26 =	spop (v2sf)  }
0x32e: {  	v22 =	vand.u32 $0xFFFFFFFE, v21;
	v3 =	vld.idx.msk [tilespmem:v3+s17+$0x0], $0xffff;
	s1 =	sadd.f32 s1, s26;
	v23 =	vsub.f32 $1.000000000e+00, v1;
	v21 =	vsel vm1, v24, v20;
	v20, _, _ =	vpop (xrf2)  }
0x32f: {  	v8 =	vand.u32 $0xFFFFFFFD, v46;
	vm2 =	veq.s32 v0, v58;
	(v2sf) =	vpush v20, $0xF;
	v47, _, _ =	vpop (xrf2)  }
0x330: {  	v20 =	vsel vm2, v23, v1;
	v23 =	vmov s1;
	(v2sf) =	vpush v47, $0xF  }
0x331: {  	vm9 =	veq.s32 v4, v58;
	v8 =	vbroadcast v8, $0x0;
	v0 =	vld.idx.msk [tilespmem:v5+s17+$0x0], $0xffff;
	s26 =	spop (v2sf);
	v50 =	vadd.f32 $0.0e+00, v23  }
0x332: {  	v22 =	vbroadcast v22, $0x0;
	vm5 =	veq.s32 v7, v31;
	v24 =	vmul.f32 $1.024000000e+03, v21;
	s26 =	sadd.f32 s4, s26  }
0x333: {  	vm6 =	veq.s32 v7, v58;
	vm14 =	veq.s32 v3, v31;
	s1 =	simm.s32 $0x50F0;
	v5 =	vbroadcast v50, $0x0  }
0x334: {  	v39 =	vld [tilespmem:s1+$0x3C];
	v1 =	vtrunc.f32 v24;
	v24 =	vmul.f32 $1.024000000e+03, v20;
	v23 =	vmov s26  }
0x335: {  	v40 =	vld [tilespmem:s1+$0x40];
	s4 =	spop (v2sf);
	v1 =	vcvt.f32.s32 v1;
	v23 =	vadd.f32 $0.0e+00, v23;
	(erf) = vrcp.f32 v5  }
0x336: {  	vm13 =	veq.s32 v3, v58;
	vm12 =	veq.s32 v0, v31;
	vm10 =	veq.s32 v0, v58;
	s26 =	sadd.f32 s5, s4;
	s5 =	spop (v2sf)  }
0x337: {  	v8 =	vld.idx.msk [tilespmem:v8+s17+$0x0], $0xffff;
	v24 =	vtrunc.f32 v24;
	s4 =	sadd.f32 s25, s5;
	vm0 =	vlt.s32 v1, $0x3FF;
	v51 =	vbroadcast v23, $0x0  }
0x338: {  	v27 =	vld [tilespmem:s1+$0xFFFFFFB4];
	v24 =	vcvt.f32.s32 v24;
	v25 =	vmov s26;
	v1 =	vnsel vm0, $0x3FF, v1  }
0x339: {  	v30 =	vld.idx.msk [tilespmem:v22+s17+$0x0], $0xffff;
	v29 =	vadd.f32 $0.0e+00, v25;
	v53 =	vmov s4;
	(xrf0) =	vmax.scan.msk.f32 $0xffff, v39;
	(erf) = vrcp.f32 v51  }
0x33a: {  	v36 =	vld [tilespmem:s1+$0xFFFFFFC4];
	s26 =	spop (v2sf);
	vm0 =	vlt.s32 v24, $0x3FF;
	v23 =	vadd.s32 v63, v1;
	v1 =	vadd.s32 v62, v1;
	(xrf0) =	vmax.scan.msk.f32 $0xffff, v40  }
0x33b: {  	v37 =	vld [tilespmem:s1+$0xFFFFFFC8];
	v3 =	vadd.f32 $0.0e+00, v53;
	s4 =	sadd.f32 s16, s26;
	v24 =	vnsel vm0, $0x3FF, v24;
	v25 =	vsel vm1, v1, v23  }
0x33c: {  	v1 =	vbroadcast v29, $0x0;
	v29 =	vld [tilespmem:s1+$0xFFFFFFD8];
	vm1 =	veq.s32 v8, v31;
	v22 =	vadd.s32 v49, v24  }
0x33d: {  	v41 =	vld [tilespmem:s1+$0xFFFFFFDC];
	(xrf0) =	vmax.scan.msk.f32 $0xffff, v27;
	v52 =	vadd.s32 v61, v24;
	v51 =	vmovc v58;
	v3 =	vbroadcast v3, $0x0;
	v0 =	vmov s4  }
0x33e: {  	v32 =	vld [tilespmem:s1+$0xFFFFFFEC];
	v58 =	vlaneseq.u32;
	v24 =	vsel vm2, v52, v22;
	v0 =	vadd.f32 $0.0e+00, v0;
	v54 =	vpop (erf);
	s5 =	spop (v2sf)  }
0x33f: {  	v43 =	vld [tilespmem:s1+$0xFFFFFFF0];
	(xrf0) =	vmax.scan.msk.f32 $0xffff, v36;
	vm4 =	veq.s32 v30, v58;
	vm3 =	veq.s32 v30, v51;
	v4 =	vmul.f32 v54, v26;
	v26, _, _ =	vpop (xrf0);
	s3 =	sadd.f32 s3, s5;
	s16 =	spop (v2sf)  }
0x340: {  	v38 =	vld [tilespmem:s1+$0x0];
	(xrf0) =	vmax.scan.msk.f32 $0xffff, v37;
	(erf) = vrcp.f32 v1;
	v55 =	vbroadcast v0, $0x0;
	(v2sf) =	vpush v26, $0xF;
	v26, _, _ =	vpop (xrf0);
	s0 =	sadd.f32 s0, s16  }
0x341: {  	v44 =	vld [tilespmem:s1+$0x4];
	(xrf0) =	vmax.scan.msk.f32 $0xffff, v29;
	v2 =	vmul.f32 v54, v2;
	(v2sf) =	vpush v26, $0xF;
	v0 =	vmov s3  }
0x342: {  	(erf) = vrcp.f32 v3;
	(xrf0) =	vmax.scan.msk.f32 $0xffff, v41;
	v57 =	vpop (erf);
	v59 =	vadd.f32 $0.0e+00, v0;
	v0 =	vld [tilespmem:s1+$0x14];
	v31 =	vmov s0  }
0x343: {  	v45 =	vld [tilespmem:s1+$0x18];
	(erf) = vrcp.f32 v55;
	(xrf0) =	vmax.scan.msk.f32 $0xffff, v32;
	v60 =	vsub.f32 $1.000000000e+00, v2;
	v28 =	vmul.f32 v57, v28;
	v42, _, _ =	vpop (xrf0)  }
0x344: {  	v56 =	vmovc v49;
	v30 =	vld [tilespmem:s1+$0x28];
	(xrf0) =	vmax.scan.msk.f32 $0xffff, v43;
	v6 =	vmul.f32 v57, v17;
	v47 =	vsub.f32 $1.000000000e+00, v4;
	(v2sf) =	vpush v42, $0xF  }
0x345: {  	v46 =	vld [tilespmem:s1+$0x2C];
	(xrf0) =	vmax.scan.msk.f32 $0xffff, v38;
	v35 =	vsel vm14, v60, v2;
	v2 =	vsub.f32 $1.000000000e+00, v28;
	v26 =	vadd.f32 $0.0e+00, v31;
	v31, _, _ =	vpop (xrf0)  }
0x346: {  	v17 =	vld [tilespmem:s1+$0xFFFFFFB0];
	v34 =	vsel vm13, v47, v4;
	v52 =	vsub.f32 $1.000000000e+00, v6;
	(xrf0) =	vmax.scan.msk.f32 $0xffff, v44;
	(v2sf) =	vpush v31, $0xF;
	v31, _, _ =	vpop (xrf0)  }
0x347: {  	v53 =	vmul.f32 $1.024000000e+03, v35;
	v7 =	vbroadcast v59, $0x0;
	(v2sf) =	vpush v31, $0xF;
	v49, _, _ =	vpop (xrf0);
	(xrf0) =	vmax.scan.msk.f32 $0xffff, v0  }
0x348: {  	v33 =	vsel vm12, v2, v28;
	v2 =	vmul.f32 $1.024000000e+03, v34;
	(v2sf) =	vpush v49, $0xF;
	v50, _, _ =	vpop (xrf0);
	(xrf0) =	vmax.scan.msk.f32 $0xffff, v45  }
0x349: {  	v3 =	vmul.f32 $1.024000000e+03, v33;
	v57 =	vtrunc.f32 v53;
	(v2sf) =	vpush v50, $0xF;
	v54, _, _ =	vpop (xrf0);
	(xrf0) =	vmax.scan.msk.f32 $0xffff, v30  }
0x34a: {  	(erf) = vrcp.f32 v7;
	v2 =	vtrunc.f32 v2;
	(v2sf) =	vpush v54, $0xF;
	v1, _, _ =	vpop (xrf0);
	(xrf0) =	vmax.scan.msk.f32 $0xffff, v46  }
0x34b: {  	v5 =	vcvt.f32.s32 v57;
	v31 =	vbroadcast v26, $0x0;
	(v2sf) =	vpush v1, $0xF;
	v1, _, _ =	vpop (xrf0);
	(xrf0) =	vmax.scan.msk.f32 $0xffff, v17  }
0x34c: {  	v26 =	vsel vm10, v52, v6;
	v3 =	vtrunc.f32 v3;
	(v2sf) =	vpush v1, $0xF;
	v1, _, _ =	vpop (xrf0)  }
0x34d: {  	v59 =	vcvt.f32.s32 v2;
	v55 =	vmul.f32 $1.024000000e+03, v26;
	(v2sf) =	vpush v1, $0xF;
	v1, _, _ =	vpop (xrf0)  }
0x34e: {  	vm0 =	vlt.s32 v5, $0x3FF;
	(erf) = vrcp.f32 v31;
	(v2sf) =	vpush v1, $0xF;
	v1, _, _ =	vpop (xrf0)  }
0x34f: {  	vm2 =	veq.s32 v8, v51;
	v2 =	vnsel vm0, $0x3FF, v5;
	s25 =	spop (v2sf);
	(v2sf) =	vpush v1, $0xF;
	v1, _, _ =	vpop (xrf0)  }
0x350: {  	vm0 =	vlt.s32 v59, $0x3FF;
	v4 =	vtrunc.f32 v55;
	s26 =	spop (v2sf);
	(v2sf) =	vpush v1, $0xF;
	v1, _, _ =	vpop (xrf0)  }
0x351: {  	v31 =	vnsel vm0, $0x3FF, v59;
	s1 =	smax.f32 s25, s26;
	(v2sf) =	vpush v1, $0xF;
	v1 =	vcvt.f32.s32 v3;
	v3, _, _ =	vpop (xrf0)  }
0x352: {  	v42 =	vcvt.f32.s32 v4;
	v49 =	vmov s1;
	(v2sf) =	vpush v3, $0xF;
	v3 =	vpop (erf)  }
0x353: {  	v8 =	vsub.f32 v40, v49;
	v4 =	vmul.f32 v3, v14;
	v60 =	vpop (erf);
	v3 =	vmul.f32 v3, v13  }
0x354: {  	s0 =	spop (v2sf);
	vm0 =	vlt.s32 v1, $0x3FF;
	v6 =	vmul.f32 v60, v15;
	v47 =	vpop (erf);
	v5 =	vmul.f32 v60, v12  }
0x355: {  	v14 =	vsub.f32 v39, v49;
	v8 =	vmul.f32 $1.442695020e+00, v8;
	s3 =	spop (v2sf);
	v12 =	vmul.f32 v47, v16;
	v13 =	vpop (erf)  }
0x356: {  	v28 =	vnsel vm0, $0x3FF, v1;
	v7 =	vmul.f32 v47, v11;
	s4 =	spop (v2sf);
	v1 =	vmul.f32 v13, v10  }
0x357: {  	v15 =	vsub.f32 $1.000000000e+00, v4;
	v11 =	vmul.f32 v13, v18;
	v50 =	vpop (erf);
	v13 =	vmul.f32 $1.442695020e+00, v14;
	s5 =	spop (v2sf);
	s1 =	smax.f32 s3, s4  }
0x358: {  	v39 =	vmul.f32 v50, v19;
	s16 =	spop (v2sf);
	v14 =	vmov s1;
	v47 =	vsub.f32 $1.000000000e+00, v1  }
0x359: {  	(erf) = vpow2.f32 v13;
	v16 =	vsub.f32 v36, v14;
	s3 =	smax.f32 s5, s16;
	v13 =	vsub.f32 v37, v14  }
0x35a: {  	s25 =	spop (v2sf);
	(erf) = vpow2.f32 v8;
	v8 =	vmul.f32 v50, v9;
	v14 =	vmov s3  }
0x35b: {  	v9 =	vsub.f32 $1.000000000e+00, v3;
	s26 =	spop (v2sf);
	v52 =	vsub.f32 v41, v14;
	v13 =	vmul.f32 $1.442695020e+00, v13  }
0x35c: {  	s5 =	spop (v2sf);
	s1 =	smax.f32 s25, s26;
	v14 =	vsub.f32 v29, v14;
	v19 =	vmul.f32 $1.442695020e+00, v16;
	v41 =	vsel vm11, v15, v4  }
0x35d: {  	v40 =	vsel vm9, v9, v3;
	s16 =	spop (v2sf);
	v18 =	vmov s1;
	v10 =	vmul.f32 $1.442695020e+00, v52  }
0x35e: {  	s25 =	spop (v2sf);
	v16 =	vsub.f32 v43, v18;
	s3 =	smax.f32 s5, s16;
	v18 =	vsub.f32 v32, v18;
	v14 =	vmul.f32 $1.442695020e+00, v14  }
0x35f: {  	(erf) = vpow2.f32 v13;
	v32 =	vsub.f32 $1.000000000e+00, v5;
	s26 =	spop (v2sf);
	v29 =	vmov s3  }
0x360: {  	v52 =	vadd.s32 v63, v2;
	s5 =	spop (v2sf);
	v13 =	vmul.f32 $1.442695020e+00, v16;
	v16 =	vsub.f32 v44, v29;
	s1 =	smax.f32 s25, s26  }
0x361: {  	v29 =	vsub.f32 v38, v29;
	(erf) = vpow2.f32 v10;
	s16 =	spop (v2sf);
	v53 =	vmov s1  }
0x362: {  	v60 =	vmul.f32 $1.442695020e+00, v18;
	s25 =	smax.f32 s5, s16;
	v57 =	vmul.f32 $1.442695020e+00, v16;
	v16 =	vsub.f32 v45, v53;
	s26 =	spop (v2sf)  }
0x363: {  	(erf) = vpow2.f32 v13;
	v29 =	vmul.f32 $1.442695020e+00, v29;
	v59 =	vmov s25;
	s0 =	smax.f32 s26, s0  }
0x364: {  	v0 =	vsub.f32 v0, v53;
	v13 =	vsub.f32 v46, v59;
	v54 =	vmov s0  }
0x365: {  	v36 =	vpop (erf);
	v16 =	vmul.f32 $1.442695020e+00, v16;
	(erf) = vpow2.f32 v57;
	v46 =	vsub.f32 $1.000000000e+00, v11  }
0x366: {  	v37 =	vpop (erf);
	v0 =	vmul.f32 $1.442695020e+00, v0;
	v57 =	vsub.f32 $1.000000000e+00, v39;
	v55 =	vsub.f32 v27, v54  }
0x367: {  	v27 =	vmul.f32 v48, v37;
	v17 =	vsub.f32 v17, v54;
	v54 =	vmul.f32 $1.024000000e+03, v40  }
0x368: {  	(xrf2) =	vadd.scan.msk.f32 $0xffff, v36;
	v13 =	vmul.f32 $1.442695020e+00, v13;
	(erf) = vpow2.f32 v16;
	v53 =	vsel vm1, v46, v11  }
0x369: {  	v10 =	vmul.f32 $1.442695020e+00, v55;
	(xrf2) =	vadd.scan.msk.f32 $0xffff, v27;
	v55 =	vsel vm4, v57, v39;
	v57 =	vmul.f32 $1.024000000e+03, v53  }
0x36a: {  	v17 =	vmul.f32 $1.442695020e+00, v17;
	(erf) = vpow2.f32 v13;
	v13 =	vsub.f32 v30, v59  }
0x36b: {  	v2 =	vadd.s32 v62, v2;
	v27 =	vpop (erf);
	(erf) = vpow2.f32 v10;
	v39 =	vtrunc.f32 v57  }
0x36c: {  	v44 =	vsub.f32 $1.000000000e+00, v7;
	v10 =	vmul.f32 $1.442695020e+00, v13;
	v43 =	vmul.f32 v48, v27  }
0x36d: {  	v9 =	vsel vm8, v32, v5;
	v16 =	vpop (erf);
	(erf) = vpow2.f32 v17;
	v39 =	vcvt.f32.s32 v39  }
0x36e: {  	v13 =	vsub.f32 $1.000000000e+00, v12;
	v45 =	vmul.f32 v48, v16;
	(erf) = vpow2.f32 v19;
	v17 =	vpop (erf)  }
0x36f: {  	v30 =	vsub.f32 $1.000000000e+00, v6;
	v38 =	vmul.f32 v48, v17;
	(erf) = vpow2.f32 v14  }
0x370: {  	v15 =	vsel vm5, v13, v12;
	v13 =	vsel vm6, v44, v7;
	v7 =	vtrunc.f32 v54  }
0x371: {  	v12 =	vsel vm2, v47, v1;
	v14 =	vpop (erf);
	(erf) = vpow2.f32 v60;
	[tilespmem:$0x1FDA0] =	vst v15;
	v15 =	vmul.f32 $1.024000000e+03, v15  }
0x372: {  	v44 =	vsel vm14, v2, v52;
	v60, _, _ =	vpop (xrf2);
	v2 =	vcvt.f32.s32 v7;
	v3 =	vmul.f32 v48, v14  }
0x373: {  	[tilespmem:$0x1FD80] =	vst v14;
	(erf) = vpow2.f32 v29;
	v14 =	vsel vm7, v30, v6;
	(v2sf) =	vpush v60, $0xF;
	v32, _, _ =	vpop (xrf2)  }
0x374: {  	v6 =	vmul.f32 $1.024000000e+03, v41;
	v60 =	vmul.f32 $1.024000000e+03, v12;
	(v2sf) =	vpush v32, $0xF  }
0x375: {  	v59 =	vsub.f32 $1.000000000e+00, v8;
	(xrf2) =	vadd.scan.msk.f32 $0xffff, v43;
	v19 =	vpop (erf);
	(erf) = vpow2.f32 v0;
	v29 =	vmul.f32 $1.024000000e+03, v14  }
0x376: {  	v0 =	vmul.f32 v48, v19;
	v6 =	vtrunc.f32 v6  }
0x377: {  	v59 =	vsel vm3, v59, v8;
	v8 =	vtrunc.f32 v60;
	v18 =	vpop (erf);
	v29 =	vtrunc.f32 v29  }
0x378: {  	v6 =	vcvt.f32.s32 v6;
	v5 =	vmul.f32 v48, v18;
	v50 =	vpop (erf)  }
0x379: {  	vm0 =	vlt.s32 v42, $0x3FF;
	[tilespmem:$0x1FDD0] =	vst v55;
	v60 =	vcvt.f32.s32 v29;
	v4 =	vmul.f32 v48, v50  }
0x37a: {  	[tilespmem:$0x1FDC0] =	vst v12;
	v12 =	vnsel vm0, $0x3FF, v42;
	v48 =	vmul.f32 $1.024000000e+03, v55;
	v55 =	vtrunc.f32 v15  }
0x37b: {  	(erf) = vpow2.f32 v10;
	vm0 =	vlt.s32 v6, $0x3FF;
	v10 =	vcvt.f32.s32 v55;
	(xrf2) =	vadd.scan.msk.f32 $0xffff, v4  }
0x37c: {  	v6 =	vnsel vm0, $0x3FF, v6;
	vm0 =	vlt.s32 v60, $0x3FF;
	v57 =	vtrunc.f32 v48;
	(xrf2) =	vadd.scan.msk.f32 $0xffff, v45  }
0x37d: {  	v7 =	vnsel vm0, $0x3FF, v60;
	v43 =	vcvt.f32.s32 v57;
	vm0 =	vlt.s32 v10, $0x3FF  }
0x37e: {  	[tilespmem:$0x1FDB0] =	vst v53;
	(xrf2) =	vadd.scan.msk.f32 $0xffff, v38;
	v53 =	vnsel vm0, $0x3FF, v10;
	vm0 =	vlt.s32 v39, $0x3FF  }
0x37f: {  	v1 =	vmul.f32 $1.024000000e+03, v9;
	v48, _, _ =	vpop (xrf2);
	(xrf2) =	vadd.scan.msk.f32 $0xffff, v3;
	v42 =	vnsel vm0, $0x3FF, v39;
	vm0 =	vlt.s32 v43, $0x3FF  }
0x380: {  	(xrf2) =	vadd.scan.msk.f32 $0xffff, v0;
	v0 =	vnsel vm0, $0x3FF, v43;
	vm0 =	vcmask $0x3F30  }
0x381: {  	v49 =	vmul.f32 $1.024000000e+03, v59;
	v54 =	vtrunc.f32 v1  }
0x382: {  	[tilespmem:$0x1FDE0] =	vst v59;
	v59 =	vadd.s32 v61, v31;
	v1 =	vadd.s32 v56, v31;
	v29 =	vcvt.f32.s32 v54;
	s3 =	spop (v2sf)  }
0x383: {  	vm14 =	vlt.s32 v2, $0x3FF;
	[tilespmem:$0x1FD90] =	vst v19;
	(v2sf) =	vpush v48, $0xF;
	v48 =	vimm.f32 $1.000000000e+00;
	s4 =	spop (v2sf)  }
0x384: {  	v31 =	vtrunc.f32 v49;
	v46 =	vnsel vm14, $0x3FF, v2;
	vm14 =	vlt.s32 v29, $0x3FF;
	[tilespmem:v25+s19+$0x0] =	vst.idx.add.f32.msk $0xffff, v48;
	s0 =	sadd.f32 s4, s3  }
0x385: {  	v32 =	vmul.f32 $1.024000000e+03, v13;
	v38 =	vnsel vm14, $0x3FF, v29;
	[tilespmem:v23+s20+$0x0] =	vst.idx.add.f32.msk $0xffff, v21;
	v11, _, _ =	vpop (xrf2)  }
0x386: {  	[tilespmem:v24+s19+$0x0] =	vst.idx.add.f32.msk vm0, v48;
	vm0 =	vcmask $0x3F30;
	v49, _, _ =	vpop (xrf2);
	(xrf2) =	vadd.scan.msk.f32 $0xffff, v5;
	v29 =	vmov s0  }
0x387: {  	v2 =	vcvt.f32.s32 v31;
	v31 =	vpop (erf);
	v32 =	vtrunc.f32 v32;
	v3 =	vadd.f32 $0.0e+00, v29  }
0x388: {  	v15 =	vmov v56;
	v32 =	vcvt.f32.s32 v32;
	(xrf2) =	vadd.scan.msk.f32 $0xffff, v31  }
0x389: {  	s5 =	simm.s32 $0xF;
	s16 =	simm.s32 $0x8;
	v56 =	vadd.s32 v56, v12;
	v4 =	vsel vm13, v59, v1;
	v39, _, _ =	vpop (xrf2);
	v3 =	vbroadcast v3, $0x0  }
0x38a: {  	v45 =	vmov s5;
	vm14 =	vlt.s32 v32, $0x3FF;
	v25 =	vmov s16;
	v24, _, _ =	vpop (xrf2)  }
0x38b: {  	v54 =	vnsel vm14, $0x3FF, v32;
	v21 =	vand.u32 $0xFFFFFFF8, v25;
	v29 =	vpop (erf);
	(erf) = vrcp.f32 v3  }
0x38c: {  	v5 =	vadd.s32 v63, v28;
	v28 =	vadd.s32 v62, v28;
	(v2sf) =	vpush v11, $0xF;
	[tilespmem:v22+s20+$0x0] =	vst.idx.add.f32.msk vm0, v20;
	v22, _, _ =	vpop (xrf2)  }
0x38d: {  	v55 =	vsel vm12, v28, v5;
	v28 =	vadd.s32 v61, v12;
	vm0 =	vcmask $0x3F30;
	v32 =	vpop (erf)  }
0x38e: {  	(v2sf) =	vpush v49, $0xF;
	v43 =	vsel vm10, v28, v56;
	v28 =	vadd.s32 v61, v46;
	v30 =	vpop (erf)  }
0x38f: {  	v8 =	vcvt.f32.s32 v8;
	v10 =	vimm.f32 $1.000000000e+00;
	(v2sf) =	vpush v39, $0xF;
	v12 =	vpop (erf)  }
0x390: {  	v60 =	vadd.s32 v15, v46;
	[tilespmem:v44+s19+$0x0] =	vst.idx.add.f32.msk $0xffff, v10;
	v25 =	vbroadcast v21, $0x0;
	(v2sf) =	vpush v24, $0xF;
	v21, _, _ =	vpop (xrf2)  }
0x391: {  	vm14 =	vlt.s32 v8, $0x3FF;
	[tilespmem:v52+s20+$0x0] =	vst.idx.add.f32.msk $0xffff, v35;
	v59 =	vsel vm9, v28, v60;
	(v2sf) =	vpush v22, $0xF;
	v28 =	vpop (erf)  }
0x392: {  	v19 =	vmov v15;
	v47 =	vnsel vm14, $0x3FF, v8;
	v39 =	vld.idx.msk [tilespmem:v45+s17+$0x0], $0xffff;
	(v2sf) =	vpush v21, $0xF;
	v21, _, _ =	vpop (xrf2)  }
0x393: {  	s25 =	simm.s32 $0x9;
	v52 =	vadd.s32 v63, v7;
	v7 =	vadd.s32 v62, v7;
	[tilespmem:v4+s19+$0x0] =	vst.idx.add.f32.msk vm0, v10;
	vm0 =	vcmask $0x3F30;
	v15 =	vpop (erf)  }
0x394: {  	s26 =	simm.s32 $0xA;
	v23 =	vmov s25;
	v7 =	vsel vm7, v7, v52;
	(v2sf) =	vpush v21, $0xF;
	v21 =	vpop (erf)  }
0x395: {  	v23 =	vand.u32 $0xFFFFFFF9, v23;
	v49 =	vmov s26;
	s4 =	simm.s32 $0xD;
	v48 =	vmul.f32 v21, v36  }
0x396: {  	v23 =	vbroadcast v23, $0x0;
	v8 =	vand.u32 $0xFFFFFFFA, v49;
	v57 =	vmov s4  }
0x397: {  	s1 =	simm.s32 $0xB;
	s3 =	simm.s32 $0xC;
	vm9 =	veq.s32 v39, v58;
	(xrf2) =	vadd.scan.msk.f32 $0xffff, v29;
	v49 =	vmul.f32 v21, v37;
	v58 =	vsub.f32 $1.000000000e+00, v48  }
0x398: {  	v24 =	vmov s3;
	v11 =	vand.u32 $0xFFFFFFFD, v57;
	v20 =	vmov s1  }
0x399: {  	[tilespmem:v1+s20+$0x0] =	vst.idx.add.f32.msk vm0, v34;
	vm0 =	vcmask $0x3F30;
	v45 =	vsub.f32 $1.000000000e+00, v49;
	v57 =	vsel vm9, v58, v48  }
0x39a: {  	v20 =	vand.u32 $0xFFFFFFFB, v20;
	vm7 =	veq.s32 v39, v51;
	(xrf2) =	vadd.scan.msk.f32 $0xffff, v32;
	v46 =	vmul.f32 $1.024000000e+03, v57  }
0x39b: {  	v24 =	vand.u32 $0xFFFFFFFC, v24;
	v4 =	vsel vm7, v45, v49;
	v49 =	vbroadcast v20, $0x0  }
0x39c: {  	v22 =	vadd.s32 v61, v38;
	[tilespmem:v55+s19+$0x0] =	vst.idx.add.f32.msk $0xffff, v10;
	v20 =	vbroadcast v24, $0x0;
	v24 =	vtrunc.f32 v46  }
0x39d: {  	[tilespmem:v5+s20+$0x0] =	vst.idx.add.f32.msk $0xffff, v33;
	v3 =	vadd.s32 v63, v6;
	v6 =	vadd.s32 v62, v6;
	v24 =	vcvt.f32.s32 v24  }
0x39e: {  	v6 =	vsel vm11, v6, v3;
	(xrf2) =	vadd.scan.msk.f32 $0xffff, v30;
	v21 =	vadd.s32 v19, v38;
	v38 =	vld.idx.msk [tilespmem:v23+s17+$0x0], $0xffff  }
0x39f: {  	v36 =	vadd.s32 v19, v54;
	v23 =	vadd.s32 v61, v54;
	[tilespmem:v43+s19+$0x0] =	vst.idx.add.f32.msk vm0, v10;
	vm0 =	vlt.s32 v24, $0x3FF  }
0x3a0: {  	v44 =	vsel vm6, v23, v36;
	v23 =	vnsel vm0, $0x3FF, v24;
	vm0 =	vcmask $0x3F30  }
0x3a1: {  	vm14 =	vlt.s32 v2, $0x3FF;
	s16 =	spop (v2sf);
	(xrf2) =	vadd.scan.msk.f32 $0xffff, v12;
	v1, _, _ =	vpop (xrf2)  }
0x3a2: {  	v2 =	vnsel vm14, $0x3FF, v2;
	s4 =	spop (v2sf);
	(v2sf) =	vpush v1, $0xF  }
0x3a3: {  	v35 =	vadd.s32 v19, v47;
	v8 =	vbroadcast v8, $0x0;
	s3 =	spop (v2sf);
	v48 =	vmul.f32 $1.024000000e+03, v4  }
0x3a4: {  	v39 =	vadd.s32 v63, v53;
	v53 =	vadd.s32 v62, v53;
	[tilespmem:v6+s19+$0x0] =	vst.idx.add.f32.msk $0xffff, v10;
	s1 =	spop (v2sf);
	(xrf2) =	vadd.scan.msk.f32 $0xffff, v28;
	v1, _, _ =	vpop (xrf2)  }
0x3a5: {  	v34 =	vadd.s32 v63, v0;
	s0 =	spop (v2sf);
	(v2sf) =	vpush v1, $0xF;
	v1 =	vld.idx.msk [tilespmem:v25+s17+$0x0], $0xffff;
	v25 =	vtrunc.f32 v48  }
0x3a6: {  	s5 =	simm.s32 $0xE;
	v0 =	vadd.s32 v62, v0;
	s31 =	spop (v2sf);
	v25 =	vcvt.f32.s32 v25;
	[tilespmem:v56+s20+$0x0] =	vst.idx.add.f32.msk vm0, v26;
	vm0 =	vcmask $0x3F30  }
0x3a7: {  	s26 =	simm.s32 $0x10;
	v55 =	vmov s5;
	v33 =	vadd.s32 v19, v2;
	[tilespmem:v3+s20+$0x0] =	vst.idx.add.f32.msk $0xffff, v41;
	v41 =	vsel vm4, v0, v34;
	s30 =	spop (v2sf)  }
0x3a8: {  	v0 =	vmov s26;
	v46 =	vsel vm5, v53, v39;
	s5 =	spop (v2sf);
	vm5 =	vlt.s32 v25, $0x3FF;
	v26, _, _ =	vpop (xrf2)  }
0x3a9: {  	v37 =	vadd.s32 v63, v42;
	s4 =	sadd.f32 s4, s5;
	v24 =	vnsel vm5, $0x3FF, v25;
	(v2sf) =	vpush v26, $0xF  }
0x3aa: {  	(xrf2) =	vadd.scan.msk.f32 $0xffff, v15;
	v58 =	vld.idx.msk [tilespmem:v49+s17+$0x0], $0xffff;
	v25 =	vbroadcast v11, $0x0;
	v48 =	vadd.s32 v63, v23;
	v49 =	vadd.s32 v62, v23  }
0x3ab: {  	v8 =	vld.idx.msk [tilespmem:v8+s17+$0x0], $0xffff;
	v11 =	vadd.s32 v61, v47;
	v53 =	vmov s4;
	v6 =	vsel vm9, v49, v48;
	v3, _, _ =	vpop (xrf2)  }
0x3ac: {  	v23 =	vadd.s32 v19, v24;
	(v2sf) =	vpush v3, $0xF;
	[tilespmem:v59+s19+$0x0] =	vst.idx.add.f32.msk vm0, v10;
	vm0 =	vcmask $0x3F30  }
0x3ad: {  	[tilespmem:v7+s19+$0x0] =	vst.idx.add.f32.msk $0xffff, v10;
	v24 =	vadd.s32 v61, v24;
	v7 =	vadd.f32 $0.0e+00, v53;
	v26 =	vadd.s32 v62, v42  }
0x3ae: {  	v42 =	vsel vm2, v11, v35;
	vm2 =	vcmask $0x3F30;
	v3 =	vand.u32 $0xFFFFFFFE, v55;
	v59 =	vld.idx.msk [tilespmem:v20+s17+$0x0], $0xffff;
	v20, _, _ =	vpop (xrf2)  }
0x3af: {  	[tilespmem:v52+s20+$0x0] =	vst.idx.add.f32.msk $0xffff, v14;
	v24 =	vsel vm7, v24, v23;
	v3 =	vbroadcast v3, $0x0;
	(v2sf) =	vpush v20, $0xF  }
0x3b0: {  	v2 =	vadd.s32 v61, v2;
	v0 =	vand.u32 $0xFFFFFFF8, v0;
	v7 =	vbroadcast v7, $0x0;
	[tilespmem:v6+s19+$0x0] =	vst.idx.add.f32.msk $0xffff, v10  }
0x3b1: {  	vm12 =	veq.s32 v8, v51;
	v22 =	vsel vm8, v22, v21;
	v0 =	vbroadcast v0, $0x0;
	s5 =	simm.s32 $0x13;
	s4 =	spop (v2sf);
	[tilespmem:v48+s20+$0x0] =	vst.idx.add.f32.msk $0xffff, v57  }
0x3b2: {  	s25 =	simm.s32 $0x11;
	v54 =	vmov s5;
	vm5 =	veq.s32 v38, v51;
	s4 =	sadd.f32 s16, s4;
	(erf) = vrcp.f32 v7;
	[tilespmem:v60+s20+$0x0] =	vst.idx.add.f32.msk vm0, v40  }
0x3b3: {  	v6 =	vand.u32 $0xFFFFFFFB, v54;
	v55 =	vld.idx.msk [tilespmem:v25+s17+$0x0], $0xffff;
	v40 =	vsel vm3, v2, v33;
	v2 =	vmov s25;
	s25 =	simm.s32 $0x12;
	[tilespmem:$0x1FDF0] =	vst v0  }
0x3b4: {  	v47 =	vsel vm1, v26, v37;
	v57 =	vmov s4;
	v52, _, _ =	vpop (xrf2);
	v25 =	vmov s25;
	s25 =	simm.s32 $0x14;
	[tilespmem:v24+s19+$0x0] =	vst.idx.add.f32.msk vm2, v10  }
0x3b5: {  	s5 =	simm.s32 $0x15;
	(v2sf) =	vpush v52, $0xF;
	vm0 =	veq.s32 v1, v51;
	v56 =	vmov s25;
	v60 =	vld.idx.msk [tilespmem:v3+s17+$0x0], $0xffff  }
0x3b6: {  	v0 =	vmov s5;
	v2 =	vand.u32 $0xFFFFFFF9, v2;
	s5 =	spop (v2sf);
	[tilespmem:v22+s19+$0x0] =	vst.idx.add.f32.msk vm2, v10;
	v5 =	vand.u32 $0xFFFFFFFC, v56  }
0x3b7: {  	s25 =	simm.s32 $0x16;
	v3 =	vand.u32 $0xFFFFFFFA, v25;
	s3 =	sadd.f32 s3, s5;
	[tilespmem:v23+s20+$0x0] =	vst.idx.add.f32.msk vm2, v4;
	v4 =	vadd.f32 $0.0e+00, v57;
	v63 =	vbroadcast v5, $0x0  }
0x3b8: {  	s28 =	simm.s32 $0x5190;
	v0 =	vand.u32 $0xFFFFFFFD, v0;
	v25 =	vbroadcast v2, $0x0;
	v26 =	vmov s25;
	[tilespmem:v21+s20+$0x0] =	vst.idx.add.f32.msk vm2, v9;
	s16 =	spop (v2sf)  }
0x3b9: {  	v54 =	vld [tilespmem:s28+$0x3C];
	v0 =	vbroadcast v0, $0x0;
	v62 =	vmov s3;
	v2 =	vbroadcast v4, $0x0;
	s1 =	sadd.f32 s1, s16;
	[tilespmem:$0x1FE00] =	vst v63  }
0x3ba: {  	v24 =	vbroadcast v3, $0x0;
	v23 =	vbroadcast v6, $0x0;
	v3 =	vadd.f32 $0.0e+00, v62;
	v56 =	vld [tilespmem:s28+$0x40]  }
0x3bb: {  	v26 =	vand.u32 $0xFFFFFFFE, v26;
	s25 =	spop (v2sf);
	(erf) = vrcp.f32 v2;
	v48 =	vld [tilespmem:s28+$0xFFFFFFB4];
	[tilespmem:$0x1FE10] =	vst v0;
	v0 =	vmov s1  }
0x3bc: {  	s0 =	sadd.f32 s0, s25;
	v61 =	vbroadcast v3, $0x0;
	v2 =	vlaneseq.u32;
	v53 =	vld [tilespmem:s28+$0xFFFFFFC4];
	v0 =	vadd.f32 $0.0e+00, v0  }
0x3bd: {  	vm6 =	veq.s32 v1, v2;
	v57 =	vld [tilespmem:s28+$0xFFFFFFC8];
	vm7 =	veq.s32 v38, v2;
	v1 =	vlaneseq.u32  }
0x3be: {  	s29 =	simm.s32 $0x18;
	(xrf0) =	vmax.scan.msk.f32 $0xffff, v54;
	v52 =	vld [tilespmem:s28+$0xFFFFFFD8];
	vm4 =	veq.s32 v8, v1;
	v1 =	vmov s0;
	v0 =	vbroadcast v0, $0x0;
	s0 =	spop (v2sf)  }
.LBB2_6:
0x3bf: {  	v10 =	vimm.s32 $0x0;
	v19 =	vld [tilespmem:$0x1FFB0]  }
0x3c0: {  	v8 =	vimm.s32 $0x0;
	v5 =	vlaneseq.u32;
	v3 =	vimm.s32 $0x0  }
0x3c1: {  	s0 =	sadd.f32 s31, s0;
	v4 =	vimm.s32 $0x0;
	v6 =	vlaneseq.u32;
	v49 =	vimm.s32 $0x0  }
0x3c2: {  	v51 =	vimm.s32 $0x0;
	v9 =	vsel vm0, $0xFFFFFFFF, v10;
	v7 =	vsel vm7, $0xFFFFFFFF, v8  }
0x3c3: {  	vm13 =	veq.s32 v58, v5;
	vm3 =	veq.s32 v60, v6;
	[tilespmem:$0x1FC60] =	vst v9;
	v43 =	vmov s0  }
0x3c4: {  	(xrf0) =	vmax.scan.msk.f32 $0xffff, v56;
	vm1 =	veq.s32 v59, v5;
	vm9 =	veq.s32 v55, v5;
	vm14 =	veq.s32 v58, v19  }
0x3c5: {  	v62 =	vld [tilespmem:s28+$0xFFFFFFDC];
	(xrf0) =	vmax.scan.msk.f32 $0xffff, v48;
	v3 =	vsel vm1, $0xFFFFFFFF, v3;
	vm8 =	veq.s32 v59, v19;
	vm10 =	veq.s32 v60, v19  }
0x3c6: {  	v58 =	vld [tilespmem:s28+$0xFFFFFFEC];
	[tilespmem:$0x1FC50] =	vst v3;
	v3 =	vimm.s32 $0x0;
	(xrf0) =	vmax.scan.msk.f32 $0xffff, v53;
	v8 =	vsel vm10, $0xFFFFFFFF, v51  }
0x3c7: {  	v59 =	vld [tilespmem:s28+$0xFFFFFFF0];
	vm11 =	veq.s32 v55, v19;
	v3 =	vsel vm8, $0xFFFFFFFF, v3;
	v2 =	vpop (erf);
	(xrf0) =	vmax.scan.msk.f32 $0xffff, v57;
	[tilespmem:$0x1FCE0] =	vst v8  }
0x3c8: {  	v45 =	vld [tilespmem:s28+$0x0];
	[tilespmem:$0x1FC80] =	vst v3;
	v3 =	vsel vm9, $0xFFFFFFFF, v4;
	v5 =	vmul.f32 v2, v50;
	v4 =	vsel vm11, $0xFFFFFFFF, v49  }
0x3c9: {  	v63 =	vld [tilespmem:s28+$0x4];
	v60, _, _ =	vpop (xrf0);
	(xrf0) =	vmax.scan.msk.f32 $0xffff, v52;
	v50 =	vimm.s32 $0x0;
	[tilespmem:$0x1FC90] =	vst v3;
	v3 =	vmul.f32 v2, v31  }
0x3ca: {  	v38 =	vld [tilespmem:s28+$0x14];
	v55 =	vpop (erf);
	v2 =	vadd.f32 $0.0e+00, v43;
	[tilespmem:$0x1FCB0] =	vst v4;
	v9 =	vsel vm3, $0xFFFFFFFF, v50;
	(xrf0) =	vmax.scan.msk.f32 $0xffff, v62  }
0x3cb: {  	v8 =	vmul.f32 v55, v29;
	v43 =	vld [tilespmem:s28+$0x18];
	(xrf0) =	vmax.scan.msk.f32 $0xffff, v58;
	v11, _, _ =	vpop (xrf0);
	v4 =	vsub.f32 $1.000000000e+00, v3;
	s1 =	spop (v2sf);
	(v2sf) =	vpush v60, $0xF  }
0x3cc: {  	v22 =	vld [tilespmem:s28+$0x28];
	v6 =	vmul.f32 v55, v27;
	v27 =	vimm.f32 $1.000000000e+00;
	v49, _, _ =	vpop (xrf0);
	(xrf0) =	vmax.scan.msk.f32 $0xffff, v59;
	(v2sf) =	vpush v11, $0xF  }
0x3cd: {  	v50, _, _ =	vpop (xrf0);
	(xrf0) =	vmax.scan.msk.f32 $0xffff, v45;
	v55 =	vsel vm6, v4, v3;
	v3 =	vsub.f32 $1.000000000e+00, v5;
	v60 =	vld [tilespmem:s28+$0x2C];
	s0 =	sadd.f32 s30, s1;
	(v2sf) =	vpush v49, $0xF  }
0x3ce: {  	v1 =	vadd.f32 $0.0e+00, v1;
	[tilespmem:v46+s19+$0x0] =	vst.idx.add.f32.msk $0xffff, v27;
	v51, _, _ =	vpop (xrf0);
	(xrf0) =	vmax.scan.msk.f32 $0xffff, v63;
	(v2sf) =	vpush v50, $0xF  }
0x3cf: {  	v20 =	vbroadcast v2, $0x0;
	v49, _, _ =	vpop (xrf0);
	(xrf0) =	vmax.scan.msk.f32 $0xffff, v38;
	v2 =	vmov s0;
	(v2sf) =	vpush v51, $0xF  }
0x3d0: {  	v1 =	vbroadcast v1, $0x0;
	v46 =	vld [tilespmem:$0x1FDA0];
	v2 =	vadd.f32 $0.0e+00, v2;
	v51, _, _ =	vpop (xrf0);
	(xrf0) =	vmax.scan.msk.f32 $0xffff, v43;
	(v2sf) =	vpush v49, $0xF  }
0x3d1: {  	[tilespmem:$0x1FCC0] =	vst v9;
	v9 =	vsel vm0, v3, v5;
	v3, _, _ =	vpop (xrf0);
	(xrf0) =	vmax.scan.msk.f32 $0xffff, v22;
	(v2sf) =	vpush v51, $0xF  }
0x3d2: {  	(erf) = vrcp.f32 v61;
	v21 =	vbroadcast v2, $0x0;
	v2 =	vld [tilespmem:s28+$0xFFFFFFB0];
	(v2sf) =	vpush v3, $0xF;
	v3, _, _ =	vpop (xrf0);
	(xrf0) =	vmax.scan.msk.f32 $0xffff, v60  }
0x3d3: {  	(erf) = vrcp.f32 v0;
	v50 =	vmul.f32 $1.024000000e+03, v55;
	(v2sf) =	vpush v3, $0xF;
	v0, _, _ =	vpop (xrf0)  }
0x3d4: {  	[tilespmem:$0x1FC70] =	vst v7;
	(erf) = vrcp.f32 v1;
	(v2sf) =	vpush v0, $0xF;
	v0, _, _ =	vpop (xrf0)  }
0x3d5: {  	v10 =	vsub.f32 $1.000000000e+00, v6;
	[tilespmem:v39+s20+$0x0] =	vst.idx.add.f32.msk $0xffff, v46;
	v3 =	vtrunc.f32 v50;
	(v2sf) =	vpush v0, $0xF;
	v0, _, _ =	vpop (xrf0)  }
0x3d6: {  	v7 =	vsub.f32 $1.000000000e+00, v8;
	[tilespmem:$0x1FCA0] =	vst v9;
	v3 =	vcvt.f32.s32 v3;
	(v2sf) =	vpush v0, $0xF;
	v0, _, _ =	vpop (xrf0)  }
0x3d7: {  	v6 =	vsel vm5, v10, v6;
	[tilespmem:v44+s19+$0x0] =	vst.idx.add.f32.msk vm2, v27;
	(xrf0) =	vmax.scan.msk.f32 $0xffff, v2;
	(v2sf) =	vpush v0, $0xF;
	v0, _, _ =	vpop (xrf0)  }
0x3d8: {  	v9 =	vmul.f32 $1.024000000e+03, v9;
	[tilespmem:v36+s20+$0x0] =	vst.idx.add.f32.msk vm2, v13;
	vm0 =	vlt.s32 v3, $0x3FF;
	(v2sf) =	vpush v0, $0xF;
	v0, _, _ =	vpop (xrf0)  }
0x3d9: {  	v36 =	vnsel vm0, $0x3FF, v3;
	vm0 =	vcmask $0x3F30;
	(v2sf) =	vpush v0, $0xF;
	v0 =	vld [tilespmem:$0x1FDB0]  }
0x3da: {  	v8 =	vsel vm7, v7, v8;
	(erf) = vrcp.f32 v20;
	[tilespmem:$0x1FCF0] =	vst v6;
	v6 =	vmul.f32 $1.024000000e+03, v6  }
0x3db: {  	[tilespmem:v47+s19+$0x0] =	vst.idx.add.f32.msk $0xffff, v27;
	v11 =	vmul.f32 $1.024000000e+03, v8;
	v1 =	vtrunc.f32 v9  }
0x3dc: {  	v1 =	vcvt.f32.s32 v1;
	v3 =	vld [tilespmem:$0x1FD80]  }
0x3dd: {  	v4 =	vtrunc.f32 v11;
	v49 =	vtrunc.f32 v6;
	v51 =	vld [tilespmem:$0x1FD90];
	v50, _, _ =	vpop (xrf0)  }
0x3de: {  	vm1 =	vlt.s32 v1, $0x3FF;
	(erf) = vrcp.f32 v21;
	(v2sf) =	vpush v50, $0xF;
	[tilespmem:v37+s20+$0x0] =	vst.idx.add.f32.msk $0xffff, v0;
	v0 =	vpop (erf)  }
0x3df: {  	[tilespmem:v42+s19+$0x0] =	vst.idx.add.f32.msk vm0, v27;
	v13 =	vmul.f32 v0, v32;
	v14 =	vmul.f32 v0, v16;
	v0 =	vpop (erf);
	vm0 =	vcmask $0x3F30  }
0x3e0: {  	s3 =	spop (v2sf);
	v37 =	vnsel vm1, $0x3FF, v1;
	v1 =	vld [tilespmem:$0x1FDC0];
	v31 =	vmul.f32 v0, v30;
	v11 =	vmul.f32 v0, v17;
	v0 =	vpop (erf)  }
0x3e1: {  	s1 =	spop (v2sf);
	v30 =	vmul.f32 v0, v12;
	v12 =	vmul.f32 v0, v3;
	v3 =	vld [tilespmem:$0x1FDD0]  }
0x3e2: {  	v4 =	vcvt.f32.s32 v4;
	v39 =	vcvt.f32.s32 v49;
	s0 =	spop (v2sf)  }
0x3e3: {  	s4 =	spop (v2sf)  }
0x3e4: {  	[tilespmem:v41+s19+$0x0] =	vst.idx.add.f32.msk $0xffff, v27;
	vm2 =	vlt.s32 v4, $0x3FF;
	vm15 =	vlt.s32 v39, $0x3FF;
	s1 =	smax.f32 s3, s1;
	s3 =	spop (v2sf);
	v0 =	vpop (erf)  }
0x3e5: {  	v5 =	vnsel vm15, $0x3FF, v39;
	s5 =	spop (v2sf);
	v10 =	vmul.f32 v0, v28;
	[tilespmem:v35+s20+$0x0] =	vst.idx.add.f32.msk vm0, v1;
	v1 =	vmov s1  }
0x3e6: {  	s16 =	spop (v2sf);
	v61 =	vsub.f32 $1.000000000e+00, v13;
	v0 =	vmul.f32 v0, v51;
	[tilespmem:v34+s20+$0x0] =	vst.idx.add.f32.msk $0xffff, v3;
	v3 =	vsub.f32 v54, v1  }
0x3e7: {  	s25 =	spop (v2sf);
	v20 =	vsub.f32 $1.000000000e+00, v31;
	v35 =	vnsel vm2, $0x3FF, v4;
	s1 =	smax.f32 s4, s3;
	v1 =	vsub.f32 v56, v1  }
0x3e8: {  	vm0 =	vcmask $0x3F30;
	s4 =	spop (v2sf);
	v56 =	vmov s1;
	s1 =	smax.f32 s5, s16;
	v3 =	vmul.f32 $1.442695020e+00, v3  }
0x3e9: {  	v54 =	vpop (erf);
	s5 =	spop (v2sf);
	v4 =	vsub.f32 v57, v56;
	v44 =	vmov s1;
	v1 =	vmul.f32 $1.442695020e+00, v1  }
0x3ea: {  	v29 =	vmul.f32 v54, v15;
	s1 =	smax.f32 s25, s4;
	s16 =	spop (v2sf);
	v46 =	vsub.f32 v62, v44;
	(erf) = vpow2.f32 v3  }
0x3eb: {  	v49 =	vmov s1;
	s1 =	smax.f32 s5, s16;
	s25 =	spop (v2sf);
	v4 =	vmul.f32 $1.442695020e+00, v4;
	(erf) = vpow2.f32 v1  }
0x3ec: {  	v47 =	vsub.f32 v52, v44;
	v7 =	vsub.f32 v59, v49;
	v15 =	vmov s1;
	s4 =	spop (v2sf)  }
0x3ed: {  	v52 =	vsub.f32 v45, v15;
	v15 =	vsub.f32 v63, v15;
	s5 =	spop (v2sf);
	(erf) = vpow2.f32 v4  }
0x3ee: {  	[tilespmem:$0x1FCD0] =	vst v8;
	v28 =	vmul.f32 v54, v18;
	v41 =	vsub.f32 v53, v56;
	v8 =	vmul.f32 $1.442695020e+00, v46;
	s1 =	smax.f32 s25, s4;
	s16 =	spop (v2sf)  }
0x3ef: {  	v51 =	vmul.f32 $1.442695020e+00, v7;
	v16 =	vmov s1;
	v53 =	vmul.f32 $1.442695020e+00, v15;
	s25 =	spop (v2sf)  }
0x3f0: {  	v15 =	vsub.f32 v38, v16;
	v16 =	vsub.f32 v43, v16;
	s1 =	smax.f32 s5, s16;
	(erf) = vpow2.f32 v8;
	s0 =	smax.f32 s25, s0  }
0x3f1: {  	v17 =	vmov s1;
	(erf) = vpow2.f32 v51;
	v54 =	vmov s0  }
0x3f2: {  	v16 =	vmul.f32 $1.442695020e+00, v16;
	v18 =	vsub.f32 v60, v17;
	v56 =	vsub.f32 v22, v17;
	v22 =	vld [tilespmem:$0x1FFA0]  }
0x3f3: {  	v1 =	vmul.f32 $1.442695020e+00, v41;
	v4 =	vsub.f32 v48, v54;
	v41 =	vpop (erf);
	(erf) = vpow2.f32 v53  }
0x3f4: {  	[tilespmem:v40+s19+$0x0] =	vst.idx.add.f32.msk vm0, v27;
	v17 =	vmul.f32 $1.442695020e+00, v18;
	v40 =	vpop (erf);
	(xrf2) =	vadd.scan.msk.f32 $0xffff, v41;
	(erf) = vpow2.f32 v16  }
0x3f5: {  	v21 =	vsub.f32 $1.000000000e+00, v11;
	v32 =	vsub.f32 $1.000000000e+00, v30;
	v4 =	vmul.f32 $1.442695020e+00, v4  }
0x3f6: {  	v57 =	vsub.f32 $1.000000000e+00, v12;
	vm0 =	vcmask $0x3F30;
	v45 =	vpop (erf);
	(erf) = vpow2.f32 v17  }
0x3f7: {  	v42 =	vld [tilespmem:$0x1FDE0];
	v50 =	vsub.f32 v58, v49;
	v18 =	vmul.f32 v22, v40;
	(erf) = vpow2.f32 v4  }
0x3f8: {  	v58 =	vsub.f32 $1.000000000e+00, v29;
	v59 =	vsub.f32 $1.000000000e+00, v28;
	v6 =	vmul.f32 $1.442695020e+00, v47  }
0x3f9: {  	v3 =	vsub.f32 $1.000000000e+00, v14;
	v63 =	vld [tilespmem:$0x1FC50];
	v9 =	vmul.f32 $1.442695020e+00, v50;
	v7 =	vmul.f32 $1.442695020e+00, v52;
	(xrf2) =	vadd.scan.msk.f32 $0xffff, v18  }
0x3fa: {  	v52 =	vsel vm13, v20, v31;
	v2 =	vsub.f32 v2, v54;
	v48 =	vsel vm14, v21, v11;
	v38 =	vpop (erf)  }
0x3fb: {  	v15 =	vmul.f32 $1.442695020e+00, v15;
	v54 =	vsel vm4, v61, v13;
	v20 =	vmul.f32 $1.024000000e+03, v48;
	v43 =	vpop (erf)  }
0x3fc: {  	v8 =	vmul.f32 $1.442695020e+00, v56;
	[tilespmem:v33+s20+$0x0] =	vst.idx.add.f32.msk vm0, v42;
	v2 =	vmul.f32 $1.442695020e+00, v2;
	vm0 =	vmmov vm12;
	v60 =	vpop (erf)  }
0x3fd: {  	v20 =	vtrunc.f32 v20;
	v53 =	vsel vm12, v3, v14;
	v33 =	vmul.f32 v22, v45;
	v62 =	vpop (erf)  }
0x3fe: {  	vm12 =	vnez.u8 v63;
	v20 =	vcvt.f32.s32 v20;
	(erf) = vpow2.f32 v2;
	v61, _, _ =	vpop (xrf2)  }
0x3ff: {  	v13 =	vsel vm12, v32, v30;
	(erf) = vpow2.f32 v1;
	v1 =	vsub.f32 $1.000000000e+00, v0;
	(xrf2) =	vadd.scan.msk.f32 $0xffff, v33;
	v16 =	vpop (erf)  }
0x400: {  	v21 =	vmul.f32 $1.024000000e+03, v13;
	vm2 =	vlt.s32 v20, $0x3FF;
	v34 =	vmul.f32 v22, v38;
	v50 =	vpop (erf)  }
0x401: {  	v2 =	vsub.f32 $1.000000000e+00, v10;
	v56 =	vsel vm11, v1, v0;
	v0 =	vmul.f32 v22, v50  }
0x402: {  	v17 =	vld [tilespmem:$0x1FFF0];
	v18 =	vsel vm8, v57, v12;
	v57 =	vsel vm10, v59, v28;
	v59 =	vmul.f32 $1.024000000e+03, v52  }
0x403: {  	v14 =	vld [tilespmem:$0x1FFD0];
	v21 =	vtrunc.f32 v21;
	v44 =	vmul.f32 v22, v43;
	(v2sf) =	vpush v61, $0xF;
	v46, _, _ =	vpop (xrf2);
	(xrf2) =	vadd.scan.msk.f32 $0xffff, v0  }
0x404: {  	v21 =	vcvt.f32.s32 v21;
	(erf) = vpow2.f32 v6;
	(v2sf) =	vpush v46, $0xF  }
0x405: {  	v47 =	vsel vm9, v2, v10;
	v2 =	vsel vm3, v58, v29;
	v58 =	vmul.f32 $1.024000000e+03, v53  }
0x406: {  	vm10 =	vmmov vm4;
	(erf) = vpow2.f32 v9;
	v1 =	vmul.f32 $1.024000000e+03, v54;
	[tilespmem:$0x1FDB0] =	vst v47  }
0x407: {  	v42 =	vadd.s32 v17, v37;
	v39 =	vmul.f32 $1.024000000e+03, v47;
	[tilespmem:$0x1FDD0] =	vst v2;
	v47 =	vmul.f32 $1.024000000e+03, v2  }
0x408: {  	v2 =	vadd.s32 v14, v37;
	v6 =	vtrunc.f32 v58;
	(erf) = vpow2.f32 v7;
	(xrf2) =	vadd.scan.msk.f32 $0xffff, v34  }
0x409: {  	v1 =	vtrunc.f32 v1;
	[tilespmem:$0x1FD90] =	vst v62;
	v7 =	vmul.f32 v22, v62;
	v62, _, _ =	vpop (xrf2);
	(xrf2) =	vadd.scan.msk.f32 $0xffff, v44  }
0x40a: {  	[tilespmem:$0x1FDA0] =	vst v13;
	v13 =	vld [tilespmem:$0x1FFC0];
	vm15 =	vlt.s32 v21, $0x3FF;
	v63 =	vtrunc.f32 v39;
	v58 =	vtrunc.f32 v47  }
0x40b: {  	vm11 =	vmmov vm0;
	v6 =	vcvt.f32.s32 v6;
	(erf) = vpow2.f32 v15;
	v15 =	vld [tilespmem:$0x1FFE0]  }
0x40c: {  	v39 =	vnsel vm2, $0x3FF, v20;
	v20 =	vnsel vm15, $0x3FF, v21;
	v3 =	vmul.f32 v22, v60  }
0x40d: {  	(erf) = vpow2.f32 v8;
	v8 =	vtrunc.f32 v59;
	(v2sf) =	vpush v62, $0xF;
	v59, _, _ =	vpop (xrf2)  }
0x40e: {  	[tilespmem:$0x1FD80] =	vst v60;
	v1 =	vcvt.f32.s32 v1;
	v60 =	vcvt.f32.s32 v63;
	(v2sf) =	vpush v59, $0xF  }
0x40f: {  	v63 =	vcvt.f32.s32 v58;
	v33 =	vmul.f32 $1.024000000e+03, v18;
	vm7 =	vlt.s32 v6, $0x3FF  }
0x410: {  	v4 =	vmul.f32 v22, v16;
	v0 =	vadd.s32 v15, v36;
	v36 =	vadd.s32 v13, v36;
	(xrf2) =	vadd.scan.msk.f32 $0xffff, v3  }
0x411: {  	v31 =	vpop (erf);
	v33 =	vtrunc.f32 v33;
	v34 =	vmul.f32 $1.024000000e+03, v57;
	v3 =	vsel vm6, v36, v0;
	(xrf2) =	vadd.scan.msk.f32 $0xffff, v7  }
0x412: {  	v8 =	vcvt.f32.s32 v8;
	vm8 =	vlt.s32 v1, $0x3FF;
	v33 =	vcvt.f32.s32 v33;
	v10, _, _ =	vpop (xrf2);
	(xrf2) =	vadd.scan.msk.f32 $0xffff, v4;
	s1 =	spop (v2sf)  }
0x413: {  	vm4 =	vlt.s32 v60, $0x3FF;
	v46 =	vmul.f32 $1.024000000e+03, v56;
	v34 =	vtrunc.f32 v34;
	s3 =	spop (v2sf);
	v11, _, _ =	vpop (xrf2);
	(xrf2) =	vadd.scan.msk.f32 $0xffff, v31  }
0x414: {  	vm0 =	vlt.s32 v63, $0x3FF;
	v29 =	vpop (erf);
	vm3 =	vlt.s32 v33, $0x3FF;
	v34 =	vcvt.f32.s32 v34;
	s0 =	sadd.f32 s3, s1  }
0x415: {  	[tilespmem:$0x1FDE0] =	vst v57;
	v51 =	vpop (erf);
	v57 =	vtrunc.f32 v46;
	v21 =	vnsel vm3, $0x3FF, v33;
	v33 =	vnsel vm4, $0x3FF, v60  }
0x416: {  	v49 =	vpop (erf);
	v9 =	vadd.s32 v13, v33;
	vm1 =	vlt.s32 v34, $0x3FF;
	[tilespmem:v3+s19+$0x0] =	vst.idx.add.f32.msk $0xffff, v27;
	v3 =	vmov s0  }
0x417: {  	s4 =	sadd.s32 $0x7, s26;
	v30 =	vpop (erf);
	v62 =	vcvt.f32.s32 v57;
	(v2sf) =	vpush v10, $0xF;
	v3 =	vadd.f32 $0.0e+00, v3  }
0x418: {  	v32 =	vpop (erf);
	vm6 =	vlt.s32 v8, $0x3FF;
	v46 =	vnsel vm1, $0x3FF, v34;
	v34 =	vmov s4  }
0x419: {  	v58 =	vld [tilespmem:$0x1FDF0];
	v28 =	vpop (erf);
	v37 =	vnsel vm6, $0x3FF, v8;
	v8 =	vnsel vm0, $0x3FF, v63;
	v3 =	vbroadcast v3, $0x0  }
0x41a: {  	v4 =	vadd.s32 v13, v37;
	[tilespmem:v0+s20+$0x0] =	vst.idx.add.f32.msk $0xffff, v55;
	v0 =	vnsel vm8, $0x3FF, v1;
	(v2sf) =	vpush v11, $0xF;
	v55, _, _ =	vpop (xrf2)  }
0x41b: {  	v1 =	vnsel vm7, $0x3FF, v6;
	(xrf2) =	vadd.scan.msk.f32 $0xffff, v29;
	(v2sf) =	vpush v55, $0xF;
	v57, _, _ =	vpop (xrf2);
	(erf) = vrcp.f32 v3  }
0x41c: {  	v60 =	vld [tilespmem:$0x1FC60];
	v22 =	vadd.s32 v17, v1;
	v55 =	vadd.s32 v14, v1;
	v59, _, _ =	vpop (xrf2);
	s0 =	spop (v2sf);
	(v2sf) =	vpush v57, $0xF  }
0x41d: {  	v63 =	vld.idx.msk [tilespmem:v24+s17+$0x0], $0xffff;
	v1 =	vadd.s32 v15, v37;
	v37 =	vadd.s32 v15, v33;
	s3 =	spop (v2sf);
	(v2sf) =	vpush v59, $0xF;
	v24, _, _ =	vpop (xrf2)  }
0x41e: {  	v33 =	vadd.s32 v17, v46;
	(v2sf) =	vpush v24, $0xF;
	v24 =	vadd.s32 v14, v46;
	v46 =	vld [tilespmem:$0x1FC70];
	_ =	sdelay $0x2  }
0x41f: {  	vm9 =	vmmov vm5;
	v61 =	vadd.s32 v15, v35;
	vm5 =	vlt.s32 v62, $0x3FF;
	v57 =	vld.idx.msk [tilespmem:v58+s17+$0x0], $0xffff  }
0x420: {  	v44 =	vadd.s32 v13, v35;
	vm0 =	vnez.u8 v60;
	v3 =	vnsel vm5, $0x3FF, v62;
	v62 =	vld.idx.msk [tilespmem:v25+s17+$0x0], $0xffff  }
0x421: {  	v2 =	vsel vm0, v2, v42;
	v25 =	vbroadcast v26, $0x0;
	v26 =	vld.idx.msk [tilespmem:v34+s17+$0x0], $0xffff;
	vm0 =	vnez.u8 v46  }
0x422: {  	v58 =	vld.idx.msk [tilespmem:v23+s17+$0x0], $0xffff;
	v23 =	vpop (erf);
	v10 =	vsel vm0, v44, v61;
	vm0 =	vcmask $0x3F30  }
0x423: {  	v60, _, _ =	vpop (xrf2);
	v41 =	vmul.f32 v23, v41  }
0x424: {  	s1 =	spop (v2sf);
	(v2sf) =	vpush v60, $0xF  }
0x425: {  	v60 =	vlaneseq.u32;
	v23 =	vmul.f32 v23, v40;
	v40 =	vsub.f32 $1.000000000e+00, v41  }
0x426: {  	vm2 =	veq.s32 v26, v60  }
0x427: {  	v60 =	vld.idx.msk [tilespmem:v25+s17+$0x0], $0xffff;
	v25 =	vsel vm2, v40, v41;
	v40 =	vsub.f32 $1.000000000e+00, v23  }
0x428: {  	vm1 =	veq.s32 v26, v19;
	[tilespmem:v2+s19+$0x0] =	vst.idx.add.f32.msk vm0, v27  }
0x429: {  	v2 =	vsel vm1, v40, v23;
	v23 =	vld [tilespmem:$0x1FC80];
	_ =	sdelay $0x4  }
0x42a: {  	v36 =	vadd.s32 v17, v21;
	v21 =	vadd.s32 v14, v21;
	vm0 =	vnez.u8 v23  }
0x42b: {  	(xrf2) =	vadd.scan.msk.f32 $0xffff, v51;
	v44 =	vsel vm0, v21, v36;
	v21 =	vld [tilespmem:$0x1FC90];
	_ =	sdelay $0x4  }
0x42c: {  	v7 =	vadd.s32 v15, v0;
	v47 =	vadd.s32 v13, v0;
	vm0 =	vnez.u8 v21  }
0x42d: {  	v11 =	vsel vm10, v47, v7;
	v47 =	vsel vm0, v9, v37;
	vm0 =	vcmask $0x3F30  }
0x42e: {  	v23 =	vld [tilespmem:$0x1FCA0];
	_ =	sdelay $0x1  }
0x42f: {  	v40 =	vld [tilespmem:$0x1FCD0]  }
0x430: {  	v41, _, _ =	vpop (xrf2);
	[tilespmem:v10+s19+$0x0] =	vst.idx.add.f32.msk $0xffff, v27  }
0x431: {  	s16 =	spop (v2sf);
	(v2sf) =	vpush v41, $0xF;
	v41 =	vld [tilespmem:$0x1FCC0]  }
0x432: {  	(xrf2) =	vadd.scan.msk.f32 $0xffff, v49;
	[tilespmem:v42+s20+$0x0] =	vst.idx.add.f32.msk vm0, v23  }
0x433: {  	[tilespmem:$0x1FDC0] =	vst v56;
	v56 =	vadd.s32 v17, v5;
	(xrf2) =	vadd.scan.msk.f32 $0xffff, v30;
	v23 =	vld [tilespmem:$0x1FCB0]  }
0x434: {  	v5 =	vadd.s32 v14, v5;
	v6 =	vadd.s32 v14, v39;
	[tilespmem:v61+s20+$0x0] =	vst.idx.add.f32.msk $0xffff, v40  }
0x435: {  	v0 =	vadd.s32 v17, v39;
	v39 =	vadd.s32 v15, v20;
	v20 =	vadd.s32 v13, v20;
	v40 =	vld [tilespmem:$0x1FCE0]  }
0x436: {  	v4 =	vsel vm13, v4, v1;
	v46 =	vsel vm12, v20, v39;
	v20 =	vmul.f32 $1.024000000e+03, v25  }
0x437: {  	v34 =	vadd.s32 v15, v8;
	v8 =	vadd.s32 v13, v8;
	v35 =	vadd.s32 v17, v3  }
0x438: {  	v3 =	vadd.s32 v14, v3;
	(xrf2) =	vadd.scan.msk.f32 $0xffff, v32;
	v9 =	vtrunc.f32 v20;
	vm0 =	vnez.u8 v23  }
0x439: {  	v42 =	vsel vm0, v3, v35;
	v3 =	vcvt.f32.s32 v9;
	vm0 =	vnez.u8 v41  }
0x43a: {  	v12 =	vsel vm11, v55, v22;
	v55 =	vld [tilespmem:$0x1FE10];
	v41 =	vsel vm0, v8, v34;
	vm0 =	vnez.u8 v40  }
0x43b: {  	vm3 =	vcmask $0x3F30;
	[tilespmem:v11+s19+$0x0] =	vst.idx.add.f32.msk $0xffff, v27;
	v40 =	vsel vm0, v24, v33;
	vm0 =	vlt.s32 v3, $0x3FF  }
0x43c: {  	v5 =	vsel vm9, v5, v56;
	[tilespmem:v7+s20+$0x0] =	vst.idx.add.f32.msk $0xffff, v54;
	v21, _, _ =	vpop (xrf2);
	v3 =	vnsel vm0, $0x3FF, v3;
	vm0 =	vcmask $0x3F30  }
0x43d: {  	s25 =	spop (v2sf);
	v10 =	vld [tilespmem:$0x1FCF0];
	v20 =	vmul.f32 $1.024000000e+03, v2;
	(v2sf) =	vpush v21, $0xF;
	v61, _, _ =	vpop (xrf2)  }
0x43e: {  	[tilespmem:v4+s19+$0x0] =	vst.idx.add.f32.msk $0xffff, v27;
	s31 =	spop (v2sf);
	(v2sf) =	vpush v61, $0xF;
	v61 =	vadd.s32 v15, v3;
	v3 =	vadd.s32 v13, v3  }
0x43f: {  	[tilespmem:v1+s20+$0x0] =	vst.idx.add.f32.msk $0xffff, v52;
	v8 =	vtrunc.f32 v20;
	v3 =	vsel vm2, v3, v61;
	vm2 =	vcmask $0x3F30  }
0x440: {  	v59 =	vld [tilespmem:$0x1FE00];
	(xrf2) =	vadd.scan.msk.f32 $0xffff, v28;
	v8 =	vcvt.f32.s32 v8  }
0x441: {  	v6 =	vsel vm14, v6, v0;
	vm5 =	veq.s32 v62, v19;
	s30 =	spop (v2sf);
	[tilespmem:v5+s19+$0x0] =	vst.idx.add.f32.msk vm3, v27;
	v13 =	vmov v18  }
0x442: {  	s4 =	spop (v2sf);
	v18 =	vmov v16;
	v16 =	vmov v38;
	v38, _, _ =	vpop (xrf2);
	[tilespmem:v56+s20+$0x0] =	vst.idx.add.f32.msk vm0, v10;
	vm0 =	vlt.s32 v8, $0x3FF  }
0x443: {  	v55 =	vld.idx.msk [tilespmem:v55+s17+$0x0], $0xffff;
	vm12 =	veq.s32 v63, v19;
	s3 =	sadd.f32 s3, s4;
	s4 =	sadd.s32 $0x3, s29;
	v15 =	vmovc v28;
	(v2sf) =	vpush v38, $0xF;
	v8 =	vnsel vm0, $0x3FF, v8  }
0x444: {  	s5 =	sadd.s32 $0x1, s29;
	v1 =	vmov s4;
	v28 =	vmovc v32;
	[tilespmem:v3+s19+$0x0] =	vst.idx.add.f32.msk $0xffff, v27;
	v7 =	vadd.s32 v17, v8;
	v8 =	vadd.s32 v14, v8  }
0x445: {  	v32 =	vmovc v51;
	v51 =	vmov s5;
	s5 =	sadd.s32 $0x2, s29;
	v17 =	vmovc v43;
	[tilespmem:v12+s19+$0x0] =	vst.idx.add.f32.msk vm2, v27;
	v43 =	vmov s29;
	v8 =	vsel vm1, v8, v7  }
0x446: {  	v1 =	vand.u32 $0xFFFFFFFB, v1;
	v54 =	vmov s5;
	[tilespmem:v61+s20+$0x0] =	vst.idx.add.f32.msk $0xffff, v25;
	v9 =	vand.u32 $0xFFFFFFF8, v43  }
0x447: {  	s5 =	sadd.s32 $0x4, s29;
	v4 =	vand.u32 $0xFFFFFFFA, v54;
	v12 =	vmov s3;
	s3 =	spop (v2sf);
	[tilespmem:v6+s19+$0x0] =	vst.idx.add.f32.msk vm2, v27;
	v3 =	vbroadcast v9, $0x0  }
0x448: {  	s4 =	sadd.s32 $0x5, s29;
	v23 =	vbroadcast v1, $0x0;
	v24 =	vbroadcast v4, $0x0;
	v56 =	vmov s5;
	[tilespmem:v22+s20+$0x0] =	vst.idx.add.f32.msk vm2, v53;
	s0 =	sadd.f32 s0, s3  }
0x449: {  	v59 =	vld.idx.msk [tilespmem:v59+s17+$0x0], $0xffff;
	vm0 =	veq.s32 v57, v19;
	v61 =	vand.u32 $0xFFFFFFF9, v51;
	[tilespmem:$0x1FDF0] =	vst v3;
	v3 =	vmov s4;
	s4 =	spop (v2sf)  }
0x44a: {  	s5 =	sadd.s32 $0x6, s29;
	v53, _, _ =	vpop (xrf2);
	v20 =	vadd.f32 $0.0e+00, v12;
	v25 =	vbroadcast v61, $0x0;
	v14 =	vmov s0;
	s0 =	sadd.f32 s1, s4;
	[tilespmem:v8+s19+$0x0] =	vst.idx.add.f32.msk vm2, v27  }
0x44b: {  	(v2sf) =	vpush v53, $0xF;
	v9 =	vmov s5;
	[tilespmem:v7+s20+$0x0] =	vst.idx.add.f32.msk vm2, v2;
	v2 =	vand.u32 $0xFFFFFFFC, v56  }
0x44c: {  	s28 =	sadd.s32 $0xA0, s28;
	[tilespmem:v0+s20+$0x0] =	vst.idx.add.f32.msk vm2, v48;
	v43 =	vadd.f32 $0.0e+00, v14;
	s5 =	spop (v2sf);
	v61 =	vmov s0;
	v1 =	vbroadcast v2, $0x0  }
0x44d: {  	p0 =	slt.u32 s29, $0x3F8;
	v38 =	vbroadcast v20, $0x0;
	v3 =	vand.u32 $0xFFFFFFFD, v3;
	s0 =	sadd.f32 s16, s5;
	v54 =	vld [tilespmem:s28+$0x3C];
	v0 =	vadd.f32 $0.0e+00, v61  }
.Ltmp2:
0x44e: {  	v48 =	vld [tilespmem:s28+$0xFFFFFFB4];
	v26 =	vand.u32 $0xFFFFFFFE, v9;
	v51 =	vbroadcast v43, $0x0;
	[tilespmem:$0x1FE00] =	vst v1;
	v1 =	vbroadcast v3, $0x0;
	(pc) =	sbr.rel @p0 .LBB2_6-.Ltmp2, $4  }
0x44f: {  	v53 =	vld [tilespmem:s28+$0xFFFFFFC4];
	(erf) = vrcp.f32 v38;
	s16 =	spop (v2sf);
	v61 =	vbroadcast v0, $0x0;
	v0 =	vmov s0  }
0x450: {  	v52 =	vld [tilespmem:s28+$0xFFFFFFD8];
	(erf) = vrcp.f32 v51;
	s0 =	sadd.f32 s25, s16;
	v0 =	vadd.f32 $0.0e+00, v0;
	[tilespmem:$0x1FE10] =	vst v1;
	v1 =	vlaneseq.u32  }
0x451: {  	v12 =	vmovc v30;
	v30 =	vmovc v49;
	v56 =	vld [tilespmem:s28+$0x40];
	vm6 =	veq.s32 v57, v1;
	vm7 =	veq.s32 v62, v1;
	v1 =	vlaneseq.u32  }
0x452: {  	s26 =	smov.u32 s29;
	s29 =	sadd.s32 $0x8, s29;
	v27 =	vmovc v45;
	v57 =	vld [tilespmem:s28+$0xFFFFFFC8];
	(xrf0) =	vmax.scan.msk.f32 $0xffff, v54;
	v0 =	vbroadcast v0, $0x0;
	vm4 =	veq.s32 v63, v1;
	v1 =	vmov s0;
	s0 =	spop (v2sf)  }
0x453: {  	v51 =	vld [tilespmem:$0x1FFB0];
	_ =	sdelay $0x4  }
0x454: {  	v4 =	vlaneseq.u32;
	v2 =	vimm.s32 $0x0;
	(xrf0) =	vmax.scan.msk.f32 $0xffff, v56;
	vm1 =	veq.s32 v58, v51  }
0x455: {  	v1 =	vadd.f32 $0.0e+00, v1;
	v8 =	vlaneseq.u32;
	v2 =	vsel vm1, $0xFFFFFFFF, v2  }
0x456: {  	v62 =	vld [tilespmem:s28+$0xFFFFFFDC];
	s0 =	sadd.f32 s31, s0;
	v43 =	vimm.s32 $0x0;
	(erf) = vrcp.f32 v61;
	(xrf0) =	vmax.scan.msk.f32 $0xffff, v48;
	[tilespmem:$0x1FB20] =	vst v2  }
0x457: {  	vm10 =	veq.s32 v58, v4;
	vm11 =	veq.s32 v59, v4;
	vm8 =	veq.s32 v55, v4;
	(xrf0) =	vmax.scan.msk.f32 $0xffff, v53;
	v19 =	vld [tilespmem:s28+$0xFFFFFFEC]  }
0x458: {  	vm9 =	veq.s32 v60, v8;
	v38 =	vmov s0;
	vm3 =	veq.s32 v60, v51;
	(xrf0) =	vmax.scan.msk.f32 $0xffff, v57;
	v22 =	vld [tilespmem:s28+$0xFFFFFFF0];
	v2 =	vpop (erf)  }
0x459: {  	v1 =	vbroadcast v1, $0x0;
	v7, _, _ =	vpop (xrf0);
	v8 =	vsel vm3, $0xFFFFFFFF, v43;
	v3 =	vmul.f32 v2, v31;
	v31 =	vld [tilespmem:s28+$0x0]  }
0x45a: {  	s5 =	spop (v2sf);
	(xrf0) =	vmax.scan.msk.f32 $0xffff, v52;
	(v2sf) =	vpush v7, $0xF;
	v63 =	vld [tilespmem:s28+$0x4];
	v45, _, _ =	vpop (xrf0);
	v5 =	vmul.f32 v2, v50;
	[tilespmem:$0x1FB30] =	vst v8  }
0x45b: {  	v4 =	vadd.f32 $0.0e+00, v38;
	vm13 =	veq.s32 v55, v51;
	(xrf0) =	vmax.scan.msk.f32 $0xffff, v62;
	v2 =	vpop (erf);
	(v2sf) =	vpush v45, $0xF;
	v38 =	vld [tilespmem:s28+$0x14]  }
0x45c: {  	v10, _, _ =	vpop (xrf0);
	v49 =	vmul.f32 v2, v29;
	v60 =	vld [tilespmem:s28+$0x18];
	v6 =	vsub.f32 $1.000000000e+00, v3;
	v11 =	vsub.f32 $1.000000000e+00, v5;
	(xrf0) =	vmax.scan.msk.f32 $0xffff, v19  }
0x45d: {  	vm1 =	veq.s32 v59, v51;
	s0 =	sadd.f32 s30, s5;
	v50 =	vmul.f32 v2, v27;
	v45 =	vld [tilespmem:s28+$0x28];
	(v2sf) =	vpush v10, $0xF;
	v2, _, _ =	vpop (xrf0);
	(xrf0) =	vmax.scan.msk.f32 $0xffff, v22  }
0x45e: {  	v58 =	vld [tilespmem:s28+$0x2C];
	(v2sf) =	vpush v2, $0xF;
	v59, _, _ =	vpop (xrf0);
	v55 =	vsel vm6, v6, v3;
	v3 =	vsub.f32 $1.000000000e+00, v49;
	(xrf0) =	vmax.scan.msk.f32 $0xffff, v31  }
0x45f: {  	v9 =	vmov s0;
	v2 =	vld [tilespmem:s28+$0xFFFFFFB0];
	v10 =	vsub.f32 $1.000000000e+00, v50;
	(v2sf) =	vpush v59, $0xF;
	(xrf0) =	vmax.scan.msk.f32 $0xffff, v63  }
0x460: {  	v43 =	vsel vm0, v11, v5;
	v11, _, _ =	vpop (xrf0);
	v27 =	vsel vm7, v3, v49;
	v3 =	vadd.f32 $0.0e+00, v9;
	(xrf0) =	vmax.scan.msk.f32 $0xffff, v38  }
0x461: {  	(erf) = vrcp.f32 v0;
	v49 =	vsel vm5, v10, v50;
	(v2sf) =	vpush v11, $0xF;
	v50, _, _ =	vpop (xrf0);
	(xrf0) =	vmax.scan.msk.f32 $0xffff, v60  }
0x462: {  	v4 =	vbroadcast v4, $0x0;
	(v2sf) =	vpush v50, $0xF;
	v3 =	vbroadcast v3, $0x0;
	v59, _, _ =	vpop (xrf0);
	(xrf0) =	vmax.scan.msk.f32 $0xffff, v45  }
0x463: {  	(erf) = vrcp.f32 v1;
	(v2sf) =	vpush v59, $0xF;
	v0, _, _ =	vpop (xrf0);
	(xrf0) =	vmax.scan.msk.f32 $0xffff, v58  }
0x464: {  	(erf) = vrcp.f32 v4;
	(v2sf) =	vpush v0, $0xF;
	(xrf0) =	vmax.scan.msk.f32 $0xffff, v2;
	v1, _, _ =	vpop (xrf0)  }
0x465: {  	v61 =	vmul.f32 $1.024000000e+03, v55;
	v10 =	vimm.s32 $0x0;
	(v2sf) =	vpush v1, $0xF;
	v8, _, _ =	vpop (xrf0)  }
0x466: {  	v9 =	vmul.f32 $1.024000000e+03, v49;
	(erf) = vrcp.f32 v3;
	(v2sf) =	vpush v8, $0xF;
	v3, _, _ =	vpop (xrf0)  }
0x467: {  	v5 =	vtrunc.f32 v61;
	v0 =	vmul.f32 $1.024000000e+03, v43;
	(v2sf) =	vpush v3, $0xF;
	v3, _, _ =	vpop (xrf0)  }
0x468: {  	v6 =	vsel vm7, $0xFFFFFFFF, v10;
	v11 =	vimm.s32 $0x0;
	(v2sf) =	vpush v3, $0xF;
	v3, _, _ =	vpop (xrf0)  }
0x469: {  	v5 =	vcvt.f32.s32 v5;
	v0 =	vtrunc.f32 v0;
	(v2sf) =	vpush v3, $0xF;
	v3, _, _ =	vpop (xrf0)  }
0x46a: {  	v1 =	vmul.f32 $1.024000000e+03, v27;
	v0 =	vcvt.f32.s32 v0;
	(v2sf) =	vpush v3, $0xF;
	v3, _, _ =	vpop (xrf0)  }
0x46b: {  	[tilespmem:$0x1FC70] =	vst v6;
	v6 =	vsel vm0, $0xFFFFFFFF, v11;
	vm0 =	vlt.s32 v5, $0x3FF;
	s16 =	spop (v2sf);
	(v2sf) =	vpush v3, $0xF  }
0x46c: {  	v61 =	vnsel vm0, $0x3FF, v5;
	v1 =	vtrunc.f32 v1;
	s1 =	spop (v2sf);
	vm0 =	vlt.s32 v0, $0x3FF  }
0x46d: {  	v4 =	vtrunc.f32 v9;
	v1 =	vcvt.f32.s32 v1;
	s0 =	spop (v2sf);
	v14 =	vnsel vm0, $0x3FF, v0;
	v0 =	vld [tilespmem:$0x1FD80]  }
0x46e: {  	v59 =	vcvt.f32.s32 v4;
	s25 =	spop (v2sf);
	v3 =	vpop (erf)  }
0x46f: {  	[tilespmem:$0x1FB40] =	vst v49;
	s1 =	smax.f32 s16, s1;
	vm0 =	vlt.s32 v1, $0x3FF;
	s3 =	spop (v2sf);
	v4 =	vmul.f32 v3, v32;
	v3 =	vmul.f32 v3, v16;
	v49 =	vpop (erf)  }
0x470: {  	[tilespmem:$0x1FC60] =	vst v6;
	v32 =	vmov s1;
	v6 =	vmul.f32 v49, v30;
	v5 =	vmul.f32 v49, v17;
	s4 =	spop (v2sf)  }
0x471: {  	s1 =	smax.f32 s25, s3;
	v50 =	vpop (erf);
	v49 =	vsub.f32 v54, v32;
	v9 =	vsub.f32 v56, v32;
	v54 =	vnsel vm0, $0x3FF, v1;
	s5 =	spop (v2sf)  }
0x472: {  	v8 =	vmul.f32 v50, v12;
	v12 =	vmov s1;
	v7 =	vmul.f32 v50, v0;
	s16 =	spop (v2sf)  }
0x473: {  	v50 =	vpop (erf);
	v10 =	vmul.f32 $1.442695020e+00, v49;
	v16 =	vsub.f32 v53, v12;
	v12 =	vsub.f32 v57, v12;
	s1 =	smax.f32 s4, s5;
	s25 =	spop (v2sf)  }
0x474: {  	v9 =	vmul.f32 $1.442695020e+00, v9;
	v1 =	vmul.f32 v50, v28;
	v17 =	vpop (erf);
	v56 =	vmov s1;
	s4 =	spop (v2sf)  }
0x475: {  	v20 =	vmul.f32 v17, v15;
	(erf) = vpow2.f32 v10;
	v15 =	vsub.f32 v62, v56;
	s5 =	spop (v2sf)  }
0x476: {  	v21 =	vmul.f32 v17, v18;
	v12 =	vmul.f32 $1.442695020e+00, v12;
	s1 =	smax.f32 s16, s25;
	s25 =	spop (v2sf)  }
0x477: {  	(erf) = vpow2.f32 v9;
	v17 =	vmov s1;
	v15 =	vmul.f32 $1.442695020e+00, v15;
	s16 =	smax.f32 s4, s5;
	s4 =	spop (v2sf)  }
0x478: {  	v0 =	vld [tilespmem:$0x1FD90];
	v18 =	vsub.f32 v19, v17;
	v17 =	vsub.f32 v22, v17;
	v19 =	vmov s16;
	s5 =	spop (v2sf)  }
0x479: {  	v16 =	vmul.f32 $1.442695020e+00, v16;
	(erf) = vpow2.f32 v12;
	v12 =	vsub.f32 v63, v19;
	s1 =	smax.f32 s25, s4;
	s16 =	spop (v2sf)  }
0x47a: {  	(erf) = vpow2.f32 v15;
	v17 =	vmul.f32 $1.442695020e+00, v17;
	v22 =	vmov s1;
	s25 =	smax.f32 s5, s16;
	s4 =	spop (v2sf)  }
0x47b: {  	v12 =	vmul.f32 $1.442695020e+00, v12;
	v15 =	vsub.f32 v60, v22;
	s0 =	smax.f32 s4, s0;
	v28 =	vmov s25  }
0x47c: {  	(erf) = vpow2.f32 v17;
	v17 =	vmov s0;
	v29 =	vsub.f32 v58, v28  }
0x47d: {  	v11 =	vmul.f32 v50, v0;
	v15 =	vmul.f32 $1.442695020e+00, v15;
	v30 =	vsub.f32 v48, v17;
	v48 =	vld [tilespmem:$0x1FFA0]  }
0x47e: {  	(erf) = vpow2.f32 v12;
	v2 =	vsub.f32 v2, v17;
	v12 =	vmul.f32 $1.442695020e+00, v29  }
0x47f: {  	(erf) = vpow2.f32 v15;
	v29 =	vmul.f32 $1.442695020e+00, v30  }
0x480: {  	v10 =	vsub.f32 v52, v56;
	v53 =	vpop (erf);
	v2 =	vmul.f32 $1.442695020e+00, v2;
	(erf) = vpow2.f32 v12  }
0x481: {  	v0 =	vld [tilespmem:$0x1FB20];
	v52 =	vpop (erf);
	v58 =	vsub.f32 $1.000000000e+00, v7;
	v15 =	vsub.f32 v38, v22;
	(erf) = vpow2.f32 v29  }
0x482: {  	v12 =	vsub.f32 v45, v28;
	v28 =	vpop (erf);
	v17 =	vmul.f32 v48, v52;
	(erf) = vpow2.f32 v2  }
0x483: {  	(xrf2) =	vadd.scan.msk.f32 $0xffff, v53;
	v22 =	vsub.f32 $1.000000000e+00, v6;
	(erf) = vpow2.f32 v16;
	v16 =	vmul.f32 v48, v28  }
0x484: {  	(xrf2) =	vadd.scan.msk.f32 $0xffff, v17  }
0x485: {  	vm3 =	vmmov vm10;
	(xrf2) =	vadd.scan.msk.f32 $0xffff, v16;
	v16 =	vsel vm10, v22, v6;
	v22 =	vsel vm1, v58, v7  }
0x486: {  	v60 =	vsub.f32 $1.000000000e+00, v1;
	vm10 =	vnez.u8 v0;
	v0 =	vimm.f32 $1.000000000e+00;
	[tilespmem:$0x1FB50] =	vst v22  }
0x487: {  	[tilespmem:v46+s19+$0x0] =	vst.idx.add.f32.msk $0xffff, v0  }
0x488: {  	v38 =	vsel vm8, v60, v1;
	v1 =	vld [tilespmem:$0x1FDA0]  }
0x489: {  	v10 =	vmul.f32 $1.442695020e+00, v10  }
0x48a: {  	v19 =	vsub.f32 v31, v19;
	v18 =	vmul.f32 $1.442695020e+00, v18;
	v31 =	vsub.f32 $1.000000000e+00, v3  }
0x48b: {  	v62 =	vsub.f32 $1.000000000e+00, v11;
	v29 =	vpop (erf);
	(erf) = vpow2.f32 v10  }
0x48c: {  	(erf) = vpow2.f32 v18;
	v18 =	vsel vm12, v31, v3;
	v3 =	vsub.f32 $1.000000000e+00, v20;
	[tilespmem:$0x1FB60] =	vst v38  }
0x48d: {  	v56 =	vsel vm13, v62, v11;
	[tilespmem:v39+s20+$0x0] =	vst.idx.add.f32.msk $0xffff, v1  }
0x48e: {  	v58 =	vsel vm9, v3, v20;
	[tilespmem:$0x1FB70] =	vst v56  }
0x48f: {  	[tilespmem:$0x1FB80] =	vst v58  }
0x490: {  	[tilespmem:v44+s19+$0x0] =	vst.idx.add.f32.msk vm2, v0  }
0x491: {  	v49 =	vld [tilespmem:$0x1FB30]  }
0x492: {  	v15 =	vmul.f32 $1.442695020e+00, v15  }
0x493: {  	v19 =	vmul.f32 $1.442695020e+00, v19  }
0x494: {  	v30 =	vpop (erf)  }
0x495: {  	vm7 =	vmmov vm8;
	v63 =	vsub.f32 $1.000000000e+00, v21;
	v31 =	vpop (erf);
	(erf) = vpow2.f32 v19  }
0x496: {  	vm8 =	vmmov vm9;
	(erf) = vpow2.f32 v15;
	v15, _, _ =	vpop (xrf2);
	vm9 =	vnez.u8 v49  }
0x497: {  	(v2sf) =	vpush v15, $0xF;
	v15 =	vsel vm9, v63, v21  }
0x498: {  	[tilespmem:$0x1FB90] =	vst v15  }
0x499: {  	[tilespmem:v36+s20+$0x0] =	vst.idx.add.f32.msk vm2, v13  }
0x49a: {  	v2 =	vmul.f32 $1.442695020e+00, v12;
	v12 =	vsub.f32 $1.000000000e+00, v8;
	v63 =	vld [tilespmem:$0x1FFE0]  }
0x49b: {  	[tilespmem:v47+s19+$0x0] =	vst.idx.add.f32.msk $0xffff, v0  }
0x49c: {  	v19 =	vsel vm11, v12, v8;
	v12 =	vld [tilespmem:$0x1FDB0];
	_ =	sdelay $0x3  }
0x49d: {  	v49 =	vld [tilespmem:$0x1FFF0]  }
0x49e: {  	[tilespmem:v37+s20+$0x0] =	vst.idx.add.f32.msk $0xffff, v12  }
0x49f: {  	v62 =	vld [tilespmem:$0x1FFC0];
	_ =	sdelay $0x3  }
0x4a0: {  	v57 =	vsub.f32 $1.000000000e+00, v4;
	v21 =	vmul.f32 $1.024000000e+03, v22  }
0x4a1: {  	v22 =	vmul.f32 $1.024000000e+03, v38;
	v13 =	vadd.s32 v63, v61;
	v38 =	vadd.s32 v62, v61;
	v61 =	vld [tilespmem:$0x1FFD0]  }
0x4a2: {  	vm15 =	vlt.s32 v59, $0x3FF;
	[tilespmem:v42+s19+$0x0] =	vst.idx.add.f32.msk vm2, v0  }
0x4a3: {  	v50 =	vsel vm4, v57, v4;
	v4 =	vnsel vm15, $0x3FF, v59;
	v59 =	vmul.f32 $1.024000000e+03, v15;
	v15 =	vld [tilespmem:$0x1FDC0]  }
0x4a4: {  	v17 =	vsub.f32 $1.000000000e+00, v5;
	v45 =	vpop (erf)  }
0x4a5: {  	v10 =	vmul.f32 v48, v29;
	v9 =	vmul.f32 v48, v30;
	v32 =	vpop (erf)  }
0x4a6: {  	v17 =	vsel vm10, v17, v5;
	v5 =	vmul.f32 v48, v31;
	v20 =	vmul.f32 $1.024000000e+03, v19;
	v39 =	vpop (erf)  }
0x4a7: {  	v6 =	vmul.f32 $1.024000000e+03, v18;
	v8 =	vmul.f32 $1.024000000e+03, v16;
	v57, _, _ =	vpop (xrf2);
	[tilespmem:v41+s19+$0x0] =	vst.idx.add.f32.msk $0xffff, v0  }
0x4a8: {  	v1 =	vmul.f32 v48, v39;
	(v2sf) =	vpush v57, $0xF;
	v47 =	vtrunc.f32 v20;
	v12, _, _ =	vpop (xrf2);
	[tilespmem:v35+s20+$0x0] =	vst.idx.add.f32.msk vm2, v15  }
0x4a9: {  	(v2sf) =	vpush v12, $0xF;
	v12 =	vadd.s32 v63, v54;
	v20 =	vadd.s32 v62, v54;
	v54 =	vld [tilespmem:$0x1FDD0]  }
0x4aa: {  	v3 =	vmul.f32 $1.024000000e+03, v50;
	v11 =	vmul.f32 $1.024000000e+03, v17  }
0x4ab: {  	(erf) = vpow2.f32 v2;
	v2 =	vmul.f32 v48, v45;
	(xrf2) =	vadd.scan.msk.f32 $0xffff, v1  }
0x4ac: {  	v6 =	vtrunc.f32 v6;
	v58 =	vmul.f32 $1.024000000e+03, v58;
	(xrf2) =	vadd.scan.msk.f32 $0xffff, v10  }
0x4ad: {  	v8 =	vtrunc.f32 v8;
	v57 =	vmul.f32 $1.024000000e+03, v56;
	(xrf2) =	vadd.scan.msk.f32 $0xffff, v9  }
0x4ae: {  	v56 =	vtrunc.f32 v22;
	v22 =	vtrunc.f32 v58;
	v58 =	vsel vm6, v38, v13;
	[tilespmem:v34+s20+$0x0] =	vst.idx.add.f32.msk $0xffff, v54  }
0x4af: {  	v3 =	vtrunc.f32 v3;
	v46 =	vtrunc.f32 v11;
	[tilespmem:v40+s19+$0x0] =	vst.idx.add.f32.msk vm2, v0  }
0x4b0: {  	v6 =	vcvt.f32.s32 v6;
	v8 =	vcvt.f32.s32 v8;
	(xrf2) =	vadd.scan.msk.f32 $0xffff, v5;
	v11 =	vld [tilespmem:$0x1FDE0]  }
0x4b1: {  	vm14 =	vmmov vm5;
	v7 =	vmul.f32 v48, v32;
	v3 =	vcvt.f32.s32 v3;
	(xrf2) =	vadd.scan.msk.f32 $0xffff, v2  }
0x4b2: {  	vm5 =	vmmov vm1;
	v5 =	vcvt.f32.s32 v46;
	v2 =	vtrunc.f32 v21  }
0x4b3: {  	vm1 =	vlt.s32 v6, $0x3FF;
	v36 =	vpop (erf);
	(xrf2) =	vadd.scan.msk.f32 $0xffff, v7;
	v2 =	vcvt.f32.s32 v2;
	[tilespmem:v58+s19+$0x0] =	vst.idx.add.f32.msk $0xffff, v0  }
0x4b4: {  	v6 =	vnsel vm1, $0x3FF, v6;
	vm1 =	vlt.s32 v5, $0x3FF;
	(xrf2) =	vadd.scan.msk.f32 $0xffff, v36;
	[tilespmem:v13+s20+$0x0] =	vst.idx.add.f32.msk $0xffff, v55  }
0x4b5: {  	vm0 =	vlt.s32 v3, $0x3FF;
	v5 =	vnsel vm1, $0x3FF, v5;
	vm1 =	vlt.s32 v2, $0x3FF;
	[tilespmem:v33+s20+$0x0] =	vst.idx.add.f32.msk vm2, v11  }
0x4b6: {  	v21 =	vtrunc.f32 v57;
	v57 =	vtrunc.f32 v59;
	v59, _, _ =	vpop (xrf2);
	v40 =	vnsel vm1, $0x3FF, v2;
	v2 =	vld [tilespmem:$0x1FDF0]  }
0x4b7: {  	s5 =	spop (v2sf);
	v44 =	vcvt.f32.s32 v22;
	v9 =	vcvt.f32.s32 v47;
	(v2sf) =	vpush v59, $0xF;
	v22, _, _ =	vpop (xrf2)  }
0x4b8: {  	v3 =	vnsel vm0, $0x3FF, v3;
	vm0 =	vlt.s32 v8, $0x3FF;
	s16 =	spop (v2sf);
	(v2sf) =	vpush v22, $0xF;
	v22, _, _ =	vpop (xrf2)  }
0x4b9: {  	v26 =	vbroadcast v26, $0x0;
	v8 =	vnsel vm0, $0x3FF, v8;
	vm0 =	vlt.s32 v9, $0x3FF;
	s0 =	sadd.f32 s16, s5;
	v35 =	vpop (erf)  }
0x4ba: {  	v60 =	vcvt.f32.s32 v56;
	v9 =	vnsel vm0, $0x3FF, v9;
	(v2sf) =	vpush v22, $0xF;
	v22, _, _ =	vpop (xrf2);
	(xrf2) =	vadd.scan.msk.f32 $0xffff, v35  }
0x4bb: {  	v7 =	vcvt.f32.s32 v57;
	v57 =	vmov s0;
	(v2sf) =	vpush v22, $0xF;
	v56, _, _ =	vpop (xrf2);
	v59 =	vld [tilespmem:$0x1FC70]  }
0x4bc: {  	s25 =	sadd.s32 $0x7, s26;
	vm0 =	vlt.s32 v60, $0x3FF;
	v10 =	vadd.f32 $0.0e+00, v57;
	(v2sf) =	vpush v56, $0xF;
	v56 =	vld.idx.msk [tilespmem:v23+s17+$0x0], $0xffff;
	v15 =	vpop (erf)  }
0x4bd: {  	v21 =	vcvt.f32.s32 v21;
	v22 =	vmov s25;
	v38 =	vnsel vm0, $0x3FF, v60;
	(xrf2) =	vadd.scan.msk.f32 $0xffff, v15;
	v58, _, _ =	vpop (xrf2);
	v60 =	vld [tilespmem:$0x1FE00]  }
0x4be: {  	v1 =	vadd.s32 v49, v14;
	v10 =	vbroadcast v10, $0x0;
	(v2sf) =	vpush v58, $0xF;
	v46 =	vld.idx.msk [tilespmem:v2+s17+$0x0], $0xffff;
	v2, _, _ =	vpop (xrf2)  }
0x4bf: {  	v37 =	vadd.s32 v49, v4;
	vm15 =	vlt.s32 v21, $0x3FF;
	(v2sf) =	vpush v2, $0xF;
	v2 =	vld [tilespmem:$0x1FC60]  }
0x4c0: {  	v47 =	vld.idx.msk [tilespmem:v25+s17+$0x0], $0xffff;
	vm6 =	vlt.s32 v44, $0x3FF;
	(erf) = vrcp.f32 v10;
	v33 =	vpop (erf);
	vm1 =	vnez.u8 v59  }
0x4c1: {  	v14 =	vadd.s32 v61, v14;
	v4 =	vadd.s32 v61, v4;
	(xrf2) =	vadd.scan.msk.f32 $0xffff, v33;
	v57 =	vsel vm1, v20, v12  }
0x4c2: {  	v4 =	vsel vm14, v4, v37;
	v54 =	vld.idx.msk [tilespmem:v22+s17+$0x0], $0xffff;
	v34 =	vadd.s32 v63, v3;
	v3 =	vadd.s32 v62, v3;
	v25 =	vpop (erf)  }
0x4c3: {  	v22 =	vadd.s32 v49, v5;
	v5 =	vadd.s32 v61, v5;
	v3 =	vsel vm4, v3, v34;
	v55 =	vld.idx.msk [tilespmem:v24+s17+$0x0], $0xffff;
	v24 =	vpop (erf)  }
0x4c4: {  	vm4 =	veq.s32 v56, v51;
	v11 =	vadd.s32 v49, v6;
	v41 =	vld [tilespmem:$0x1FE10];
	(xrf2) =	vadd.scan.msk.f32 $0xffff, v25;
	vm0 =	vnez.u8 v2;
	v2, _, _ =	vpop (xrf2)  }
0x4c5: {  	v6 =	vadd.s32 v61, v6;
	(xrf2) =	vadd.scan.msk.f32 $0xffff, v24;
	v58 =	vld.idx.msk [tilespmem:v60+s17+$0x0], $0xffff;
	v13 =	vsel vm0, v14, v1;
	(v2sf) =	vpush v2, $0xF  }
0x4c6: {  	v23 =	vpop (erf);
	v59 =	vnsel vm15, $0x3FF, v21;
	v21 =	vadd.s32 v63, v38;
	v20 =	vadd.s32 v63, v9;
	[tilespmem:v57+s19+$0x0] =	vst.idx.add.f32.msk $0xffff, v0  }
0x4c7: {  	v10 =	vadd.s32 v49, v59;
	v59 =	vadd.s32 v61, v59;
	[tilespmem:v12+s20+$0x0] =	vst.idx.add.f32.msk $0xffff, v27;
	v42, _, _ =	vpop (xrf2);
	(xrf2) =	vadd.scan.msk.f32 $0xffff, v23  }
0x4c8: {  	v60 =	vadd.s32 v62, v9;
	(v2sf) =	vpush v42, $0xF;
	v42 =	vld.idx.msk [tilespmem:v26+s17+$0x0], $0xffff;
	v26 =	vnsel vm6, $0x3FF, v44  }
0x4c9: {  	v57 =	vadd.s32 v62, v38;
	[tilespmem:v4+s19+$0x0] =	vst.idx.add.f32.msk vm2, v0;
	v44 =	vpop (erf);
	v12 =	vadd.s32 v63, v26  }
0x4ca: {  	s4 =	spop (v2sf);
	vm15 =	vcmask $0x3F30;
	v4 =	vadd.s32 v62, v26;
	v26 =	vmul.f32 v44, v53;
	[tilespmem:v13+s19+$0x0] =	vst.idx.add.f32.msk vm2, v0  }
0x4cb: {  	s5 =	spop (v2sf);
	vm0 =	vlt.s32 v7, $0x3FF;
	v2 =	vadd.s32 v63, v8;
	v8 =	vadd.s32 v62, v8;
	[tilespmem:v1+s20+$0x0] =	vst.idx.add.f32.msk vm2, v43;
	v43, _, _ =	vpop (xrf2)  }
0x4cc: {  	s25 =	spop (v2sf);
	v8 =	vsel vm3, v8, v2;
	v53 =	vsub.f32 $1.000000000e+00, v26;
	(v2sf) =	vpush v43, $0xF  }
0x4cd: {  	s16 =	spop (v2sf);
	v13 =	vadd.s32 v49, v40;
	v40 =	vadd.s32 v61, v40;
	v1 =	vnsel vm0, $0x3FF, v7  }
0x4ce: {  	s3 =	spop (v2sf);
	v7 =	vmul.f32 v44, v52;
	v44 =	vsel vm10, v5, v22;
	v38 =	vsel vm5, v40, v13;
	v27, _, _ =	vpop (xrf2);
	v14 =	vld [tilespmem:$0x1FB40]  }
0x4cf: {  	s1 =	spop (v2sf);
	v40 =	vsel vm7, v57, v21;
	[tilespmem:v3+s19+$0x0] =	vst.idx.add.f32.msk $0xffff, v0;
	v0 =	vlaneseq.u32;
	(v2sf) =	vpush v27, $0xF;
	v27, _, _ =	vpop (xrf2)  }
0x4d0: {  	s0 =	spop (v2sf);
	v9 =	vadd.s32 v49, v1;
	vm1 =	veq.s32 v54, v0;
	(v2sf) =	vpush v27, $0xF  }
0x4d1: {  	v1 =	vadd.s32 v61, v1;
	v3 =	vsel vm12, v6, v11;
	s26 =	spop (v2sf);
	v5 =	vsel vm1, v53, v26;
	v53, _, _ =	vpop (xrf2)  }
0x4d2: {  	v43 =	vsel vm11, v60, v20;
	v52 =	vsub.f32 $1.000000000e+00, v7;
	s5 =	sadd.f32 s5, s26;
	(v2sf) =	vpush v53, $0xF  }
0x4d3: {  	vm11 =	veq.s32 v47, v51;
	v6 =	vmul.f32 $1.024000000e+03, v5;
	[tilespmem:v37+s20+$0x0] =	vst.idx.add.f32.msk vm2, v14;
	vm2 =	veq.s32 v54, v51  }
0x4d4: {  	v27 =	vsel vm8, v4, v12;
	v26 =	vmov s5;
	v52 =	vsel vm2, v52, v7;
	s26 =	spop (v2sf)  }
0x4d5: {  	v6 =	vtrunc.f32 v6;
	v26 =	vadd.f32 $0.0e+00, v26;
	v54 =	vmul.f32 $1.024000000e+03, v52;
	s4 =	sadd.f32 s4, s26  }
0x4d6: {  	v37 =	vsel vm13, v59, v10;
	vm13 =	veq.s32 v46, v51;
	v6 =	vcvt.f32.s32 v6  }
0x4d7: {  	v59 =	vbroadcast v26, $0x0;
	v7 =	vtrunc.f32 v54;
	v26 =	vmov s4  }
0x4d8: {  	vm0 =	vlt.s32 v6, $0x3FF;
	s26 =	spop (v2sf);
	v60 =	vcvt.f32.s32 v7;
	v54 =	vadd.f32 $0.0e+00, v26  }
0x4d9: {  	(erf) = vrcp.f32 v59;
	s4 =	sadd.f32 s25, s26;
	v26 =	vsel vm9, v1, v9;
	v1 =	vnsel vm0, $0x3FF, v6  }
0x4da: {  	vm0 =	vlt.s32 v60, $0x3FF;
	vm9 =	veq.s32 v55, v51;
	v57 =	vbroadcast v54, $0x0  }
0x4db: {  	v7 =	vadd.s32 v63, v1;
	v1 =	vadd.s32 v62, v1;
	v59 =	vmov s4;
	s5 =	spop (v2sf)  }
0x4dc: {  	v4 =	vnsel vm0, $0x3FF, v60;
	v53 =	vadd.f32 $0.0e+00, v59;
	s4 =	sadd.f32 s16, s5;
	(erf) = vrcp.f32 v57  }
0x4dd: {  	v6 =	vsel vm1, v1, v7;
	v54 =	vadd.s32 v49, v4;
	v1 =	vadd.s32 v61, v4  }
0x4de: {  	vm0 =	vcmask $0x3F30;
	v4 =	vsel vm2, v1, v54;
	s25 =	spop (v2sf);
	v60 =	vmov s4  }
0x4df: {  	v1 =	vbroadcast v53, $0x0;
	v57 =	vlaneseq.u32;
	s3 =	sadd.f32 s3, s25;
	s26 =	spop (v2sf);
	v53 =	vadd.f32 $0.0e+00, v60  }
0x4e0: {  	vm2 =	veq.s32 v58, v51;
	vm14 =	veq.s32 v46, v57;
	vm12 =	veq.s32 v47, v57;
	s1 =	sadd.f32 s1, s26  }
0x4e1: {  	vm10 =	veq.s32 v55, v57;
	vm8 =	veq.s32 v56, v57;
	v59 =	vmov s3;
	s3 =	spop (v2sf)  }
0x4e2: {  	vm3 =	veq.s32 v58, v57;
	v47 =	vadd.f32 $0.0e+00, v59;
	v60 =	vmov s1;
	s0 =	sadd.f32 s0, s3  }
0x4e3: {  	(erf) = vrcp.f32 v1;
	v46 =	vbroadcast v53, $0x0;
	v55 =	vadd.f32 $0.0e+00, v60;
	v53 =	vpop (erf)  }
0x4e4: {  	v58 =	vmovc v51;
	v47 =	vbroadcast v47, $0x0;
	v60 =	vmov s0;
	v36 =	vmul.f32 v53, v36  }
0x4e5: {  	v55 =	vbroadcast v55, $0x0;
	v60 =	vadd.f32 $0.0e+00, v60;
	v53 =	vmul.f32 v53, v39;
	v51 =	vpop (erf)  }
0x4e6: {  	v41 =	vld.idx.msk [tilespmem:v41+s17+$0x0], $0xffff;
	v39 =	vsub.f32 $1.000000000e+00, v36;
	v35 =	vmul.f32 v51, v35;
	(erf) = vrcp.f32 v46  }
0x4e7: {  	v51 =	vmul.f32 v51, v28;
	v1 =	vsub.f32 $1.000000000e+00, v53;
	[tilespmem:v34+s20+$0x0] =	vst.idx.add.f32.msk $0xffff, v50;
	v50 =	vimm.f32 $1.000000000e+00  }
0x4e8: {  	v56 =	vbroadcast v60, $0x0;
	(erf) = vrcp.f32 v47;
	v39 =	vsel vm14, v39, v36;
	[tilespmem:v3+s19+$0x0] =	vst.idx.add.f32.msk vm0, v50  }
0x4e9: {  	v46 =	vsub.f32 $1.000000000e+00, v35;
	v36 =	vsel vm13, v1, v53;
	v60 =	vsub.f32 $1.000000000e+00, v51;
	[tilespmem:v6+s19+$0x0] =	vst.idx.add.f32.msk $0xffff, v50  }
0x4ea: {  	(erf) = vrcp.f32 v55;
	vm0 =	vcmask $0x3F30;
	v53 =	vmul.f32 $1.024000000e+03, v39;
	[tilespmem:v7+s20+$0x0] =	vst.idx.add.f32.msk $0xffff, v5  }
0x4eb: {  	v1 =	vsel vm12, v46, v35;
	v35 =	vsel vm11, v60, v51;
	[tilespmem:v4+s19+$0x0] =	vst.idx.add.f32.msk vm15, v50;
	vm15 =	vcmask $0x3F30  }
0x4ec: {  	vm1 =	veq.s32 v41, v57;
	v57 =	vmul.f32 $1.024000000e+03, v36;
	v60 =	vmul.f32 $1.024000000e+03, v35  }
0x4ed: {  	(erf) = vrcp.f32 v56;
	v47 =	vmul.f32 $1.024000000e+03, v1  }
0x4ee: {  	v55 =	vtrunc.f32 v53;
	v56 =	vtrunc.f32 v57  }
0x4ef: {  	v57 =	vcvt.f32.s32 v55;
	v0 =	vcvt.f32.s32 v56  }
0x4f0: {  	vm7 =	veq.s32 v41, v58;
	v3 =	vtrunc.f32 v47;
	v41 =	vtrunc.f32 v60;
	[tilespmem:v11+s20+$0x0] =	vst.idx.add.f32.msk vm0, v18;
	v60 =	vpop (erf)  }
0x4f1: {  	v3 =	vcvt.f32.s32 v3;
	vm0 =	vlt.s32 v57, $0x3FF;
	v47 =	vpop (erf);
	[tilespmem:v54+s20+$0x0] =	vst.idx.add.f32.msk vm15, v52;
	vm15 =	vcmask $0x3F30  }
0x4f2: {  	[tilespmem:v8+s19+$0x0] =	vst.idx.add.f32.msk $0xffff, v50;
	v8 =	vcvt.f32.s32 v41;
	v41 =	vnsel vm0, $0x3FF, v57;
	vm0 =	vlt.s32 v0, $0x3FF;
	v51 =	vpop (erf)  }
0x4f3: {  	[tilespmem:v2+s20+$0x0] =	vst.idx.add.f32.msk $0xffff, v16;
	v2 =	vmul.f32 v60, v29;
	v6 =	vnsel vm0, $0x3FF, v0;
	v0 =	vmul.f32 v47, v30;
	v30 =	vpop (erf)  }
0x4f4: {  	v53 =	vmul.f32 v30, v45  }
0x4f5: {  	vm0 =	vlt.s32 v3, $0x3FF;
	v5 =	vmul.f32 v51, v31;
	v31 =	vsub.f32 $1.000000000e+00, v2  }
0x4f6: {  	v3 =	vnsel vm0, $0x3FF, v3;
	v28 =	vsub.f32 $1.000000000e+00, v53  }
0x4f7: {  	vm0 =	vlt.s32 v8, $0x3FF;
	v31 =	vsel vm9, v31, v2;
	[tilespmem:v44+s19+$0x0] =	vst.idx.add.f32.msk vm15, v50;
	vm15 =	vcmask $0x3F30  }
0x4f8: {  	v2 =	vsel vm7, v28, v53;
	v53 =	vnsel vm0, $0x3FF, v8;
	vm0 =	vcmask $0x3F30;
	_ =	sdelay $0x2  }
0x4f9: {  	[tilespmem:v43+s19+$0x0] =	vst.idx.add.f32.msk $0xffff, v50  }
0x4fa: {  	[tilespmem:v20+s20+$0x0] =	vst.idx.add.f32.msk $0xffff, v19  }
0x4fb: {  	[tilespmem:v22+s20+$0x0] =	vst.idx.add.f32.msk vm15, v17  }
0x4fc: {  	[tilespmem:v38+s19+$0x0] =	vst.idx.add.f32.msk vm0, v50;
	vm0 =	vcmask $0x3F30  }
0x4fd: {  	v14 =	vld [tilespmem:$0x1FB50];
	_ =	sdelay $0x3  }
0x4fe: {  	[tilespmem:v40+s19+$0x0] =	vst.idx.add.f32.msk $0xffff, v50  }
0x4ff: {  	[tilespmem:v13+s20+$0x0] =	vst.idx.add.f32.msk vm0, v14  }
0x500: {  	vm0 =	vcmask $0x3F30;
	v14 =	vld [tilespmem:$0x1FB60];
	_ =	sdelay $0x4  }
0x501: {  	[tilespmem:v21+s20+$0x0] =	vst.idx.add.f32.msk $0xffff, v14  }
0x502: {  	[tilespmem:v37+s19+$0x0] =	vst.idx.add.f32.msk vm0, v50;
	vm0 =	vcmask $0x3F30  }
0x503: {  	v14 =	vld [tilespmem:$0x1FB70];
	_ =	sdelay $0x3  }
0x504: {  	[tilespmem:v27+s19+$0x0] =	vst.idx.add.f32.msk $0xffff, v50  }
0x505: {  	[tilespmem:v10+s20+$0x0] =	vst.idx.add.f32.msk vm0, v14  }
0x506: {  	vm0 =	vcmask $0x3F30;
	v14 =	vld [tilespmem:$0x1FB80]  }
0x507: {  	vm5 =	veq.s32 v42, v58;
	v59 =	vlaneseq.u32;
	v11 =	vmul.f32 v60, v15  }
0x508: {  	vm6 =	veq.s32 v42, v59;
	v20 =	vadd.s32 v63, v41;
	v29 =	vmul.f32 v47, v33  }
0x509: {  	v42 =	vadd.s32 v62, v41;
	v7 =	vmul.f32 v30, v24;
	v24 =	vpop (erf);
	v30 =	vsub.f32 $1.000000000e+00, v11  }
0x50a: {  	v16 =	vsel vm14, v42, v20;
	v54 =	vsub.f32 $1.000000000e+00, v29;
	v23 =	vmul.f32 v24, v23  }
0x50b: {  	v25 =	vmul.f32 v51, v25;
	v55 =	vsub.f32 $1.000000000e+00, v0;
	v30 =	vsel vm10, v30, v11;
	[tilespmem:v12+s20+$0x0] =	vst.idx.add.f32.msk $0xffff, v14  }
0x50c: {  	v29 =	vsel vm8, v54, v29;
	v60 =	vsub.f32 $1.000000000e+00, v23;
	[tilespmem:v26+s19+$0x0] =	vst.idx.add.f32.msk vm0, v50;
	vm0 =	vcmask $0x3F30  }
0x50d: {  	v33 =	vsel vm4, v55, v0;
	v52 =	vmul.f32 $1.024000000e+03, v30;
	v19 =	vmul.f32 $1.024000000e+03, v29;
	v14 =	vld [tilespmem:$0x1FB90]  }
0x50e: {  	v0 =	vsel vm6, v60, v23;
	v60 =	vmul.f32 $1.024000000e+03, v31;
	v23 =	vadd.s32 v49, v6  }
0x50f: {  	v4 =	vtrunc.f32 v52;
	v45 =	vtrunc.f32 v19;
	v22 =	vsub.f32 $1.000000000e+00, v7  }
0x510: {  	v19 =	vadd.s32 v49, v53;
	v4 =	vcvt.f32.s32 v4;
	v8 =	vtrunc.f32 v60  }
0x511: {  	v8 =	vcvt.f32.s32 v8;
	v22 =	vsel vm1, v22, v7;
	v7 =	vadd.s32 v61, v53  }
0x512: {  	v6 =	vadd.s32 v61, v6;
	v7 =	vsel vm11, v7, v19;
	[tilespmem:v9+s20+$0x0] =	vst.idx.add.f32.msk vm0, v14;
	vm0 =	vlt.s32 v4, $0x3FF  }
0x513: {  	vm11 =	vcmask $0x3F30;
	v4 =	vnsel vm0, $0x3FF, v4;
	vm0 =	vlt.s32 v8, $0x3FF  }
0x514: {  	v6 =	vsel vm13, v6, v23;
	v8 =	vnsel vm0, $0x3FF, v8;
	vm0 =	vcmask $0x3F30  }
0x515: {  	v24 =	vmul.f32 v24, v32;
	v56 =	vsub.f32 $1.000000000e+00, v25  }
0x516: {  	v57 =	vsub.f32 $1.000000000e+00, v5;
	v13 =	vmul.f32 $1.024000000e+03, v33  }
0x517: {  	v51 =	vsub.f32 $1.000000000e+00, v24;
	v25 =	vsel vm3, v56, v25;
	v44 =	vadd.s32 v63, v3;
	[tilespmem:v16+s19+$0x0] =	vst.idx.add.f32.msk $0xffff, v50  }
0x518: {  	v3 =	vadd.s32 v62, v3;
	v13 =	vtrunc.f32 v13;
	v10 =	vcvt.f32.s32 v45;
	[tilespmem:v20+s20+$0x0] =	vst.idx.add.f32.msk $0xffff, v39  }
0x519: {  	v47 =	vcvt.f32.s32 v13;
	[tilespmem:v6+s19+$0x0] =	vst.idx.add.f32.msk vm11, v50;
	v13 =	vadd.s32 v49, v8;
	v8 =	vadd.s32 v61, v8  }
0x51a: {  	v3 =	vsel vm12, v3, v44;
	v8 =	vsel vm9, v8, v13;
	[tilespmem:v23+s20+$0x0] =	vst.idx.add.f32.msk vm0, v36;
	vm0 =	vlt.s32 v10, $0x3FF  }
0x51b: {  	vm9 =	vcmask $0x3F30;
	v10 =	vnsel vm0, $0x3FF, v10;
	vm0 =	vlt.s32 v47, $0x3FF  }
0x51c: {  	v5 =	vsel vm2, v57, v5;
	v6 =	vnsel vm0, $0x3FF, v47;
	vm0 =	vcmask $0x3F30  }
0x51d: {  	v18 =	vmul.f32 $1.024000000e+03, v25;
	v11 =	vsel vm5, v51, v24;
	v24 =	vmul.f32 $1.024000000e+03, v5;
	_ =	sdelay $0x1  }
0x51e: {  	v18 =	vtrunc.f32 v18;
	v12 =	vtrunc.f32 v24;
	[tilespmem:v3+s19+$0x0] =	vst.idx.add.f32.msk $0xffff, v50  }
0x51f: {  	v3 =	vcvt.f32.s32 v18;
	[tilespmem:v44+s20+$0x0] =	vst.idx.add.f32.msk $0xffff, v1;
	v16 =	vadd.s32 v63, v4;
	v4 =	vadd.s32 v62, v4  }
0x520: {  	v51 =	vcvt.f32.s32 v12;
	[tilespmem:v7+s19+$0x0] =	vst.idx.add.f32.msk vm9, v50;
	v12 =	vadd.s32 v49, v6;
	v6 =	vadd.s32 v61, v6  }
0x521: {  	v4 =	vsel vm10, v4, v16;
	v6 =	vsel vm4, v6, v12;
	[tilespmem:v19+s20+$0x0] =	vst.idx.add.f32.msk vm0, v35;
	vm0 =	vlt.s32 v3, $0x3FF  }
0x522: {  	vm4 =	vcmask $0x3F30;
	v3 =	vnsel vm0, $0x3FF, v3;
	vm0 =	vlt.s32 v51, $0x3FF  }
0x523: {  	v7 =	vnsel vm0, $0x3FF, v51;
	vm0 =	vcmask $0x3F30  }
0x524: {  	v28 =	vmul.f32 $1.024000000e+03, v22;
	_ =	sdelay $0x1  }
0x525: {  	v17 =	vmul.f32 $1.024000000e+03, v2;
	v15 =	vtrunc.f32 v28;
	[tilespmem:v4+s19+$0x0] =	vst.idx.add.f32.msk $0xffff, v50  }
0x526: {  	v52 =	vcvt.f32.s32 v15;
	[tilespmem:v16+s20+$0x0] =	vst.idx.add.f32.msk $0xffff, v30  }
0x527: {  	v17 =	vtrunc.f32 v17;
	v1 =	vadd.s32 v63, v10;
	v10 =	vadd.s32 v62, v10;
	[tilespmem:v8+s19+$0x0] =	vst.idx.add.f32.msk vm4, v50  }
0x528: {  	v53 =	vcvt.f32.s32 v17;
	v10 =	vsel vm8, v10, v1;
	[tilespmem:v13+s20+$0x0] =	vst.idx.add.f32.msk vm0, v31;
	vm0 =	vlt.s32 v52, $0x3FF  }
0x529: {  	v13 =	vadd.s32 v49, v7;
	v7 =	vadd.s32 v61, v7;
	v4 =	vnsel vm0, $0x3FF, v52  }
0x52a: {  	v7 =	vsel vm2, v7, v13;
	vm0 =	vlt.s32 v53, $0x3FF;
	vm2 =	vcmask $0x3F30  }
0x52b: {  	v8 =	vnsel vm0, $0x3FF, v53;
	vm0 =	vcmask $0x3F30  }
0x52c: {  	v21 =	vmul.f32 $1.024000000e+03, v0;
	v15 =	vadd.s32 v63, v3;
	v3 =	vadd.s32 v62, v3  }
0x52d: {  	v43 =	vmul.f32 $1.024000000e+03, v11;
	v3 =	vsel vm3, v3, v15  }
0x52e: {  	v46 =	vtrunc.f32 v21;
	[tilespmem:v10+s19+$0x0] =	vst.idx.add.f32.msk $0xffff, v50  }
0x52f: {  	v14 =	vtrunc.f32 v43;
	v9 =	vcvt.f32.s32 v46;
	[tilespmem:v1+s20+$0x0] =	vst.idx.add.f32.msk $0xffff, v29  }
0x530: {  	v54 =	vcvt.f32.s32 v14;
	v1 =	vadd.s32 v63, v4;
	v4 =	vadd.s32 v62, v4;
	[tilespmem:v6+s19+$0x0] =	vst.idx.add.f32.msk vm2, v50  }
0x531: {  	v4 =	vsel vm1, v4, v1;
	[tilespmem:v12+s20+$0x0] =	vst.idx.add.f32.msk vm0, v33;
	vm0 =	vlt.s32 v9, $0x3FF  }
0x532: {  	[tilespmem:v3+s19+$0x0] =	vst.idx.add.f32.msk $0xffff, v50;
	vm1 =	vcmask $0x3F30;
	v3 =	vnsel vm0, $0x3FF, v9;
	vm0 =	vlt.s32 v54, $0x3FF  }
0x533: {  	v6 =	vnsel vm0, $0x3FF, v54;
	vm0 =	vcmask $0x3F30;
	_ =	sdelay $0x3  }
0x534: {  	[tilespmem:v15+s20+$0x0] =	vst.idx.add.f32.msk $0xffff, v25  }
0x535: {  	[tilespmem:v7+s19+$0x0] =	vst.idx.add.f32.msk vm1, v50  }
0x536: {  	v55 =	vadd.s32 v49, v8;
	v8 =	vadd.s32 v61, v8;
	[tilespmem:v13+s20+$0x0] =	vst.idx.add.f32.msk vm0, v5;
	vm0 =	vcmask $0x3F30  }
0x537: {  	v8 =	vsel vm7, v8, v55;
	_ =	sdelay $0x2  }
0x538: {  	[tilespmem:v4+s19+$0x0] =	vst.idx.add.f32.msk $0xffff, v50  }
0x539: {  	[tilespmem:v1+s20+$0x0] =	vst.idx.add.f32.msk $0xffff, v22  }
0x53a: {  	[tilespmem:v8+s19+$0x0] =	vst.idx.add.f32.msk vm0, v50;
	vm0 =	vcmask $0x3F30;
	_ =	sdelay $0x3  }
0x53b: {  	v9 =	vadd.s32 v63, v3;
	v3 =	vadd.s32 v62, v3  }
0x53c: {  	v3 =	vsel vm6, v3, v9  }
0x53d: {  	v57 =	vadd.s32 v49, v6;
	v6 =	vadd.s32 v61, v6;
	[tilespmem:v55+s20+$0x0] =	vst.idx.add.f32.msk vm0, v2;
	vm0 =	vcmask $0x3F30  }
0x53e: {  	v60 =	vsel vm5, v6, v57;
	_ =	sdelay $0x2  }
0x53f: {  	[tilespmem:v3+s19+$0x0] =	vst.idx.add.f32.msk $0xffff, v50  }
0x540: {  	[tilespmem:v9+s20+$0x0] =	vst.idx.add.f32.msk $0xffff, v0  }
0x541: {  	[tilespmem:v60+s19+$0x0] =	vst.idx.add.f32.msk vm0, v50;
	vm0 =	vcmask $0x3F30;
	_ =	sdelay $0x5  }
0x542: {  	s26 =	simm.s32 $0x0;
	s4 =	simm.s32 $0x5000;
	[tilespmem:v57+s20+$0x0] =	vst.idx.add.f32.msk vm0, v11  }
0x543: {  	[tilespmem:s4], [sflag:$0x2] =	stream.linear.gather [hbm4b:s9+s26], $0x5000, $0x38;
	[tilespmem:$0x19800] =	vst v63  }
0x544: {  	_ = 	snop  }
0x545: {  	[tilespmem:s17], [sflag:$0x2] =	stream.linear.gather [hbm4b:s10+s26], $0x400, $0x38;
	[tilespmem:$0x19800] =	vst v63  }
0x546: {  	_ =	swait.ge [sflag:s18], $0x5000  }
0x547: {  	[sflag:s18] =	ssyncset.done $0x0  }
0x548: {  	[sflag:s18] =	ssyncadd.s32 $0xFFFFB000  }
0x549: {  	_ =	swait.ge [sflag:s18], $0x400  }
0x54a: {  	[sflag:s18] =	ssyncset.done $0x0  }
0x54b: {  	s5 =	simm.s32 $0x50;
	[sflag:s18] =	ssyncadd.s32 $0xFFFFFC00  }
0x54c: {  	v1 =	vld [tilespmem:s5+$0x3C]  }
0x54d: {  	v3 =	vld [tilespmem:s5+$0x40]  }
0x54e: {  	v32 =	vld [tilespmem:s5+$0xFFFFFFB4]  }
0x54f: {  	v33 =	vld [tilespmem:s5+$0xFFFFFFC4]  }
0x550: {  	v34 =	vld [tilespmem:s5+$0xFFFFFFC8]  }
0x551: {  	v15 =	vld [tilespmem:s5+$0xFFFFFFD8];
	(xrf0) =	vmax.scan.msk.f32 $0xffff, v1  }
0x552: {  	v35 =	vld [tilespmem:s5+$0xFFFFFFDC];
	(xrf0) =	vmax.scan.msk.f32 $0xffff, v3  }
0x553: {  	v16 =	vld [tilespmem:s5+$0xFFFFFFEC];
	(xrf0) =	vmax.scan.msk.f32 $0xffff, v32  }
0x554: {  	v36 =	vld [tilespmem:s5+$0xFFFFFFF0];
	(xrf0) =	vmax.scan.msk.f32 $0xffff, v33  }
0x555: {  	v2 =	vld [tilespmem:s5+$0x0];
	(xrf0) =	vmax.scan.msk.f32 $0xffff, v34  }
0x556: {  	v37 =	vld [tilespmem:s5+$0x4];
	(xrf0) =	vmax.scan.msk.f32 $0xffff, v15  }
0x557: {  	(xrf0) =	vmax.scan.msk.f32 $0xffff, v35;
	v0, _, _ =	vpop (xrf0)  }
0x558: {  	(xrf0) =	vmax.scan.msk.f32 $0xffff, v16;
	(v2sf) =	vpush v0, $0xF;
	v39, _, _ =	vpop (xrf0)  }
0x559: {  	v14 =	vld [tilespmem:s5+$0x14];
	v12, _, _ =	vpop (xrf0);
	(xrf0) =	vmax.scan.msk.f32 $0xffff, v36;
	(v2sf) =	vpush v39, $0xF  }
0x55a: {  	v38 =	vld [tilespmem:s5+$0x18];
	(v2sf) =	vpush v12, $0xF;
	v12, _, _ =	vpop (xrf0);
	(xrf0) =	vmax.scan.msk.f32 $0xffff, v2  }
0x55b: {  	v0 =	vld [tilespmem:s5+$0x28];
	(v2sf) =	vpush v12, $0xF;
	v12, _, _ =	vpop (xrf0);
	(xrf0) =	vmax.scan.msk.f32 $0xffff, v37  }
0x55c: {  	v40 =	vld [tilespmem:s5+$0x2C];
	(v2sf) =	vpush v12, $0xF;
	v12, _, _ =	vpop (xrf0)  }
0x55d: {  	(v2sf) =	vpush v12, $0xF;
	v12, _, _ =	vpop (xrf0)  }
0x55e: {  	v18 =	vld [tilespmem:s5+$0xFFFFFFB0];
	(xrf0) =	vmax.scan.msk.f32 $0xffff, v14;
	(v2sf) =	vpush v12, $0xF;
	v12, _, _ =	vpop (xrf0)  }
0x55f: {  	(xrf0) =	vmax.scan.msk.f32 $0xffff, v38;
	(v2sf) =	vpush v12, $0xF;
	v12, _, _ =	vpop (xrf0)  }
0x560: {  	(xrf0) =	vmax.scan.msk.f32 $0xffff, v0;
	(v2sf) =	vpush v12, $0xF;
	v12, _, _ =	vpop (xrf0)  }
0x561: {  	(xrf0) =	vmax.scan.msk.f32 $0xffff, v40;
	(v2sf) =	vpush v12, $0xF;
	v12, _, _ =	vpop (xrf0)  }
0x562: {  	(v2sf) =	vpush v12, $0xF  }
0x563: {  	(xrf0) =	vmax.scan.msk.f32 $0xffff, v18  }
0x564: {  	v12, _, _ =	vpop (xrf0)  }
0x565: {  	(v2sf) =	vpush v12, $0xF;
	v12, _, _ =	vpop (xrf0)  }
0x566: {  	(v2sf) =	vpush v12, $0xF;
	v12, _, _ =	vpop (xrf0)  }
0x567: {  	(v2sf) =	vpush v12, $0xF;
	v12, _, _ =	vpop (xrf0);
	s16 =	spop (v2sf)  }
0x568: {  	(v2sf) =	vpush v12, $0xF;
	s25 =	spop (v2sf)  }
0x569: {  	v12, _, _ =	vpop (xrf0);
	s1 =	spop (v2sf)  }
0x56a: {  	(v2sf) =	vpush v12, $0xF;
	s0 =	smax.f32 s16, s25;
	s3 =	spop (v2sf)  }
0x56b: {  	v12 =	vmov s0;
	s4 =	spop (v2sf)  }
0x56c: {  	v1 =	vsub.f32 v1, v12;
	s5 =	spop (v2sf)  }
0x56d: {  	v3 =	vsub.f32 v3, v12;
	s25 =	spop (v2sf)  }
0x56e: {  	s0 =	smax.f32 s3, s4;
	v1 =	vmul.f32 $1.442695020e+00, v1;
	s16 =	spop (v2sf)  }
0x56f: {  	v3 =	vmul.f32 $1.442695020e+00, v3;
	v19 =	vmov s0;
	s3 =	spop (v2sf)  }
0x570: {  	s5 =	smax.f32 s5, s25;
	(erf) = vpow2.f32 v1;
	v1 =	vsub.f32 v34, v19;
	s25 =	spop (v2sf)  }
0x571: {  	(erf) = vpow2.f32 v3;
	v3 =	vmov s5;
	s5 =	spop (v2sf)  }
0x572: {  	v1 =	vmul.f32 $1.442695020e+00, v1;
	s0 =	smax.f32 s25, s5  }
0x573: {  	s3 =	smax.f32 s16, s3;
	v41 =	vsub.f32 v35, v3;
	v21 =	vmov s0  }
0x574: {  	v42 =	vmov s3;
	s16 =	spop (v2sf);
	(erf) = vpow2.f32 v1;
	v1 =	vsub.f32 v37, v21  }
0x575: {  	v7 =	vsub.f32 v36, v42;
	s25 =	spop (v2sf)  }
0x576: {  	v5 =	vmul.f32 $1.442695020e+00, v41;
	s4 =	spop (v2sf);
	v1 =	vmul.f32 $1.442695020e+00, v1  }
0x577: {  	s3 =	smax.f32 s16, s25;
	v7 =	vmul.f32 $1.442695020e+00, v7;
	s16 =	spop (v2sf)  }
0x578: {  	v43 =	vmov s3;
	(erf) = vpow2.f32 v5;
	s0 =	smax.f32 s4, s16  }
0x579: {  	v44 =	vsub.f32 v38, v43;
	s25 =	spop (v2sf);
	(erf) = vpow2.f32 v7;
	v22 =	vmov s0;
	v20 =	vpop (erf)  }
0x57a: {  	s4 =	smax.f32 s25, s1;
	v45 =	vsub.f32 v40, v22;
	(erf) = vpow2.f32 v1;
	v1 =	vpop (erf)  }
0x57b: {  	v46 =	vmov s4;
	v5 =	vmul.f32 $1.442695020e+00, v44;
	(xrf2) =	vadd.scan.msk.f32 $0xffff, v20;
	v47 =	vmul.f32 v48, v1  }
0x57c: {  	v4 =	vsub.f32 v32, v46  }
0x57d: {  	v7 =	vmul.f32 $1.442695020e+00, v45;
	(erf) = vpow2.f32 v5;
	(xrf2) =	vadd.scan.msk.f32 $0xffff, v47  }
0x57e: {  	v4 =	vmul.f32 $1.442695020e+00, v4  }
0x57f: {  	(erf) = vpow2.f32 v7  }
0x580: {  	(erf) = vpow2.f32 v4  }
0x581: {  	v17 =	vpop (erf)  }
0x582: {  	v13 =	vpop (erf)  }
0x583: {  	v12 =	vpop (erf)  }
0x584: {  	v51 =	vsub.f32 v18, v46;
	v11 =	vpop (erf)  }
0x585: {  	v52 =	vsub.f32 v33, v19;
	v50, _, _ =	vpop (xrf2)  }
0x586: {  	v3 =	vsub.f32 v15, v3;
	v5 =	vmul.f32 $1.442695020e+00, v51;
	v18 =	vmul.f32 v48, v17;
	v10 =	vpop (erf)  }
0x587: {  	v32 =	vsub.f32 v16, v42;
	(v2sf) =	vpush v50, $0xF;
	v53, _, _ =	vpop (xrf2)  }
0x588: {  	v7 =	vmul.f32 $1.442695020e+00, v52;
	(erf) = vpow2.f32 v5;
	(xrf2) =	vadd.scan.msk.f32 $0xffff, v18;
	v9 =	vpop (erf);
	(v2sf) =	vpush v53, $0xF  }
0x589: {  	v3 =	vmul.f32 $1.442695020e+00, v3;
	v34 =	vmul.f32 $1.442695020e+00, v32;
	v26 =	vpop (erf)  }
0x58a: {  	(erf) = vpow2.f32 v7;
	v54 =	vmul.f32 v48, v26  }
0x58b: {  	v55 =	vmul.f32 v48, v13;
	(erf) = vpow2.f32 v3  }
0x58c: {  	v57 =	vmul.f32 v48, v12;
	(erf) = vpow2.f32 v34;
	(xrf2) =	vadd.scan.msk.f32 $0xffff, v54  }
0x58d: {  	v60 =	vmul.f32 v48, v11;
	(xrf2) =	vadd.scan.msk.f32 $0xffff, v55  }
0x58e: {  	v33 =	vmul.f32 v48, v10;
	(xrf2) =	vadd.scan.msk.f32 $0xffff, v57  }
0x58f: {  	v3 =	vmul.f32 v48, v9;
	(xrf2) =	vadd.scan.msk.f32 $0xffff, v60  }
0x590: {  	v35 =	vsub.f32 v2, v21;
	(xrf2) =	vadd.scan.msk.f32 $0xffff, v33  }
0x591: {  	v2 =	vpop (erf);
	(xrf2) =	vadd.scan.msk.f32 $0xffff, v3  }
0x592: {  	v36, _, _ =	vpop (xrf2);
	v3 =	vmul.f32 $1.442695020e+00, v35;
	(xrf2) =	vadd.scan.msk.f32 $0xffff, v2  }
0x593: {  	v28 =	vpop (erf)  }
0x594: {  	v37 =	vsub.f32 v14, v43;
	v14 =	vpop (erf)  }
0x595: {  	v0 =	vsub.f32 v0, v22;
	v15 =	vpop (erf);
	(erf) = vpow2.f32 v3  }
0x596: {  	(v2sf) =	vpush v36, $0xF;
	v3, _, _ =	vpop (xrf2);
	s5 =	spop (v2sf)  }
0x597: {  	v0 =	vmul.f32 $1.442695020e+00, v0;
	v5 =	vmul.f32 $1.442695020e+00, v37;
	(xrf2) =	vadd.scan.msk.f32 $0xffff, v28;
	v38, _, _ =	vpop (xrf2);
	(v2sf) =	vpush v3, $0xF;
	s16 =	spop (v2sf)  }
0x598: {  	v7, _, _ =	vpop (xrf2);
	(v2sf) =	vpush v38, $0xF;
	s0 =	sadd.f32 s16, s5  }
0x599: {  	(erf) = vpow2.f32 v5;
	v39, _, _ =	vpop (xrf2);
	(v2sf) =	vpush v7, $0xF  }
0x59a: {  	(erf) = vpow2.f32 v0;
	(xrf2) =	vadd.scan.msk.f32 $0xffff, v14;
	v40, _, _ =	vpop (xrf2);
	(v2sf) =	vpush v39, $0xF;
	v3 =	vmov s0  }
0x59b: {  	(v2sf) =	vpush v40, $0xF;
	v0, _, _ =	vpop (xrf2);
	v3 =	vadd.f32 $0.0e+00, v3  }
0x59c: {  	(xrf2) =	vadd.scan.msk.f32 $0xffff, v15;
	(v2sf) =	vpush v0, $0xF;
	v0, _, _ =	vpop (xrf2)  }
0x59d: {  	(v2sf) =	vpush v0, $0xF;
	v3 =	vbroadcast v3, $0x0  }
0x59e: {  	v16 =	vpop (erf)  }
0x59f: {  	s4 =	simm.s32 $0x3;
	(xrf2) =	vadd.scan.msk.f32 $0xffff, v16;
	(erf) = vrcp.f32 v3  }
0x5a0: {  	v44 =	vmov s4  }
0x5a1: {  	s25 =	simm.s32 $0x7;
	v6 =	vand.u32 $0xFFFFFFFB, v44;
	v0, _, _ =	vpop (xrf2)  }
0x5a2: {  	s3 =	simm.s32 $0x2;
	v6 =	vbroadcast v6, $0x0;
	v18 =	vpop (erf);
	(v2sf) =	vpush v0, $0xF;
	v0 =	vmov s25  }
0x5a3: {  	v43 =	vmov s3;
	s5 =	simm.s32 $0x4;
	v19 =	vpop (erf);
	(xrf2) =	vadd.scan.msk.f32 $0xffff, v18  }
0x5a4: {  	s1 =	simm.s32 $0x1;
	v4 =	vand.u32 $0xFFFFFFFA, v43;
	v45 =	vmov s5;
	v41, _, _ =	vpop (xrf2);
	(xrf2) =	vadd.scan.msk.f32 $0xffff, v19  }
0x5a5: {  	v42 =	vmov s1;
	v4 =	vbroadcast v4, $0x0;
	s4 =	spop (v2sf);
	v7 =	vand.u32 $0xFFFFFFFC, v45  }
0x5a6: {  	v7 =	vbroadcast v7, $0x0;
	v3 =	vmov s26;
	(v2sf) =	vpush v41, $0xF;
	v22, _, _ =	vpop (xrf2);
	s1 =	spop (v2sf)  }
0x5a7: {  	s25 =	simm.s32 $0x6;
	v3 =	vand.u32 $0xFFFFFFF8, v3;
	(v2sf) =	vpush v22, $0xF;
	v0 =	vld.idx.msk [tilespmem:v0+s15+$0x0], $0xffff;
	s5 =	spop (v2sf)  }
0x5a8: {  	v6 =	vld.idx.msk [tilespmem:v6+s15+$0x0], $0xffff;
	s16 =	simm.s32 $0x5;
	v21 =	vmov s25;
	v3 =	vbroadcast v3, $0x0;
	s25 =	spop (v2sf);
	v23 =	vpop (erf)  }
0x5a9: {  	v5 =	vand.u32 $0xFFFFFFF9, v42;
	v46 =	vmov s16;
	v22, _, _ =	vpop (xrf2);
	s16 =	spop (v2sf);
	v20 =	vmul.f32 v23, v20  }
0x5aa: {  	v5 =	vbroadcast v5, $0x0;
	(v2sf) =	vpush v22, $0xF;
	v22 =	vand.u32 $0xFFFFFFFE, v21;
	s3 =	spop (v2sf)  }
0x5ab: {  	v4 =	vld.idx.msk [tilespmem:v4+s15+$0x0], $0xffff;
	v22 =	vbroadcast v22, $0x0;
	s0 =	spop (v2sf);
	v1 =	vmul.f32 v23, v1;
	v24 =	vsub.f32 $1.000000000e+00, v20  }
0x5ac: {  	v31 =	vlaneseq.u32;
	v7 =	vld.idx.msk [tilespmem:v7+s15+$0x0], $0xffff;
	vm1 =	veq.s32 v0, v59;
	s26 =	spop (v2sf)  }
0x5ad: {  	vm7 =	veq.s32 v6, v31;
	s1 =	sadd.f32 s1, s26;
	v23 =	vsub.f32 $1.000000000e+00, v1;
	v21 =	vsel vm1, v24, v20;
	v20, _, _ =	vpop (xrf2)  }
0x5ae: {  	vm8 =	veq.s32 v6, v58;
	v3 =	vld.idx.msk [tilespmem:v3+s15+$0x0], $0xffff;
	vm2 =	veq.s32 v0, v58;
	(v2sf) =	vpush v20, $0xF;
	v47, _, _ =	vpop (xrf2)  }
0x5af: {  	v20 =	vsel vm2, v23, v1;
	v23 =	vmov s1;
	(v2sf) =	vpush v47, $0xF  }
0x5b0: {  	vm11 =	veq.s32 v4, v31;
	v8 =	vand.u32 $0xFFFFFFFD, v46;
	v0 =	vld.idx.msk [tilespmem:v5+s15+$0x0], $0xffff;
	v50 =	vadd.f32 $0.0e+00, v23  }
0x5b1: {  	vm9 =	veq.s32 v4, v58;
	v8 =	vbroadcast v8, $0x0;
	vm5 =	veq.s32 v7, v31;
	v30 =	vld.idx.msk [tilespmem:v22+s15+$0x0], $0xffff;
	s26 =	spop (v2sf)  }
0x5b2: {  	vm6 =	veq.s32 v7, v58;
	v24 =	vmul.f32 $1.024000000e+03, v21;
	s26 =	sadd.f32 s4, s26;
	s1 =	simm.s32 $0xF0;
	v5 =	vbroadcast v50, $0x0  }
0x5b3: {  	v59 =	vlaneseq.u32;
	vm14 =	veq.s32 v3, v31;
	vm13 =	veq.s32 v3, v58;
	v39 =	vld [tilespmem:s1+$0x3C]  }
0x5b4: {  	v40 =	vld [tilespmem:s1+$0x40];
	v1 =	vtrunc.f32 v24;
	v23 =	vmov s26;
	(erf) = vrcp.f32 v5  }
0x5b5: {  	v24 =	vmul.f32 $1.024000000e+03, v20;
	s4 =	spop (v2sf);
	v1 =	vcvt.f32.s32 v1;
	v23 =	vadd.f32 $0.0e+00, v23  }
0x5b6: {  	vm12 =	veq.s32 v0, v31;
	vm10 =	veq.s32 v0, v58;
	s26 =	sadd.f32 s5, s4;
	s5 =	spop (v2sf);
	vm4 =	veq.s32 v30, v59  }
0x5b7: {  	v8 =	vld.idx.msk [tilespmem:v8+s15+$0x0], $0xffff;
	v24 =	vtrunc.f32 v24;
	s4 =	sadd.f32 s25, s5;
	vm0 =	vlt.s32 v1, $0x3FF;
	v51 =	vbroadcast v23, $0x0  }
0x5b8: {  	v27 =	vld [tilespmem:s1+$0xFFFFFFB4];
	v24 =	vcvt.f32.s32 v24;
	v25 =	vmov s26;
	v1 =	vnsel vm0, $0x3FF, v1;
	(xrf0) =	vmax.scan.msk.f32 $0xffff, v39  }
0x5b9: {  	v36 =	vld [tilespmem:s1+$0xFFFFFFC4];
	v29 =	vadd.f32 $0.0e+00, v25;
	v53 =	vmov s4;
	(erf) = vrcp.f32 v51;
	(xrf0) =	vmax.scan.msk.f32 $0xffff, v40  }
0x5ba: {  	v37 =	vld [tilespmem:s1+$0xFFFFFFC8];
	s26 =	spop (v2sf);
	vm0 =	vlt.s32 v24, $0x3FF;
	v23 =	vadd.s32 v63, v1;
	v1 =	vadd.s32 v62, v1  }
0x5bb: {  	v3 =	vadd.f32 $0.0e+00, v53;
	s4 =	sadd.f32 s16, s26;
	v25 =	vsel vm1, v1, v23;
	v1 =	vbroadcast v29, $0x0;
	v29 =	vld [tilespmem:s1+$0xFFFFFFD8]  }
0x5bc: {  	v41 =	vld [tilespmem:s1+$0xFFFFFFDC];
	vm3 =	veq.s32 v30, v58;
	v24 =	vnsel vm0, $0x3FF, v24;
	vm1 =	veq.s32 v8, v31  }
0x5bd: {  	v32 =	vld [tilespmem:s1+$0xFFFFFFEC];
	(xrf0) =	vmax.scan.msk.f32 $0xffff, v27;
	v22 =	vadd.s32 v49, v24;
	v3 =	vbroadcast v3, $0x0;
	v0 =	vmov s4;
	v54 =	vpop (erf);
	s5 =	spop (v2sf)  }
0x5be: {  	v43 =	vld [tilespmem:s1+$0xFFFFFFF0];
	(xrf0) =	vmax.scan.msk.f32 $0xffff, v36;
	v0 =	vadd.f32 $0.0e+00, v0;
	(erf) = vrcp.f32 v1;
	v4 =	vmul.f32 v54, v26;
	v26, _, _ =	vpop (xrf0);
	s3 =	sadd.f32 s3, s5;
	s16 =	spop (v2sf)  }
0x5bf: {  	v38 =	vld [tilespmem:s1+$0x0];
	v52 =	vadd.s32 v61, v24;
	(xrf0) =	vmax.scan.msk.f32 $0xffff, v37;
	(erf) = vrcp.f32 v3;
	(v2sf) =	vpush v26, $0xF;
	v26, _, _ =	vpop (xrf0);
	s0 =	sadd.f32 s0, s16  }
0x5c0: {  	v56 =	vmovc v49;
	v44 =	vld [tilespmem:s1+$0x4];
	v5 =	vbroadcast v0, $0x0;
	(xrf0) =	vmax.scan.msk.f32 $0xffff, v29;
	(v2sf) =	vpush v26, $0xF;
	v0 =	vmov s3  }
0x5c1: {  	v51 =	vmovc v58;
	(xrf0) =	vmax.scan.msk.f32 $0xffff, v41;
	v2 =	vmul.f32 v54, v2;
	v57 =	vadd.f32 $0.0e+00, v0;
	v0 =	vld [tilespmem:s1+$0x14];
	v31 =	vmov s0  }
0x5c2: {  	v45 =	vld [tilespmem:s1+$0x18];
	v24 =	vsel vm2, v52, v22;
	vm2 =	veq.s32 v8, v58;
	(erf) = vrcp.f32 v5;
	(xrf0) =	vmax.scan.msk.f32 $0xffff, v32;
	v55 =	vpop (erf)  }
0x5c3: {  	v30 =	vld [tilespmem:s1+$0x28];
	(xrf0) =	vmax.scan.msk.f32 $0xffff, v43;
	v60 =	vsub.f32 $1.000000000e+00, v2;
	v28 =	vmul.f32 v55, v28;
	v42, _, _ =	vpop (xrf0);
	v49 =	vsub.f32 $1.000000000e+00, v4  }
0x5c4: {  	v46 =	vld [tilespmem:s1+$0x2C];
	(xrf0) =	vmax.scan.msk.f32 $0xffff, v38;
	v6 =	vmul.f32 v55, v17;
	(v2sf) =	vpush v42, $0xF;
	v26 =	vadd.f32 $0.0e+00, v31;
	v31, _, _ =	vpop (xrf0)  }
0x5c5: {  	v17 =	vld [tilespmem:s1+$0xFFFFFFB0];
	v35 =	vsel vm14, v60, v2;
	v2 =	vsub.f32 $1.000000000e+00, v28;
	(xrf0) =	vmax.scan.msk.f32 $0xffff, v44;
	(v2sf) =	vpush v31, $0xF;
	v31, _, _ =	vpop (xrf0)  }
0x5c6: {  	v34 =	vsel vm13, v49, v4;
	v53 =	vsub.f32 $1.000000000e+00, v6;
	(v2sf) =	vpush v31, $0xF;
	v50, _, _ =	vpop (xrf0);
	(xrf0) =	vmax.scan.msk.f32 $0xffff, v0  }
0x5c7: {  	v54 =	vmul.f32 $1.024000000e+03, v35;
	v7 =	vbroadcast v57, $0x0;
	(v2sf) =	vpush v50, $0xF;
	v52, _, _ =	vpop (xrf0);
	(xrf0) =	vmax.scan.msk.f32 $0xffff, v45  }
0x5c8: {  	v33 =	vsel vm12, v2, v28;
	v2 =	vmul.f32 $1.024000000e+03, v34;
	(v2sf) =	vpush v52, $0xF;
	v55, _, _ =	vpop (xrf0);
	(xrf0) =	vmax.scan.msk.f32 $0xffff, v30  }
0x5c9: {  	v3 =	vmul.f32 $1.024000000e+03, v33;
	v58 =	vtrunc.f32 v54;
	(v2sf) =	vpush v55, $0xF;
	v1, _, _ =	vpop (xrf0);
	(xrf0) =	vmax.scan.msk.f32 $0xffff, v46  }
0x5ca: {  	(erf) = vrcp.f32 v7;
	v2 =	vtrunc.f32 v2;
	(v2sf) =	vpush v1, $0xF;
	v1, _, _ =	vpop (xrf0);
	(xrf0) =	vmax.scan.msk.f32 $0xffff, v17  }
0x5cb: {  	v5 =	vcvt.f32.s32 v58;
	v31 =	vbroadcast v26, $0x0;
	(v2sf) =	vpush v1, $0xF;
	v1, _, _ =	vpop (xrf0)  }
0x5cc: {  	v26 =	vsel vm10, v53, v6;
	v3 =	vtrunc.f32 v3;
	(v2sf) =	vpush v1, $0xF;
	v1, _, _ =	vpop (xrf0)  }
0x5cd: {  	v60 =	vcvt.f32.s32 v2;
	(erf) = vrcp.f32 v31;
	(v2sf) =	vpush v1, $0xF;
	v1, _, _ =	vpop (xrf0)  }
0x5ce: {  	v57 =	vmul.f32 $1.024000000e+03, v26;
	vm0 =	vlt.s32 v5, $0x3FF;
	s25 =	spop (v2sf);
	(v2sf) =	vpush v1, $0xF;
	v1, _, _ =	vpop (xrf0)  }
0x5cf: {  	v2 =	vnsel vm0, $0x3FF, v5;
	vm0 =	vlt.s32 v60, $0x3FF;
	s26 =	spop (v2sf);
	(v2sf) =	vpush v1, $0xF;
	v1, _, _ =	vpop (xrf0)  }
0x5d0: {  	v4 =	vtrunc.f32 v57;
	s1 =	smax.f32 s25, s26;
	(v2sf) =	vpush v1, $0xF;
	v1 =	vcvt.f32.s32 v3;
	v3, _, _ =	vpop (xrf0)  }
0x5d1: {  	v31 =	vnsel vm0, $0x3FF, v60;
	v50 =	vmov s1;
	(v2sf) =	vpush v3, $0xF;
	v3 =	vpop (erf)  }
0x5d2: {  	v42 =	vcvt.f32.s32 v4;
	v8 =	vsub.f32 v40, v50;
	v4 =	vmul.f32 v3, v14;
	v47 =	vpop (erf)  }
0x5d3: {  	vm0 =	vlt.s32 v1, $0x3FF;
	v3 =	vmul.f32 v3, v13;
	v6 =	vmul.f32 v47, v15;
	v49 =	vpop (erf)  }
0x5d4: {  	s0 =	spop (v2sf);
	v14 =	vsub.f32 v39, v50;
	v5 =	vmul.f32 v47, v12;
	v8 =	vmul.f32 $1.442695020e+00, v8;
	v13 =	vpop (erf)  }
0x5d5: {  	v28 =	vnsel vm0, $0x3FF, v1;
	s3 =	spop (v2sf);
	v7 =	vmul.f32 v49, v11;
	v11 =	vmul.f32 v13, v18  }
0x5d6: {  	vm0 =	vlt.s32 v42, $0x3FF;
	s4 =	spop (v2sf);
	v1 =	vmul.f32 v13, v10;
	v52 =	vpop (erf);
	v13 =	vmul.f32 $1.442695020e+00, v14  }
0x5d7: {  	v12 =	vmul.f32 v49, v16;
	v18 =	vsub.f32 $1.000000000e+00, v4;
	s5 =	spop (v2sf);
	s1 =	smax.f32 s3, s4;
	v40 =	vmul.f32 v52, v19  }
0x5d8: {  	s16 =	spop (v2sf);
	v14 =	vmov s1;
	(erf) = vpow2.f32 v13;
	v47 =	vsub.f32 $1.000000000e+00, v1  }
0x5d9: {  	s25 =	spop (v2sf);
	v15 =	vsub.f32 v36, v14;
	s3 =	smax.f32 s5, s16;
	v13 =	vsub.f32 v37, v14;
	(erf) = vpow2.f32 v8  }
0x5da: {  	v8 =	vmul.f32 v52, v9;
	v9 =	vsub.f32 $1.000000000e+00, v3;
	s26 =	spop (v2sf);
	v14 =	vmov s3  }
0x5db: {  	v52 =	vadd.s32 v63, v2;
	v2 =	vadd.s32 v62, v2;
	s5 =	spop (v2sf);
	v53 =	vsub.f32 v41, v14;
	s1 =	smax.f32 s25, s26  }
0x5dc: {  	v13 =	vmul.f32 $1.442695020e+00, v13;
	v14 =	vsub.f32 v29, v14;
	s16 =	spop (v2sf);
	v16 =	vmov s1  }
0x5dd: {  	v19 =	vmul.f32 $1.442695020e+00, v15;
	v39 =	vsel vm9, v9, v3;
	v15 =	vsub.f32 v43, v16;
	s3 =	smax.f32 s5, s16  }
0x5de: {  	s25 =	spop (v2sf);
	v10 =	vmul.f32 $1.442695020e+00, v53;
	v16 =	vsub.f32 v32, v16;
	v29 =	vmov s3  }
0x5df: {  	(erf) = vpow2.f32 v13;
	s26 =	spop (v2sf);
	v13 =	vmul.f32 $1.442695020e+00, v15;
	v15 =	vsub.f32 v44, v29  }
0x5e0: {  	v14 =	vmul.f32 $1.442695020e+00, v14;
	s5 =	spop (v2sf);
	s1 =	smax.f32 s25, s26;
	v29 =	vsub.f32 v38, v29;
	(erf) = vpow2.f32 v10  }
0x5e1: {  	v60 =	vmul.f32 $1.442695020e+00, v16;
	s16 =	spop (v2sf);
	v54 =	vmov s1;
	v57 =	vmul.f32 $1.442695020e+00, v15  }
0x5e2: {  	s25 =	smax.f32 s5, s16;
	v15 =	vsub.f32 v45, v54;
	s26 =	spop (v2sf);
	(erf) = vpow2.f32 v13;
	v29 =	vmul.f32 $1.442695020e+00, v29  }
0x5e3: {  	v0 =	vsub.f32 v0, v54;
	v54 =	vmul.f32 $1.024000000e+03, v39;
	v58 =	vmov s25;
	s0 =	smax.f32 s26, s0  }
0x5e4: {  	v36 =	vpop (erf);
	v13 =	vsub.f32 v46, v58;
	v16 =	vmov s0;
	v15 =	vmul.f32 $1.442695020e+00, v15  }
0x5e5: {  	v37 =	vpop (erf);
	(erf) = vpow2.f32 v57;
	v0 =	vmul.f32 $1.442695020e+00, v0;
	v46 =	vsub.f32 $1.000000000e+00, v11  }
0x5e6: {  	v57 =	vsub.f32 $1.000000000e+00, v40;
	v55 =	vsub.f32 v27, v16;
	v27 =	vmul.f32 v48, v37  }
0x5e7: {  	v16 =	vsub.f32 v17, v16;
	v13 =	vmul.f32 $1.442695020e+00, v13;
	(erf) = vpow2.f32 v15  }
0x5e8: {  	(xrf2) =	vadd.scan.msk.f32 $0xffff, v36;
	v53 =	vsel vm1, v46, v11;
	v10 =	vmul.f32 $1.442695020e+00, v55;
	v55 =	vsel vm4, v57, v40  }
0x5e9: {  	(xrf2) =	vadd.scan.msk.f32 $0xffff, v27;
	v57 =	vmul.f32 $1.024000000e+03, v53;
	(erf) = vpow2.f32 v13;
	v13 =	vsub.f32 v30, v58  }
0x5ea: {  	v32 =	vsub.f32 $1.000000000e+00, v5;
	v15 =	vmul.f32 $1.442695020e+00, v16;
	(erf) = vpow2.f32 v10  }
0x5eb: {  	v44 =	vsub.f32 $1.000000000e+00, v7;
	v16 =	vpop (erf);
	v40 =	vtrunc.f32 v57;
	v10 =	vmul.f32 $1.442695020e+00, v13  }
0x5ec: {  	v9 =	vsel vm8, v32, v5;
	v43 =	vmul.f32 v48, v16;
	v17 =	vpop (erf);
	(erf) = vpow2.f32 v15  }
0x5ed: {  	v13 =	vsub.f32 $1.000000000e+00, v12;
	[tilespmem:$0x1FBA0] =	vst v16;
	v40 =	vcvt.f32.s32 v40;
	v45 =	vmul.f32 v48, v17;
	v16 =	vpop (erf)  }
0x5ee: {  	v30 =	vsub.f32 $1.000000000e+00, v6;
	(erf) = vpow2.f32 v19;
	v38 =	vmul.f32 v48, v16  }
0x5ef: {  	(erf) = vpow2.f32 v14;
	v15 =	vsel vm5, v13, v12;
	v13 =	vsel vm6, v44, v7  }
0x5f0: {  	v12 =	vsel vm2, v47, v1;
	v1 =	vmul.f32 $1.024000000e+03, v9;
	v7 =	vtrunc.f32 v54  }
0x5f1: {  	v14 =	vsel vm7, v30, v6;
	v19 =	vpop (erf);
	(erf) = vpow2.f32 v60;
	[tilespmem:$0x1FBC0] =	vst v15;
	v15 =	vmul.f32 $1.024000000e+03, v15  }
0x5f2: {  	v44 =	vsel vm14, v2, v52;
	v60, _, _ =	vpop (xrf2);
	v2 =	vcvt.f32.s32 v7;
	v3 =	vmul.f32 v48, v19  }
0x5f3: {  	(erf) = vpow2.f32 v29;
	(v2sf) =	vpush v60, $0xF;
	v29 =	vmul.f32 $1.024000000e+03, v14;
	v32, _, _ =	vpop (xrf2)  }
0x5f4: {  	v60 =	vmul.f32 $1.024000000e+03, v12;
	v49 =	vtrunc.f32 v1;
	v27 =	vpop (erf);
	(v2sf) =	vpush v32, $0xF  }
0x5f5: {  	v41 =	vsel vm11, v18, v4;
	[tilespmem:$0x1FBD0] =	vst v53;
	(erf) = vpow2.f32 v0;
	v53 =	vtrunc.f32 v15;
	v18 =	vpop (erf)  }
0x5f6: {  	v58 =	vsub.f32 $1.000000000e+00, v8;
	(xrf2) =	vadd.scan.msk.f32 $0xffff, v43;
	v0 =	vmul.f32 v48, v27;
	v5 =	vmul.f32 v48, v18;
	v50 =	vpop (erf)  }
0x5f7: {  	v57 =	vadd.s32 v61, v31;
	v4 =	vmul.f32 v48, v50;
	v48 =	vmul.f32 $1.024000000e+03, v41  }
0x5f8: {  	v58 =	vsel vm3, v58, v8;
	(erf) = vpow2.f32 v10;
	v29 =	vtrunc.f32 v29  }
0x5f9: {  	[tilespmem:$0x1FBE0] =	vst v12;
	v12 =	vnsel vm0, $0x3FF, v42;
	v8 =	vtrunc.f32 v60;
	v6 =	vtrunc.f32 v48  }
0x5fa: {  	v1 =	vadd.s32 v56, v31;
	v32 =	vmul.f32 $1.024000000e+03, v55;
	v6 =	vcvt.f32.s32 v6  }
0x5fb: {  	[tilespmem:$0x1FC00] =	vst v58;
	vm14 =	vlt.s32 v2, $0x3FF;
	v48 =	vmul.f32 $1.024000000e+03, v58;
	v58 =	vcvt.f32.s32 v29  }
0x5fc: {  	[tilespmem:$0x1FBF0] =	vst v55;
	v10 =	vcvt.f32.s32 v53;
	v55 =	vtrunc.f32 v32;
	vm0 =	vlt.s32 v6, $0x3FF  }
0x5fd: {  	(xrf2) =	vadd.scan.msk.f32 $0xffff, v4;
	v31 =	vtrunc.f32 v48;
	v6 =	vnsel vm0, $0x3FF, v6;
	vm0 =	vlt.s32 v58, $0x3FF  }
0x5fe: {  	v43 =	vcvt.f32.s32 v55;
	(xrf2) =	vadd.scan.msk.f32 $0xffff, v45;
	v7 =	vnsel vm0, $0x3FF, v58;
	vm0 =	vlt.s32 v10, $0x3FF  }
0x5ff: {  	v60 =	vnsel vm14, $0x3FF, v2;
	(xrf2) =	vadd.scan.msk.f32 $0xffff, v38;
	v53 =	vnsel vm0, $0x3FF, v10;
	vm0 =	vlt.s32 v40, $0x3FF  }
0x600: {  	v2 =	vcvt.f32.s32 v31;
	v31, _, _ =	vpop (xrf2);
	(xrf2) =	vadd.scan.msk.f32 $0xffff, v3;
	v42 =	vnsel vm0, $0x3FF, v40;
	vm0 =	vlt.s32 v43, $0x3FF  }
0x601: {  	(xrf2) =	vadd.scan.msk.f32 $0xffff, v0;
	v0 =	vnsel vm0, $0x3FF, v43;
	vm0 =	vcmask $0x3F30  }
0x602: {  	s3 =	spop (v2sf)  }
0x603: {  	[tilespmem:$0x1FBB0] =	vst v27;
	v27 =	vmul.f32 $1.024000000e+03, v13;
	v29 =	vcvt.f32.s32 v49;
	s4 =	spop (v2sf)  }
0x604: {  	v43 =	vimm.f32 $1.000000000e+00;
	s0 =	sadd.f32 s4, s3  }
0x605: {  	v8 =	vcvt.f32.s32 v8;
	v54 =	vtrunc.f32 v27;
	vm14 =	vlt.s32 v29, $0x3FF;
	[tilespmem:v25+s19+$0x0] =	vst.idx.add.f32.msk $0xffff, v43  }
0x606: {  	v11 =	vcvt.f32.s32 v54;
	v30 =	vnsel vm14, $0x3FF, v29;
	[tilespmem:v23+s20+$0x0] =	vst.idx.add.f32.msk $0xffff, v21;
	v29 =	vmov s0  }
0x607: {  	[tilespmem:v24+s19+$0x0] =	vst.idx.add.f32.msk vm0, v43;
	vm0 =	vcmask $0x3F30;
	v3 =	vadd.f32 $0.0e+00, v29  }
0x608: {  	v45 =	vpop (erf);
	vm14 =	vlt.s32 v11, $0x3FF  }
0x609: {  	v54 =	vnsel vm14, $0x3FF, v11;
	vm14 =	vlt.s32 v8, $0x3FF;
	v10, _, _ =	vpop (xrf2);
	v3 =	vbroadcast v3, $0x0  }
0x60a: {  	v47 =	vnsel vm14, $0x3FF, v8;
	v8, _, _ =	vpop (xrf2)  }
0x60b: {  	v15 =	vmov v56;
	v56 =	vadd.s32 v56, v12;
	v29 =	vpop (erf);
	(erf) = vrcp.f32 v3  }
0x60c: {  	s5 =	simm.s32 $0xF;
	v4 =	vsel vm13, v57, v1;
	(xrf2) =	vadd.scan.msk.f32 $0xffff, v5;
	v5 =	vadd.s32 v63, v28;
	v28 =	vadd.s32 v62, v28;
	v40, _, _ =	vpop (xrf2)  }
0x60d: {  	v49 =	vmov s5;
	(v2sf) =	vpush v31, $0xF;
	v24, _, _ =	vpop (xrf2);
	[tilespmem:v22+s20+$0x0] =	vst.idx.add.f32.msk vm0, v20;
	vm0 =	vcmask $0x3F30  }
0x60e: {  	v48 =	vadd.s32 v61, v12;
	v31 =	vadd.s32 v61, v60;
	(v2sf) =	vpush v10, $0xF;
	(xrf2) =	vadd.scan.msk.f32 $0xffff, v45;
	v32 =	vpop (erf)  }
0x60f: {  	v10 =	vimm.f32 $1.000000000e+00;
	v55 =	vsel vm12, v28, v5;
	(v2sf) =	vpush v8, $0xF;
	v28 =	vpop (erf)  }
0x610: {  	s1 =	simm.s32 $0xB;
	v58 =	vadd.s32 v15, v60;
	[tilespmem:v44+s19+$0x0] =	vst.idx.add.f32.msk $0xffff, v10;
	(v2sf) =	vpush v40, $0xF;
	(xrf2) =	vadd.scan.msk.f32 $0xffff, v29;
	v22, _, _ =	vpop (xrf2)  }
0x611: {  	[tilespmem:v52+s20+$0x0] =	vst.idx.add.f32.msk $0xffff, v35;
	(v2sf) =	vpush v24, $0xF;
	v20 =	vmov s1;
	(xrf2) =	vadd.scan.msk.f32 $0xffff, v32;
	v12 =	vpop (erf)  }
0x612: {  	s16 =	simm.s32 $0x8;
	v60 =	vsel vm9, v31, v58;
	(v2sf) =	vpush v22, $0xF;
	v22 =	vld.idx.msk [tilespmem:v49+s15+$0x0], $0xffff;
	v31 =	vpop (erf)  }
0x613: {  	s25 =	simm.s32 $0x9;
	v27 =	vmov v15;
	v25 =	vmov s16;
	v15 =	vpop (erf);
	[tilespmem:v4+s19+$0x0] =	vst.idx.add.f32.msk vm0, v10;
	vm0 =	vcmask $0x3F30  }
0x614: {  	v21 =	vand.u32 $0xFFFFFFF8, v25;
	v23 =	vmov s25;
	v49 =	vand.u32 $0xFFFFFFFB, v20;
	v20 =	vpop (erf)  }
0x615: {  	v52 =	vadd.s32 v63, v7;
	v7 =	vadd.s32 v62, v7;
	v36 =	vmul.f32 v20, v36  }
0x616: {  	v25 =	vbroadcast v21, $0x0;
	v23 =	vand.u32 $0xFFFFFFF9, v23;
	v7 =	vsel vm7, v7, v52  }
0x617: {  	v21, _, _ =	vpop (xrf2);
	vm9 =	veq.s32 v22, v59;
	vm7 =	veq.s32 v22, v51;
	v22 =	vsub.f32 $1.000000000e+00, v36  }
0x618: {  	v23 =	vbroadcast v23, $0x0;
	(v2sf) =	vpush v21, $0xF;
	v21, _, _ =	vpop (xrf2)  }
0x619: {  	s26 =	simm.s32 $0xA;
	(v2sf) =	vpush v21, $0xF;
	[tilespmem:v1+s20+$0x0] =	vst.idx.add.f32.msk vm0, v34;
	vm0 =	vcmask $0x3F30;
	v22 =	vsel vm9, v22, v36  }
0x61a: {  	v46 =	vmov s26;
	v38 =	vsel vm10, v48, v56;
	v1, _, _ =	vpop (xrf2);
	v44 =	vmul.f32 $1.024000000e+03, v22  }
0x61b: {  	vm14 =	vlt.s32 v2, $0x3FF;
	[tilespmem:v55+s19+$0x0] =	vst.idx.add.f32.msk $0xffff, v10;
	v37 =	vmul.f32 v20, v37;
	(v2sf) =	vpush v1, $0xF;
	v1, _, _ =	vpop (xrf2)  }
0x61c: {  	v8 =	vand.u32 $0xFFFFFFFA, v46;
	(v2sf) =	vpush v1, $0xF;
	v1 =	vld.idx.msk [tilespmem:v25+s15+$0x0], $0xffff;
	v25 =	vtrunc.f32 v44  }
0x61d: {  	[tilespmem:v5+s20+$0x0] =	vst.idx.add.f32.msk $0xffff, v33;
	(xrf2) =	vadd.scan.msk.f32 $0xffff, v28;
	v57 =	vsub.f32 $1.000000000e+00, v37;
	v25 =	vcvt.f32.s32 v25  }
0x61e: {  	v21 =	vadd.s32 v61, v30;
	v20 =	vadd.s32 v27, v30;
	v30 =	vld.idx.msk [tilespmem:v23+s15+$0x0], $0xffff;
	v23 =	vadd.s32 v61, v54  }
0x61f: {  	v4 =	vsel vm7, v57, v37;
	v37 =	vadd.s32 v27, v54;
	[tilespmem:v38+s19+$0x0] =	vst.idx.add.f32.msk vm0, v10;
	vm0 =	vlt.s32 v25, $0x3FF  }
0x620: {  	v44 =	vsel vm6, v23, v37;
	v23 =	vnsel vm0, $0x3FF, v25;
	vm0 =	vcmask $0x3F30  }
0x621: {  	s3 =	simm.s32 $0xC;
	s4 =	simm.s32 $0xD;
	v8 =	vbroadcast v8, $0x0;
	v3 =	vadd.s32 v63, v6;
	v6 =	vadd.s32 v62, v6;
	s16 =	spop (v2sf)  }
0x622: {  	v48 =	vmov s4;
	v24 =	vmov s3;
	v6 =	vsel vm11, v6, v3;
	(xrf2) =	vadd.scan.msk.f32 $0xffff, v12;
	s4 =	spop (v2sf)  }
0x623: {  	v40 =	vadd.s32 v63, v53;
	v53 =	vadd.s32 v62, v53;
	v24 =	vand.u32 $0xFFFFFFFC, v24;
	s3 =	spop (v2sf)  }
0x624: {  	s5 =	simm.s32 $0xE;
	v59 =	vand.u32 $0xFFFFFFFD, v48;
	v48 =	vbroadcast v49, $0x0;
	s1 =	spop (v2sf);
	(xrf2) =	vadd.scan.msk.f32 $0xffff, v31;
	v46 =	vmul.f32 $1.024000000e+03, v4  }
0x625: {  	v35 =	vadd.s32 v27, v47;
	v55 =	vmov s5;
	v24 =	vbroadcast v24, $0x0;
	s0 =	spop (v2sf)  }
0x626: {  	v11 =	vbroadcast v59, $0x0;
	s31 =	spop (v2sf);
	v49 =	vtrunc.f32 v46;
	[tilespmem:v56+s20+$0x0] =	vst.idx.add.f32.msk vm0, v26;
	vm0 =	vcmask $0x3F30  }
0x627: {  	s26 =	simm.s32 $0x10;
	[tilespmem:v6+s19+$0x0] =	vst.idx.add.f32.msk $0xffff, v10;
	v34 =	vadd.s32 v63, v0;
	v0 =	vadd.s32 v62, v0;
	s30 =	spop (v2sf);
	v33 =	vcvt.f32.s32 v49  }
0x628: {  	[tilespmem:v3+s20+$0x0] =	vst.idx.add.f32.msk $0xffff, v41;
	v41 =	vsel vm4, v0, v34;
	v0 =	vmov s26;
	v36 =	vadd.s32 v63, v42;
	s5 =	spop (v2sf)  }
0x629: {  	v46 =	vsel vm5, v53, v40;
	v38 =	vadd.s32 v61, v47;
	s4 =	sadd.f32 s4, s5;
	vm5 =	vlt.s32 v33, $0x3FF;
	v26, _, _ =	vpop (xrf2)  }
0x62a: {  	v59 =	vld.idx.msk [tilespmem:v48+s15+$0x0], $0xffff;
	v48 =	vadd.s32 v63, v23;
	v49 =	vadd.s32 v62, v23;
	(v2sf) =	vpush v26, $0xF  }
0x62b: {  	[tilespmem:v7+s19+$0x0] =	vst.idx.add.f32.msk $0xffff, v10;
	v25 =	vnsel vm5, $0x3FF, v33;
	v53 =	vmov s4;
	v6 =	vsel vm9, v49, v48  }
0x62c: {  	v7 =	vadd.f32 $0.0e+00, v53;
	v26 =	vadd.s32 v62, v42;
	v3, _, _ =	vpop (xrf2);
	[tilespmem:v60+s19+$0x0] =	vst.idx.add.f32.msk vm0, v10;
	vm0 =	vcmask $0x3F30  }
0x62d: {  	v8 =	vld.idx.msk [tilespmem:v8+s15+$0x0], $0xffff;
	v42 =	vsel vm2, v38, v35;
	vm2 =	vcmask $0x3F30;
	(v2sf) =	vpush v3, $0xF  }
0x62e: {  	(xrf2) =	vadd.scan.msk.f32 $0xffff, v15;
	v3 =	vand.u32 $0xFFFFFFFE, v55;
	v23, _, _ =	vpop (xrf2);
	v60 =	vld.idx.msk [tilespmem:v24+s15+$0x0], $0xffff;
	v24 =	vadd.s32 v27, v25;
	v25 =	vadd.s32 v61, v25  }
0x62f: {  	[tilespmem:v52+s20+$0x0] =	vst.idx.add.f32.msk $0xffff, v14;
	v3 =	vbroadcast v3, $0x0;
	(v2sf) =	vpush v23, $0xF;
	v23 =	vsel vm7, v25, v24  }
0x630: {  	v2 =	vnsel vm14, $0x3FF, v2;
	v0 =	vand.u32 $0xFFFFFFF8, v0;
	[tilespmem:v6+s19+$0x0] =	vst.idx.add.f32.msk $0xffff, v10  }
0x631: {  	v21 =	vsel vm8, v21, v20;
	v0 =	vbroadcast v0, $0x0;
	s5 =	simm.s32 $0x13;
	v7 =	vbroadcast v7, $0x0;
	[tilespmem:v48+s20+$0x0] =	vst.idx.add.f32.msk $0xffff, v22  }
0x632: {  	vm4 =	veq.s32 v8, v51;
	v54 =	vmov s5;
	v33 =	vadd.s32 v27, v2;
	s4 =	spop (v2sf);
	[tilespmem:v58+s20+$0x0] =	vst.idx.add.f32.msk vm0, v39  }
0x633: {  	s25 =	simm.s32 $0x11;
	v2 =	vadd.s32 v61, v2;
	vm5 =	veq.s32 v1, v51;
	(erf) = vrcp.f32 v7;
	s4 =	sadd.f32 s16, s4;
	v58 =	vld.idx.msk [tilespmem:v11+s15+$0x0], $0xffff;
	[tilespmem:$0x1FC10] =	vst v0  }
0x634: {  	v6 =	vand.u32 $0xFFFFFFFB, v54;
	v39 =	vsel vm3, v2, v33;
	v2 =	vmov s25;
	s25 =	simm.s32 $0x12;
	[tilespmem:v23+s19+$0x0] =	vst.idx.add.f32.msk vm2, v10  }
0x635: {  	s5 =	simm.s32 $0x15;
	v47 =	vsel vm1, v26, v36;
	v61 =	vmov s4;
	v25 =	vmov s25;
	s25 =	simm.s32 $0x14;
	v57 =	vld.idx.msk [tilespmem:v3+s15+$0x0], $0xffff  }
0x636: {  	v0 =	vmov s5;
	v55 =	vmov s25;
	v3 =	vand.u32 $0xFFFFFFFA, v25;
	[tilespmem:v21+s19+$0x0] =	vst.idx.add.f32.msk vm2, v10  }
0x637: {  	s5 =	spop (v2sf);
	[tilespmem:v24+s20+$0x0] =	vst.idx.add.f32.msk vm2, v4;
	v5 =	vand.u32 $0xFFFFFFFC, v55;
	v24 =	vbroadcast v3, $0x0;
	v3 =	vbroadcast v6, $0x0  }
0x638: {  	v52, _, _ =	vpop (xrf2);
	v2 =	vand.u32 $0xFFFFFFF9, v2;
	s3 =	sadd.f32 s3, s5;
	v4 =	vadd.f32 $0.0e+00, v61;
	[tilespmem:v20+s20+$0x0] =	vst.idx.add.f32.msk vm2, v9;
	v63 =	vbroadcast v5, $0x0  }
0x639: {  	s28 =	simm.s32 $0x190;
	(v2sf) =	vpush v52, $0xF;
	v0 =	vand.u32 $0xFFFFFFFD, v0;
	v25 =	vbroadcast v2, $0x0;
	s16 =	spop (v2sf);
	[tilespmem:$0x1FC20] =	vst v3  }
0x63a: {  	s25 =	simm.s32 $0x16;
	v0 =	vbroadcast v0, $0x0;
	v62 =	vmov s3;
	v2 =	vbroadcast v4, $0x0;
	s1 =	sadd.f32 s1, s16;
	v55 =	vld [tilespmem:s28+$0x3C];
	[tilespmem:$0x1FC30] =	vst v63  }
0x63b: {  	vm0 =	veq.s32 v30, v51;
	v26 =	vmov s25;
	v3 =	vadd.f32 $0.0e+00, v62;
	v54 =	vld [tilespmem:s28+$0x40]  }
0x63c: {  	v26 =	vand.u32 $0xFFFFFFFE, v26;
	s25 =	spop (v2sf);
	(erf) = vrcp.f32 v2;
	v23 =	vld [tilespmem:s28+$0xFFFFFFB4];
	[tilespmem:$0x1FC40] =	vst v0;
	v0 =	vmov s1  }
0x63d: {  	s0 =	sadd.f32 s0, s25;
	v61 =	vbroadcast v3, $0x0;
	v2 =	vlaneseq.u32;
	v53 =	vld [tilespmem:s28+$0xFFFFFFC4];
	v0 =	vadd.f32 $0.0e+00, v0  }
0x63e: {  	vm6 =	veq.s32 v1, v2;
	v56 =	vld [tilespmem:s28+$0xFFFFFFC8];
	vm1 =	veq.s32 v30, v2;
	v1 =	vlaneseq.u32  }
0x63f: {  	s29 =	simm.s32 $0x18;
	v52 =	vld [tilespmem:s28+$0xFFFFFFD8];
	vm12 =	veq.s32 v8, v1;
	v1 =	vmov s0;
	s0 =	spop (v2sf);
	v0 =	vbroadcast v0, $0x0;
	(xrf0) =	vmax.scan.msk.f32 $0xffff, v55  }
.LBB2_8:
0x640: {  	v48 =	vld [tilespmem:$0x1FFB0]  }
0x641: {  	v10 =	vimm.s32 $0x0  }
0x642: {  	v8 =	vimm.s32 $0x0;
	v5 =	vlaneseq.u32;
	v3 =	vimm.s32 $0x0  }
0x643: {  	v4 =	vimm.s32 $0x0;
	v6 =	vlaneseq.u32;
	v38 =	vimm.s32 $0x0  }
0x644: {  	v62 =	vld [tilespmem:s28+$0xFFFFFFDC];
	v43 =	vimm.s32 $0x0;
	v49 =	vimm.s32 $0x0;
	v9 =	vsel vm1, $0xFFFFFFFF, v10  }
0x645: {  	v63 =	vld [tilespmem:$0x1FBA0];
	v7 =	vsel vm0, $0xFFFFFFFF, v8;
	vm13 =	veq.s32 v59, v5;
	(xrf0) =	vmax.scan.msk.f32 $0xffff, v54;
	vm8 =	veq.s32 v60, v48  }
0x646: {  	vm9 =	veq.s32 v58, v5;
	vm14 =	veq.s32 v59, v48;
	v59 =	vld [tilespmem:s28+$0xFFFFFFEC];
	(xrf0) =	vmax.scan.msk.f32 $0xffff, v23;
	v3 =	vsel vm8, $0xFFFFFFFF, v3  }
0x647: {  	vm7 =	veq.s32 v60, v5;
	v60 =	vld [tilespmem:s28+$0xFFFFFFF0];
	(xrf0) =	vmax.scan.msk.f32 $0xffff, v53;
	[tilespmem:$0x1FAA0] =	vst v3;
	v3 =	vsel vm9, $0xFFFFFFFF, v4;
	v2 =	vpop (erf)  }
0x648: {  	vm3 =	veq.s32 v57, v6;
	(xrf0) =	vmax.scan.msk.f32 $0xffff, v56;
	[tilespmem:$0x1FAB0] =	vst v3;
	v3 =	vmul.f32 v2, v45;
	v45 =	vld [tilespmem:s28+$0x0]  }
0x649: {  	[tilespmem:$0x1FA80] =	vst v9;
	v9 =	vsel vm3, $0xFFFFFFFF, v43;
	vm11 =	veq.s32 v58, v48;
	v58 =	vld [tilespmem:s28+$0x4];
	v51, _, _ =	vpop (xrf0);
	(xrf0) =	vmax.scan.msk.f32 $0xffff, v52  }
0x64a: {  	vm10 =	veq.s32 v57, v48;
	v4 =	vsel vm11, $0xFFFFFFFF, v38;
	v38 =	vld [tilespmem:s28+$0x14];
	v5 =	vmul.f32 v2, v50;
	v50 =	vpop (erf);
	(xrf0) =	vmax.scan.msk.f32 $0xffff, v62  }
0x64b: {  	v43 =	vld [tilespmem:s28+$0x18];
	[tilespmem:$0x1FAD0] =	vst v4;
	v4 =	vsub.f32 $1.000000000e+00, v3;
	(xrf0) =	vmax.scan.msk.f32 $0xffff, v59;
	v57, _, _ =	vpop (xrf0);
	s1 =	spop (v2sf);
	(v2sf) =	vpush v51, $0xF  }
0x64c: {  	v22 =	vld [tilespmem:s28+$0x28];
	v8 =	vsel vm10, $0xFFFFFFFF, v49;
	v6 =	vmul.f32 v50, v63;
	v49, _, _ =	vpop (xrf0);
	(xrf0) =	vmax.scan.msk.f32 $0xffff, v60;
	(v2sf) =	vpush v57, $0xF  }
0x64d: {  	v63 =	vld [tilespmem:s28+$0x2C];
	v57 =	vsel vm6, v4, v3;
	v3 =	vsub.f32 $1.000000000e+00, v5;
	(v2sf) =	vpush v49, $0xF;
	v49, _, _ =	vpop (xrf0);
	(xrf0) =	vmax.scan.msk.f32 $0xffff, v45  }
0x64e: {  	s0 =	sadd.f32 s31, s0;
	[tilespmem:$0x1FB00] =	vst v8;
	v8 =	vmul.f32 v50, v29;
	(v2sf) =	vpush v49, $0xF;
	v50, _, _ =	vpop (xrf0);
	(xrf0) =	vmax.scan.msk.f32 $0xffff, v58  }
0x64f: {  	(v2sf) =	vpush v50, $0xF;
	v51, _, _ =	vpop (xrf0);
	(xrf0) =	vmax.scan.msk.f32 $0xffff, v38  }
0x650: {  	v11 =	vmov s0;
	(v2sf) =	vpush v51, $0xF;
	v50, _, _ =	vpop (xrf0);
	(xrf0) =	vmax.scan.msk.f32 $0xffff, v43  }
0x651: {  	[tilespmem:$0x1FAE0] =	vst v9;
	v9 =	vsel vm5, v3, v5;
	(v2sf) =	vpush v50, $0xF;
	v3, _, _ =	vpop (xrf0);
	(xrf0) =	vmax.scan.msk.f32 $0xffff, v22  }
0x652: {  	v2 =	vadd.f32 $0.0e+00, v11;
	(erf) = vrcp.f32 v61;
	s0 =	sadd.f32 s30, s1;
	(v2sf) =	vpush v3, $0xF;
	v3, _, _ =	vpop (xrf0);
	(xrf0) =	vmax.scan.msk.f32 $0xffff, v63  }
0x653: {  	(erf) = vrcp.f32 v0;
	(v2sf) =	vpush v3, $0xF;
	v0, _, _ =	vpop (xrf0)  }
0x654: {  	v20 =	vbroadcast v2, $0x0;
	v2 =	vmov s0;
	(v2sf) =	vpush v0, $0xF;
	v0, _, _ =	vpop (xrf0)  }
0x655: {  	v2 =	vadd.f32 $0.0e+00, v2;
	(v2sf) =	vpush v0, $0xF;
	v0, _, _ =	vpop (xrf0)  }
0x656: {  	(v2sf) =	vpush v0, $0xF;
	v0, _, _ =	vpop (xrf0)  }
0x657: {  	v21 =	vbroadcast v2, $0x0;
	v2 =	vld [tilespmem:s28+$0xFFFFFFB0];
	(v2sf) =	vpush v0, $0xF;
	v0, _, _ =	vpop (xrf0)  }
0x658: {  	v1 =	vadd.f32 $0.0e+00, v1;
	v49 =	vmul.f32 $1.024000000e+03, v57;
	(v2sf) =	vpush v0, $0xF;
	v0, _, _ =	vpop (xrf0)  }
0x659: {  	v27 =	vimm.f32 $1.000000000e+00;
	v10 =	vsub.f32 $1.000000000e+00, v6;
	(v2sf) =	vpush v0, $0xF;
	v0 =	vld [tilespmem:$0x1FBD0]  }
0x65a: {  	v1 =	vbroadcast v1, $0x0;
	[tilespmem:v47+s19+$0x0] =	vst.idx.add.f32.msk $0xffff, v27;
	v3 =	vtrunc.f32 v49  }
0x65b: {  	[tilespmem:$0x1FA90] =	vst v7;
	v6 =	vsel vm0, v10, v6;
	v10 =	vld [tilespmem:$0x1FBC0];
	v3 =	vcvt.f32.s32 v3  }
0x65c: {  	[tilespmem:v46+s19+$0x0] =	vst.idx.add.f32.msk $0xffff, v27;
	(erf) = vrcp.f32 v1;
	v7 =	vsub.f32 $1.000000000e+00, v8;
	(xrf0) =	vmax.scan.msk.f32 $0xffff, v2  }
0x65d: {  	(erf) = vrcp.f32 v20;
	[tilespmem:$0x1FB10] =	vst v6;
	v51 =	vmul.f32 $1.024000000e+03, v9;
	vm0 =	vlt.s32 v3, $0x3FF  }
0x65e: {  	(erf) = vrcp.f32 v21;
	[tilespmem:v36+s20+$0x0] =	vst.idx.add.f32.msk $0xffff, v0;
	v36 =	vnsel vm0, $0x3FF, v3;
	vm0 =	vcmask $0x3F30  }
0x65f: {  	v8 =	vsel vm1, v7, v8;
	v6 =	vmul.f32 $1.024000000e+03, v6;
	[tilespmem:$0x1FAC0] =	vst v9  }
0x660: {  	[tilespmem:v40+s20+$0x0] =	vst.idx.add.f32.msk $0xffff, v10;
	v9 =	vmul.f32 $1.024000000e+03, v8;
	v1 =	vtrunc.f32 v51  }
0x661: {  	v11 =	vtrunc.f32 v6;
	[tilespmem:v44+s19+$0x0] =	vst.idx.add.f32.msk vm2, v27;
	v1 =	vcvt.f32.s32 v1  }
0x662: {  	v40 =	vcvt.f32.s32 v11;
	[tilespmem:v37+s20+$0x0] =	vst.idx.add.f32.msk vm2, v13;
	v4 =	vtrunc.f32 v9;
	v37, _, _ =	vpop (xrf0)  }
0x663: {  	v4 =	vcvt.f32.s32 v4;
	vm1 =	vlt.s32 v1, $0x3FF;
	(v2sf) =	vpush v37, $0xF;
	v0 =	vpop (erf);
	v3 =	vld [tilespmem:$0x1FBF0]  }
0x664: {  	v13 =	vmul.f32 v0, v32;
	v14 =	vmul.f32 v0, v17;
	v0 =	vpop (erf);
	[tilespmem:v42+s19+$0x0] =	vst.idx.add.f32.msk vm0, v27;
	vm0 =	vcmask $0x3F30  }
0x665: {  	s3 =	spop (v2sf);
	v37 =	vnsel vm1, $0x3FF, v1;
	v1 =	vld [tilespmem:$0x1FBE0];
	v30 =	vmul.f32 v0, v28;
	v11 =	vmul.f32 v0, v16;
	v0 =	vpop (erf)  }
0x666: {  	s1 =	spop (v2sf);
	v32 =	vmul.f32 v0, v12;
	v12 =	vmul.f32 v0, v19;
	v0 =	vpop (erf);
	v42 =	vld [tilespmem:$0x1FBB0]  }
0x667: {  	vm15 =	vlt.s32 v40, $0x3FF;
	s0 =	spop (v2sf);
	v44 =	vpop (erf)  }
0x668: {  	[tilespmem:v41+s19+$0x0] =	vst.idx.add.f32.msk $0xffff, v27;
	vm2 =	vlt.s32 v4, $0x3FF;
	s4 =	spop (v2sf);
	v5 =	vsub.f32 $1.000000000e+00, v13;
	v29 =	vmul.f32 v44, v15  }
0x669: {  	s1 =	smax.f32 s3, s1;
	s3 =	spop (v2sf);
	v10 =	vmul.f32 v0, v31;
	v19 =	vsub.f32 $1.000000000e+00, v30;
	[tilespmem:v34+s20+$0x0] =	vst.idx.add.f32.msk $0xffff, v3;
	v28 =	vmul.f32 v44, v18  }
0x66a: {  	s5 =	spop (v2sf);
	v21 =	vsub.f32 $1.000000000e+00, v32;
	v34 =	vsub.f32 $1.000000000e+00, v29;
	[tilespmem:v35+s20+$0x0] =	vst.idx.add.f32.msk vm0, v1;
	v1 =	vmov s1  }
0x66b: {  	s16 =	spop (v2sf);
	v0 =	vmul.f32 v0, v42;
	v35 =	vnsel vm2, $0x3FF, v4;
	s1 =	smax.f32 s4, s3;
	v3 =	vsub.f32 v55, v1  }
0x66c: {  	s25 =	spop (v2sf);
	vm0 =	vcmask $0x3F30;
	v1 =	vsub.f32 v54, v1;
	v46 =	vmov s1;
	s1 =	smax.f32 s5, s16  }
0x66d: {  	s4 =	spop (v2sf);
	v47 =	vsub.f32 v53, v46;
	v50 =	vmov s1;
	v3 =	vmul.f32 $1.442695020e+00, v3  }
0x66e: {  	s5 =	spop (v2sf);
	v4 =	vsub.f32 v56, v46;
	s1 =	smax.f32 s25, s4;
	v1 =	vmul.f32 $1.442695020e+00, v1;
	v51 =	vsub.f32 v62, v50  }
0x66f: {  	s16 =	spop (v2sf);
	v52 =	vsub.f32 v52, v50;
	v53 =	vmov s1;
	(erf) = vpow2.f32 v3  }
0x670: {  	s1 =	smax.f32 s5, s16;
	s25 =	spop (v2sf);
	v62 =	vsub.f32 $1.000000000e+00, v12;
	v4 =	vmul.f32 $1.442695020e+00, v4;
	(erf) = vpow2.f32 v1  }
0x671: {  	v54 =	vsub.f32 v59, v53;
	v7 =	vsub.f32 v60, v53;
	v15 =	vmov s1;
	s4 =	spop (v2sf)  }
0x672: {  	v56 =	vsub.f32 v45, v15;
	v15 =	vsub.f32 v58, v15;
	s5 =	spop (v2sf);
	(erf) = vpow2.f32 v4  }
0x673: {  	[tilespmem:$0x1FAF0] =	vst v8;
	v3 =	vsub.f32 $1.000000000e+00, v14;
	v8 =	vmul.f32 $1.442695020e+00, v51;
	v6 =	vmul.f32 $1.442695020e+00, v52;
	s1 =	smax.f32 s25, s4;
	s16 =	spop (v2sf)  }
0x674: {  	v55 =	vmul.f32 $1.442695020e+00, v7;
	v16 =	vmov s1;
	v59 =	vmul.f32 $1.442695020e+00, v15;
	s25 =	spop (v2sf)  }
0x675: {  	v15 =	vsub.f32 v38, v16;
	v16 =	vsub.f32 v43, v16;
	s1 =	smax.f32 s5, s16;
	(erf) = vpow2.f32 v8;
	s0 =	smax.f32 s25, s0  }
0x676: {  	v17 =	vmov s1;
	(erf) = vpow2.f32 v55;
	v60 =	vmov s0  }
0x677: {  	v16 =	vmul.f32 $1.442695020e+00, v16;
	v18 =	vsub.f32 v63, v17;
	v61 =	vsub.f32 v22, v17;
	v22 =	vld [tilespmem:$0x1FFA0]  }
0x678: {  	v52 =	vsel vm13, v19, v30;
	v4 =	vsub.f32 v23, v60;
	v41 =	vpop (erf);
	(erf) = vpow2.f32 v59  }
0x679: {  	[tilespmem:v39+s19+$0x0] =	vst.idx.add.f32.msk vm0, v27;
	v17 =	vmul.f32 $1.442695020e+00, v18;
	v39 =	vpop (erf);
	(xrf2) =	vadd.scan.msk.f32 $0xffff, v41;
	(erf) = vpow2.f32 v16  }
0x67a: {  	v19 =	vsel vm8, v62, v12;
	v1 =	vmul.f32 $1.442695020e+00, v47;
	v4 =	vmul.f32 $1.442695020e+00, v4  }
0x67b: {  	vm0 =	vcmask $0x3F30;
	v9 =	vmul.f32 $1.442695020e+00, v54;
	v16 =	vpop (erf);
	(erf) = vpow2.f32 v17  }
0x67c: {  	v54 =	vsel vm12, v5, v13;
	v18 =	vmul.f32 v22, v39;
	(erf) = vpow2.f32 v4  }
0x67d: {  	v13 =	vsel vm7, v21, v32;
	v7 =	vmul.f32 $1.442695020e+00, v56;
	v56 =	vmul.f32 $1.024000000e+03, v52  }
0x67e: {  	v49 =	vld [tilespmem:$0x1FC00];
	v53 =	vsel vm4, v3, v14;
	v21 =	vmul.f32 $1.024000000e+03, v13;
	v20 =	vmul.f32 $1.442695020e+00, v15;
	(xrf2) =	vadd.scan.msk.f32 $0xffff, v18  }
0x67f: {  	v63 =	vsub.f32 $1.000000000e+00, v28;
	v55 =	vmul.f32 $1.024000000e+03, v53;
	v2 =	vsub.f32 v2, v60;
	v38 =	vpop (erf)  }
0x680: {  	v21 =	vtrunc.f32 v21;
	[tilespmem:$0x1FBA0] =	vst v16;
	v31 =	vmul.f32 v22, v16;
	v18 =	vsub.f32 $1.000000000e+00, v11;
	v16 =	vpop (erf)  }
0x681: {  	v5 =	vnsel vm15, $0x3FF, v40;
	v21 =	vcvt.f32.s32 v21;
	v2 =	vmul.f32 $1.442695020e+00, v2;
	v43 =	vpop (erf)  }
0x682: {  	v8 =	vmul.f32 $1.442695020e+00, v61;
	v63 =	vsel vm10, v63, v28;
	vm10 =	vmmov vm4;
	v59 =	vpop (erf)  }
0x683: {  	[tilespmem:v33+s20+$0x0] =	vst.idx.add.f32.msk vm0, v49;
	v33 =	vmul.f32 v22, v38;
	(erf) = vpow2.f32 v2;
	v2 =	vsub.f32 $1.000000000e+00, v10;
	v58, _, _ =	vpop (xrf2)  }
0x684: {  	(erf) = vpow2.f32 v1;
	v1 =	vsub.f32 $1.000000000e+00, v0;
	v30 =	vsel vm14, v18, v11;
	(xrf2) =	vadd.scan.msk.f32 $0xffff, v31;
	v18 =	vpop (erf)  }
0x685: {  	vm0 =	vmmov vm12;
	v44 =	vmul.f32 v22, v16;
	(erf) = vpow2.f32 v6;
	v50 =	vpop (erf)  }
0x686: {  	v61 =	vsel vm9, v2, v10;
	v62 =	vsel vm11, v1, v0;
	v0 =	vmul.f32 v22, v50  }
0x687: {  	v17 =	vld [tilespmem:$0x1FFF0];
	v2 =	vsel vm3, v34, v29;
	v34 =	vmul.f32 $1.024000000e+03, v19;
	v6 =	vtrunc.f32 v55  }
0x688: {  	v14 =	vld [tilespmem:$0x1FFD0];
	(erf) = vpow2.f32 v9;
	v1 =	vmul.f32 $1.024000000e+03, v54;
	(v2sf) =	vpush v58, $0xF;
	v60, _, _ =	vpop (xrf2);
	(xrf2) =	vadd.scan.msk.f32 $0xffff, v0  }
0x689: {  	v40 =	vmul.f32 $1.024000000e+03, v61;
	v47 =	vmul.f32 $1.024000000e+03, v2;
	(v2sf) =	vpush v60, $0xF  }
0x68a: {  	vm12 =	vmmov vm7;
	v6 =	vcvt.f32.s32 v6;
	v46 =	vmul.f32 $1.024000000e+03, v62  }
0x68b: {  	vm15 =	vlt.s32 v21, $0x3FF;
	v34 =	vtrunc.f32 v34;
	(erf) = vpow2.f32 v7  }
0x68c: {  	v42 =	vadd.s32 v17, v37;
	[tilespmem:$0x1FBF0] =	vst v2;
	v1 =	vtrunc.f32 v1;
	v34 =	vcvt.f32.s32 v34  }
0x68d: {  	v2 =	vadd.s32 v14, v37;
	v3 =	vmul.f32 v22, v43;
	(erf) = vpow2.f32 v20;
	(xrf2) =	vadd.scan.msk.f32 $0xffff, v33  }
0x68e: {  	v20 =	vmul.f32 $1.024000000e+03, v30;
	[tilespmem:$0x1FBB0] =	vst v59;
	v7 =	vmul.f32 v22, v59;
	v59, _, _ =	vpop (xrf2);
	(xrf2) =	vadd.scan.msk.f32 $0xffff, v44  }
0x68f: {  	v15 =	vld [tilespmem:$0x1FFE0];
	vm11 =	vmmov vm0;
	[tilespmem:$0x1FBE0] =	vst v62;
	v62 =	vtrunc.f32 v46;
	v1 =	vcvt.f32.s32 v1  }
0x690: {  	[tilespmem:$0x1FBC0] =	vst v13;
	v13 =	vld [tilespmem:$0x1FFC0];
	vm7 =	vlt.s32 v6, $0x3FF;
	(erf) = vpow2.f32 v8;
	v8 =	vtrunc.f32 v56  }
0x691: {  	v56 =	vcvt.f32.s32 v62;
	vm3 =	vlt.s32 v34, $0x3FF;
	v4 =	vmul.f32 v22, v18  }
0x692: {  	v58 =	vmul.f32 $1.024000000e+03, v63;
	v20 =	vtrunc.f32 v20;
	(v2sf) =	vpush v59, $0xF;
	v46, _, _ =	vpop (xrf2)  }
0x693: {  	[tilespmem:$0x1FC00] =	vst v63;
	v63 =	vtrunc.f32 v47;
	v20 =	vcvt.f32.s32 v20;
	(v2sf) =	vpush v46, $0xF  }
0x694: {  	v8 =	vcvt.f32.s32 v8;
	vm8 =	vlt.s32 v1, $0x3FF;
	v0 =	vadd.s32 v15, v36  }
0x695: {  	v36 =	vadd.s32 v13, v36;
	v60 =	vtrunc.f32 v40;
	vm2 =	vlt.s32 v20, $0x3FF;
	(xrf2) =	vadd.scan.msk.f32 $0xffff, v3  }
0x696: {  	v45 =	vpop (erf);
	v33 =	vtrunc.f32 v58;
	v47 =	vcvt.f32.s32 v60;
	v3 =	vsel vm6, v36, v0;
	(xrf2) =	vadd.scan.msk.f32 $0xffff, v7  }
0x697: {  	v58 =	vcvt.f32.s32 v63;
	v63 =	vnsel vm2, $0x3FF, v20;
	v33 =	vcvt.f32.s32 v33;
	v59, _, _ =	vpop (xrf2);
	(xrf2) =	vadd.scan.msk.f32 $0xffff, v4;
	s1 =	spop (v2sf)  }
0x698: {  	v20 =	vnsel vm15, $0x3FF, v21;
	v21 =	vnsel vm3, $0x3FF, v34;
	vm4 =	vlt.s32 v47, $0x3FF;
	s3 =	spop (v2sf);
	v60, _, _ =	vpop (xrf2);
	(xrf2) =	vadd.scan.msk.f32 $0xffff, v45  }
0x699: {  	v29 =	vpop (erf);
	vm0 =	vlt.s32 v58, $0x3FF;
	vm1 =	vlt.s32 v33, $0x3FF;
	vm6 =	vlt.s32 v8, $0x3FF;
	s0 =	sadd.f32 s3, s1  }
0x69a: {  	s4 =	sadd.s32 $0x7, s26;
	v51 =	vpop (erf);
	v34 =	vnsel vm4, $0x3FF, v47;
	v62 =	vnsel vm6, $0x3FF, v8;
	v46 =	vnsel vm1, $0x3FF, v33  }
0x69b: {  	v32 =	vpop (erf);
	v33 =	vmov s4;
	v4 =	vadd.s32 v13, v62;
	[tilespmem:v3+s19+$0x0] =	vst.idx.add.f32.msk $0xffff, v27;
	v3 =	vmov s0  }
0x69c: {  	v49 =	vpop (erf);
	[tilespmem:v0+s20+$0x0] =	vst.idx.add.f32.msk $0xffff, v57;
	v0 =	vnsel vm8, $0x3FF, v1;
	v1 =	vnsel vm7, $0x3FF, v6;
	v3 =	vadd.f32 $0.0e+00, v3  }
0x69d: {  	v31 =	vpop (erf);
	v6 =	vadd.s32 v14, v63;
	v7 =	vadd.s32 v15, v0;
	v22 =	vadd.s32 v17, v1  }
0x69e: {  	v28 =	vpop (erf);
	v47 =	vadd.s32 v13, v0;
	(v2sf) =	vpush v59, $0xF;
	v3 =	vbroadcast v3, $0x0  }
0x69f: {  	v57 =	vadd.s32 v14, v1;
	v1 =	vadd.s32 v15, v62;
	v62 =	vld.idx.msk [tilespmem:v25+s15+$0x0], $0xffff;
	(v2sf) =	vpush v60, $0xF;
	v37, _, _ =	vpop (xrf2)  }
0x6a0: {  	v0 =	vadd.s32 v17, v63;
	v63 =	vld.idx.msk [tilespmem:v24+s15+$0x0], $0xffff;
	(v2sf) =	vpush v37, $0xF;
	v40, _, _ =	vpop (xrf2);
	(erf) = vrcp.f32 v3  }
0x6a1: {  	v8 =	vnsel vm0, $0x3FF, v58;
	v25 =	vbroadcast v26, $0x0;
	v26 =	vld.idx.msk [tilespmem:v33+s15+$0x0], $0xffff;
	v58, _, _ =	vpop (xrf2);
	s0 =	spop (v2sf);
	(v2sf) =	vpush v40, $0xF  }
0x6a2: {  	v60 =	vld [tilespmem:$0x1FA80];
	s3 =	spop (v2sf);
	(v2sf) =	vpush v58, $0xF;
	v24, _, _ =	vpop (xrf2)  }
0x6a3: {  	v33 =	vadd.s32 v17, v46;
	(v2sf) =	vpush v24, $0xF;
	v24 =	vadd.s32 v14, v46;
	v46 =	vld [tilespmem:$0x1FA90];
	_ =	sdelay $0x1  }
0x6a4: {  	vm9 =	vmmov vm5;
	vm5 =	vlt.s32 v56, $0x3FF  }
0x6a5: {  	[tilespmem:$0x1FBD0] =	vst v61;
	v61 =	vadd.s32 v15, v35;
	v3 =	vnsel vm5, $0x3FF, v56;
	v56 =	vld [tilespmem:$0x1FC10]  }
0x6a6: {  	v55 =	vadd.s32 v17, v5;
	v44 =	vadd.s32 v13, v35;
	vm0 =	vnez.u8 v60  }
0x6a7: {  	v5 =	vadd.s32 v14, v5;
	v10 =	vsel vm0, v44, v61;
	vm0 =	vnez.u8 v46  }
0x6a8: {  	v23 =	vpop (erf);
	v5 =	vsel vm0, v5, v55;
	vm0 =	vcmask $0x3F30  }
0x6a9: {  	v2 =	vsel vm9, v2, v42;
	v41 =	vmul.f32 v23, v41  }
0x6aa: {  	v12 =	vsel vm10, v57, v22;
	v57 =	vlaneseq.u32;
	(xrf2) =	vadd.scan.msk.f32 $0xffff, v29  }
0x6ab: {  	vm2 =	veq.s32 v26, v57;
	v57 =	vld.idx.msk [tilespmem:v25+s15+$0x0], $0xffff;
	v23 =	vmul.f32 v23, v39;
	v39 =	vsub.f32 $1.000000000e+00, v41  }
0x6ac: {  	v44 =	vld [tilespmem:$0x1FC30]  }
0x6ad: {  	v56 =	vld.idx.msk [tilespmem:v56+s15+$0x0], $0xffff;
	v25 =	vsel vm2, v39, v41;
	v39 =	vsub.f32 $1.000000000e+00, v23  }
0x6ae: {  	vm1 =	veq.s32 v26, v48;
	[tilespmem:v2+s19+$0x0] =	vst.idx.add.f32.msk vm0, v27  }
0x6af: {  	v2 =	vsel vm1, v39, v23;
	v23 =	vld [tilespmem:$0x1FAA0];
	_ =	sdelay $0x4  }
0x6b0: {  	v37 =	vadd.s32 v17, v21;
	v21 =	vadd.s32 v14, v21;
	v60 =	vld.idx.msk [tilespmem:v44+s15+$0x0], $0xffff;
	v44, _, _ =	vpop (xrf2);
	vm0 =	vnez.u8 v23  }
0x6b1: {  	s1 =	spop (v2sf);
	(v2sf) =	vpush v44, $0xF;
	v44 =	vsel vm0, v21, v37;
	v21 =	vld [tilespmem:$0x1FAB0];
	_ =	sdelay $0x4  }
0x6b2: {  	v9 =	vadd.s32 v13, v34;
	v36 =	vadd.s32 v15, v34;
	vm0 =	vnez.u8 v21  }
0x6b3: {  	v11 =	vsel vm11, v47, v7;
	v47 =	vsel vm0, v9, v36;
	vm0 =	vcmask $0x3F30  }
0x6b4: {  	v23 =	vld [tilespmem:$0x1FAC0];
	_ =	sdelay $0x4  }
0x6b5: {  	(xrf2) =	vadd.scan.msk.f32 $0xffff, v51;
	[tilespmem:v42+s20+$0x0] =	vst.idx.add.f32.msk vm0, v23  }
0x6b6: {  	v23 =	vld [tilespmem:$0x1FAD0];
	_ =	sdelay $0x1  }
0x6b7: {  	v40 =	vadd.s32 v15, v20;
	v20 =	vadd.s32 v13, v20  }
0x6b8: {  	v46 =	vsel vm12, v20, v40;
	v20 =	vmul.f32 $1.024000000e+03, v25  }
0x6b9: {  	v35 =	vadd.s32 v17, v3  }
0x6ba: {  	v3 =	vadd.s32 v14, v3;
	v39 =	vtrunc.f32 v20;
	vm0 =	vnez.u8 v23  }
0x6bb: {  	v42 =	vsel vm0, v3, v35;
	v3 =	vcvt.f32.s32 v39;
	v39 =	vld [tilespmem:$0x1FAF0];
	_ =	sdelay $0x1  }
0x6bc: {  	v59 =	vld [tilespmem:$0x1FC20]  }
0x6bd: {  	(xrf2) =	vadd.scan.msk.f32 $0xffff, v32;
	[tilespmem:v10+s19+$0x0] =	vst.idx.add.f32.msk $0xffff, v27;
	v41, _, _ =	vpop (xrf2)  }
0x6be: {  	s16 =	spop (v2sf);
	(v2sf) =	vpush v41, $0xF;
	v41 =	vld [tilespmem:$0x1FAE0]  }
0x6bf: {  	[tilespmem:v61+s20+$0x0] =	vst.idx.add.f32.msk $0xffff, v39  }
0x6c0: {  	(xrf2) =	vadd.scan.msk.f32 $0xffff, v49;
	v39 =	vld [tilespmem:$0x1FB00];
	_ =	sdelay $0x2  }
0x6c1: {  	vm3 =	vcmask $0x3F30;
	(xrf2) =	vadd.scan.msk.f32 $0xffff, v31  }
0x6c2: {  	v34 =	vadd.s32 v15, v8;
	v8 =	vadd.s32 v13, v8;
	vm0 =	vnez.u8 v41  }
0x6c3: {  	v4 =	vsel vm13, v4, v1;
	[tilespmem:v11+s19+$0x0] =	vst.idx.add.f32.msk $0xffff, v27;
	v41 =	vsel vm0, v8, v34;
	vm0 =	vnez.u8 v39  }
0x6c4: {  	[tilespmem:v7+s20+$0x0] =	vst.idx.add.f32.msk $0xffff, v54;
	v39 =	vsel vm0, v24, v33;
	vm0 =	vlt.s32 v3, $0x3FF  }
0x6c5: {  	v59 =	vld.idx.msk [tilespmem:v59+s15+$0x0], $0xffff;
	v21, _, _ =	vpop (xrf2);
	v3 =	vnsel vm0, $0x3FF, v3;
	vm0 =	vcmask $0x3F30  }
0x6c6: {  	v10 =	vld [tilespmem:$0x1FB10];
	s25 =	spop (v2sf);
	v20 =	vmul.f32 $1.024000000e+03, v2;
	(v2sf) =	vpush v21, $0xF  }
0x6c7: {  	[tilespmem:v5+s19+$0x0] =	vst.idx.add.f32.msk vm3, v27;
	v5 =	vadd.s32 v15, v3;
	v3 =	vadd.s32 v13, v3  }
0x6c8: {  	[tilespmem:v4+s19+$0x0] =	vst.idx.add.f32.msk $0xffff, v27;
	v8 =	vtrunc.f32 v20;
	v61, _, _ =	vpop (xrf2);
	v3 =	vsel vm2, v3, v5;
	vm2 =	vcmask $0x3F30  }
0x6c9: {  	v58 =	vld [tilespmem:$0x1FC40];
	s31 =	spop (v2sf);
	v8 =	vcvt.f32.s32 v8;
	(v2sf) =	vpush v61, $0xF  }
0x6ca: {  	v6 =	vsel vm14, v6, v0;
	[tilespmem:v1+s20+$0x0] =	vst.idx.add.f32.msk $0xffff, v52  }
0x6cb: {  	vm4 =	veq.s32 v63, v48;
	vm5 =	veq.s32 v56, v48;
	s30 =	spop (v2sf);
	v61, _, _ =	vpop (xrf2);
	[tilespmem:v55+s20+$0x0] =	vst.idx.add.f32.msk vm0, v10;
	vm0 =	vlt.s32 v8, $0x3FF  }
0x6cc: {  	(xrf2) =	vadd.scan.msk.f32 $0xffff, v28;
	s4 =	spop (v2sf);
	(v2sf) =	vpush v61, $0xF;
	v15 =	vmovc v28;
	v13 =	vmov v19;
	v8 =	vnsel vm0, $0x3FF, v8  }
0x6cd: {  	s5 =	sadd.s32 $0x1, s29;
	v19 =	vmovc v43;
	v43 =	vmov s29;
	[tilespmem:v3+s19+$0x0] =	vst.idx.add.f32.msk $0xffff, v27;
	v7 =	vadd.s32 v17, v8;
	v8 =	vadd.s32 v14, v8  }
0x6ce: {  	s3 =	sadd.f32 s3, s4;
	s4 =	sadd.s32 $0x3, s29;
	v28 =	vmovc v32;
	v32 =	vmovc v51;
	v51 =	vmov s5;
	s5 =	sadd.s32 $0x2, s29;
	v9 =	vand.u32 $0xFFFFFFF8, v43;
	[tilespmem:v12+s19+$0x0] =	vst.idx.add.f32.msk vm2, v27;
	v8 =	vsel vm1, v8, v7  }
0x6cf: {  	v1 =	vmov s4;
	v54 =	vmov s5;
	v3 =	vbroadcast v9, $0x0;
	[tilespmem:v5+s20+$0x0] =	vst.idx.add.f32.msk $0xffff, v25  }
0x6d0: {  	v1 =	vand.u32 $0xFFFFFFFB, v1;
	s5 =	sadd.s32 $0x4, s29;
	v4 =	vand.u32 $0xFFFFFFFA, v54;
	v12 =	vmov s3;
	s3 =	spop (v2sf);
	[tilespmem:v6+s19+$0x0] =	vst.idx.add.f32.msk vm2, v27  }
0x6d1: {  	v58 =	vld.idx.msk [tilespmem:v58+s15+$0x0], $0xffff;
	s4 =	sadd.s32 $0x5, s29;
	v61 =	vand.u32 $0xFFFFFFF9, v51;
	v24 =	vbroadcast v4, $0x0;
	v55 =	vmov s5;
	s5 =	sadd.s32 $0x6, s29;
	s0 =	sadd.f32 s0, s3;
	[tilespmem:$0x1FC10] =	vst v3  }
0x6d2: {  	v9 =	vmov s5;
	vm0 =	veq.s32 v62, v48;
	v3 =	vmov s4;
	s4 =	spop (v2sf);
	[tilespmem:v0+s20+$0x0] =	vst.idx.add.f32.msk vm2, v30  }
0x6d3: {  	v25 =	vbroadcast v61, $0x0;
	v26 =	vand.u32 $0xFFFFFFFE, v9;
	v14 =	vmov s0;
	s0 =	sadd.f32 s1, s4;
	[tilespmem:v8+s19+$0x0] =	vst.idx.add.f32.msk vm2, v27  }
0x6d4: {  	v20 =	vadd.f32 $0.0e+00, v12;
	v0 =	vbroadcast v1, $0x0;
	[tilespmem:v7+s20+$0x0] =	vst.idx.add.f32.msk vm2, v2;
	v2 =	vand.u32 $0xFFFFFFFC, v55  }
0x6d5: {  	s28 =	sadd.s32 $0xA0, s28;
	v17 =	vmovc v38;
	[tilespmem:v22+s20+$0x0] =	vst.idx.add.f32.msk vm2, v53;
	s5 =	spop (v2sf);
	v43 =	vadd.f32 $0.0e+00, v14;
	v61 =	vmov s0;
	v1 =	vbroadcast v2, $0x0  }
0x6d6: {  	p0 =	slt.u32 s29, $0x3F8;
	v53, _, _ =	vpop (xrf2);
	v3 =	vand.u32 $0xFFFFFFFD, v3;
	v38 =	vbroadcast v20, $0x0;
	[tilespmem:$0x1FC20] =	vst v0;
	s0 =	sadd.f32 s16, s5;
	v0 =	vadd.f32 $0.0e+00, v61;
	v55 =	vld [tilespmem:s28+$0x3C]  }
.Ltmp3:
0x6d7: {  	v23 =	vld [tilespmem:s28+$0xFFFFFFB4];
	(v2sf) =	vpush v53, $0xF;
	v51 =	vbroadcast v43, $0x0;
	[tilespmem:$0x1FC30] =	vst v1;
	v1 =	vbroadcast v3, $0x0;
	(pc) =	sbr.rel @p0 .LBB2_8-.Ltmp3, $4  }
0x6d8: {  	v53 =	vld [tilespmem:s28+$0xFFFFFFC4];
	(erf) = vrcp.f32 v38;
	s16 =	spop (v2sf);
	v61 =	vbroadcast v0, $0x0;
	v0 =	vmov s0  }
0x6d9: {  	v52 =	vld [tilespmem:s28+$0xFFFFFFD8];
	(erf) = vrcp.f32 v51;
	s0 =	sadd.f32 s25, s16;
	v0 =	vadd.f32 $0.0e+00, v0;
	[tilespmem:$0x1FC40] =	vst v1;
	v1 =	vlaneseq.u32  }
0x6da: {  	v54 =	vld [tilespmem:s28+$0x40];
	vm6 =	veq.s32 v56, v1;
	vm1 =	veq.s32 v62, v1;
	v1 =	vlaneseq.u32  }
0x6db: {  	s26 =	smov.u32 s29;
	s29 =	sadd.s32 $0x8, s29;
	v12 =	vmovc v49;
	v0 =	vbroadcast v0, $0x0;
	v56 =	vld [tilespmem:s28+$0xFFFFFFC8];
	(xrf0) =	vmax.scan.msk.f32 $0xffff, v55;
	vm12 =	veq.s32 v63, v1;
	v1 =	vmov s0;
	s0 =	spop (v2sf)  }
0x6dc: {  	_ = 	snop  }
0x6dd: {  	v14 =	vld [tilespmem:$0x1FFB0]  }
0x6de: {  	v63 =	vld [tilespmem:s28+$0xFFFFFFDC]  }
0x6df: {  	v2 =	vlaneseq.u32;
	v21 =	vld [tilespmem:s28+$0xFFFFFFEC];
	(xrf0) =	vmax.scan.msk.f32 $0xffff, v54  }
0x6e0: {  	v62 =	vld [tilespmem:s28+$0xFFFFFFF0];
	(xrf0) =	vmax.scan.msk.f32 $0xffff, v23  }
0x6e1: {  	v6 =	vlaneseq.u32;
	v38 =	vld [tilespmem:s28+$0x4];
	(xrf0) =	vmax.scan.msk.f32 $0xffff, v53  }
0x6e2: {  	vm10 =	veq.s32 v59, v2;
	vm8 =	veq.s32 v60, v2;
	vm13 =	veq.s32 v59, v14;
	v2 =	vpop (erf);
	v59 =	vld [tilespmem:s28+$0x0];
	(xrf0) =	vmax.scan.msk.f32 $0xffff, v56  }
0x6e3: {  	s0 =	sadd.f32 s31, s0;
	vm3 =	veq.s32 v58, v6;
	vm11 =	veq.s32 v58, v14;
	v58 =	vld [tilespmem:$0x1FBA0];
	v3 =	vmul.f32 v2, v45;
	v5 =	vpop (erf);
	(xrf0) =	vmax.scan.msk.f32 $0xffff, v52  }
0x6e4: {  	v1 =	vadd.f32 $0.0e+00, v1;
	(erf) = vrcp.f32 v61;
	v2 =	vmul.f32 v2, v50;
	v50, _, _ =	vpop (xrf0);
	(xrf0) =	vmax.scan.msk.f32 $0xffff, v63  }
0x6e5: {  	v4 =	vmov s0;
	v45 =	vld [tilespmem:s28+$0x14];
	v8 =	vmul.f32 v5, v29;
	v7 =	vsub.f32 $1.000000000e+00, v3;
	v51, _, _ =	vpop (xrf0);
	(xrf0) =	vmax.scan.msk.f32 $0xffff, v21  }
0x6e6: {  	v43 =	vld [tilespmem:s28+$0x18];
	vm9 =	veq.s32 v60, v14;
	v6 =	vsub.f32 $1.000000000e+00, v2;
	s4 =	spop (v2sf);
	(v2sf) =	vpush v50, $0xF;
	v10, _, _ =	vpop (xrf0);
	(xrf0) =	vmax.scan.msk.f32 $0xffff, v62  }
0x6e7: {  	v50 =	vld [tilespmem:s28+$0x28];
	s0 =	sadd.f32 s30, s4;
	(v2sf) =	vpush v51, $0xF;
	v60, _, _ =	vpop (xrf0);
	v51 =	vsel vm6, v7, v3;
	(xrf0) =	vmax.scan.msk.f32 $0xffff, v59;
	v3 =	vsub.f32 $1.000000000e+00, v8  }
0x6e8: {  	v27 =	vld [tilespmem:s28+$0x2C];
	v5 =	vmul.f32 v5, v58;
	(v2sf) =	vpush v10, $0xF;
	v58, _, _ =	vpop (xrf0);
	v10 =	vsel vm5, v6, v2;
	(xrf0) =	vmax.scan.msk.f32 $0xffff, v38  }
0x6e9: {  	v9 =	vmov s0;
	(v2sf) =	vpush v60, $0xF;
	[tilespmem:$0x1F940] =	vst v10;
	v8 =	vsel vm1, v3, v8  }
0x6ea: {  	v60 =	vsub.f32 $1.000000000e+00, v5;
	v2, _, _ =	vpop (xrf0);
	(xrf0) =	vmax.scan.msk.f32 $0xffff, v45;
	(v2sf) =	vpush v58, $0xF;
	[tilespmem:$0x1F950] =	vst v8  }
0x6eb: {  	v1 =	vbroadcast v1, $0x0;
	v3 =	vadd.f32 $0.0e+00, v9;
	v49, _, _ =	vpop (xrf0);
	(xrf0) =	vmax.scan.msk.f32 $0xffff, v43;
	(v2sf) =	vpush v2, $0xF;
	v2 =	vld [tilespmem:s28+$0xFFFFFFB0]  }
0x6ec: {  	v4 =	vadd.f32 $0.0e+00, v4;
	v48 =	vsel vm0, v60, v5;
	v58, _, _ =	vpop (xrf0);
	(xrf0) =	vmax.scan.msk.f32 $0xffff, v50;
	(v2sf) =	vpush v49, $0xF  }
0x6ed: {  	(erf) = vrcp.f32 v0;
	v3 =	vbroadcast v3, $0x0;
	v61, _, _ =	vpop (xrf0);
	(xrf0) =	vmax.scan.msk.f32 $0xffff, v27;
	(v2sf) =	vpush v58, $0xF  }
0x6ee: {  	(erf) = vrcp.f32 v1;
	v4 =	vbroadcast v4, $0x0;
	v9, _, _ =	vpop (xrf0);
	(v2sf) =	vpush v61, $0xF  }
0x6ef: {  	v0 =	vmul.f32 $1.024000000e+03, v10;
	[tilespmem:$0x1F960] =	vst v48;
	v10 =	vmul.f32 $1.024000000e+03, v48;
	v48, _, _ =	vpop (xrf0);
	(v2sf) =	vpush v9, $0xF  }
0x6f0: {  	(erf) = vrcp.f32 v4;
	v49, _, _ =	vpop (xrf0);
	(xrf0) =	vmax.scan.msk.f32 $0xffff, v2;
	(v2sf) =	vpush v48, $0xF  }
0x6f1: {  	(erf) = vrcp.f32 v3;
	v3, _, _ =	vpop (xrf0);
	(v2sf) =	vpush v49, $0xF  }
0x6f2: {  	(v2sf) =	vpush v3, $0xF;
	v3, _, _ =	vpop (xrf0)  }
0x6f3: {  	v1 =	vmul.f32 $1.024000000e+03, v8;
	v60 =	vmul.f32 $1.024000000e+03, v51;
	(v2sf) =	vpush v3, $0xF;
	v3, _, _ =	vpop (xrf0)  }
0x6f4: {  	(v2sf) =	vpush v3, $0xF;
	v3 =	vimm.s32 $0x0  }
0x6f5: {  	v1 =	vtrunc.f32 v1;
	v6 =	vtrunc.f32 v60;
	v3 =	vsel vm1, $0xFFFFFFFF, v3  }
0x6f6: {  	v11 =	vlaneseq.u32;
	v58 =	vcvt.f32.s32 v6;
	v5 =	vtrunc.f32 v10;
	s5 =	spop (v2sf);
	v10, _, _ =	vpop (xrf0)  }
0x6f7: {  	v1 =	vcvt.f32.s32 v1;
	v9 =	vimm.s32 $0x0;
	s1 =	spop (v2sf);
	(v2sf) =	vpush v10, $0xF  }
0x6f8: {  	v6 =	vsel vm0, $0xFFFFFFFF, v9;
	vm0 =	vlt.s32 v58, $0x3FF;
	[tilespmem:$0x1FA80] =	vst v3;
	s0 =	spop (v2sf);
	v3 =	vpop (erf)  }
0x6f9: {  	vm7 =	veq.s32 v57, v11;
	v58 =	vnsel vm0, $0x3FF, v58;
	vm0 =	vlt.s32 v1, $0x3FF;
	s16 =	spop (v2sf);
	v11 =	vpop (erf)  }
0x6fa: {  	vm14 =	veq.s32 v57, v14;
	v57 =	vnsel vm0, $0x3FF, v1;
	s1 =	smax.f32 s5, s1;
	v1 =	vmul.f32 v3, v32;
	s3 =	spop (v2sf);
	v32 =	vpop (erf)  }
0x6fb: {  	v48 =	vmov s1;
	s25 =	spop (v2sf);
	v8 =	vmul.f32 v32, v12;
	v12 =	vld [tilespmem:$0x1FBB0]  }
0x6fc: {  	v55 =	vsub.f32 v55, v48;
	s4 =	spop (v2sf)  }
0x6fd: {  	v60 =	vcvt.f32.s32 v5;
	v3 =	vmul.f32 v3, v17;
	v7 =	vsub.f32 v54, v48;
	s1 =	smax.f32 s16, s3;
	s5 =	spop (v2sf)  }
0x6fe: {  	v4 =	vmul.f32 v11, v16;
	v16 =	vmov s1;
	v10 =	vmul.f32 $1.442695020e+00, v55;
	s16 =	spop (v2sf)  }
0x6ff: {  	v5 =	vmul.f32 v11, v28;
	v49 =	vpop (erf);
	v7 =	vmul.f32 $1.442695020e+00, v7;
	v17 =	vsub.f32 v53, v16;
	s1 =	smax.f32 s25, s4;
	s4 =	spop (v2sf)  }
0x700: {  	v16 =	vsub.f32 v56, v16;
	(erf) = vpow2.f32 v10;
	s25 =	spop (v2sf);
	v9 =	vmul.f32 v49, v12;
	v12 =	vpop (erf)  }
0x701: {  	s4 =	smax.f32 s4, s25;
	v15 =	vmul.f32 v12, v15;
	v12 =	vmul.f32 v12, v18;
	v18 =	vmov s1  }
0x702: {  	[tilespmem:$0x1FA90] =	vst v6;
	v6 =	vmul.f32 v32, v19;
	(erf) = vpow2.f32 v7;
	s1 =	smax.f32 s5, s16;
	s5 =	spop (v2sf);
	v19 =	vsub.f32 v63, v18  }
0x703: {  	v16 =	vmul.f32 $1.442695020e+00, v16;
	v22 =	vmov s4;
	v20 =	vmov s1;
	s16 =	spop (v2sf)  }
0x704: {  	v21 =	vsub.f32 v21, v20;
	v20 =	vsub.f32 v62, v20;
	s25 =	spop (v2sf);
	v19 =	vmul.f32 $1.442695020e+00, v19  }
0x705: {  	v17 =	vmul.f32 $1.442695020e+00, v17;
	(erf) = vpow2.f32 v16;
	v16 =	vsub.f32 v38, v22;
	s1 =	smax.f32 s5, s16;
	s5 =	spop (v2sf)  }
0x706: {  	v28 =	vmov s1;
	v20 =	vmul.f32 $1.442695020e+00, v20;
	s16 =	smax.f32 s25, s5;
	(erf) = vpow2.f32 v19;
	s25 =	spop (v2sf)  }
0x707: {  	v16 =	vmul.f32 $1.442695020e+00, v16;
	v19 =	vsub.f32 v43, v28;
	v29 =	vmov s16;
	s0 =	smax.f32 s25, s0  }
0x708: {  	(erf) = vpow2.f32 v20;
	v27 =	vsub.f32 v27, v29;
	v20 =	vmov s0  }
0x709: {  	v18 =	vsub.f32 v52, v18;
	v19 =	vmul.f32 $1.442695020e+00, v19;
	v30 =	vsub.f32 v23, v20  }
0x70a: {  	v48 =	vld [tilespmem:$0x1FFA0];
	(erf) = vpow2.f32 v16;
	v2 =	vsub.f32 v2, v20;
	v16 =	vmul.f32 $1.442695020e+00, v27  }
0x70b: {  	v27 =	vsub.f32 v45, v28;
	(erf) = vpow2.f32 v19;
	v28 =	vmul.f32 $1.442695020e+00, v30  }
0x70c: {  	v53 =	vpop (erf);
	v2 =	vmul.f32 $1.442695020e+00, v2;
	(erf) = vpow2.f32 v16  }
0x70d: {  	v18 =	vmul.f32 $1.442695020e+00, v18;
	v54 =	vpop (erf);
	(erf) = vpow2.f32 v28  }
0x70e: {  	v22 =	vsub.f32 v59, v22;
	v21 =	vmul.f32 $1.442695020e+00, v21;
	v52 =	vpop (erf);
	(erf) = vpow2.f32 v2  }
0x70f: {  	v20 =	vmul.f32 v48, v54;
	v19 =	vsub.f32 v50, v29;
	v29 =	vpop (erf);
	(erf) = vpow2.f32 v17  }
0x710: {  	v22 =	vmul.f32 $1.442695020e+00, v22;
	(xrf2) =	vadd.scan.msk.f32 $0xffff, v53;
	(erf) = vpow2.f32 v18  }
0x711: {  	(xrf2) =	vadd.scan.msk.f32 $0xffff, v20;
	v20 =	vmul.f32 $1.442695020e+00, v27;
	v2 =	vsub.f32 $1.000000000e+00, v8;
	(erf) = vpow2.f32 v21  }
0x712: {  	v61 =	vsub.f32 $1.000000000e+00, v1;
	v30 =	vpop (erf);
	(erf) = vpow2.f32 v22  }
0x713: {  	v11 =	vmul.f32 v49, v31;
	v31 =	vpop (erf);
	(erf) = vpow2.f32 v20;
	v20 =	vsel vm8, v2, v8  }
0x714: {  	v50 =	vsel vm12, v61, v1;
	v61 =	vimm.f32 $1.000000000e+00;
	[tilespmem:$0x1F970] =	vst v20  }
0x715: {  	[tilespmem:v46+s19+$0x0] =	vst.idx.add.f32.msk $0xffff, v61  }
0x716: {  	v8 =	vld [tilespmem:$0x1FBC0];
	_ =	sdelay $0x2  }
0x717: {  	v55 =	vsub.f32 $1.000000000e+00, v11;
	v27 =	vsub.f32 $1.000000000e+00, v4  }
0x718: {  	v45 =	vsub.f32 $1.000000000e+00, v9  }
0x719: {  	v28 =	vsel vm13, v27, v4;
	v27 =	vsel vm3, v55, v11;
	[tilespmem:v40+s20+$0x0] =	vst.idx.add.f32.msk $0xffff, v8  }
0x71a: {  	v1 =	vsub.f32 $1.000000000e+00, v12;
	v22 =	vsel vm11, v45, v9;
	[tilespmem:$0x1F980] =	vst v27  }
0x71b: {  	[tilespmem:$0x1F990] =	vst v22  }
0x71c: {  	v23 =	vsel vm14, v1, v12;
	[tilespmem:v44+s19+$0x0] =	vst.idx.add.f32.msk vm2, v61  }
0x71d: {  	v63 =	vsub.f32 $1.000000000e+00, v3;
	[tilespmem:$0x1F9A0] =	vst v23  }
0x71e: {  	[tilespmem:v37+s20+$0x0] =	vst.idx.add.f32.msk vm2, v13  }
0x71f: {  	v18 =	vsel vm4, v63, v3;
	v63 =	vld [tilespmem:$0x1FFE0]  }
0x720: {  	[tilespmem:v47+s19+$0x0] =	vst.idx.add.f32.msk $0xffff, v61  }
0x721: {  	v0 =	vtrunc.f32 v0;
	v49 =	vld [tilespmem:$0x1FFF0]  }
0x722: {  	v0 =	vcvt.f32.s32 v0;
	v62 =	vld [tilespmem:$0x1FFD0]  }
0x723: {  	v38 =	vmul.f32 $1.442695020e+00, v19;
	v19 =	vmul.f32 v48, v52;
	_ =	sdelay $0x1  }
0x724: {  	vm1 =	vlt.s32 v0, $0x3FF;
	v3, _, _ =	vpop (xrf2)  }
0x725: {  	v0 =	vnsel vm1, $0x3FF, v0;
	(v2sf) =	vpush v3, $0xF;
	v3, _, _ =	vpop (xrf2)  }
0x726: {  	(xrf2) =	vadd.scan.msk.f32 $0xffff, v19;
	v19 =	vpop (erf);
	(v2sf) =	vpush v3, $0xF;
	v1 =	vadd.s32 v49, v0;
	v55 =	vadd.s32 v62, v0;
	v0 =	vld [tilespmem:$0x1FBD0]  }
0x727: {  	vm0 =	vlt.s32 v60, $0x3FF;
	v32 =	vpop (erf)  }
0x728: {  	v59 =	vnsel vm0, $0x3FF, v60;
	v16 =	vsub.f32 $1.000000000e+00, v5;
	v40 =	vpop (erf)  }
0x729: {  	v56 =	vmul.f32 $1.024000000e+03, v50;
	v17 =	vsub.f32 $1.000000000e+00, v6;
	v3 =	vmul.f32 v48, v40  }
0x72a: {  	v16 =	vsel vm10, v16, v5;
	v43 =	vmul.f32 v48, v29;
	v10 =	vmul.f32 v48, v30;
	v60 =	vld [tilespmem:$0x1FFC0]  }
0x72b: {  	v17 =	vsel vm9, v17, v6;
	v6 =	vtrunc.f32 v56;
	(xrf2) =	vadd.scan.msk.f32 $0xffff, v3;
	[tilespmem:v36+s20+$0x0] =	vst.idx.add.f32.msk $0xffff, v0  }
0x72c: {  	v21 =	vsub.f32 $1.000000000e+00, v15;
	v5 =	vmul.f32 v48, v31;
	v45 =	vmul.f32 $1.024000000e+03, v16;
	[tilespmem:v42+s19+$0x0] =	vst.idx.add.f32.msk vm2, v61  }
0x72d: {  	v6 =	vcvt.f32.s32 v6;
	v47 =	vmul.f32 $1.024000000e+03, v23;
	v23 =	vld [tilespmem:$0x1FBE0]  }
0x72e: {  	v15 =	vsel vm7, v21, v15;
	v21 =	vmul.f32 $1.024000000e+03, v22;
	v2 =	vmul.f32 v48, v19  }
0x72f: {  	(erf) = vpow2.f32 v38;
	v9 =	vtrunc.f32 v45;
	(xrf2) =	vadd.scan.msk.f32 $0xffff, v43  }
0x730: {  	vm0 =	vlt.s32 v6, $0x3FF;
	v38 =	vmul.f32 v48, v32;
	v46 =	vmul.f32 $1.024000000e+03, v20;
	(xrf2) =	vadd.scan.msk.f32 $0xffff, v10  }
0x731: {  	v20 =	vmul.f32 $1.024000000e+03, v27;
	v9 =	vcvt.f32.s32 v9;
	v22, _, _ =	vpop (xrf2);
	(xrf2) =	vadd.scan.msk.f32 $0xffff, v5;
	[tilespmem:v41+s19+$0x0] =	vst.idx.add.f32.msk $0xffff, v61  }
0x732: {  	v7 =	vmul.f32 $1.024000000e+03, v18;
	v6 =	vnsel vm0, $0x3FF, v6;
	(xrf2) =	vadd.scan.msk.f32 $0xffff, v2;
	[tilespmem:v35+s20+$0x0] =	vst.idx.add.f32.msk vm2, v23  }
0x733: {  	v56 =	vtrunc.f32 v20;
	v20 =	vtrunc.f32 v21;
	vm0 =	vlt.s32 v9, $0x3FF;
	(xrf2) =	vadd.scan.msk.f32 $0xffff, v38;
	v36 =	vpop (erf);
	v23 =	vld [tilespmem:$0x1FBF0]  }
0x734: {  	(v2sf) =	vpush v22, $0xF;
	v22 =	vmul.f32 $1.024000000e+03, v15;
	s1 =	spop (v2sf);
	v2 =	vtrunc.f32 v46;
	(xrf2) =	vadd.scan.msk.f32 $0xffff, v36;
	v35 =	vpop (erf)  }
0x735: {  	v2 =	vcvt.f32.s32 v2;
	v43 =	vadd.s32 v63, v57;
	s3 =	spop (v2sf);
	v21 =	vadd.s32 v60, v57;
	v57, _, _ =	vpop (xrf2);
	(xrf2) =	vadd.scan.msk.f32 $0xffff, v35  }
0x736: {  	v12 =	vadd.s32 v63, v58;
	v27 =	vadd.s32 v60, v58;
	s0 =	sadd.f32 s3, s1;
	v0 =	vtrunc.f32 v22  }
0x737: {  	v7 =	vtrunc.f32 v7;
	v9 =	vnsel vm0, $0x3FF, v9;
	v22 =	vsel vm6, v27, v12  }
0x738: {  	v3 =	vmul.f32 $1.024000000e+03, v28;
	vm0 =	vlt.s32 v2, $0x3FF;
	v58 =	vmov s0;
	[tilespmem:v34+s20+$0x0] =	vst.idx.add.f32.msk $0xffff, v23  }
0x739: {  	(v2sf) =	vpush v57, $0xF;
	v27 =	vcvt.f32.s32 v0;
	v0, _, _ =	vpop (xrf2);
	v34 =	vadd.f32 $0.0e+00, v58;
	[tilespmem:v39+s19+$0x0] =	vst.idx.add.f32.msk vm2, v61  }
0x73a: {  	v38 =	vadd.s32 v49, v59;
	v8 =	vadd.s32 v62, v59;
	(v2sf) =	vpush v0, $0xF;
	v0, _, _ =	vpop (xrf2);
	v23 =	vld [tilespmem:$0x1FC00]  }
0x73b: {  	s4 =	sadd.s32 $0x7, s26;
	v59 =	vnsel vm0, $0x3FF, v2;
	(v2sf) =	vpush v0, $0xF;
	v0, _, _ =	vpop (xrf2);
	v2 =	vbroadcast v34, $0x0  }
0x73c: {  	v13 =	vmul.f32 $1.024000000e+03, v17;
	(v2sf) =	vpush v0, $0xF;
	v0, _, _ =	vpop (xrf2);
	[tilespmem:v22+s19+$0x0] =	vst.idx.add.f32.msk $0xffff, v61;
	v22 =	vmov s4  }
0x73d: {  	v7 =	vcvt.f32.s32 v7;
	v3 =	vtrunc.f32 v3;
	(v2sf) =	vpush v0, $0xF;
	v0, _, _ =	vpop (xrf2)  }
0x73e: {  	v13 =	vtrunc.f32 v13;
	v3 =	vcvt.f32.s32 v3;
	(v2sf) =	vpush v0, $0xF;
	v0, _, _ =	vpop (xrf2);
	[tilespmem:v12+s20+$0x0] =	vst.idx.add.f32.msk $0xffff, v51  }
0x73f: {  	v5 =	vsel vm5, v55, v1;
	(v2sf) =	vpush v0, $0xF;
	(erf) = vrcp.f32 v2;
	v2, _, _ =	vpop (xrf2);
	[tilespmem:v33+s20+$0x0] =	vst.idx.add.f32.msk vm2, v23  }
0x740: {  	vm1 =	vlt.s32 v7, $0x3FF;
	v13 =	vcvt.f32.s32 v13;
	(v2sf) =	vpush v2, $0xF;
	v2 =	vld [tilespmem:$0x1FA80]  }
0x741: {  	v7 =	vnsel vm1, $0x3FF, v7;
	v4 =	vcvt.f32.s32 v56;
	vm1 =	vlt.s32 v3, $0x3FF;
	v42 =	vld.idx.msk [tilespmem:v22+s15+$0x0], $0xffff  }
0x742: {  	v3 =	vnsel vm1, $0x3FF, v3;
	vm1 =	vlt.s32 v13, $0x3FF;
	v0 =	vld [tilespmem:$0x1FC10]  }
0x743: {  	vm0 =	vlt.s32 v4, $0x3FF;
	v12 =	vnsel vm1, $0x3FF, v13;
	v13 =	vld [tilespmem:$0x1FC20]  }
0x744: {  	v4 =	vnsel vm0, $0x3FF, v4;
	[tilespmem:v5+s19+$0x0] =	vst.idx.add.f32.msk vm2, v61  }
0x745: {  	v56 =	vadd.s32 v60, v59;
	v22 =	vadd.s32 v63, v59;
	v59 =	vld [tilespmem:$0x1F940];
	vm0 =	vnez.u8 v2  }
0x746: {  	v11 =	vpop (erf);
	v44 =	vsel vm0, v21, v43  }
0x747: {  	(xrf2) =	vadd.scan.msk.f32 $0xffff, v11  }
0x748: {  	v5 =	vld [tilespmem:$0x1FC30]  }
0x749: {  	v33 =	vpop (erf);
	v58 =	vld [tilespmem:$0x1FA90]  }
0x74a: {  	(xrf2) =	vadd.scan.msk.f32 $0xffff, v33;
	[tilespmem:v1+s20+$0x0] =	vst.idx.add.f32.msk vm2, v59  }
0x74b: {  	[tilespmem:v44+s19+$0x0] =	vst.idx.add.f32.msk $0xffff, v61  }
0x74c: {  	v34 =	vpop (erf);
	v44 =	vld [tilespmem:$0x1F950]  }
0x74d: {  	(xrf2) =	vadd.scan.msk.f32 $0xffff, v34  }
0x74e: {  	v10 =	vtrunc.f32 v47  }
0x74f: {  	v10 =	vcvt.f32.s32 v10  }
0x750: {  	v26 =	vbroadcast v26, $0x0;
	vm6 =	vlt.s32 v27, $0x3FF  }
0x751: {  	v20 =	vcvt.f32.s32 v20;
	vm5 =	vlt.s32 v10, $0x3FF;
	v27 =	vnsel vm6, $0x3FF, v27;
	v57, _, _ =	vpop (xrf2);
	[tilespmem:v43+s20+$0x0] =	vst.idx.add.f32.msk $0xffff, v44  }
0x752: {  	v39 =	vadd.s32 v63, v6;
	v6 =	vadd.s32 v60, v6;
	v37 =	vpop (erf);
	vm0 =	vnez.u8 v58;
	v43 =	vld [tilespmem:$0x1FC40]  }
0x753: {  	v47 =	vld.idx.msk [tilespmem:v25+s15+$0x0], $0xffff;
	v6 =	vsel vm12, v6, v39;
	vm1 =	vlt.s32 v20, $0x3FF;
	v25 =	vpop (erf);
	v8 =	vsel vm0, v8, v38  }
0x754: {  	v51 =	vld.idx.msk [tilespmem:v24+s15+$0x0], $0xffff;
	v24 =	vadd.s32 v49, v3;
	v3 =	vadd.s32 v62, v3;
	(v2sf) =	vpush v57, $0xF;
	(xrf2) =	vadd.scan.msk.f32 $0xffff, v37;
	v41, _, _ =	vpop (xrf2)  }
0x755: {  	v20 =	vnsel vm1, $0x3FF, v20;
	(xrf2) =	vadd.scan.msk.f32 $0xffff, v25;
	v45 =	vpop (erf);
	v1 =	vnsel vm5, $0x3FF, v10;
	(v2sf) =	vpush v41, $0xF  }
0x756: {  	s26 =	spop (v2sf);
	v10 =	vadd.s32 v63, v27;
	v59 =	vadd.s32 v60, v27;
	v27 =	vmul.f32 v45, v53;
	v53 =	vld.idx.msk [tilespmem:v26+s15+$0x0], $0xffff  }
0x757: {  	s4 =	spop (v2sf);
	v23 =	vadd.s32 v60, v9;
	v57 =	vadd.s32 v62, v12;
	vm1 =	veq.s32 v42, v14;
	v46 =	vld.idx.msk [tilespmem:v0+s15+$0x0], $0xffff;
	v26, _, _ =	vpop (xrf2)  }
0x758: {  	s25 =	spop (v2sf);
	vm0 =	vcmask $0x3F30;
	(v2sf) =	vpush v26, $0xF;
	v26 =	vlaneseq.u32;
	[tilespmem:v8+s19+$0x0] =	vst.idx.add.f32.msk vm2, v61  }
0x759: {  	s16 =	spop (v2sf);
	v2 =	vadd.s32 v63, v9;
	v21 =	vadd.s32 v63, v4;
	vm2 =	veq.s32 v42, v26;
	v26 =	vld [tilespmem:$0x1F960]  }
0x75a: {  	s3 =	spop (v2sf);
	v4 =	vadd.s32 v60, v4;
	v9 =	vadd.s32 v49, v1;
	v58 =	vld.idx.msk [tilespmem:v43+s15+$0x0], $0xffff;
	v43 =	vmul.f32 v45, v54  }
0x75b: {  	s1 =	spop (v2sf);
	v1 =	vadd.s32 v62, v1;
	v55 =	vld.idx.msk [tilespmem:v13+s15+$0x0], $0xffff;
	v13 =	vadd.s32 v49, v12;
	v12 =	vadd.s32 v49, v20  }
0x75c: {  	s0 =	spop (v2sf);
	v41 =	vsel vm13, v3, v24;
	v45 =	vsub.f32 $1.000000000e+00, v27;
	v3 =	vsub.f32 $1.000000000e+00, v43  }
0x75d: {  	s5 =	spop (v2sf);
	v20 =	vadd.s32 v62, v20;
	vm13 =	veq.s32 v46, v14;
	v42 =	vsel vm8, v56, v22  }
0x75e: {  	vm15 =	vcmask $0x3F30;
	s4 =	sadd.f32 s4, s5;
	[tilespmem:v38+s20+$0x0] =	vst.idx.add.f32.msk vm0, v26;
	v38 =	vsel vm3, v4, v21;
	v44 =	vsel vm2, v45, v27  }
0x75f: {  	s5 =	spop (v2sf);
	v26 =	vsel vm11, v20, v12;
	v54 =	vsel vm10, v23, v2;
	v23, _, _ =	vpop (xrf2);
	v8 =	vmul.f32 $1.024000000e+03, v44  }
0x760: {  	(v2sf) =	vpush v23, $0xF;
	v23 =	vmov s4;
	s4 =	sadd.f32 s26, s5;
	v43 =	vsel vm1, v3, v43;
	v3, _, _ =	vpop (xrf2)  }
0x761: {  	v23 =	vadd.f32 $0.0e+00, v23;
	(v2sf) =	vpush v3, $0xF;
	v3 =	vtrunc.f32 v8  }
0x762: {  	vm11 =	veq.s32 v47, v14;
	v20 =	vmov s4;
	v3 =	vcvt.f32.s32 v3  }
0x763: {  	s5 =	spop (v2sf);
	v27 =	vsel vm9, v57, v13;
	v45 =	vadd.f32 $0.0e+00, v20;
	v8 =	vbroadcast v23, $0x0  }
0x764: {  	s26 =	spop (v2sf);
	s4 =	sadd.f32 s25, s5;
	v20 =	vsel vm14, v1, v9;
	v56 =	vmul.f32 $1.024000000e+03, v43;
	vm0 =	vlt.s32 v3, $0x3FF  }
0x765: {  	s25 =	sadd.f32 s16, s26;
	(erf) = vrcp.f32 v8;
	v1 =	vnsel vm0, $0x3FF, v3;
	v3 =	vbroadcast v45, $0x0  }
0x766: {  	vm9 =	veq.s32 v51, v14;
	v57 =	vtrunc.f32 v56;
	v23 =	vsel vm7, v59, v10  }
0x767: {  	v5 =	vld.idx.msk [tilespmem:v5+s15+$0x0], $0xffff;
	v59 =	vmov s25;
	v4 =	vcvt.f32.s32 v57;
	(erf) = vrcp.f32 v3  }
0x768: {  	s26 =	spop (v2sf);
	v57 =	vlaneseq.u32;
	v8 =	vadd.s32 v63, v1;
	v1 =	vadd.s32 v60, v1  }
0x769: {  	s3 =	sadd.f32 s3, s26;
	vm14 =	veq.s32 v46, v57;
	v56 =	vsel vm2, v1, v8;
	v1 =	vmov s4  }
0x76a: {  	v46 =	vadd.f32 $0.0e+00, v59;
	vm12 =	veq.s32 v47, v57;
	v1 =	vadd.f32 $0.0e+00, v1  }
0x76b: {  	vm10 =	veq.s32 v51, v57;
	v51 =	vmov s3;
	vm0 =	vlt.s32 v4, $0x3FF  }
0x76c: {  	vm3 =	veq.s32 v5, v57;
	v4 =	vnsel vm0, $0x3FF, v4;
	v1 =	vbroadcast v1, $0x0  }
0x76d: {  	v47 =	vadd.f32 $0.0e+00, v51;
	v46 =	vbroadcast v46, $0x0;
	v3 =	vadd.s32 v49, v4  }
0x76e: {  	v4 =	vadd.s32 v62, v4;
	vm2 =	veq.s32 v5, v14;
	v51 =	vpop (erf);
	(erf) = vrcp.f32 v1  }
0x76f: {  	v4 =	vsel vm1, v4, v3;
	s4 =	spop (v2sf);
	v5 =	vmul.f32 v51, v36;
	v36 =	vbroadcast v47, $0x0  }
0x770: {  	vm7 =	veq.s32 v55, v57;
	vm1 =	veq.s32 v58, v57;
	s1 =	sadd.f32 s1, s4;
	(erf) = vrcp.f32 v46;
	s5 =	spop (v2sf);
	v57 =	vpop (erf)  }
0x771: {  	v0 =	vadd.s32 v49, v7;
	v7 =	vadd.s32 v62, v7;
	(erf) = vrcp.f32 v36  }
0x772: {  	v7 =	vsel vm4, v7, v0;
	vm4 =	veq.s32 v55, v14;
	v55 =	vmov s1;
	s0 =	sadd.f32 s0, s5;
	[tilespmem:v56+s19+$0x0] =	vst.idx.add.f32.msk $0xffff, v61  }
0x773: {  	vm0 =	vcmask $0x3F30;
	v51 =	vmul.f32 v51, v40;
	v40 =	vadd.f32 $0.0e+00, v55;
	[tilespmem:v8+s20+$0x0] =	vst.idx.add.f32.msk $0xffff, v44  }
0x774: {  	v47 =	vsub.f32 $1.000000000e+00, v5;
	v55 =	vmov s0;
	[tilespmem:v4+s19+$0x0] =	vst.idx.add.f32.msk vm15, v61;
	vm15 =	vcmask $0x3F30  }
0x775: {  	v1 =	vsub.f32 $1.000000000e+00, v51;
	v35 =	vmul.f32 v57, v35;
	v55 =	vadd.f32 $0.0e+00, v55  }
0x776: {  	v52 =	vmul.f32 v57, v52;
	v57 =	vbroadcast v40, $0x0;
	v40 =	vsel vm14, v47, v5  }
0x777: {  	v1 =	vsel vm13, v1, v51;
	[tilespmem:v6+s19+$0x0] =	vst.idx.add.f32.msk $0xffff, v61;
	v5 =	vsub.f32 $1.000000000e+00, v35;
	v46 =	vbroadcast v55, $0x0  }
0x778: {  	v51 =	vmul.f32 $1.024000000e+03, v40;
	v47 =	vsub.f32 $1.000000000e+00, v52;
	(erf) = vrcp.f32 v57;
	[tilespmem:v39+s20+$0x0] =	vst.idx.add.f32.msk $0xffff, v50  }
0x779: {  	[tilespmem:v7+s19+$0x0] =	vst.idx.add.f32.msk vm0, v61;
	vm0 =	vcmask $0x3F30;
	v36 =	vsel vm12, v5, v35;
	(erf) = vrcp.f32 v46  }
0x77a: {  	v35 =	vsel vm11, v47, v52;
	v57 =	vmul.f32 $1.024000000e+03, v36;
	[tilespmem:v3+s20+$0x0] =	vst.idx.add.f32.msk vm15, v43;
	vm15 =	vcmask $0x3F30  }
0x77b: {  	vm8 =	veq.s32 v58, v14;
	v55 =	vmul.f32 $1.024000000e+03, v1;
	v58 =	vmul.f32 $1.024000000e+03, v35  }
0x77c: {  	v51 =	vtrunc.f32 v51  }
0x77d: {  	[tilespmem:v54+s19+$0x0] =	vst.idx.add.f32.msk $0xffff, v61;
	v52 =	vcvt.f32.s32 v51;
	v5 =	vtrunc.f32 v55  }
0x77e: {  	[tilespmem:v2+s20+$0x0] =	vst.idx.add.f32.msk $0xffff, v16;
	v55 =	vtrunc.f32 v57;
	v6 =	vtrunc.f32 v58;
	v57 =	vpop (erf)  }
0x77f: {  	v59 =	vlaneseq.u32;
	[tilespmem:v0+s20+$0x0] =	vst.idx.add.f32.msk vm0, v18;
	v0 =	vcvt.f32.s32 v5;
	v5 =	vcvt.f32.s32 v55;
	v58 =	vpop (erf)  }
0x780: {  	vm0 =	vlt.s32 v52, $0x3FF;
	v2 =	vmul.f32 v57, v29;
	v29 =	vpop (erf);
	[tilespmem:v41+s19+$0x0] =	vst.idx.add.f32.msk vm15, v61;
	vm15 =	vcmask $0x3F30  }
0x781: {  	v39 =	vnsel vm0, $0x3FF, v52;
	vm0 =	vlt.s32 v0, $0x3FF;
	v7 =	vmul.f32 v58, v33;
	v47 =	vpop (erf)  }
0x782: {  	v33 =	vnsel vm0, $0x3FF, v0;
	v0 =	vmul.f32 v58, v30;
	v50 =	vmul.f32 v29, v31;
	v31 =	vpop (erf)  }
0x783: {  	v6 =	vcvt.f32.s32 v6;
	vm0 =	vlt.s32 v5, $0x3FF;
	v3 =	vmul.f32 v31, v25  }
0x784: {  	v11 =	vmul.f32 v57, v11;
	v5 =	vnsel vm0, $0x3FF, v5;
	v54 =	vsub.f32 $1.000000000e+00, v0  }
0x785: {  	[tilespmem:v42+s19+$0x0] =	vst.idx.add.f32.msk $0xffff, v61;
	vm0 =	vlt.s32 v6, $0x3FF;
	v25 =	vsub.f32 $1.000000000e+00, v7;
	v57 =	vsub.f32 $1.000000000e+00, v3  }
0x786: {  	vm6 =	veq.s32 v53, v59;
	v43 =	vnsel vm0, $0x3FF, v6;
	vm0 =	vcmask $0x3F30;
	[tilespmem:v24+s20+$0x0] =	vst.idx.add.f32.msk vm15, v28  }
0x787: {  	v7 =	vsel vm7, v25, v7;
	v25 =	vsel vm4, v54, v0;
	v0 =	vsel vm6, v57, v3;
	v3 =	vld [tilespmem:$0x1F970];
	_ =	sdelay $0x4  }
0x788: {  	[tilespmem:v22+s20+$0x0] =	vst.idx.add.f32.msk $0xffff, v3  }
0x789: {  	[tilespmem:v27+s19+$0x0] =	vst.idx.add.f32.msk vm0, v61;
	vm0 =	vcmask $0x3F30;
	_ =	sdelay $0x4  }
0x78a: {  	[tilespmem:v38+s19+$0x0] =	vst.idx.add.f32.msk $0xffff, v61  }
0x78b: {  	[tilespmem:v13+s20+$0x0] =	vst.idx.add.f32.msk vm0, v17  }
0x78c: {  	vm5 =	veq.s32 v53, v14;
	v45 =	vmov v14;
	vm0 =	vcmask $0x3F30;
	v14 =	vld [tilespmem:$0x1F980];
	_ =	sdelay $0x4  }
0x78d: {  	[tilespmem:v21+s20+$0x0] =	vst.idx.add.f32.msk $0xffff, v14  }
0x78e: {  	[tilespmem:v26+s19+$0x0] =	vst.idx.add.f32.msk vm0, v61;
	vm0 =	vcmask $0x3F30  }
0x78f: {  	v14 =	vld [tilespmem:$0x1F990];
	_ =	sdelay $0x4  }
0x790: {  	[tilespmem:v12+s20+$0x0] =	vst.idx.add.f32.msk vm0, v14;
	vm0 =	vcmask $0x3F30;
	_ =	sdelay $0x2  }
0x791: {  	v52 =	vsub.f32 $1.000000000e+00, v11  }
0x792: {  	v30 =	vmul.f32 v29, v34;
	v53 =	vsub.f32 $1.000000000e+00, v2;
	[tilespmem:v23+s19+$0x0] =	vst.idx.add.f32.msk $0xffff, v61  }
0x793: {  	v29 =	vmul.f32 v47, v37;
	v34 =	vsel vm10, v52, v11;
	[tilespmem:v10+s20+$0x0] =	vst.idx.add.f32.msk $0xffff, v15  }
0x794: {  	v37 =	vsel vm9, v53, v2;
	v31 =	vmul.f32 v31, v32;
	[tilespmem:v20+s19+$0x0] =	vst.idx.add.f32.msk vm0, v61;
	vm0 =	vcmask $0x3F30  }
0x795: {  	v44 =	vmul.f32 $1.024000000e+03, v37;
	v3 =	vmul.f32 $1.024000000e+03, v34;
	v14 =	vld [tilespmem:$0x1F9A0]  }
0x796: {  	v58 =	vsub.f32 $1.000000000e+00, v31  }
0x797: {  	v46 =	vadd.s32 v62, v33;
	v6 =	vtrunc.f32 v44;
	v3 =	vtrunc.f32 v3  }
0x798: {  	v6 =	vcvt.f32.s32 v6;
	v42 =	vsel vm5, v58, v31;
	v3 =	vcvt.f32.s32 v3  }
0x799: {  	v31 =	vadd.s32 v60, v39;
	v22 =	vadd.s32 v63, v39;
	v27 =	vadd.s32 v49, v33  }
0x79a: {  	v16 =	vsel vm14, v31, v22;
	v23 =	vsel vm13, v46, v27;
	[tilespmem:v9+s20+$0x0] =	vst.idx.add.f32.msk vm0, v14;
	vm0 =	vlt.s32 v3, $0x3FF  }
0x79b: {  	vm13 =	vcmask $0x3F30;
	v3 =	vnsel vm0, $0x3FF, v3;
	vm0 =	vlt.s32 v6, $0x3FF  }
0x79c: {  	v51 =	vmul.f32 v47, v19;
	v6 =	vnsel vm0, $0x3FF, v6;
	vm0 =	vcmask $0x3F30  }
0x79d: {  	v55 =	vsub.f32 $1.000000000e+00, v30;
	v56 =	vsub.f32 $1.000000000e+00, v50;
	v19 =	vmul.f32 $1.024000000e+03, v7  }
0x79e: {  	v47 =	vadd.s32 v63, v5;
	v5 =	vadd.s32 v60, v5;
	v13 =	vmul.f32 $1.024000000e+03, v25  }
0x79f: {  	v4 =	vadd.s32 v62, v43;
	v5 =	vsel vm12, v5, v47;
	v12 =	vtrunc.f32 v19;
	[tilespmem:v16+s19+$0x0] =	vst.idx.add.f32.msk $0xffff, v61  }
0x7a0: {  	v30 =	vsel vm3, v55, v30;
	v13 =	vtrunc.f32 v13;
	v12 =	vcvt.f32.s32 v12;
	[tilespmem:v22+s20+$0x0] =	vst.idx.add.f32.msk $0xffff, v40  }
0x7a1: {  	v18 =	vmul.f32 $1.024000000e+03, v30;
	v28 =	vsub.f32 $1.000000000e+00, v51;
	v13 =	vcvt.f32.s32 v13;
	[tilespmem:v23+s19+$0x0] =	vst.idx.add.f32.msk vm13, v61  }
0x7a2: {  	vm14 =	vcmask $0x3F30;
	v19 =	vadd.s32 v49, v43;
	[tilespmem:v27+s20+$0x0] =	vst.idx.add.f32.msk vm0, v1;
	vm0 =	vlt.s32 v12, $0x3FF  }
0x7a3: {  	v4 =	vsel vm11, v4, v19;
	v12 =	vnsel vm0, $0x3FF, v12;
	vm0 =	vlt.s32 v13, $0x3FF  }
0x7a4: {  	v8 =	vsel vm2, v56, v50;
	v54 =	vnsel vm0, $0x3FF, v13;
	vm0 =	vcmask $0x3F30  }
0x7a5: {  	v18 =	vtrunc.f32 v18;
	v2 =	vsel vm8, v28, v51;
	v28 =	vmul.f32 $1.024000000e+03, v8  }
0x7a6: {  	v52 =	vcvt.f32.s32 v18;
	v24 =	vsub.f32 $1.000000000e+00, v29;
	[tilespmem:v5+s19+$0x0] =	vst.idx.add.f32.msk $0xffff, v61  }
0x7a7: {  	v50 =	vtrunc.f32 v28;
	[tilespmem:v47+s20+$0x0] =	vst.idx.add.f32.msk $0xffff, v36;
	v16 =	vadd.s32 v63, v3;
	v3 =	vadd.s32 v60, v3  }
0x7a8: {  	v24 =	vsel vm1, v24, v29;
	v53 =	vcvt.f32.s32 v50;
	[tilespmem:v4+s19+$0x0] =	vst.idx.add.f32.msk vm14, v61;
	v3 =	vsel vm10, v3, v16  }
0x7a9: {  	v1 =	vadd.s32 v49, v6;
	v13 =	vadd.s32 v49, v54;
	v10 =	vadd.s32 v62, v54  }
0x7aa: {  	v6 =	vadd.s32 v62, v6;
	v10 =	vsel vm4, v10, v13;
	[tilespmem:v19+s20+$0x0] =	vst.idx.add.f32.msk vm0, v35;
	vm0 =	vlt.s32 v52, $0x3FF  }
0x7ab: {  	vm4 =	vcmask $0x3F30;
	v5 =	vnsel vm0, $0x3FF, v52;
	vm0 =	vlt.s32 v53, $0x3FF  }
0x7ac: {  	v6 =	vsel vm9, v6, v1;
	v4 =	vnsel vm0, $0x3FF, v53;
	vm0 =	vcmask $0x3F30  }
0x7ad: {  	v29 =	vmul.f32 $1.024000000e+03, v24;
	_ =	sdelay $0x1  }
0x7ae: {  	v17 =	vmul.f32 $1.024000000e+03, v2;
	v15 =	vtrunc.f32 v29;
	[tilespmem:v3+s19+$0x0] =	vst.idx.add.f32.msk $0xffff, v61  }
0x7af: {  	v3 =	vcvt.f32.s32 v15;
	[tilespmem:v16+s20+$0x0] =	vst.idx.add.f32.msk $0xffff, v34  }
0x7b0: {  	v17 =	vtrunc.f32 v17;
	v18 =	vadd.s32 v63, v12;
	v12 =	vadd.s32 v60, v12;
	[tilespmem:v6+s19+$0x0] =	vst.idx.add.f32.msk vm4, v61  }
0x7b1: {  	v55 =	vcvt.f32.s32 v17;
	v12 =	vsel vm7, v12, v18;
	[tilespmem:v1+s20+$0x0] =	vst.idx.add.f32.msk vm0, v37;
	vm0 =	vlt.s32 v3, $0x3FF  }
0x7b2: {  	v1 =	vadd.s32 v49, v4;
	v4 =	vadd.s32 v62, v4;
	v3 =	vnsel vm0, $0x3FF, v3  }
0x7b3: {  	v4 =	vsel vm2, v4, v1;
	vm0 =	vlt.s32 v55, $0x3FF;
	vm2 =	vcmask $0x3F30  }
0x7b4: {  	v6 =	vnsel vm0, $0x3FF, v55;
	vm0 =	vcmask $0x3F30  }
0x7b5: {  	v21 =	vmul.f32 $1.024000000e+03, v0;
	v26 =	vmul.f32 $1.024000000e+03, v42;
	_ =	sdelay $0x1  }
0x7b6: {  	v51 =	vtrunc.f32 v21;
	v14 =	vtrunc.f32 v26;
	[tilespmem:v12+s19+$0x0] =	vst.idx.add.f32.msk $0xffff, v61  }
0x7b7: {  	v9 =	vcvt.f32.s32 v51;
	[tilespmem:v18+s20+$0x0] =	vst.idx.add.f32.msk $0xffff, v7;
	v15 =	vadd.s32 v63, v5;
	v5 =	vadd.s32 v60, v5  }
0x7b8: {  	v57 =	vcvt.f32.s32 v14;
	v56 =	vadd.s32 v63, v3;
	v3 =	vadd.s32 v60, v3;
	[tilespmem:v10+s19+$0x0] =	vst.idx.add.f32.msk vm2, v61  }
0x7b9: {  	v5 =	vsel vm3, v5, v15;
	v3 =	vsel vm1, v3, v56;
	[tilespmem:v13+s20+$0x0] =	vst.idx.add.f32.msk vm0, v25;
	vm0 =	vlt.s32 v9, $0x3FF  }
0x7ba: {  	vm1 =	vcmask $0x3F30;
	v58 =	vnsel vm0, $0x3FF, v9;
	vm0 =	vlt.s32 v57, $0x3FF  }
0x7bb: {  	v32 =	vnsel vm0, $0x3FF, v57;
	vm0 =	vcmask $0x3F30;
	_ =	sdelay $0x2  }
0x7bc: {  	[tilespmem:v5+s19+$0x0] =	vst.idx.add.f32.msk $0xffff, v61  }
0x7bd: {  	[tilespmem:v15+s20+$0x0] =	vst.idx.add.f32.msk $0xffff, v30  }
0x7be: {  	[tilespmem:v4+s19+$0x0] =	vst.idx.add.f32.msk vm1, v61  }
0x7bf: {  	v12 =	vadd.s32 v49, v6;
	v6 =	vadd.s32 v62, v6;
	[tilespmem:v1+s20+$0x0] =	vst.idx.add.f32.msk vm0, v8;
	vm0 =	vcmask $0x3F30  }
0x7c0: {  	v6 =	vsel vm8, v6, v12;
	_ =	sdelay $0x2  }
0x7c1: {  	[tilespmem:v3+s19+$0x0] =	vst.idx.add.f32.msk $0xffff, v61  }
0x7c2: {  	[tilespmem:v56+s20+$0x0] =	vst.idx.add.f32.msk $0xffff, v24  }
0x7c3: {  	[tilespmem:v6+s19+$0x0] =	vst.idx.add.f32.msk vm0, v61;
	vm0 =	vcmask $0x3F30;
	_ =	sdelay $0x3  }
0x7c4: {  	v9 =	vadd.s32 v63, v58;
	v5 =	vadd.s32 v60, v58  }
0x7c5: {  	v5 =	vsel vm6, v5, v9  }
0x7c6: {  	v4 =	vadd.s32 v62, v32;
	v1 =	vadd.s32 v49, v32;
	[tilespmem:v12+s20+$0x0] =	vst.idx.add.f32.msk vm0, v2;
	vm0 =	vcmask $0x3F30  }
0x7c7: {  	v3 =	vsel vm5, v4, v1;
	_ =	sdelay $0x2  }
0x7c8: {  	[tilespmem:v5+s19+$0x0] =	vst.idx.add.f32.msk $0xffff, v61  }
0x7c9: {  	[tilespmem:v9+s20+$0x0] =	vst.idx.add.f32.msk $0xffff, v0  }
0x7ca: {  	[tilespmem:v3+s19+$0x0] =	vst.idx.add.f32.msk vm0, v61;
	vm0 =	vcmask $0x3F30;
	_ =	sdelay $0x5  }
0x7cb: {  	[tilespmem:v1+s20+$0x0] =	vst.idx.add.f32.msk vm0, v42  }
0x7cc: {  	_ =	swait.ge [sflag:s21], $0x5000  }
0x7cd: {  	[sflag:s21] =	ssyncset.done $0x0  }
0x7ce: {  	[sflag:s21] =	ssyncadd.s32 $0xFFFFB000  }
0x7cf: {  	_ =	swait.ge [sflag:s21], $0x400  }
0x7d0: {  	[sflag:s21] =	ssyncset.done $0x0  }
0x7d1: {  	s16 =	simm.s32 $0x5050;
	[sflag:s21] =	ssyncadd.s32 $0xFFFFFC00  }
0x7d2: {  	v3 =	vld [tilespmem:s16+$0x3C]  }
0x7d3: {  	v33 =	vld [tilespmem:s16+$0x40]  }
0x7d4: {  	v34 =	vld [tilespmem:s16+$0xFFFFFFB4]  }
0x7d5: {  	v1 =	vld [tilespmem:s16+$0xFFFFFFC4]  }
0x7d6: {  	v35 =	vld [tilespmem:s16+$0xFFFFFFC8]  }
0x7d7: {  	v15 =	vld [tilespmem:s16+$0xFFFFFFD8];
	(xrf0) =	vmax.scan.msk.f32 $0xffff, v3  }
0x7d8: {  	v36 =	vld [tilespmem:s16+$0xFFFFFFDC];
	(xrf0) =	vmax.scan.msk.f32 $0xffff, v33  }
0x7d9: {  	v16 =	vld [tilespmem:s16+$0xFFFFFFEC];
	(xrf0) =	vmax.scan.msk.f32 $0xffff, v34  }
0x7da: {  	v37 =	vld [tilespmem:s16+$0xFFFFFFF0];
	(xrf0) =	vmax.scan.msk.f32 $0xffff, v1  }
0x7db: {  	v14 =	vld [tilespmem:s16+$0x0];
	(xrf0) =	vmax.scan.msk.f32 $0xffff, v35  }
0x7dc: {  	v38 =	vld [tilespmem:s16+$0x4];
	(xrf0) =	vmax.scan.msk.f32 $0xffff, v15  }
0x7dd: {  	v2 =	vld [tilespmem:s16+$0x14];
	(xrf0) =	vmax.scan.msk.f32 $0xffff, v36;
	v0, _, _ =	vpop (xrf0)  }
0x7de: {  	v39 =	vld [tilespmem:s16+$0x18];
	(xrf0) =	vmax.scan.msk.f32 $0xffff, v16;
	(v2sf) =	vpush v0, $0xF;
	v40, _, _ =	vpop (xrf0)  }
0x7df: {  	v0 =	vld [tilespmem:s16+$0x28];
	v12, _, _ =	vpop (xrf0);
	(xrf0) =	vmax.scan.msk.f32 $0xffff, v37;
	(v2sf) =	vpush v40, $0xF  }
0x7e0: {  	v41 =	vld [tilespmem:s16+$0x2C];
	(v2sf) =	vpush v12, $0xF;
	v12, _, _ =	vpop (xrf0);
	(xrf0) =	vmax.scan.msk.f32 $0xffff, v14  }
0x7e1: {  	(v2sf) =	vpush v12, $0xF;
	v12, _, _ =	vpop (xrf0);
	(xrf0) =	vmax.scan.msk.f32 $0xffff, v38  }
0x7e2: {  	v17 =	vld [tilespmem:s16+$0xFFFFFFB0];
	(v2sf) =	vpush v12, $0xF;
	v12, _, _ =	vpop (xrf0);
	(xrf0) =	vmax.scan.msk.f32 $0xffff, v2  }
0x7e3: {  	(v2sf) =	vpush v12, $0xF;
	v12, _, _ =	vpop (xrf0);
	(xrf0) =	vmax.scan.msk.f32 $0xffff, v39  }
0x7e4: {  	(v2sf) =	vpush v12, $0xF;
	v12, _, _ =	vpop (xrf0);
	(xrf0) =	vmax.scan.msk.f32 $0xffff, v0  }
0x7e5: {  	(v2sf) =	vpush v12, $0xF;
	v12, _, _ =	vpop (xrf0);
	(xrf0) =	vmax.scan.msk.f32 $0xffff, v41  }
0x7e6: {  	(v2sf) =	vpush v12, $0xF;
	v12, _, _ =	vpop (xrf0)  }
0x7e7: {  	(xrf0) =	vmax.scan.msk.f32 $0xffff, v17;
	(v2sf) =	vpush v12, $0xF;
	v12, _, _ =	vpop (xrf0)  }
0x7e8: {  	(v2sf) =	vpush v12, $0xF;
	v12, _, _ =	vpop (xrf0)  }
0x7e9: {  	(v2sf) =	vpush v12, $0xF;
	v12, _, _ =	vpop (xrf0)  }
0x7ea: {  	(v2sf) =	vpush v12, $0xF;
	v12, _, _ =	vpop (xrf0)  }
0x7eb: {  	(v2sf) =	vpush v12, $0xF;
	v12, _, _ =	vpop (xrf0)  }
0x7ec: {  	(v2sf) =	vpush v12, $0xF  }
0x7ed: {  	v12, _, _ =	vpop (xrf0);
	s25 =	spop (v2sf)  }
0x7ee: {  	(v2sf) =	vpush v12, $0xF;
	s26 =	spop (v2sf)  }
0x7ef: {  	s0 =	smax.f32 s25, s26;
	s1 =	spop (v2sf)  }
0x7f0: {  	v12 =	vmov s0;
	s3 =	spop (v2sf)  }
0x7f1: {  	v3 =	vsub.f32 v3, v12;
	s4 =	spop (v2sf)  }
0x7f2: {  	v4 =	vsub.f32 v33, v12;
	s5 =	spop (v2sf)  }
0x7f3: {  	v3 =	vmul.f32 $1.442695020e+00, v3;
	s25 =	spop (v2sf)  }
0x7f4: {  	v4 =	vmul.f32 $1.442695020e+00, v4;
	s16 =	spop (v2sf)  }
0x7f5: {  	s0 =	smax.f32 s3, s4;
	s26 =	spop (v2sf);
	(erf) = vpow2.f32 v3  }
0x7f6: {  	s4 =	smax.f32 s5, s25;
	v3 =	vmov s0;
	s5 =	spop (v2sf);
	(erf) = vpow2.f32 v4  }
0x7f7: {  	v43 =	vmov s4;
	v42 =	vsub.f32 v35, v3;
	s25 =	spop (v2sf)  }
0x7f8: {  	v7 =	vsub.f32 v36, v43;
	s3 =	smax.f32 s16, s26;
	s26 =	spop (v2sf)  }
0x7f9: {  	v19 =	vmov s3;
	v4 =	vmul.f32 $1.442695020e+00, v42;
	s0 =	smax.f32 s5, s25;
	s4 =	spop (v2sf)  }
0x7fa: {  	v7 =	vmul.f32 $1.442695020e+00, v7;
	v8 =	vsub.f32 v37, v19;
	v20 =	vmov s0;
	s16 =	spop (v2sf)  }
0x7fb: {  	(erf) = vpow2.f32 v4;
	v44 =	vsub.f32 v38, v20;
	s3 =	smax.f32 s26, s4;
	s25 =	spop (v2sf)  }
0x7fc: {  	v8 =	vmul.f32 $1.442695020e+00, v8;
	v23 =	vmov s3;
	(erf) = vpow2.f32 v7;
	s0 =	smax.f32 s16, s25  }
0x7fd: {  	v4 =	vmul.f32 $1.442695020e+00, v44;
	v46 =	vsub.f32 v39, v23;
	s26 =	spop (v2sf);
	v24 =	vmov s0  }
0x7fe: {  	(erf) = vpow2.f32 v8;
	s4 =	smax.f32 s26, s1;
	v47 =	vsub.f32 v41, v24;
	v22 =	vpop (erf)  }
0x7ff: {  	v50 =	vmov s4;
	v7 =	vmul.f32 $1.442695020e+00, v46;
	(erf) = vpow2.f32 v4;
	v21 =	vpop (erf);
	(xrf2) =	vadd.scan.msk.f32 $0xffff, v22  }
0x800: {  	v51 =	vsub.f32 v34, v50;
	v52 =	vmul.f32 $1.442695020e+00, v47;
	v53 =	vmul.f32 v48, v21  }
0x801: {  	(erf) = vpow2.f32 v7  }
0x802: {  	v4 =	vmul.f32 $1.442695020e+00, v51;
	(erf) = vpow2.f32 v52;
	(xrf2) =	vadd.scan.msk.f32 $0xffff, v53;
	_ =	sdelay $0x1  }
0x803: {  	(erf) = vpow2.f32 v4  }
0x804: {  	v18 =	vpop (erf)  }
0x805: {  	v13 =	vpop (erf)  }
0x806: {  	v12 =	vpop (erf)  }
0x807: {  	v11 =	vpop (erf)  }
0x808: {  	v54, _, _ =	vpop (xrf2)  }
0x809: {  	v55 =	vsub.f32 v17, v50;
	v10 =	vpop (erf)  }
0x80a: {  	v1 =	vsub.f32 v1, v3;
	v9 =	vpop (erf)  }
0x80b: {  	v3 =	vmul.f32 $1.442695020e+00, v55;
	v56 =	vmul.f32 v48, v18;
	v57, _, _ =	vpop (xrf2)  }
0x80c: {  	v1 =	vmul.f32 $1.442695020e+00, v1;
	(v2sf) =	vpush v54, $0xF;
	v25 =	vpop (erf)  }
0x80d: {  	(erf) = vpow2.f32 v3;
	(xrf2) =	vadd.scan.msk.f32 $0xffff, v56;
	(v2sf) =	vpush v57, $0xF;
	v3 =	vmul.f32 v48, v25  }
0x80e: {  	v58 =	vmul.f32 v48, v13  }
0x80f: {  	(erf) = vpow2.f32 v1;
	v1 =	vmul.f32 v48, v12;
	(xrf2) =	vadd.scan.msk.f32 $0xffff, v3;
	v3 =	vsub.f32 v15, v43  }
0x810: {  	v8 =	vmul.f32 v48, v11;
	(xrf2) =	vadd.scan.msk.f32 $0xffff, v58  }
0x811: {  	(xrf2) =	vadd.scan.msk.f32 $0xffff, v1;
	v1 =	vmul.f32 $1.442695020e+00, v3;
	v3 =	vmul.f32 v48, v10  }
0x812: {  	v32 =	vsub.f32 v16, v19;
	(xrf2) =	vadd.scan.msk.f32 $0xffff, v8  }
0x813: {  	(erf) = vpow2.f32 v1;
	v1 =	vmul.f32 v48, v9;
	(xrf2) =	vadd.scan.msk.f32 $0xffff, v3;
	v3 =	vsub.f32 v14, v20  }
0x814: {  	v4 =	vmul.f32 $1.442695020e+00, v32  }
0x815: {  	(xrf2) =	vadd.scan.msk.f32 $0xffff, v1;
	v1 =	vmul.f32 $1.442695020e+00, v3  }
0x816: {  	v29 =	vpop (erf);
	(erf) = vpow2.f32 v4  }
0x817: {  	v3, _, _ =	vpop (xrf2);
	(xrf2) =	vadd.scan.msk.f32 $0xffff, v29  }
0x818: {  	v2 =	vsub.f32 v2, v23;
	v27 =	vpop (erf)  }
0x819: {  	v0 =	vsub.f32 v0, v24;
	(erf) = vpow2.f32 v1;
	v1, _, _ =	vpop (xrf2)  }
0x81a: {  	v2 =	vmul.f32 $1.442695020e+00, v2;
	(xrf2) =	vadd.scan.msk.f32 $0xffff, v27;
	v33, _, _ =	vpop (xrf2)  }
0x81b: {  	v0 =	vmul.f32 $1.442695020e+00, v0;
	(v2sf) =	vpush v3, $0xF;
	s5 =	spop (v2sf);
	v34, _, _ =	vpop (xrf2)  }
0x81c: {  	(erf) = vpow2.f32 v2;
	(v2sf) =	vpush v1, $0xF;
	s16 =	spop (v2sf);
	v14 =	vpop (erf)  }
0x81d: {  	(erf) = vpow2.f32 v0;
	(v2sf) =	vpush v33, $0xF;
	v3, _, _ =	vpop (xrf2);
	s0 =	sadd.f32 s16, s5;
	(xrf2) =	vadd.scan.msk.f32 $0xffff, v14  }
0x81e: {  	(v2sf) =	vpush v34, $0xF;
	v2, _, _ =	vpop (xrf2)  }
0x81f: {  	v16 =	vpop (erf);
	(v2sf) =	vpush v3, $0xF;
	v1 =	vmov s0  }
0x820: {  	(v2sf) =	vpush v2, $0xF;
	v0, _, _ =	vpop (xrf2);
	v1 =	vadd.f32 $0.0e+00, v1  }
0x821: {  	s4 =	simm.s32 $0x3;
	(xrf2) =	vadd.scan.msk.f32 $0xffff, v16;
	(v2sf) =	vpush v0, $0xF;
	v0, _, _ =	vpop (xrf2)  }
0x822: {  	v35 =	vmov s4;
	v1 =	vbroadcast v1, $0x0;
	(v2sf) =	vpush v0, $0xF  }
0x823: {  	v4 =	vand.u32 $0xFFFFFFFB, v35;
	v17 =	vpop (erf)  }
0x824: {  	v4 =	vbroadcast v4, $0x0;
	s5 =	simm.s32 $0x4;
	(xrf2) =	vadd.scan.msk.f32 $0xffff, v17;
	v0, _, _ =	vpop (xrf2);
	(erf) = vrcp.f32 v1  }
0x825: {  	s25 =	simm.s32 $0x7;
	s26 =	simm.s32 $0x0;
	v36 =	vmov s5;
	v19 =	vpop (erf);
	(v2sf) =	vpush v0, $0xF  }
0x826: {  	v5 =	vand.u32 $0xFFFFFFFC, v36;
	v20 =	vpop (erf);
	(xrf2) =	vadd.scan.msk.f32 $0xffff, v19;
	v0 =	vmov s25;
	v1 =	vmov s26  }
0x827: {  	v5 =	vbroadcast v5, $0x0;
	s25 =	simm.s32 $0x6;
	v1 =	vand.u32 $0xFFFFFFF8, v1;
	v2, _, _ =	vpop (xrf2);
	(xrf2) =	vadd.scan.msk.f32 $0xffff, v20  }
0x828: {  	s1 =	simm.s32 $0x1;
	v38 =	vmov s25;
	v1 =	vbroadcast v1, $0x0;
	(v2sf) =	vpush v2, $0xF  }
0x829: {  	v3 =	vmov s1;
	v7 =	vand.u32 $0xFFFFFFFE, v38  }
0x82a: {  	v4 =	vld.idx.msk [tilespmem:v4+s17+$0x0], $0xffff;
	v3 =	vand.u32 $0xFFFFFFF9, v3;
	s4 =	spop (v2sf);
	v7 =	vbroadcast v7, $0x0  }
0x82b: {  	s3 =	simm.s32 $0x2;
	v3 =	vbroadcast v3, $0x0;
	v39, _, _ =	vpop (xrf2);
	s1 =	spop (v2sf);
	v0 =	vld.idx.msk [tilespmem:v0+s17+$0x0], $0xffff  }
0x82c: {  	s16 =	simm.s32 $0x5;
	v2 =	vmov s3;
	(v2sf) =	vpush v39, $0xF;
	s5 =	spop (v2sf)  }
0x82d: {  	v37 =	vmov s16;
	v5 =	vld.idx.msk [tilespmem:v5+s17+$0x0], $0xffff;
	v2 =	vand.u32 $0xFFFFFFFA, v2;
	s25 =	spop (v2sf);
	v15 =	vpop (erf)  }
0x82e: {  	v6 =	vand.u32 $0xFFFFFFFD, v37;
	v2 =	vbroadcast v2, $0x0;
	s16 =	spop (v2sf);
	v1 =	vld.idx.msk [tilespmem:v1+s17+$0x0], $0xffff;
	v40 =	vmul.f32 v15, v22;
	v22, _, _ =	vpop (xrf2)  }
0x82f: {  	v31 =	vlaneseq.u32;
	v6 =	vbroadcast v6, $0x0;
	s3 =	spop (v2sf);
	(v2sf) =	vpush v22, $0xF  }
0x830: {  	vm7 =	veq.s32 v4, v31;
	v7 =	vld.idx.msk [tilespmem:v7+s17+$0x0], $0xffff;
	v15 =	vmul.f32 v15, v21;
	vm1 =	veq.s32 v0, v59;
	s0 =	spop (v2sf);
	v41, _, _ =	vpop (xrf2)  }
0x831: {  	vm2 =	veq.s32 v0, v45;
	v0 =	vld.idx.msk [tilespmem:v3+s17+$0x0], $0xffff;
	v23 =	vsub.f32 $1.000000000e+00, v40;
	(v2sf) =	vpush v41, $0xF;
	s26 =	spop (v2sf);
	v42, _, _ =	vpop (xrf2)  }
0x832: {  	vm8 =	veq.s32 v4, v45;
	v22 =	vsub.f32 $1.000000000e+00, v15;
	s1 =	sadd.f32 s1, s26;
	(v2sf) =	vpush v42, $0xF  }
0x833: {  	vm5 =	veq.s32 v5, v31;
	vm6 =	veq.s32 v5, v45;
	vm14 =	veq.s32 v1, v31  }
0x834: {  	v30 =	vld.idx.msk [tilespmem:v2+s17+$0x0], $0xffff;
	v21 =	vsel vm1, v23, v40;
	v15 =	vsel vm2, v22, v15;
	s26 =	spop (v2sf);
	v22 =	vmov s1;
	s1 =	simm.s32 $0x50F0  }
0x835: {  	vm13 =	veq.s32 v1, v45;
	v23 =	vmul.f32 $1.024000000e+03, v21;
	s26 =	sadd.f32 s4, s26;
	v43 =	vadd.f32 $0.0e+00, v22;
	v39 =	vld [tilespmem:s1+$0x3C]  }
0x836: {  	vm3 =	veq.s32 v7, v45;
	v2 =	vmul.f32 $1.024000000e+03, v15;
	vm12 =	veq.s32 v0, v31;
	v40 =	vld [tilespmem:s1+$0x40]  }
0x837: {  	v3 =	vtrunc.f32 v23;
	v22 =	vmov s26;
	v8 =	vbroadcast v43, $0x0;
	s4 =	spop (v2sf)  }
0x838: {  	v2 =	vtrunc.f32 v2;
	v3 =	vcvt.f32.s32 v3;
	v22 =	vadd.f32 $0.0e+00, v22;
	s26 =	sadd.f32 s5, s4  }
0x839: {  	vm10 =	veq.s32 v0, v45;
	v2 =	vcvt.f32.s32 v2;
	(erf) = vrcp.f32 v8  }
0x83a: {  	v6 =	vld.idx.msk [tilespmem:v6+s17+$0x0], $0xffff;
	vm0 =	vlt.s32 v3, $0x3FF;
	v44 =	vbroadcast v22, $0x0;
	v23 =	vmov s26;
	(xrf0) =	vmax.scan.msk.f32 $0xffff, v39  }
0x83b: {  	s5 =	spop (v2sf);
	v3 =	vnsel vm0, $0x3FF, v3;
	vm0 =	vlt.s32 v2, $0x3FF;
	v46 =	vadd.f32 $0.0e+00, v23;
	v23 =	vld [tilespmem:s1+$0xFFFFFFB4];
	(xrf0) =	vmax.scan.msk.f32 $0xffff, v40  }
0x83c: {  	v36 =	vld [tilespmem:s1+$0xFFFFFFC4];
	vm11 =	veq.s32 v30, v31;
	s4 =	sadd.f32 s25, s5;
	v2 =	vnsel vm0, $0x3FF, v2;
	(erf) = vrcp.f32 v44  }
0x83d: {  	v37 =	vld [tilespmem:s1+$0xFFFFFFC8];
	v24 =	vadd.s32 v63, v3;
	v22 =	vadd.s32 v49, v2;
	v2 =	vadd.s32 v62, v2  }
0x83e: {  	v3 =	vadd.s32 v60, v3;
	v28 =	vsel vm2, v2, v22;
	v2 =	vmov s4;
	s26 =	spop (v2sf)  }
0x83f: {  	vm9 =	veq.s32 v30, v45;
	v58 =	vsel vm1, v3, v24;
	v1 =	vadd.f32 $0.0e+00, v2;
	v2 =	vld [tilespmem:s1+$0xFFFFFFD8];
	s4 =	sadd.f32 s16, s26  }
0x840: {  	v41 =	vld [tilespmem:s1+$0xFFFFFFDC];
	vm1 =	veq.s32 v6, v31;
	v31 =	vlaneseq.u32;
	vm2 =	veq.s32 v6, v45;
	s5 =	spop (v2sf);
	(xrf0) =	vmax.scan.msk.f32 $0xffff, v23;
	v30, _, _ =	vpop (xrf0)  }
0x841: {  	v35 =	vld [tilespmem:s1+$0xFFFFFFEC];
	vm4 =	veq.s32 v7, v31;
	v3 =	vbroadcast v46, $0x0;
	s3 =	sadd.f32 s3, s5;
	v0 =	vmov s4;
	(xrf0) =	vmax.scan.msk.f32 $0xffff, v36;
	s16 =	spop (v2sf);
	v52, _, _ =	vpop (xrf0)  }
0x842: {  	v43 =	vld [tilespmem:s1+$0xFFFFFFF0];
	v1 =	vbroadcast v1, $0x0;
	(v2sf) =	vpush v30, $0xF;
	v0 =	vadd.f32 $0.0e+00, v0;
	v47 =	vpop (erf);
	(xrf0) =	vmax.scan.msk.f32 $0xffff, v37;
	s0 =	sadd.f32 s0, s16  }
0x843: {  	v38 =	vld [tilespmem:s1+$0x0];
	(erf) = vrcp.f32 v3;
	(v2sf) =	vpush v52, $0xF;
	v50 =	vmul.f32 v47, v29  }
0x844: {  	v44 =	vld [tilespmem:s1+$0x4];
	(xrf0) =	vmax.scan.msk.f32 $0xffff, v2;
	v8 =	vbroadcast v0, $0x0;
	v0 =	vmov s3;
	v30 =	vmov s0  }
0x845: {  	(erf) = vrcp.f32 v1;
	v4 =	vmul.f32 v47, v25;
	v25 =	vpop (erf);
	(xrf0) =	vmax.scan.msk.f32 $0xffff, v41;
	v29 =	vadd.f32 $0.0e+00, v0;
	v0 =	vld [tilespmem:s1+$0x14]  }
0x846: {  	v45 =	vld [tilespmem:s1+$0x18];
	v51 =	vsub.f32 $1.000000000e+00, v50;
	(xrf0) =	vmax.scan.msk.f32 $0xffff, v35;
	v27 =	vmul.f32 v25, v27;
	v25 =	vmul.f32 v25, v18;
	v53, _, _ =	vpop (xrf0)  }
0x847: {  	v31 =	vld [tilespmem:s1+$0x28];
	(xrf0) =	vmax.scan.msk.f32 $0xffff, v43;
	v54 =	vbroadcast v29, $0x0;
	v29 =	vadd.f32 $0.0e+00, v30;
	(v2sf) =	vpush v53, $0xF;
	v30, _, _ =	vpop (xrf0)  }
0x848: {  	v46 =	vld [tilespmem:s1+$0x2C];
	v55 =	vsub.f32 $1.000000000e+00, v4;
	(erf) = vrcp.f32 v8;
	(xrf0) =	vmax.scan.msk.f32 $0xffff, v38;
	(v2sf) =	vpush v30, $0xF;
	v30, _, _ =	vpop (xrf0)  }
0x849: {  	v18 =	vld [tilespmem:s1+$0xFFFFFFB0];
	v33 =	vsel vm14, v51, v50;
	v56 =	vsub.f32 $1.000000000e+00, v27;
	(xrf0) =	vmax.scan.msk.f32 $0xffff, v44;
	(v2sf) =	vpush v30, $0xF  }
0x84a: {  	v32 =	vsel vm13, v55, v4;
	v50 =	vsub.f32 $1.000000000e+00, v25;
	v51 =	vmul.f32 $1.024000000e+03, v33;
	v57, _, _ =	vpop (xrf0);
	(xrf0) =	vmax.scan.msk.f32 $0xffff, v0  }
0x84b: {  	v53 =	vmul.f32 $1.024000000e+03, v32;
	v59 =	vbroadcast v29, $0x0;
	(v2sf) =	vpush v57, $0xF;
	v47, _, _ =	vpop (xrf0);
	(xrf0) =	vmax.scan.msk.f32 $0xffff, v45  }
0x84c: {  	v30 =	vsel vm12, v56, v27;
	v29 =	vsel vm10, v50, v25;
	(v2sf) =	vpush v47, $0xF;
	v52, _, _ =	vpop (xrf0);
	(xrf0) =	vmax.scan.msk.f32 $0xffff, v31  }
0x84d: {  	(erf) = vrcp.f32 v54;
	v54 =	vmul.f32 $1.024000000e+03, v29;
	(v2sf) =	vpush v52, $0xF;
	v3, _, _ =	vpop (xrf0);
	(xrf0) =	vmax.scan.msk.f32 $0xffff, v46  }
0x84e: {  	v55 =	vtrunc.f32 v51;
	v4 =	vtrunc.f32 v53;
	(v2sf) =	vpush v3, $0xF;
	v1, _, _ =	vpop (xrf0);
	(xrf0) =	vmax.scan.msk.f32 $0xffff, v18  }
0x84f: {  	(erf) = vrcp.f32 v59;
	v3 =	vmul.f32 $1.024000000e+03, v30;
	(v2sf) =	vpush v1, $0xF;
	v1, _, _ =	vpop (xrf0)  }
0x850: {  	v6 =	vcvt.f32.s32 v55;
	v4 =	vcvt.f32.s32 v4;
	(v2sf) =	vpush v1, $0xF;
	v1, _, _ =	vpop (xrf0)  }
0x851: {  	v5 =	vtrunc.f32 v54;
	v3 =	vtrunc.f32 v3;
	s25 =	spop (v2sf);
	(v2sf) =	vpush v1, $0xF;
	v1, _, _ =	vpop (xrf0)  }
0x852: {  	vm0 =	vlt.s32 v6, $0x3FF;
	v42 =	vcvt.f32.s32 v5;
	s26 =	spop (v2sf);
	(v2sf) =	vpush v1, $0xF;
	v1, _, _ =	vpop (xrf0)  }
0x853: {  	v52 =	vnsel vm0, $0x3FF, v6;
	vm0 =	vlt.s32 v4, $0x3FF;
	s1 =	smax.f32 s25, s26;
	(v2sf) =	vpush v1, $0xF;
	v1, _, _ =	vpop (xrf0)  }
0x854: {  	v59 =	vmov s1;
	(v2sf) =	vpush v1, $0xF;
	v1 =	vcvt.f32.s32 v3;
	v3, _, _ =	vpop (xrf0)  }
0x855: {  	v34 =	vnsel vm0, $0x3FF, v4;
	v8 =	vsub.f32 v40, v59;
	(v2sf) =	vpush v3, $0xF;
	v3 =	vpop (erf)  }
0x856: {  	vm0 =	vlt.s32 v1, $0x3FF;
	v4 =	vmul.f32 v3, v14;
	v56 =	vpop (erf);
	s0 =	spop (v2sf);
	v3 =	vmul.f32 v3, v13  }
0x857: {  	v14 =	vsub.f32 v39, v59;
	v8 =	vmul.f32 $1.442695020e+00, v8;
	v6 =	vmul.f32 v56, v16;
	v57 =	vpop (erf);
	s3 =	spop (v2sf)  }
0x858: {  	v5 =	vmul.f32 v56, v12;
	v25 =	vnsel vm0, $0x3FF, v1;
	v12 =	vmul.f32 v57, v17;
	v13 =	vpop (erf);
	s4 =	spop (v2sf)  }
0x859: {  	vm0 =	vlt.s32 v42, $0x3FF;
	v7 =	vmul.f32 v57, v11;
	v11 =	vmul.f32 v13, v19;
	s1 =	smax.f32 s3, s4  }
0x85a: {  	s5 =	spop (v2sf);
	v1 =	vmul.f32 v13, v10;
	v47 =	vpop (erf);
	v13 =	vmul.f32 $1.442695020e+00, v14;
	v14 =	vmov s1  }
0x85b: {  	v19 =	vsub.f32 $1.000000000e+00, v4;
	s16 =	spop (v2sf);
	v40 =	vmul.f32 v47, v20;
	v16 =	vsub.f32 v36, v14  }
0x85c: {  	s25 =	spop (v2sf);
	s3 =	smax.f32 s5, s16;
	(erf) = vpow2.f32 v13;
	v13 =	vsub.f32 v37, v14;
	v36 =	vsub.f32 $1.000000000e+00, v7  }
0x85d: {  	s26 =	spop (v2sf);
	v14 =	vmov s3;
	(erf) = vpow2.f32 v8;
	v8 =	vmul.f32 v47, v9  }
0x85e: {  	v9 =	vsub.f32 $1.000000000e+00, v3;
	v47 =	vnsel vm0, $0x3FF, v42;
	s5 =	spop (v2sf);
	v50 =	vsub.f32 v41, v14;
	s1 =	smax.f32 s25, s26  }
0x85f: {  	v13 =	vmul.f32 $1.442695020e+00, v13;
	v2 =	vsub.f32 v2, v14;
	s16 =	spop (v2sf);
	v14 =	vmov s1  }
0x860: {  	v51 =	vmul.f32 $1.442695020e+00, v16;
	v10 =	vmul.f32 $1.442695020e+00, v50;
	v17 =	vsub.f32 v43, v14;
	s3 =	smax.f32 s5, s16;
	s25 =	spop (v2sf)  }
0x861: {  	v14 =	vsub.f32 v35, v14;
	(erf) = vpow2.f32 v13;
	v20 =	vmov s3;
	s26 =	spop (v2sf)  }
0x862: {  	v2 =	vmul.f32 $1.442695020e+00, v2;
	v13 =	vmul.f32 $1.442695020e+00, v17;
	v17 =	vsub.f32 v44, v20;
	s5 =	spop (v2sf)  }
0x863: {  	v20 =	vsub.f32 v38, v20;
	(erf) = vpow2.f32 v10;
	v14 =	vmul.f32 $1.442695020e+00, v14;
	s1 =	smax.f32 s25, s26;
	s16 =	spop (v2sf)  }
0x864: {  	v53 =	vmov s1;
	v54 =	vmul.f32 $1.442695020e+00, v17;
	(erf) = vpow2.f32 v13;
	s25 =	smax.f32 s5, s16  }
0x865: {  	v17 =	vsub.f32 v45, v53;
	s26 =	spop (v2sf);
	v0 =	vsub.f32 v0, v53;
	v55 =	vmov s25  }
0x866: {  	v59 =	vmul.f32 $1.442695020e+00, v20;
	v35 =	vpop (erf);
	s0 =	smax.f32 s26, s0;
	(erf) = vpow2.f32 v54;
	v13 =	vsub.f32 v46, v55  }
0x867: {  	v37 =	vpop (erf);
	v56 =	vmov s0;
	v17 =	vmul.f32 $1.442695020e+00, v17;
	v0 =	vmul.f32 $1.442695020e+00, v0  }
0x868: {  	v57 =	vsub.f32 v23, v56;
	v23 =	vmul.f32 v48, v37;
	v18 =	vsub.f32 v18, v56  }
0x869: {  	v41 =	vsel vm11, v19, v4;
	(xrf2) =	vadd.scan.msk.f32 $0xffff, v35;
	v13 =	vmul.f32 $1.442695020e+00, v13;
	(erf) = vpow2.f32 v17  }
0x86a: {  	v20 =	vpop (erf);
	v10 =	vmul.f32 $1.442695020e+00, v57;
	(xrf2) =	vadd.scan.msk.f32 $0xffff, v23;
	v17 =	vmul.f32 $1.442695020e+00, v18;
	v18 =	vsub.f32 $1.000000000e+00, v5  }
0x86b: {  	v38 =	vmul.f32 v48, v20;
	v23 =	vsel vm9, v9, v3;
	(erf) = vpow2.f32 v13  }
0x86c: {  	v13 =	vsub.f32 v31, v55;
	v16 =	vpop (erf);
	v53 =	vmul.f32 $1.024000000e+03, v23;
	(erf) = vpow2.f32 v10  }
0x86d: {  	v31 =	vsub.f32 $1.000000000e+00, v6;
	v45 =	vmul.f32 v48, v16;
	(erf) = vpow2.f32 v17  }
0x86e: {  	v55 =	vsub.f32 $1.000000000e+00, v1;
	v10 =	vmul.f32 $1.442695020e+00, v13;
	(erf) = vpow2.f32 v51;
	v17 =	vpop (erf)  }
0x86f: {  	v13 =	vsub.f32 $1.000000000e+00, v12;
	[tilespmem:$0x1F9B0] =	vst v17;
	v51 =	vmul.f32 v48, v17;
	(erf) = vpow2.f32 v2;
	v17 =	vpop (erf)  }
0x870: {  	v9 =	vsel vm8, v18, v5;
	(erf) = vpow2.f32 v14;
	v3 =	vmul.f32 v48, v17  }
0x871: {  	[tilespmem:$0x1F9C0] =	vst v17;
	v14 =	vsel vm7, v31, v6;
	v17 =	vsel vm5, v13, v12;
	v13 =	vsel vm6, v36, v7  }
0x872: {  	v36 =	vmul.f32 $1.024000000e+03, v41;
	v12 =	vsel vm2, v55, v1;
	v1 =	vmul.f32 $1.024000000e+03, v9  }
0x873: {  	v2 =	vsub.f32 $1.000000000e+00, v8;
	v57, _, _ =	vpop (xrf2);
	(erf) = vpow2.f32 v59;
	v31 =	vmul.f32 $1.024000000e+03, v14  }
0x874: {  	(v2sf) =	vpush v57, $0xF;
	v43 =	vmul.f32 $1.024000000e+03, v17;
	v55 =	vmul.f32 $1.024000000e+03, v13;
	v59, _, _ =	vpop (xrf2)  }
0x875: {  	v57 =	vsel vm3, v2, v8;
	v19 =	vpop (erf);
	(erf) = vpow2.f32 v0;
	(v2sf) =	vpush v59, $0xF  }
0x876: {  	v54 =	vsub.f32 $1.000000000e+00, v11;
	(xrf2) =	vadd.scan.msk.f32 $0xffff, v38;
	v6 =	vtrunc.f32 v36;
	v36 =	vmul.f32 $1.024000000e+03, v57;
	v18 =	vpop (erf)  }
0x877: {  	v56 =	vsub.f32 $1.000000000e+00, v40;
	v0 =	vmul.f32 v48, v19;
	v31 =	vtrunc.f32 v31;
	v27 =	vpop (erf)  }
0x878: {  	v5 =	vmul.f32 v48, v18;
	v4 =	vmul.f32 v48, v27;
	v48 =	vsel vm1, v54, v11  }
0x879: {  	v6 =	vcvt.f32.s32 v6;
	v54 =	vsel vm4, v56, v40;
	v56 =	vmul.f32 $1.024000000e+03, v48  }
0x87a: {  	v50 =	vadd.s32 v63, v52;
	v43 =	vtrunc.f32 v43;
	v59 =	vmul.f32 $1.024000000e+03, v54  }
0x87b: {  	[tilespmem:$0x1FA20] =	vst v57;
	vm0 =	vlt.s32 v6, $0x3FF;
	v44 =	vtrunc.f32 v56;
	v56 =	vcvt.f32.s32 v31  }
0x87c: {  	v57 =	vcvt.f32.s32 v43;
	v40 =	vtrunc.f32 v55;
	v6 =	vnsel vm0, $0x3FF, v6;
	[tilespmem:$0x1FA10] =	vst v54  }
0x87d: {  	(xrf2) =	vadd.scan.msk.f32 $0xffff, v4;
	v8 =	vtrunc.f32 v59;
	v44 =	vcvt.f32.s32 v44;
	vm0 =	vlt.s32 v56, $0x3FF  }
0x87e: {  	(xrf2) =	vadd.scan.msk.f32 $0xffff, v45;
	v8 =	vcvt.f32.s32 v8;
	v46 =	vnsel vm0, $0x3FF, v56;
	vm0 =	vlt.s32 v57, $0x3FF  }
0x87f: {  	v54 =	vadd.s32 v60, v52;
	(xrf2) =	vadd.scan.msk.f32 $0xffff, v51;
	v52 =	vnsel vm0, $0x3FF, v57;
	vm0 =	vlt.s32 v44, $0x3FF  }
0x880: {  	v55 =	vtrunc.f32 v36;
	v36, _, _ =	vpop (xrf2);
	(xrf2) =	vadd.scan.msk.f32 $0xffff, v3;
	v44 =	vnsel vm0, $0x3FF, v44;
	vm0 =	vlt.s32 v8, $0x3FF  }
0x881: {  	[tilespmem:$0x1F9D0] =	vst v17;
	(xrf2) =	vadd.scan.msk.f32 $0xffff, v0;
	v0 =	vnsel vm0, $0x3FF, v8;
	vm0 =	vcmask $0x3F30  }
0x882: {  	v7 =	vtrunc.f32 v53;
	[tilespmem:$0x1F9E0] =	vst v13;
	v2 =	vmul.f32 $1.024000000e+03, v12  }
0x883: {  	[tilespmem:$0x1FA00] =	vst v12;
	v7 =	vcvt.f32.s32 v7;
	v53 =	vtrunc.f32 v1;
	s3 =	spop (v2sf)  }
0x884: {  	(erf) = vpow2.f32 v10;
	v2 =	vtrunc.f32 v2;
	[tilespmem:$0x1F9F0] =	vst v48;
	s4 =	spop (v2sf)  }
0x885: {  	v1 =	vadd.s32 v49, v34;
	v2 =	vcvt.f32.s32 v2;
	v40 =	vcvt.f32.s32 v40;
	[tilespmem:v58+s19+$0x0] =	vst.idx.add.f32.msk $0xffff, v61;
	s0 =	sadd.f32 s4, s3  }
0x886: {  	(v2sf) =	vpush v36, $0xF;
	v38 =	vsel vm14, v54, v50;
	v31 =	vcvt.f32.s32 v53;
	[tilespmem:v24+s20+$0x0] =	vst.idx.add.f32.msk $0xffff, v21  }
0x887: {  	v26 =	vpop (erf);
	vm14 =	vlt.s32 v7, $0x3FF;
	[tilespmem:v28+s19+$0x0] =	vst.idx.add.f32.msk vm0, v61;
	vm0 =	vcmask $0x3F30;
	v59 =	vmov s0  }
0x888: {  	s5 =	simm.s32 $0xF;
	v42 =	vpop (erf);
	v7 =	vnsel vm14, $0x3FF, v7;
	vm14 =	vlt.s32 v31, $0x3FF;
	v3 =	vadd.f32 $0.0e+00, v59  }
0x889: {  	v36 =	vmov s5;
	v4 =	vadd.s32 v62, v34;
	v51 =	vnsel vm14, $0x3FF, v31;
	v10, _, _ =	vpop (xrf2)  }
0x88a: {  	vm14 =	vlt.s32 v40, $0x3FF;
	v8, _, _ =	vpop (xrf2);
	(xrf2) =	vadd.scan.msk.f32 $0xffff, v5;
	(v2sf) =	vpush v10, $0xF;
	v3 =	vbroadcast v3, $0x0  }
0x88b: {  	v34 =	vcvt.f32.s32 v55;
	v53 =	vnsel vm14, $0x3FF, v40;
	v48, _, _ =	vpop (xrf2);
	(v2sf) =	vpush v8, $0xF  }
0x88c: {  	vm14 =	vlt.s32 v2, $0x3FF;
	(xrf2) =	vadd.scan.msk.f32 $0xffff, v26;
	(v2sf) =	vpush v48, $0xF;
	v28, _, _ =	vpop (xrf2);
	(erf) = vrcp.f32 v3  }
0x88d: {  	v12 =	vnsel vm14, $0x3FF, v2;
	(v2sf) =	vpush v28, $0xF;
	[tilespmem:v22+s20+$0x0] =	vst.idx.add.f32.msk vm0, v15;
	v22, _, _ =	vpop (xrf2)  }
0x88e: {  	vm14 =	vlt.s32 v34, $0x3FF;
	vm0 =	vcmask $0x3F30;
	(v2sf) =	vpush v22, $0xF;
	v22 =	vld.idx.msk [tilespmem:v36+s17+$0x0], $0xffff  }
0x88f: {  	s16 =	simm.s32 $0x8;
	v4 =	vsel vm13, v4, v1;
	v2 =	vnsel vm14, $0x3FF, v34;
	v34 =	vpop (erf)  }
0x890: {  	v43 =	vmov s16;
	v31 =	vpop (erf)  }
0x891: {  	s1 =	simm.s32 $0xB;
	s25 =	simm.s32 $0x9;
	s26 =	simm.s32 $0xA;
	v17 =	vlaneseq.u32;
	v21 =	vand.u32 $0xFFFFFFF8, v43;
	[tilespmem:v38+s19+$0x0] =	vst.idx.add.f32.msk $0xffff, v61;
	v11 =	vpop (erf)  }
0x892: {  	v24 =	vmov s25;
	v45 =	vmov s26;
	[tilespmem:v50+s20+$0x0] =	vst.idx.add.f32.msk $0xffff, v33;
	v10 =	vpop (erf);
	v15 =	vmov s1  }
0x893: {  	v54 =	vbroadcast v21, $0x0;
	v24 =	vand.u32 $0xFFFFFFF9, v24;
	v13 =	vpop (erf);
	vm15 =	veq.s32 v22, v17;
	v17 =	vld [tilespmem:$0x1FFB0]  }
0x894: {  	v58 =	vadd.s32 v63, v46;
	v5 =	vadd.s32 v63, v25;
	v21, _, _ =	vpop (xrf2);
	[tilespmem:v4+s19+$0x0] =	vst.idx.add.f32.msk vm0, v61;
	vm0 =	vcmask $0x3F30  }
0x895: {  	v25 =	vadd.s32 v60, v25;
	v8 =	vand.u32 $0xFFFFFFFA, v45;
	v45 =	vand.u32 $0xFFFFFFFB, v15;
	v15 =	vpop (erf)  }
0x896: {  	v55 =	vsel vm12, v25, v5;
	(v2sf) =	vpush v21, $0xF;
	v21, _, _ =	vpop (xrf2);
	v35 =	vmul.f32 v15, v35  }
0x897: {  	(v2sf) =	vpush v21, $0xF;
	v21 =	vadd.s32 v60, v46;
	v37 =	vmul.f32 v15, v37  }
0x898: {  	v59 =	vsel vm7, v21, v58;
	vm7 =	veq.s32 v22, v17;
	v22 =	vsub.f32 $1.000000000e+00, v35  }
0x899: {  	v24 =	vbroadcast v24, $0x0;
	v56 =	vadd.s32 v49, v47;
	[tilespmem:$0x1FA30] =	vst v11;
	v36 =	vsub.f32 $1.000000000e+00, v37  }
0x89a: {  	v25 =	vadd.s32 v62, v47;
	[tilespmem:v1+s20+$0x0] =	vst.idx.add.f32.msk vm0, v32;
	vm0 =	vcmask $0x3F30;
	v22 =	vsel vm15, v22, v35  }
0x89b: {  	v47 =	vsel vm10, v25, v56;
	v4 =	vsel vm7, v36, v37;
	v37 =	vmul.f32 $1.024000000e+03, v22  }
0x89c: {  	[tilespmem:v55+s19+$0x0] =	vst.idx.add.f32.msk $0xffff, v61  }
0x89d: {  	(xrf2) =	vadd.scan.msk.f32 $0xffff, v42;
	s4 =	simm.s32 $0xD;
	[tilespmem:v5+s20+$0x0] =	vst.idx.add.f32.msk $0xffff, v30;
	v30 =	vtrunc.f32 v37  }
0x89e: {  	v48 =	vmov s4;
	(xrf2) =	vadd.scan.msk.f32 $0xffff, v34;
	v38 =	vmul.f32 $1.024000000e+03, v4;
	v30 =	vcvt.f32.s32 v30  }
0x89f: {  	v50 =	vand.u32 $0xFFFFFFFD, v48;
	(xrf2) =	vadd.scan.msk.f32 $0xffff, v31;
	v55 =	vld.idx.msk [tilespmem:v24+s17+$0x0], $0xffff;
	v24 =	vadd.s32 v62, v53  }
0x8a0: {  	v48 =	vtrunc.f32 v38;
	[tilespmem:v47+s19+$0x0] =	vst.idx.add.f32.msk vm0, v61;
	v38 =	vadd.s32 v49, v53;
	vm0 =	vlt.s32 v30, $0x3FF  }
0x8a1: {  	(xrf2) =	vadd.scan.msk.f32 $0xffff, v11;
	v46 =	vsel vm6, v24, v38;
	v24 =	vnsel vm0, $0x3FF, v30;
	vm0 =	vcmask $0x3F30;
	_ =	sdelay $0x1  }
0x8a2: {  	v3 =	vadd.s32 v63, v6;
	v6 =	vadd.s32 v60, v6  }
0x8a3: {  	v6 =	vsel vm11, v6, v3  }
0x8a4: {  	v57 =	vadd.s32 v49, v7;
	v7 =	vadd.s32 v62, v7  }
0x8a5: {  	v7 =	vsel vm9, v7, v57;
	v40 =	vadd.s32 v63, v52;
	v43 =	vadd.s32 v62, v12;
	s3 =	simm.s32 $0xC  }
0x8a6: {  	v33 =	vadd.s32 v63, v0;
	v28 =	vmov s3;
	[tilespmem:v56+s20+$0x0] =	vst.idx.add.f32.msk vm0, v29;
	vm0 =	vcmask $0x3F30  }
0x8a7: {  	v0 =	vadd.s32 v60, v0;
	v8 =	vbroadcast v8, $0x0;
	v28 =	vand.u32 $0xFFFFFFFC, v28;
	v1, _, _ =	vpop (xrf2)  }
0x8a8: {  	[tilespmem:v6+s19+$0x0] =	vst.idx.add.f32.msk $0xffff, v61;
	v5 =	vbroadcast v45, $0x0;
	(xrf2) =	vadd.scan.msk.f32 $0xffff, v10;
	(v2sf) =	vpush v1, $0xF;
	v1, _, _ =	vpop (xrf2)  }
0x8a9: {  	s16 =	spop (v2sf);
	v28 =	vbroadcast v28, $0x0;
	v15 =	vadd.s32 v49, v51;
	(v2sf) =	vpush v1, $0xF;
	v1 =	vld.idx.msk [tilespmem:v54+s17+$0x0], $0xffff;
	v54, _, _ =	vpop (xrf2)  }
0x8aa: {  	s4 =	spop (v2sf);
	[tilespmem:v3+s20+$0x0] =	vst.idx.add.f32.msk $0xffff, v41;
	v51 =	vadd.s32 v62, v51;
	(v2sf) =	vpush v54, $0xF;
	v3, _, _ =	vpop (xrf2);
	v32 =	vcvt.f32.s32 v48  }
0x8ab: {  	s3 =	spop (v2sf);
	v21 =	vsel vm8, v51, v15;
	v51 =	vadd.s32 v60, v52;
	(xrf2) =	vadd.scan.msk.f32 $0xffff, v13;
	(v2sf) =	vpush v3, $0xF  }
0x8ac: {  	s5 =	simm.s32 $0xE;
	v47 =	vsel vm5, v51, v40;
	vm5 =	vlt.s32 v32, $0x3FF;
	[tilespmem:v7+s19+$0x0] =	vst.idx.add.f32.msk vm0, v61;
	vm0 =	vcmask $0x3F30  }
0x8ad: {  	s1 =	spop (v2sf);
	v30 =	vnsel vm5, $0x3FF, v32;
	v32 =	vbroadcast v50, $0x0;
	v56 =	vmov s5  }
0x8ae: {  	s26 =	simm.s32 $0x10;
	s0 =	spop (v2sf);
	v50 =	vld.idx.msk [tilespmem:v5+s17+$0x0], $0xffff;
	v5 =	vadd.s32 v63, v24;
	v3 =	vand.u32 $0xFFFFFFFE, v56;
	v56 =	vadd.s32 v60, v24  }
0x8af: {  	v41 =	vsel vm4, v0, v33;
	v0 =	vmov s26;
	[tilespmem:v59+s19+$0x0] =	vst.idx.add.f32.msk $0xffff, v61;
	s31 =	spop (v2sf);
	v6 =	vsel vm15, v56, v5  }
0x8b0: {  	v8 =	vld.idx.msk [tilespmem:v8+s17+$0x0], $0xffff;
	v35 =	vadd.s32 v49, v12;
	v36 =	vadd.s32 v49, v2;
	v2 =	vadd.s32 v62, v2;
	s30 =	spop (v2sf)  }
0x8b1: {  	v52 =	vld.idx.msk [tilespmem:v28+s17+$0x0], $0xffff;
	v37 =	vadd.s32 v63, v44;
	v44 =	vadd.s32 v60, v44;
	s5 =	spop (v2sf);
	v3 =	vbroadcast v3, $0x0  }
0x8b2: {  	v28 =	vsel vm1, v44, v37;
	v44 =	vsel vm2, v43, v35;
	vm2 =	vcmask $0x3F30;
	s4 =	sadd.f32 s4, s5;
	[tilespmem:v57+s20+$0x0] =	vst.idx.add.f32.msk vm0, v23;
	v57, _, _ =	vpop (xrf2)  }
0x8b3: {  	v51 =	vld.idx.msk [tilespmem:v32+s17+$0x0], $0xffff;
	v24 =	vadd.s32 v49, v30;
	v60 =	vadd.s32 v62, v30;
	(v2sf) =	vpush v57, $0xF;
	[tilespmem:$0x1FA40] =	vst v36  }
0x8b4: {  	s25 =	simm.s32 $0x11;
	v30 =	vsel vm3, v2, v36;
	v62 =	vsel vm7, v60, v24;
	v36 =	vmov s4;
	[tilespmem:v6+s19+$0x0] =	vst.idx.add.f32.msk $0xffff, v61  }
0x8b5: {  	v0 =	vand.u32 $0xFFFFFFF8, v0;
	v2 =	vmov s25;
	s25 =	simm.s32 $0x12;
	s5 =	simm.s32 $0x13;
	[tilespmem:v5+s20+$0x0] =	vst.idx.add.f32.msk $0xffff, v22;
	v22 =	vadd.f32 $0.0e+00, v36  }
0x8b6: {  	vm4 =	veq.s32 v8, v17;
	v32 =	vmov s25;
	s25 =	simm.s32 $0x14;
	v43 =	vmov s5;
	v63, _, _ =	vpop (xrf2);
	[tilespmem:v58+s20+$0x0] =	vst.idx.add.f32.msk $0xffff, v14  }
0x8b7: {  	s5 =	simm.s32 $0x15;
	v48 =	vmov s25;
	s4 =	spop (v2sf);
	(v2sf) =	vpush v63, $0xF;
	v54 =	vld.idx.msk [tilespmem:v3+s17+$0x0], $0xffff;
	v22 =	vbroadcast v22, $0x0  }
0x8b8: {  	s4 =	sadd.f32 s16, s4;
	v14 =	vbroadcast v0, $0x0;
	v0 =	vmov s5;
	v3 =	vand.u32 $0xFFFFFFFA, v32;
	[tilespmem:v21+s19+$0x0] =	vst.idx.add.f32.msk vm2, v61  }
0x8b9: {  	v6 =	vand.u32 $0xFFFFFFFB, v43;
	v5 =	vand.u32 $0xFFFFFFFC, v48;
	[tilespmem:v62+s19+$0x0] =	vst.idx.add.f32.msk vm2, v61;
	(erf) = vrcp.f32 v22  }
0x8ba: {  	s5 =	spop (v2sf);
	v60 =	vmov s4;
	[tilespmem:v15+s20+$0x0] =	vst.idx.add.f32.msk vm2, v9;
	v22 =	vbroadcast v3, $0x0;
	v3 =	vbroadcast v6, $0x0  }
0x8bb: {  	s3 =	sadd.f32 s3, s5;
	v0 =	vand.u32 $0xFFFFFFFD, v0;
	v63 =	vbroadcast v5, $0x0;
	[tilespmem:v24+s20+$0x0] =	vst.idx.add.f32.msk vm2, v4;
	v4 =	vadd.f32 $0.0e+00, v60  }
0x8bc: {  	s28 =	simm.s32 $0x5190;
	vm5 =	veq.s32 v1, v17;
	v2 =	vand.u32 $0xFFFFFFF9, v2;
	s16 =	spop (v2sf);
	v0 =	vbroadcast v0, $0x0;
	[tilespmem:$0x1FA50] =	vst v3  }
0x8bd: {  	s25 =	simm.s32 $0x16;
	s1 =	sadd.f32 s1, s16;
	v24 =	vbroadcast v2, $0x0;
	v62 =	vmov s3;
	v2 =	vbroadcast v4, $0x0;
	v59 =	vld [tilespmem:s28+$0x3C];
	[tilespmem:$0x1FA60] =	vst v63  }
0x8be: {  	v49 =	vmov s25;
	vm0 =	veq.s32 v55, v17;
	v3 =	vadd.f32 $0.0e+00, v62;
	v57 =	vld [tilespmem:s28+$0x40]  }
0x8bf: {  	v32 =	vand.u32 $0xFFFFFFFE, v49;
	s25 =	spop (v2sf);
	(erf) = vrcp.f32 v2;
	v56 =	vld [tilespmem:s28+$0xFFFFFFB4];
	[tilespmem:$0x1FA70] =	vst v0;
	v0 =	vmov s1  }
0x8c0: {  	s0 =	sadd.f32 s0, s25;
	v61 =	vbroadcast v3, $0x0;
	v3 =	vlaneseq.u32;
	v58 =	vld [tilespmem:s28+$0xFFFFFFC4];
	v0 =	vadd.f32 $0.0e+00, v0  }
0x8c1: {  	v39 =	vmovc v13;
	vm6 =	veq.s32 v1, v3;
	v60 =	vld [tilespmem:s28+$0xFFFFFFC8];
	vm1 =	veq.s32 v55, v3;
	v1 =	vlaneseq.u32  }
0x8c2: {  	s29 =	simm.s32 $0x18;
	v45 =	vmovc v10;
	v55 =	vld [tilespmem:s28+$0xFFFFFFD8];
	vm3 =	veq.s32 v8, v1;
	v1 =	vmov s0;
	v0 =	vbroadcast v0, $0x0;
	(xrf0) =	vmax.scan.msk.f32 $0xffff, v59;
	s0 =	spop (v2sf)  }
.LBB2_10:
0x8c3: {  	v10 =	vimm.s32 $0x0;
	v8 =	vimm.s32 $0x0;
	v23 =	vld [tilespmem:$0x1FFB0]  }
0x8c4: {  	v49 =	vlaneseq.u32;
	v6 =	vimm.s32 $0x0;
	v4 =	vimm.s32 $0x0  }
0x8c5: {  	v36 =	vimm.s32 $0x0;
	v9 =	vsel vm1, $0xFFFFFFFF, v10;
	[tilespmem:$0x1F8B0] =	vst v22;
	vm14 =	veq.s32 v52, v49  }
0x8c6: {  	v48 =	vimm.s32 $0x0;
	v7 =	vsel vm0, $0xFFFFFFFF, v8;
	[tilespmem:$0x1F8C0] =	vst v9;
	v5 =	vsel vm14, $0xFFFFFFFF, v6  }
0x8c7: {  	v63 =	vld [tilespmem:s28+$0xFFFFFFDC];
	vm12 =	veq.s32 v50, v49;
	vm11 =	veq.s32 v54, v49;
	[tilespmem:$0x1F8E0] =	vst v5;
	(xrf0) =	vmax.scan.msk.f32 $0xffff, v57  }
0x8c8: {  	v62 =	vld [tilespmem:s28+$0xFFFFFFEC];
	vm8 =	veq.s32 v51, v49;
	vm13 =	veq.s32 v50, v23;
	(xrf0) =	vmax.scan.msk.f32 $0xffff, v56;
	vm7 =	veq.s32 v52, v23  }
0x8c9: {  	v52 =	vld [tilespmem:s28+$0xFFFFFFF0];
	vm10 =	veq.s32 v51, v23;
	vm9 =	veq.s32 v54, v23;
	v3 =	vsel vm7, $0xFFFFFFFF, v4;
	(xrf0) =	vmax.scan.msk.f32 $0xffff, v58  }
0x8ca: {  	s0 =	sadd.f32 s31, s0;
	v43 =	vld [tilespmem:s28+$0x0];
	v50 =	vimm.s32 $0x0;
	v4 =	vsel vm10, $0xFFFFFFFF, v36;
	[tilespmem:$0x1F8F0] =	vst v3;
	v2 =	vpop (erf);
	(xrf0) =	vmax.scan.msk.f32 $0xffff, v60  }
0x8cb: {  	v51 =	vld [tilespmem:s28+$0x4];
	v54, _, _ =	vpop (xrf0);
	v8 =	vsel vm9, $0xFFFFFFFF, v50;
	[tilespmem:$0x1F900] =	vst v4;
	v3 =	vmul.f32 v2, v26;
	(xrf0) =	vmax.scan.msk.f32 $0xffff, v55  }
0x8cc: {  	v11 =	vmov s0;
	v36 =	vld [tilespmem:s28+$0x14];
	[tilespmem:$0x1F920] =	vst v8;
	v5 =	vmul.f32 v2, v27;
	v53 =	vpop (erf);
	(xrf0) =	vmax.scan.msk.f32 $0xffff, v63  }
0x8cd: {  	v8 =	vmul.f32 v53, v42;
	v42 =	vld [tilespmem:s28+$0x18];
	v4 =	vsub.f32 $1.000000000e+00, v3;
	(xrf0) =	vmax.scan.msk.f32 $0xffff, v62;
	v10, _, _ =	vpop (xrf0);
	s1 =	spop (v2sf);
	(v2sf) =	vpush v54, $0xF  }
0x8ce: {  	v22 =	vld [tilespmem:s28+$0x28];
	v9 =	vsel vm11, $0xFFFFFFFF, v48;
	v2 =	vadd.f32 $0.0e+00, v11;
	v48, _, _ =	vpop (xrf0);
	(xrf0) =	vmax.scan.msk.f32 $0xffff, v52;
	(v2sf) =	vpush v10, $0xF  }
0x8cf: {  	v50 =	vsel vm6, v4, v3;
	v3 =	vsub.f32 $1.000000000e+00, v5;
	v11, _, _ =	vpop (xrf0);
	(xrf0) =	vmax.scan.msk.f32 $0xffff, v43;
	v54 =	vld [tilespmem:s28+$0x2C];
	(v2sf) =	vpush v48, $0xF  }
0x8d0: {  	v48, _, _ =	vpop (xrf0);
	(xrf0) =	vmax.scan.msk.f32 $0xffff, v51;
	(v2sf) =	vpush v11, $0xF  }
0x8d1: {  	v11, _, _ =	vpop (xrf0);
	(xrf0) =	vmax.scan.msk.f32 $0xffff, v36;
	(v2sf) =	vpush v48, $0xF  }
0x8d2: {  	v10, _, _ =	vpop (xrf0);
	(xrf0) =	vmax.scan.msk.f32 $0xffff, v42;
	(v2sf) =	vpush v11, $0xF  }
0x8d3: {  	v6 =	vmul.f32 v53, v20;
	v53 =	vsel vm5, v3, v5;
	v3, _, _ =	vpop (xrf0);
	(xrf0) =	vmax.scan.msk.f32 $0xffff, v22;
	(v2sf) =	vpush v10, $0xF  }
0x8d4: {  	(erf) = vrcp.f32 v61;
	(v2sf) =	vpush v3, $0xF;
	v3, _, _ =	vpop (xrf0);
	(xrf0) =	vmax.scan.msk.f32 $0xffff, v54  }
0x8d5: {  	(erf) = vrcp.f32 v0;
	(v2sf) =	vpush v3, $0xF;
	v0, _, _ =	vpop (xrf0)  }
0x8d6: {  	(v2sf) =	vpush v0, $0xF;
	v0, _, _ =	vpop (xrf0)  }
0x8d7: {  	(v2sf) =	vpush v0, $0xF;
	v0, _, _ =	vpop (xrf0)  }
0x8d8: {  	(v2sf) =	vpush v0, $0xF;
	v0, _, _ =	vpop (xrf0)  }
0x8d9: {  	v1 =	vadd.f32 $0.0e+00, v1;
	(v2sf) =	vpush v0, $0xF;
	v0, _, _ =	vpop (xrf0)  }
0x8da: {  	v5 =	vmul.f32 $1.024000000e+03, v50;
	(v2sf) =	vpush v0, $0xF;
	v0, _, _ =	vpop (xrf0)  }
0x8db: {  	v1 =	vbroadcast v1, $0x0;
	v20 =	vimm.f32 $1.000000000e+00;
	(v2sf) =	vpush v0, $0xF;
	v0 =	vld [tilespmem:$0x1F9F0]  }
0x8dc: {  	[tilespmem:v47+s19+$0x0] =	vst.idx.add.f32.msk $0xffff, v20;
	v11 =	vmul.f32 $1.024000000e+03, v53;
	v3 =	vtrunc.f32 v5  }
0x8dd: {  	[tilespmem:$0x1F910] =	vst v9;
	v47 =	vld [tilespmem:$0x1F9E0];
	v9 =	vsub.f32 $1.000000000e+00, v6;
	v3 =	vcvt.f32.s32 v3  }
0x8de: {  	(erf) = vrcp.f32 v1;
	v1 =	vtrunc.f32 v11;
	v11 =	vld [tilespmem:$0x1F9D0]  }
0x8df: {  	[tilespmem:v28+s19+$0x0] =	vst.idx.add.f32.msk $0xffff, v20;
	v6 =	vsel vm0, v9, v6;
	vm0 =	vlt.s32 v3, $0x3FF  }
0x8e0: {  	[tilespmem:v37+s20+$0x0] =	vst.idx.add.f32.msk $0xffff, v0;
	v37 =	vnsel vm0, $0x3FF, v3;
	vm0 =	vcmask $0x3F30;
	_ =	sdelay $0x1  }
0x8e1: {  	[tilespmem:$0x1F8D0] =	vst v7  }
0x8e2: {  	[tilespmem:v40+s20+$0x0] =	vst.idx.add.f32.msk $0xffff, v11  }
0x8e3: {  	v7 =	vsub.f32 $1.000000000e+00, v8;
	v1 =	vcvt.f32.s32 v1;
	[tilespmem:v46+s19+$0x0] =	vst.idx.add.f32.msk vm2, v20  }
0x8e4: {  	[tilespmem:v38+s20+$0x0] =	vst.idx.add.f32.msk vm2, v47  }
0x8e5: {  	s0 =	sadd.f32 s30, s1;
	v48 =	vsel vm1, v7, v8;
	vm1 =	vlt.s32 v1, $0x3FF;
	[tilespmem:v44+s19+$0x0] =	vst.idx.add.f32.msk vm0, v20;
	vm0 =	vcmask $0x3F30  }
0x8e6: {  	v38 =	vnsel vm1, $0x3FF, v1;
	v1 =	vld [tilespmem:$0x1FA00]  }
0x8e7: {  	v15 =	vbroadcast v2, $0x0;
	v2 =	vmov s0  }
0x8e8: {  	v2 =	vadd.f32 $0.0e+00, v2;
	_ =	sdelay $0x1  }
0x8e9: {  	v21 =	vbroadcast v2, $0x0;
	v2 =	vld [tilespmem:s28+$0xFFFFFFB0]  }
0x8ea: {  	[tilespmem:v35+s20+$0x0] =	vst.idx.add.f32.msk vm0, v1  }
0x8eb: {  	v1 =	vld [tilespmem:$0x1F9B0]  }
0x8ec: {  	v3 =	vld [tilespmem:$0x1FA30];
	_ =	sdelay $0x1  }
0x8ed: {  	(xrf0) =	vmax.scan.msk.f32 $0xffff, v2;
	v0 =	vpop (erf)  }
0x8ee: {  	v28 =	vmov v14;
	v13 =	vmul.f32 v0, v34;
	v14 =	vmul.f32 v0, v16;
	v0 =	vpop (erf)  }
0x8ef: {  	v31 =	vmul.f32 v0, v31;
	v11 =	vmul.f32 v0, v1;
	v0 =	vpop (erf)  }
0x8f0: {  	v34 =	vmul.f32 v0, v3;
	v3 =	vld [tilespmem:$0x1F9C0];
	_ =	sdelay $0x2  }
0x8f1: {  	s3 =	spop (v2sf);
	v61, _, _ =	vpop (xrf0)  }
0x8f2: {  	(erf) = vrcp.f32 v15;
	v10 =	vmul.f32 $1.024000000e+03, v48;
	s1 =	spop (v2sf);
	(v2sf) =	vpush v61, $0xF  }
0x8f3: {  	(erf) = vrcp.f32 v21;
	s0 =	spop (v2sf);
	v12 =	vmul.f32 v0, v3;
	v3 =	vld [tilespmem:$0x1FA10]  }
0x8f4: {  	s4 =	spop (v2sf)  }
0x8f5: {  	v4 =	vtrunc.f32 v10;
	s1 =	smax.f32 s3, s1;
	s3 =	spop (v2sf)  }
0x8f6: {  	v4 =	vcvt.f32.s32 v4;
	s5 =	spop (v2sf)  }
0x8f7: {  	[tilespmem:v41+s19+$0x0] =	vst.idx.add.f32.msk $0xffff, v20;
	s16 =	spop (v2sf);
	v1 =	vmov s1  }
0x8f8: {  	vm2 =	vlt.s32 v4, $0x3FF;
	s25 =	spop (v2sf);
	s1 =	smax.f32 s4, s3;
	[tilespmem:v33+s20+$0x0] =	vst.idx.add.f32.msk $0xffff, v3;
	v3 =	vsub.f32 v59, v1  }
0x8f9: {  	vm0 =	vcmask $0x3F30;
	s4 =	spop (v2sf);
	v9 =	vmov s1;
	v1 =	vsub.f32 v57, v1  }
0x8fa: {  	v35 =	vnsel vm2, $0x3FF, v4;
	s1 =	smax.f32 s5, s16;
	s5 =	spop (v2sf);
	v4 =	vsub.f32 v60, v9;
	v3 =	vmul.f32 $1.442695020e+00, v3  }
0x8fb: {  	v44 =	vmov s1;
	s1 =	smax.f32 s25, s4;
	s16 =	spop (v2sf);
	v0 =	vpop (erf);
	v1 =	vmul.f32 $1.442695020e+00, v1  }
0x8fc: {  	v47 =	vmov s1;
	s1 =	smax.f32 s5, s16;
	v4 =	vmul.f32 $1.442695020e+00, v4;
	v8 =	vpop (erf);
	(erf) = vpow2.f32 v3  }
0x8fd: {  	v41 =	vld [tilespmem:$0x1FA40];
	s25 =	spop (v2sf);
	v7 =	vsub.f32 v52, v47;
	v15 =	vmov s1;
	(erf) = vpow2.f32 v1  }
0x8fe: {  	s4 =	spop (v2sf);
	v10 =	vmul.f32 v0, v45;
	v45 =	vsub.f32 v63, v44;
	v26 =	vmul.f32 v8, v39  }
0x8ff: {  	s5 =	spop (v2sf);
	v33 =	vsub.f32 v58, v9;
	[tilespmem:v30+s19+$0x0] =	vst.idx.add.f32.msk vm0, v20;
	vm0 =	vcmask $0x3F30;
	(erf) = vpow2.f32 v4  }
0x900: {  	s1 =	smax.f32 s25, s4;
	s16 =	spop (v2sf);
	v25 =	vmul.f32 v8, v18;
	v39 =	vld [tilespmem:$0x1FA20];
	v58 =	vsub.f32 v43, v15;
	v15 =	vsub.f32 v51, v15  }
0x901: {  	v16 =	vmov s1;
	s25 =	spop (v2sf);
	v8 =	vmul.f32 $1.442695020e+00, v45;
	v57 =	vmul.f32 $1.442695020e+00, v7  }
0x902: {  	s1 =	smax.f32 s5, s16;
	s0 =	smax.f32 s25, s0;
	v59 =	vmul.f32 $1.442695020e+00, v15;
	v15 =	vsub.f32 v36, v16;
	v16 =	vsub.f32 v42, v16  }
0x903: {  	v17 =	vmov s1;
	v60 =	vmov s0;
	(erf) = vpow2.f32 v8  }
0x904: {  	[tilespmem:$0x1F930] =	vst v6;
	v18 =	vsub.f32 v54, v17;
	v42 =	vld [tilespmem:$0x1FFA0];
	v16 =	vmul.f32 $1.442695020e+00, v16;
	(erf) = vpow2.f32 v57  }
0x905: {  	v6 =	vmul.f32 $1.024000000e+03, v6;
	v4 =	vsub.f32 v56, v60;
	[tilespmem:v41+s20+$0x0] =	vst.idx.add.f32.msk vm0, v39;
	v41 =	vpop (erf);
	(erf) = vpow2.f32 v59  }
0x906: {  	v61 =	vsub.f32 v22, v17;
	v17 =	vmul.f32 $1.442695020e+00, v18;
	v39 =	vpop (erf);
	(xrf2) =	vadd.scan.msk.f32 $0xffff, v41;
	(erf) = vpow2.f32 v16  }
0x907: {  	v40 =	vtrunc.f32 v6;
	v4 =	vmul.f32 $1.442695020e+00, v4  }
0x908: {  	v40 =	vcvt.f32.s32 v40;
	v43 =	vpop (erf);
	(erf) = vpow2.f32 v17  }
0x909: {  	v46 =	vsub.f32 v55, v44;
	v18 =	vmul.f32 v42, v39;
	(erf) = vpow2.f32 v4  }
0x90a: {  	vm15 =	vlt.s32 v40, $0x3FF;
	v5 =	vsub.f32 $1.000000000e+00, v13;
	v21 =	vsub.f32 $1.000000000e+00, v34  }
0x90b: {  	v55 =	vsub.f32 v62, v47;
	v6 =	vmul.f32 $1.442695020e+00, v46;
	v2 =	vsub.f32 v2, v60;
	(xrf2) =	vadd.scan.msk.f32 $0xffff, v18  }
0x90c: {  	v0 =	vmul.f32 v0, v19;
	v19 =	vsub.f32 $1.000000000e+00, v31;
	v62 =	vsub.f32 $1.000000000e+00, v12;
	v36 =	vpop (erf)  }
0x90d: {  	v63 =	vsub.f32 $1.000000000e+00, v26;
	v9 =	vmul.f32 $1.442695020e+00, v55;
	v2 =	vmul.f32 $1.442695020e+00, v2;
	v17 =	vpop (erf)  }
0x90e: {  	v46 =	vsub.f32 $1.000000000e+00, v25;
	v7 =	vmul.f32 $1.442695020e+00, v58;
	v27 =	vmul.f32 v42, v43;
	v47 =	vpop (erf)  }
0x90f: {  	v58 =	vsel vm3, v5, v13;
	v13 =	vsel vm14, v21, v34;
	v1 =	vmul.f32 $1.442695020e+00, v33;
	v16 =	vpop (erf)  }
0x910: {  	v12 =	vsel vm7, v62, v12;
	v21 =	vmul.f32 $1.024000000e+03, v13;
	(erf) = vpow2.f32 v2;
	v51, _, _ =	vpop (xrf2)  }
0x911: {  	v56 =	vsel vm12, v19, v31;
	(erf) = vpow2.f32 v1;
	v1 =	vsub.f32 $1.000000000e+00, v0;
	(xrf2) =	vadd.scan.msk.f32 $0xffff, v27;
	v19 =	vpop (erf)  }
0x912: {  	v3 =	vsub.f32 $1.000000000e+00, v14;
	v15 =	vmul.f32 $1.442695020e+00, v15;
	v33 =	vmul.f32 $1.024000000e+03, v12;
	v27 =	vpop (erf)  }
0x913: {  	v21 =	vtrunc.f32 v21;
	v62 =	vsel vm10, v1, v0;
	v0 =	vmul.f32 v42, v27  }
0x914: {  	v5 =	vnsel vm15, $0x3FF, v40;
	v8 =	vmul.f32 $1.442695020e+00, v61;
	v33 =	vtrunc.f32 v33  }
0x915: {  	v57 =	vsel vm4, v3, v14;
	v59 =	vmul.f32 $1.024000000e+03, v56;
	v2 =	vsub.f32 $1.000000000e+00, v10;
	v60, _, _ =	vpop (xrf2);
	(xrf2) =	vadd.scan.msk.f32 $0xffff, v0  }
0x916: {  	v18 =	vsub.f32 $1.000000000e+00, v11;
	v29 =	vmul.f32 v42, v36;
	v45 =	vmul.f32 v42, v17  }
0x917: {  	(erf) = vpow2.f32 v6;
	v61 =	vsel vm8, v2, v10;
	(v2sf) =	vpush v51, $0xF  }
0x918: {  	v6 =	vmul.f32 $1.024000000e+03, v57;
	(erf) = vpow2.f32 v9;
	(v2sf) =	vpush v60, $0xF  }
0x919: {  	v2 =	vsel vm11, v63, v26;
	v1 =	vmul.f32 $1.024000000e+03, v58;
	v40 =	vmul.f32 $1.024000000e+03, v61  }
0x91a: {  	v63 =	vsel vm9, v46, v25;
	v46 =	vmul.f32 $1.024000000e+03, v62;
	v6 =	vtrunc.f32 v6;
	(xrf2) =	vadd.scan.msk.f32 $0xffff, v29  }
0x91b: {  	(erf) = vpow2.f32 v7;
	v1 =	vtrunc.f32 v1;
	v60, _, _ =	vpop (xrf2);
	(xrf2) =	vadd.scan.msk.f32 $0xffff, v45  }
0x91c: {  	v55 =	vsel vm13, v18, v11;
	v18 =	vld [tilespmem:$0x1FFF0];
	[tilespmem:$0x1FA00] =	vst v62;
	v62 =	vtrunc.f32 v40;
	v6 =	vcvt.f32.s32 v6  }
0x91d: {  	vm14 =	vmmov vm8;
	[tilespmem:$0x1F9D0] =	vst v13;
	v13 =	vld [tilespmem:$0x1FFC0];
	v3 =	vmul.f32 v42, v47;
	(erf) = vpow2.f32 v15  }
0x91e: {  	[tilespmem:$0x1F9B0] =	vst v17;
	v17 =	vld [tilespmem:$0x1FFE0];
	vm9 =	vmmov vm5;
	v15 =	vmul.f32 $1.024000000e+03, v55;
	v1 =	vcvt.f32.s32 v1  }
0x91f: {  	[tilespmem:$0x1F9C0] =	vst v47;
	v7 =	vmul.f32 v42, v16;
	(erf) = vpow2.f32 v8;
	(v2sf) =	vpush v60, $0xF;
	v47, _, _ =	vpop (xrf2)  }
0x920: {  	v14 =	vld [tilespmem:$0x1FFD0];
	[tilespmem:$0x1FA10] =	vst v2;
	v8 =	vtrunc.f32 v59;
	v4 =	vmul.f32 v42, v19;
	(v2sf) =	vpush v47, $0xF  }
0x921: {  	[tilespmem:$0x1FA20] =	vst v63;
	v44 =	vadd.s32 v18, v38;
	v51 =	vmul.f32 $1.024000000e+03, v2;
	v15 =	vtrunc.f32 v15  }
0x922: {  	vm7 =	vlt.s32 v6, $0x3FF;
	v8 =	vcvt.f32.s32 v8;
	v15 =	vcvt.f32.s32 v15;
	(xrf2) =	vadd.scan.msk.f32 $0xffff, v3  }
0x923: {  	v26 =	vpop (erf);
	v0 =	vadd.s32 v17, v37;
	v37 =	vadd.s32 v13, v37;
	v29 =	vmul.f32 $1.024000000e+03, v63;
	(xrf2) =	vadd.scan.msk.f32 $0xffff, v7  }
0x924: {  	v63 =	vtrunc.f32 v46;
	v46 =	vtrunc.f32 v51;
	v3 =	vsel vm6, v37, v0;
	v10, _, _ =	vpop (xrf2);
	(xrf2) =	vadd.scan.msk.f32 $0xffff, v4  }
0x925: {  	v2 =	vadd.s32 v14, v38;
	v52 =	vcvt.f32.s32 v63;
	v29 =	vtrunc.f32 v29;
	v38, _, _ =	vpop (xrf2);
	(xrf2) =	vadd.scan.msk.f32 $0xffff, v26  }
0x926: {  	vm8 =	vlt.s32 v1, $0x3FF;
	v42 =	vpop (erf);
	v63 =	vcvt.f32.s32 v46;
	v29 =	vcvt.f32.s32 v29;
	s1 =	spop (v2sf)  }
0x927: {  	v34 =	vpop (erf);
	vm2 =	vlt.s32 v15, $0x3FF;
	v51 =	vcvt.f32.s32 v62;
	vm5 =	vlt.s32 v52, $0x3FF;
	s3 =	spop (v2sf)  }
0x928: {  	v31 =	vpop (erf);
	vm0 =	vlt.s32 v63, $0x3FF;
	vm1 =	vlt.s32 v29, $0x3FF;
	vm6 =	vlt.s32 v8, $0x3FF;
	s0 =	sadd.f32 s3, s1  }
0x929: {  	v11 =	vpop (erf);
	v60 =	vnsel vm2, $0x3FF, v15;
	v40 =	vnsel vm6, $0x3FF, v8;
	v8 =	vnsel vm0, $0x3FF, v63;
	[tilespmem:v3+s19+$0x0] =	vst.idx.add.f32.msk $0xffff, v20  }
0x92a: {  	v54 =	vpop (erf);
	[tilespmem:v0+s20+$0x0] =	vst.idx.add.f32.msk $0xffff, v50;
	v0 =	vnsel vm8, $0x3FF, v1;
	v1 =	vnsel vm7, $0x3FF, v6;
	v3 =	vmov s0  }
0x92b: {  	v25 =	vpop (erf);
	v6 =	vadd.s32 v14, v60;
	(v2sf) =	vpush v10, $0xF;
	v3 =	vadd.f32 $0.0e+00, v3  }
0x92c: {  	v7 =	vadd.s32 v17, v0;
	v47 =	vadd.s32 v13, v0;
	(v2sf) =	vpush v38, $0xF;
	v62, _, _ =	vpop (xrf2)  }
0x92d: {  	v0 =	vadd.s32 v18, v60;
	v60 =	vld.idx.msk [tilespmem:v28+s17+$0x0], $0xffff;
	(v2sf) =	vpush v62, $0xF;
	v63, _, _ =	vpop (xrf2);
	v3 =	vbroadcast v3, $0x0  }
0x92e: {  	v46 =	vnsel vm1, $0x3FF, v29;
	v62 =	vld.idx.msk [tilespmem:v24+s17+$0x0], $0xffff;
	v24 =	vbroadcast v32, $0x0;
	v28, _, _ =	vpop (xrf2);
	s0 =	spop (v2sf);
	(v2sf) =	vpush v63, $0xF  }
0x92f: {  	(erf) = vrcp.f32 v3;
	v3 =	vnsel vm5, $0x3FF, v52;
	v52 =	vld [tilespmem:$0x1F8C0];
	s3 =	spop (v2sf);
	(v2sf) =	vpush v28, $0xF;
	v30, _, _ =	vpop (xrf2)  }
0x930: {  	v32 =	vadd.s32 v18, v46;
	(v2sf) =	vpush v30, $0xF;
	v30 =	vadd.s32 v14, v46;
	v46 =	vld [tilespmem:$0x1F8D0]  }
0x931: {  	v21 =	vcvt.f32.s32 v21;
	v33 =	vcvt.f32.s32 v33;
	_ =	sdelay $0x1  }
0x932: {  	vm15 =	vlt.s32 v21, $0x3FF;
	vm11 =	vmmov vm3;
	vm3 =	vlt.s32 v33, $0x3FF  }
0x933: {  	s4 =	sadd.s32 $0x7, s26;
	[tilespmem:$0x1F9F0] =	vst v61;
	v61 =	vadd.s32 v17, v35;
	v45 =	vadd.s32 v13, v35;
	vm0 =	vnez.u8 v52  }
0x934: {  	v29 =	vmov s4;
	(xrf2) =	vadd.scan.msk.f32 $0xffff, v42;
	v10 =	vsel vm0, v45, v61;
	vm0 =	vnez.u8 v46;
	v46 =	vld [tilespmem:$0x1F8E0]  }
0x935: {  	vm10 =	vmmov vm4;
	v59 =	vadd.s32 v18, v5;
	v5 =	vadd.s32 v14, v5  }
0x936: {  	vm4 =	vlt.s32 v51, $0x3FF;
	v15 =	vnsel vm15, $0x3FF, v21;
	v21 =	vnsel vm3, $0x3FF, v33;
	v45 =	vld [tilespmem:$0x1FA60]  }
0x937: {  	[tilespmem:$0x1FA30] =	vst v11;
	v33 =	vnsel vm4, $0x3FF, v51;
	v4 =	vadd.s32 v13, v40;
	v9 =	vadd.s32 v18, v1  }
0x938: {  	v51 =	vadd.s32 v14, v1;
	v1 =	vadd.s32 v17, v40;
	v40 =	vadd.s32 v17, v15;
	(xrf2) =	vadd.scan.msk.f32 $0xffff, v34  }
0x939: {  	v15 =	vadd.s32 v13, v15;
	(xrf2) =	vadd.scan.msk.f32 $0xffff, v31;
	v28 =	vld.idx.msk [tilespmem:v29+s17+$0x0], $0xffff;
	v5 =	vsel vm0, v5, v59;
	vm0 =	vnez.u8 v46  }
0x93a: {  	(xrf2) =	vadd.scan.msk.f32 $0xffff, v11;
	v11 =	vsel vm11, v47, v7;
	v22 =	vpop (erf);
	v47 =	vsel vm0, v15, v40;
	vm0 =	vcmask $0x3F30  }
0x93b: {  	v2 =	vsel vm9, v2, v44;
	v41 =	vmul.f32 v22, v41;
	_ =	sdelay $0x1  }
0x93c: {  	v22 =	vmul.f32 v22, v39;
	v39 =	vsub.f32 $1.000000000e+00, v41  }
0x93d: {  	vm2 =	veq.s32 v28, v49;
	v52 =	vld.idx.msk [tilespmem:v45+s17+$0x0], $0xffff;
	v45, _, _ =	vpop (xrf2)  }
0x93e: {  	s1 =	spop (v2sf);
	(xrf2) =	vadd.scan.msk.f32 $0xffff, v54;
	(v2sf) =	vpush v45, $0xF;
	v45 =	vmovc v54;
	v54 =	vld.idx.msk [tilespmem:v24+s17+$0x0], $0xffff;
	v24 =	vsel vm2, v39, v41;
	v39 =	vsub.f32 $1.000000000e+00, v22  }
0x93f: {  	vm1 =	veq.s32 v28, v23;
	[tilespmem:v2+s19+$0x0] =	vst.idx.add.f32.msk vm0, v20  }
0x940: {  	v2 =	vsel vm1, v39, v22;
	v22 =	vld [tilespmem:$0x1F8F0];
	_ =	sdelay $0x4  }
0x941: {  	v38 =	vadd.s32 v18, v21;
	v21 =	vadd.s32 v14, v21;
	vm0 =	vnez.u8 v22  }
0x942: {  	v46 =	vsel vm0, v21, v38;
	vm0 =	vcmask $0x3F30  }
0x943: {  	v37 =	vadd.s32 v17, v33;
	v29 =	vadd.s32 v13, v33;
	v33 =	vld [tilespmem:$0x1F8B0];
	_ =	sdelay $0x1  }
0x944: {  	v50 =	vld [tilespmem:$0x1FA50];
	v41, _, _ =	vpop (xrf2)  }
0x945: {  	s16 =	spop (v2sf);
	(v2sf) =	vpush v41, $0xF;
	v41 =	vld [tilespmem:$0x1F910]  }
0x946: {  	(xrf2) =	vadd.scan.msk.f32 $0xffff, v25;
	v39 =	vmov v25;
	v25 =	vld [tilespmem:$0x1F900]  }
0x947: {  	[tilespmem:v44+s20+$0x0] =	vst.idx.add.f32.msk vm0, v53  }
0x948: {  	v4 =	vsel vm12, v4, v1;
	v53 =	vld [tilespmem:$0x1F920]  }
0x949: {  	[tilespmem:$0x1F9E0] =	vst v12;
	vm3 =	vcmask $0x3F30;
	v12 =	vsel vm10, v51, v9;
	v15 =	vmul.f32 $1.024000000e+03, v24  }
0x94a: {  	v35 =	vadd.s32 v18, v3;
	v3 =	vadd.s32 v14, v3;
	v63 =	vld.idx.msk [tilespmem:v33+s17+$0x0], $0xffff;
	v33 =	vadd.s32 v17, v8  }
0x94b: {  	v51 =	vld [tilespmem:$0x1FA70];
	v8 =	vadd.s32 v13, v8;
	v15 =	vtrunc.f32 v15;
	vm0 =	vnez.u8 v25  }
0x94c: {  	v50 =	vld.idx.msk [tilespmem:v50+s17+$0x0], $0xffff;
	v44 =	vsel vm0, v3, v35;
	v3 =	vcvt.f32.s32 v15;
	vm0 =	vnez.u8 v41  }
0x94d: {  	[tilespmem:v4+s19+$0x0] =	vst.idx.add.f32.msk $0xffff, v20;
	v41 =	vsel vm0, v8, v33;
	vm0 =	vnez.u8 v53  }
0x94e: {  	[tilespmem:v10+s19+$0x0] =	vst.idx.add.f32.msk $0xffff, v20;
	v22, _, _ =	vpop (xrf2);
	v30 =	vsel vm0, v30, v32;
	vm0 =	vlt.s32 v3, $0x3FF  }
0x94f: {  	s25 =	spop (v2sf);
	v10 =	vld [tilespmem:$0x1F930];
	(v2sf) =	vpush v22, $0xF;
	v3 =	vnsel vm0, $0x3FF, v3;
	vm0 =	vcmask $0x3F30  }
0x950: {  	[tilespmem:v61+s20+$0x0] =	vst.idx.add.f32.msk $0xffff, v48;
	v21 =	vmul.f32 $1.024000000e+03, v2;
	v61, _, _ =	vpop (xrf2)  }
0x951: {  	s31 =	spop (v2sf);
	[tilespmem:v5+s19+$0x0] =	vst.idx.add.f32.msk vm3, v20;
	(v2sf) =	vpush v61, $0xF;
	v5 =	vadd.s32 v17, v3;
	v3 =	vadd.s32 v13, v3  }
0x952: {  	[tilespmem:v1+s20+$0x0] =	vst.idx.add.f32.msk $0xffff, v56;
	v8 =	vtrunc.f32 v21;
	v3 =	vsel vm2, v3, v5;
	vm2 =	vcmask $0x3F30  }
0x953: {  	v6 =	vsel vm13, v6, v0;
	[tilespmem:$0x1FA40] =	vst v32;
	v51 =	vld.idx.msk [tilespmem:v51+s17+$0x0], $0xffff;
	v8 =	vcvt.f32.s32 v8  }
0x954: {  	vm6 =	veq.s32 v60, v49;
	vm5 =	veq.s32 v60, v23;
	[tilespmem:v11+s19+$0x0] =	vst.idx.add.f32.msk $0xffff, v20;
	s30 =	spop (v2sf);
	v32, _, _ =	vpop (xrf2)  }
0x955: {  	v28 =	vsel vm14, v29, v37;
	s4 =	spop (v2sf);
	(v2sf) =	vpush v32, $0xF;
	[tilespmem:v59+s20+$0x0] =	vst.idx.add.f32.msk vm0, v10;
	vm0 =	vlt.s32 v8, $0x3FF  }
0x956: {  	[tilespmem:v7+s20+$0x0] =	vst.idx.add.f32.msk $0xffff, v58;
	v48 =	vmov s29;
	vm3 =	veq.s32 v63, v49;
	s3 =	sadd.f32 s3, s4;
	s4 =	sadd.s32 $0x3, s29;
	v8 =	vnsel vm0, $0x3FF, v8  }
0x957: {  	v1 =	vmov s4;
	[tilespmem:v3+s19+$0x0] =	vst.idx.add.f32.msk $0xffff, v20;
	v7 =	vadd.s32 v18, v8;
	v8 =	vadd.s32 v14, v8  }
0x958: {  	vm4 =	veq.s32 v63, v23;
	s4 =	sadd.s32 $0x5, s29;
	v1 =	vand.u32 $0xFFFFFFFB, v1;
	[tilespmem:v12+s19+$0x0] =	vst.idx.add.f32.msk vm2, v20;
	v8 =	vsel vm1, v8, v7  }
0x959: {  	v53 =	vand.u32 $0xFFFFFFF8, v48;
	v58, _, _ =	vpop (xrf2);
	v3 =	vmov s4;
	v12 =	vmov s3;
	s3 =	spop (v2sf);
	[tilespmem:v5+s20+$0x0] =	vst.idx.add.f32.msk $0xffff, v24  }
0x95a: {  	s5 =	sadd.s32 $0x1, s29;
	vm0 =	veq.s32 v62, v23;
	(v2sf) =	vpush v58, $0xF;
	[tilespmem:v6+s19+$0x0] =	vst.idx.add.f32.msk vm2, v20;
	v12 =	vadd.f32 $0.0e+00, v12;
	s0 =	sadd.f32 s0, s3  }
0x95b: {  	v18 =	vmovc v19;
	v14 =	vbroadcast v53, $0x0;
	v3 =	vand.u32 $0xFFFFFFFD, v3;
	[tilespmem:v9+s20+$0x0] =	vst.idx.add.f32.msk vm2, v57;
	v57 =	vmov s5;
	s5 =	sadd.s32 $0x2, s29;
	s4 =	spop (v2sf)  }
0x95c: {  	v19 =	vmovc v16;
	v16 =	vmovc v36;
	[tilespmem:v0+s20+$0x0] =	vst.idx.add.f32.msk vm2, v55;
	v59 =	vmov s5;
	s5 =	sadd.s32 $0x4, s29;
	v36 =	vbroadcast v12, $0x0;
	v12 =	vmov s0;
	s0 =	sadd.f32 s1, s4  }
0x95d: {  	v0 =	vbroadcast v1, $0x0;
	v32 =	vand.u32 $0xFFFFFFF9, v57;
	v61 =	vmov s5;
	s5 =	sadd.s32 $0x6, s29;
	[tilespmem:v8+s19+$0x0] =	vst.idx.add.f32.msk vm2, v20  }
0x95e: {  	s28 =	sadd.s32 $0xA0, s28;
	v9 =	vmov s5;
	s5 =	spop (v2sf);
	[tilespmem:v7+s20+$0x0] =	vst.idx.add.f32.msk vm2, v2;
	v2 =	vand.u32 $0xFFFFFFFC, v61;
	v61 =	vmov s0  }
0x95f: {  	p0 =	slt.u32 s29, $0x3F8;
	v4 =	vand.u32 $0xFFFFFFFA, v59;
	[tilespmem:$0x1FA50] =	vst v0;
	v48 =	vadd.f32 $0.0e+00, v12;
	s0 =	sadd.f32 s16, s5;
	v59 =	vld [tilespmem:s28+$0x3C];
	v0 =	vadd.f32 $0.0e+00, v61  }
.Ltmp4:
0x960: {  	v56 =	vld [tilespmem:s28+$0xFFFFFFB4];
	vm1 =	veq.s32 v62, v49;
	v24 =	vbroadcast v32, $0x0;
	v1 =	vbroadcast v2, $0x0;
	(pc) =	sbr.rel @p0 .LBB2_10-.Ltmp4, $4  }
0x961: {  	v60 =	vld [tilespmem:s28+$0xFFFFFFC8];
	v53 =	vbroadcast v48, $0x0;
	s16 =	spop (v2sf);
	v61 =	vbroadcast v0, $0x0;
	v0 =	vmov s0  }
0x962: {  	v58 =	vld [tilespmem:s28+$0xFFFFFFC4];
	(erf) = vrcp.f32 v36;
	[tilespmem:$0x1FA60] =	vst v1;
	v1 =	vbroadcast v3, $0x0;
	s0 =	sadd.f32 s25, s16;
	v0 =	vadd.f32 $0.0e+00, v0  }
0x963: {  	v55 =	vld [tilespmem:s28+$0xFFFFFFD8];
	v22 =	vbroadcast v4, $0x0;
	v32 =	vand.u32 $0xFFFFFFFE, v9;
	(erf) = vrcp.f32 v53  }
0x964: {  	s26 =	smov.u32 s29;
	s29 =	sadd.s32 $0x8, s29;
	v20 =	vmovc v43;
	v57 =	vld [tilespmem:s28+$0x40];
	[tilespmem:$0x1FA70] =	vst v1;
	v1 =	vmov s0;
	s0 =	spop (v2sf);
	(xrf0) =	vmax.scan.msk.f32 $0xffff, v59;
	v0 =	vbroadcast v0, $0x0  }
0x965: {  	_ =	sdelay $0x2  }
0x966: {  	v2 =	vld [tilespmem:s28+$0xFFFFFFDC]  }
0x967: {  	v9 =	vld [tilespmem:s28+$0x14];
	(xrf0) =	vmax.scan.msk.f32 $0xffff, v57  }
0x968: {  	v62 =	vld [tilespmem:s28+$0xFFFFFFEC];
	(xrf0) =	vmax.scan.msk.f32 $0xffff, v56  }
0x969: {  	v3 =	vld [tilespmem:s28+$0xFFFFFFF0];
	(xrf0) =	vmax.scan.msk.f32 $0xffff, v58  }
0x96a: {  	v63 =	vld [tilespmem:s28+$0x0];
	(xrf0) =	vmax.scan.msk.f32 $0xffff, v60  }
0x96b: {  	v4 =	vld [tilespmem:s28+$0x4];
	(xrf0) =	vmax.scan.msk.f32 $0xffff, v55  }
0x96c: {  	[tilespmem:$0x1F7B0] =	vst v9;
	v5, _, _ =	vpop (xrf0);
	(xrf0) =	vmax.scan.msk.f32 $0xffff, v2  }
0x96d: {  	v6 =	vld [tilespmem:s28+$0x18];
	(v2sf) =	vpush v5, $0xF;
	(xrf0) =	vmax.scan.msk.f32 $0xffff, v62;
	v5, _, _ =	vpop (xrf0)  }
0x96e: {  	v43 =	vld [tilespmem:s28+$0x28];
	v7, _, _ =	vpop (xrf0);
	(xrf0) =	vmax.scan.msk.f32 $0xffff, v3;
	(v2sf) =	vpush v5, $0xF  }
0x96f: {  	v5 =	vld [tilespmem:s28+$0x2C];
	(v2sf) =	vpush v7, $0xF;
	v7, _, _ =	vpop (xrf0);
	(xrf0) =	vmax.scan.msk.f32 $0xffff, v63  }
0x970: {  	v8 =	vld [tilespmem:s28+$0xFFFFFFB0];
	(v2sf) =	vpush v7, $0xF;
	v7, _, _ =	vpop (xrf0);
	(xrf0) =	vmax.scan.msk.f32 $0xffff, v4  }
0x971: {  	(v2sf) =	vpush v7, $0xF;
	v7, _, _ =	vpop (xrf0);
	(xrf0) =	vmax.scan.msk.f32 $0xffff, v9  }
0x972: {  	(v2sf) =	vpush v7, $0xF;
	v7, _, _ =	vpop (xrf0);
	(xrf0) =	vmax.scan.msk.f32 $0xffff, v6  }
0x973: {  	(v2sf) =	vpush v7, $0xF;
	v7, _, _ =	vpop (xrf0);
	(xrf0) =	vmax.scan.msk.f32 $0xffff, v43  }
0x974: {  	(v2sf) =	vpush v7, $0xF;
	v7, _, _ =	vpop (xrf0);
	(xrf0) =	vmax.scan.msk.f32 $0xffff, v5  }
0x975: {  	(xrf0) =	vmax.scan.msk.f32 $0xffff, v8;
	(v2sf) =	vpush v7, $0xF;
	v7, _, _ =	vpop (xrf0)  }
0x976: {  	(v2sf) =	vpush v7, $0xF;
	v7, _, _ =	vpop (xrf0)  }
0x977: {  	(v2sf) =	vpush v7, $0xF;
	v7, _, _ =	vpop (xrf0)  }
0x978: {  	(v2sf) =	vpush v7, $0xF;
	v7, _, _ =	vpop (xrf0)  }
0x979: {  	(v2sf) =	vpush v7, $0xF;
	v7, _, _ =	vpop (xrf0)  }
0x97a: {  	(v2sf) =	vpush v7, $0xF;
	v7, _, _ =	vpop (xrf0)  }
0x97b: {  	s1 =	spop (v2sf);
	v49, _, _ =	vpop (xrf0);
	(v2sf) =	vpush v7, $0xF  }
0x97c: {  	s0 =	sadd.f32 s31, s0;
	s3 =	spop (v2sf);
	(v2sf) =	vpush v49, $0xF  }
0x97d: {  	s4 =	spop (v2sf)  }
0x97e: {  	v1 =	vadd.f32 $0.0e+00, v1;
	s1 =	sadd.f32 s30, s1;
	v7 =	vmov s0;
	s0 =	spop (v2sf)  }
0x97f: {  	(erf) = vrcp.f32 v61;
	v7 =	vadd.f32 $0.0e+00, v7;
	s5 =	spop (v2sf)  }
0x980: {  	(erf) = vrcp.f32 v0;
	v1 =	vbroadcast v1, $0x0;
	v53 =	vmov s1;
	s3 =	smax.f32 s3, s4;
	s16 =	spop (v2sf)  }
0x981: {  	v9 =	vadd.f32 $0.0e+00, v53;
	v7 =	vbroadcast v7, $0x0;
	v0 =	vmov s3;
	s4 =	spop (v2sf)  }
0x982: {  	(erf) = vrcp.f32 v1;
	v1 =	vsub.f32 v59, v0;
	s25 =	spop (v2sf)  }
0x983: {  	v9 =	vbroadcast v9, $0x0;
	(erf) = vrcp.f32 v7;
	s5 =	smax.f32 s5, s16;
	s28 =	spop (v2sf)  }
0x984: {  	v0 =	vsub.f32 v57, v0;
	v7 =	vmov s5;
	v1 =	vmul.f32 $1.442695020e+00, v1;
	s29 =	spop (v2sf)  }
0x985: {  	(erf) = vrcp.f32 v9;
	v59 =	vsub.f32 v60, v7;
	s1 =	smax.f32 s4, s25;
	s30 =	spop (v2sf)  }
0x986: {  	v0 =	vmul.f32 $1.442695020e+00, v0;
	v10 =	vmov s1;
	(erf) = vpow2.f32 v1;
	s4 =	smax.f32 s28, s29;
	s31 =	spop (v2sf)  }
0x987: {  	v1 =	vmul.f32 $1.442695020e+00, v59;
	v2 =	vsub.f32 v2, v10;
	v9 =	vmov s4;
	s16 =	spop (v2sf)  }
0x988: {  	(erf) = vpow2.f32 v0;
	v0 =	vsub.f32 v3, v9;
	s3 =	smax.f32 s30, s31;
	s25 =	spop (v2sf)  }
0x989: {  	v2 =	vmul.f32 $1.442695020e+00, v2;
	(erf) = vpow2.f32 v1;
	v3 =	vmov s3;
	s28 =	spop (v2sf);
	s1 =	smax.f32 s16, s25  }
0x98a: {  	v0 =	vmul.f32 $1.442695020e+00, v0;
	v1 =	vsub.f32 v4, v3;
	s29 =	spop (v2sf);
	v4 =	vmov s1  }
0x98b: {  	v11 =	vpop (erf);
	(erf) = vpow2.f32 v2;
	s31 =	spop (v2sf);
	v2 =	vsub.f32 v6, v4  }
0x98c: {  	v12 =	vpop (erf);
	s30 =	smax.f32 s28, s29;
	v1 =	vmul.f32 $1.442695020e+00, v1;
	(erf) = vpow2.f32 v0;
	s0 =	smax.f32 s31, s0  }
0x98d: {  	v6 =	vmov s30;
	v15 =	vmov s0;
	v0 =	vmul.f32 $1.442695020e+00, v2  }
0x98e: {  	v5 =	vsub.f32 v5, v6;
	v2 =	vsub.f32 v56, v15  }
0x98f: {  	v21 =	vpop (erf)  }
0x990: {  	(erf) = vpow2.f32 v1;
	v1 =	vpop (erf);
	v5 =	vmul.f32 $1.442695020e+00, v5  }
0x991: {  	(erf) = vpow2.f32 v0;
	v48 =	vmul.f32 $1.442695020e+00, v2;
	v0 =	vpop (erf)  }
0x992: {  	(erf) = vpow2.f32 v5;
	v2 =	vpop (erf)  }
0x993: {  	(erf) = vpow2.f32 v48;
	v56 =	vpop (erf)  }
0x994: {  	v49 =	vpop (erf)  }
0x995: {  	v61 =	vpop (erf)  }
0x996: {  	v13 =	vld [tilespmem:$0x1FFA0];
	v59 =	vpop (erf)  }
0x997: {  	v29 =	vpop (erf)  }
0x998: {  	v5 =	vsub.f32 v8, v15;
	v25 =	vpop (erf)  }
0x999: {  	v23 =	vpop (erf)  }
0x99a: {  	v5 =	vmul.f32 $1.442695020e+00, v5;
	v17 =	vpop (erf)  }
0x99b: {  	v8 =	vmul.f32 v13, v61;
	v60 =	vpop (erf)  }
0x99c: {  	(xrf2) =	vadd.scan.msk.f32 $0xffff, v49;
	(erf) = vpow2.f32 v5;
	v5 =	vmul.f32 v13, v59;
	v53 =	vpop (erf)  }
0x99d: {  	(xrf2) =	vadd.scan.msk.f32 $0xffff, v8;
	v8 =	vmul.f32 v13, v53  }
0x99e: {  	v7 =	vsub.f32 v58, v7;
	(xrf2) =	vadd.scan.msk.f32 $0xffff, v5;
	v5 =	vmul.f32 v13, v29  }
0x99f: {  	(xrf2) =	vadd.scan.msk.f32 $0xffff, v8  }
0x9a0: {  	(xrf2) =	vadd.scan.msk.f32 $0xffff, v5;
	v5 =	vmul.f32 $1.442695020e+00, v7;
	v7 =	vmul.f32 v13, v25;
	_ =	sdelay $0x1  }
0x9a1: {  	(xrf2) =	vadd.scan.msk.f32 $0xffff, v7  }
0x9a2: {  	(erf) = vpow2.f32 v5;
	v5 =	vmul.f32 v13, v17  }
0x9a3: {  	v8 =	vmul.f32 v13, v23;
	v7 =	vmul.f32 v13, v60;
	_ =	sdelay $0x1  }
0x9a4: {  	(xrf2) =	vadd.scan.msk.f32 $0xffff, v8;
	v58 =	vpop (erf)  }
0x9a5: {  	(xrf2) =	vadd.scan.msk.f32 $0xffff, v5;
	v5, _, _ =	vpop (xrf2)  }
0x9a6: {  	(xrf2) =	vadd.scan.msk.f32 $0xffff, v7;
	v7, _, _ =	vpop (xrf2);
	(v2sf) =	vpush v5, $0xF  }
0x9a7: {  	v5, _, _ =	vpop (xrf2);
	(v2sf) =	vpush v7, $0xF  }
0x9a8: {  	v48 =	vld [tilespmem:$0x1FFB0];
	(xrf2) =	vadd.scan.msk.f32 $0xffff, v58;
	v7, _, _ =	vpop (xrf2);
	(v2sf) =	vpush v5, $0xF  }
0x9a9: {  	v5, _, _ =	vpop (xrf2);
	(v2sf) =	vpush v7, $0xF  }
0x9aa: {  	v57 =	vlaneseq.u32;
	(v2sf) =	vpush v5, $0xF;
	v5, _, _ =	vpop (xrf2)  }
0x9ab: {  	vm8 =	veq.s32 v50, v57;
	(v2sf) =	vpush v5, $0xF;
	v5 =	vimm.s32 $0x0  }
0x9ac: {  	v5 =	vsel vm8, $0xFFFFFFFF, v5  }
0x9ad: {  	v36 =	vimm.s32 $0x0;
	vm10 =	veq.s32 v50, v48;
	v7 =	vimm.s32 $0x0  }
0x9ae: {  	vm11 =	veq.s32 v52, v57;
	v10 =	vsub.f32 v55, v10;
	v7 =	vsel vm10, $0xFFFFFFFF, v7  }
0x9af: {  	vm9 =	veq.s32 v51, v57;
	vm12 =	veq.s32 v54, v57;
	v9 =	vsub.f32 v62, v9;
	[tilespmem:$0x1F7D0] =	vst v5;
	v5, _, _ =	vpop (xrf2)  }
0x9b0: {  	v10 =	vmul.f32 $1.442695020e+00, v10;
	v3 =	vsub.f32 v63, v3;
	[tilespmem:$0x1F820] =	vst v25;
	v25 =	vld [tilespmem:$0x1F7B0];
	(v2sf) =	vpush v5, $0xF;
	v5, _, _ =	vpop (xrf2)  }
0x9b1: {  	s26 =	sadd.s32 $0x7, s26;
	v9 =	vmul.f32 $1.442695020e+00, v9;
	v6 =	vsub.f32 v43, v6;
	[tilespmem:$0x1F7E0] =	vst v7;
	(v2sf) =	vpush v5, $0xF;
	v7, _, _ =	vpop (xrf2)  }
0x9b2: {  	v3 =	vmul.f32 $1.442695020e+00, v3;
	v43 =	vmov s26;
	(v2sf) =	vpush v7, $0xF;
	v7, _, _ =	vpop (xrf2)  }
0x9b3: {  	v6 =	vmul.f32 $1.442695020e+00, v6;
	v18 =	vmul.f32 v56, v18;
	[tilespmem:$0x1F8A0] =	vst v60;
	v60 =	vpop (erf);
	(v2sf) =	vpush v7, $0xF  }
0x9b4: {  	vm14 =	veq.s32 v52, v48;
	vm7 =	veq.s32 v51, v48;
	vm13 =	veq.s32 v54, v48;
	(xrf2) =	vadd.scan.msk.f32 $0xffff, v60  }
0x9b5: {  	v8 =	vmul.f32 v11, v27;
	(erf) = vpow2.f32 v10;
	v4 =	vsub.f32 v25, v4  }
0x9b6: {  	[tilespmem:$0x1F810] =	vst v29;
	v29 =	vimm.s32 $0x0;
	(erf) = vpow2.f32 v9;
	v9 =	vmul.f32 v56, v39  }
0x9b7: {  	v27 =	vimm.s32 $0x0;
	v4 =	vmul.f32 $1.442695020e+00, v4;
	v5 =	vmul.f32 v11, v26  }
0x9b8: {  	v13 =	vsel vm0, $0xFFFFFFFF, v27;
	(erf) = vpow2.f32 v3;
	v7 =	vmul.f32 v12, v42  }
0x9b9: {  	(erf) = vpow2.f32 v4;
	v42 =	vmul.f32 v12, v20;
	v50 =	vsub.f32 $1.000000000e+00, v5;
	s3 =	spop (v2sf)  }
0x9ba: {  	v51 =	vsub.f32 $1.000000000e+00, v8;
	(erf) = vpow2.f32 v6;
	v52 =	vsub.f32 $1.000000000e+00, v7;
	s4 =	spop (v2sf)  }
0x9bb: {  	[tilespmem:$0x1F880] =	vst v17;
	v4 =	vld [tilespmem:$0x1F9B0];
	v11 =	vsel vm7, $0xFFFFFFFF, v36;
	v17 =	vsel vm6, v50, v5;
	v5 =	vsub.f32 $1.000000000e+00, v42;
	s1 =	spop (v2sf)  }
0x9bc: {  	v36 =	vsel vm5, v51, v8;
	v8 =	vmul.f32 $1.024000000e+03, v17;
	v54 =	vsel vm1, v52, v7;
	s5 =	spop (v2sf)  }
0x9bd: {  	v7 =	vmul.f32 v21, v34;
	v20 =	vsel vm0, v5, v42;
	v5 =	vmul.f32 v21, v16;
	s16 =	spop (v2sf)  }
0x9be: {  	[tilespmem:$0x1F8D0] =	vst v13;
	v13 =	vsel vm1, $0xFFFFFFFF, v29;
	v26, _, _ =	vpop (xrf2);
	s3 =	sadd.f32 s4, s3;
	v21 =	vmul.f32 $1.024000000e+03, v36;
	v8 =	vtrunc.f32 v8;
	s31 =	spop (v2sf)  }
0x9bf: {  	[tilespmem:$0x1F830] =	vst v23;
	(v2sf) =	vpush v26, $0xF;
	v12 =	vmul.f32 $1.024000000e+03, v54;
	v23 =	vmul.f32 $1.024000000e+03, v20;
	s30 =	spop (v2sf)  }
0x9c0: {  	[tilespmem:$0x1F800] =	vst v20;
	v20 =	vmul.f32 v1, v31;
	v31 =	vmov s3;
	v1 =	vmul.f32 v1, v4;
	s29 =	spop (v2sf)  }
0x9c1: {  	[tilespmem:$0x1F7C0] =	vst v11;
	v11 =	vtrunc.f32 v21;
	v8 =	vcvt.f32.s32 v8;
	v34 =	vadd.f32 $0.0e+00, v31;
	s28 =	spop (v2sf)  }
0x9c2: {  	v4 =	vld [tilespmem:$0x1FA30];
	v39 =	vsub.f32 $1.000000000e+00, v7;
	v12 =	vtrunc.f32 v12;
	v15 =	vtrunc.f32 v23;
	s25 =	spop (v2sf)  }
0x9c3: {  	v42 =	vsub.f32 $1.000000000e+00, v5;
	v11 =	vcvt.f32.s32 v11;
	v3 =	vbroadcast v34, $0x0;
	s3 =	sadd.f32 s5, s25  }
0x9c4: {  	v63 =	vsub.f32 $1.000000000e+00, v1;
	v12 =	vcvt.f32.s32 v12;
	v15 =	vcvt.f32.s32 v15  }
0x9c5: {  	vm7 =	vlt.s32 v8, $0x3FF;
	(erf) = vrcp.f32 v3;
	v3 =	vld [tilespmem:$0x1F9C0];
	v6 =	vmov s3  }
0x9c6: {  	[tilespmem:$0x1F7F0] =	vst v54;
	v55 =	vsel vm3, v39, v7;
	v54 =	vsel vm4, v42, v5;
	v34 =	vpop (erf);
	v6 =	vadd.f32 $0.0e+00, v6  }
0x9c7: {  	vm15 =	vlt.s32 v11, $0x3FF;
	v8 =	vnsel vm7, $0x3FF, v8;
	v4 =	vmul.f32 v0, v4;
	v27 =	vpop (erf)  }
0x9c8: {  	v31 =	vsel vm10, v63, v1;
	v1 =	vsub.f32 $1.000000000e+00, v9;
	v51 =	vpop (erf);
	v6 =	vbroadcast v6, $0x0  }
0x9c9: {  	[tilespmem:$0x1F8C0] =	vst v13;
	vm10 =	vmmov vm11;
	vm0 =	vlt.s32 v12, $0x3FF;
	v13 =	vsub.f32 $1.000000000e+00, v4;
	v39 =	vpop (erf)  }
0x9ca: {  	v62 =	vnsel vm15, $0x3FF, v11;
	[tilespmem:$0x1F860] =	vst v39;
	v42 =	vpop (erf);
	v0 =	vmul.f32 v0, v3;
	(erf) = vrcp.f32 v6;
	v6 =	vld [tilespmem:$0x1F7C0]  }
0x9cb: {  	(xrf2) =	vadd.scan.msk.f32 $0xffff, v34;
	v25 =	vsel vm11, v13, v4;
	v3 =	vmul.f32 v2, v45;
	[tilespmem:$0x1F890] =	vst v42  }
0x9cc: {  	(xrf2) =	vadd.scan.msk.f32 $0xffff, v27;
	v2 =	vmul.f32 v2, v19;
	v45 =	vsub.f32 $1.000000000e+00, v20;
	v4 =	vld.idx.msk [tilespmem:v43+s17+$0x0], $0xffff;
	v23 =	vsub.f32 $1.000000000e+00, v0  }
0x9cd: {  	vm15 =	vlt.s32 v15, $0x3FF;
	(xrf2) =	vadd.scan.msk.f32 $0xffff, v51;
	vm11 =	vmmov vm14;
	v7 =	vsub.f32 $1.000000000e+00, v3  }
0x9ce: {  	(xrf2) =	vadd.scan.msk.f32 $0xffff, v39;
	v5 =	vsub.f32 $1.000000000e+00, v2;
	v52 =	vsel vm8, v45, v20;
	v26 =	vsel vm14, v23, v0  }
0x9cf: {  	(xrf2) =	vadd.scan.msk.f32 $0xffff, v42;
	v0 =	vsub.f32 $1.000000000e+00, v18;
	v56 =	vsel vm9, v7, v3;
	v3 =	vpop (erf);
	vm14 =	vnez.u8 v6  }
0x9d0: {  	v7 =	vmul.f32 $1.024000000e+03, v54;
	v43 =	vsel vm14, v5, v2;
	v2 =	vmul.f32 v3, v49  }
0x9d1: {  	v45 =	vsel vm12, v1, v9;
	v9 =	vnsel vm15, $0x3FF, v15;
	s4 =	spop (v2sf);
	vm7 =	veq.s32 v4, v57  }
0x9d2: {  	s1 =	sadd.f32 s1, s4;
	v7 =	vtrunc.f32 v7;
	v49 =	vsel vm13, v0, v18;
	v0 =	vsub.f32 $1.000000000e+00, v2  }
0x9d3: {  	vm15 =	veq.s32 v4, v48;
	v7 =	vcvt.f32.s32 v7;
	v6 =	vnsel vm0, $0x3FF, v12  }
0x9d4: {  	v5 =	vmov s1;
	v3 =	vmul.f32 v3, v61;
	v18 =	vsel vm7, v0, v2;
	v2 =	vpop (erf)  }
0x9d5: {  	v1 =	vadd.f32 $0.0e+00, v5;
	v4 =	vmul.f32 v2, v58;
	v10 =	vmul.f32 v2, v53;
	v2, _, _ =	vpop (xrf2)  }
0x9d6: {  	v5 =	vmul.f32 $1.024000000e+03, v55;
	v19 =	vmul.f32 $1.024000000e+03, v43;
	(v2sf) =	vpush v2, $0xF;
	v53, _, _ =	vpop (xrf2)  }
0x9d7: {  	v50 =	vsub.f32 $1.000000000e+00, v3;
	v1 =	vbroadcast v1, $0x0;
	(v2sf) =	vpush v53, $0xF;
	v63, _, _ =	vpop (xrf2)  }
0x9d8: {  	[tilespmem:$0x1F850] =	vst v45;
	v5 =	vtrunc.f32 v5;
	v12 =	vtrunc.f32 v19;
	(v2sf) =	vpush v63, $0xF;
	v29, _, _ =	vpop (xrf2)  }
0x9d9: {  	v42 =	vld [tilespmem:$0x1FFE0];
	[tilespmem:$0x1F840] =	vst v43;
	v19 =	vimm.f32 $1.000000000e+00;
	v0 =	vmul.f32 $1.024000000e+03, v52;
	(v2sf) =	vpush v29, $0xF;
	v43, _, _ =	vpop (xrf2)  }
0x9da: {  	[tilespmem:$0x1F870] =	vst v49;
	v61 =	vsel vm15, v50, v3;
	v3 =	vmul.f32 $1.024000000e+03, v26;
	(v2sf) =	vpush v43, $0xF;
	v43 =	vld [tilespmem:$0x1FFC0]  }
0x9db: {  	v5 =	vcvt.f32.s32 v5;
	v12 =	vcvt.f32.s32 v12;
	[tilespmem:v47+s19+$0x0] =	vst.idx.add.f32.msk $0xffff, v19  }
0x9dc: {  	(erf) = vrcp.f32 v1;
	v1 =	vmul.f32 $1.024000000e+03, v31;
	v23 =	vld [tilespmem:$0x1F9D0]  }
0x9dd: {  	v0 =	vtrunc.f32 v0;
	v2 =	vmul.f32 $1.024000000e+03, v25  }
0x9de: {  	v3 =	vtrunc.f32 v3;
	v1 =	vtrunc.f32 v1  }
0x9df: {  	v0 =	vcvt.f32.s32 v0;
	v3 =	vcvt.f32.s32 v3  }
0x9e0: {  	vm8 =	vlt.s32 v5, $0x3FF;
	v58 =	vtrunc.f32 v2;
	v2 =	vmul.f32 $1.024000000e+03, v56  }
0x9e1: {  	v5 =	vnsel vm8, $0x3FF, v5;
	v1 =	vcvt.f32.s32 v1;
	v11 =	vcvt.f32.s32 v58;
	[tilespmem:v40+s20+$0x0] =	vst.idx.add.f32.msk $0xffff, v23  }
0x9e2: {  	vm8 =	vlt.s32 v0, $0x3FF;
	v39 =	vtrunc.f32 v2;
	v2 =	vmul.f32 $1.024000000e+03, v45;
	[tilespmem:v46+s19+$0x0] =	vst.idx.add.f32.msk vm2, v19  }
0x9e3: {  	v45 =	vmul.f32 $1.024000000e+03, v49;
	v0 =	vnsel vm8, $0x3FF, v0;
	v15 =	vcvt.f32.s32 v39;
	v40 =	vld [tilespmem:$0x1FFF0]  }
0x9e4: {  	vm8 =	vlt.s32 v11, $0x3FF;
	v53 =	vtrunc.f32 v2;
	v2 =	vadd.s32 v42, v8;
	v13 =	vld [tilespmem:$0x1F9E0]  }
0x9e5: {  	v21 =	vtrunc.f32 v45;
	v11 =	vnsel vm8, $0x3FF, v11;
	v8 =	vadd.s32 v43, v8;
	v23 =	vld [tilespmem:$0x1FFD0]  }
0x9e6: {  	v63 =	vcvt.f32.s32 v53;
	v8 =	vsel vm6, v8, v2;
	vm6 =	vlt.s32 v7, $0x3FF  }
0x9e7: {  	v58 =	vld.idx.msk [tilespmem:v14+s17+$0x0], $0xffff;
	vm8 =	vlt.s32 v15, $0x3FF;
	v7 =	vnsel vm6, $0x3FF, v7;
	vm6 =	vlt.s32 v1, $0x3FF  }
0x9e8: {  	v29 =	vcvt.f32.s32 v21;
	v1 =	vnsel vm6, $0x3FF, v1;
	vm6 =	vlt.s32 v3, $0x3FF  }
0x9e9: {  	v15 =	vnsel vm8, $0x3FF, v15;
	vm8 =	vlt.s32 v63, $0x3FF;
	v3 =	vnsel vm6, $0x3FF, v3;
	[tilespmem:v38+s20+$0x0] =	vst.idx.add.f32.msk vm2, v13  }
0x9ea: {  	vm6 =	vlt.s32 v12, $0x3FF;
	v46 =	vadd.s32 v40, v62;
	v39 =	vadd.s32 v23, v62;
	v13 =	vld [tilespmem:$0x1F8C0]  }
0x9eb: {  	v21 =	vnsel vm6, $0x3FF, v12;
	vm6 =	vlt.s32 v29, $0x3FF;
	v53 =	vsel vm5, v39, v46;
	v39 =	vld [tilespmem:$0x1F8D0]  }
0x9ec: {  	v47 =	vnsel vm8, $0x3FF, v63;
	v49 =	vnsel vm6, $0x3FF, v29;
	vm6 =	veq.s32 v58, v57  }
0x9ed: {  	v63 =	vpop (erf);
	v62 =	vadd.s32 v40, v9;
	v9 =	vadd.s32 v23, v9;
	v38 =	vsub.f32 $1.000000000e+00, v4  }
0x9ee: {  	vm5 =	veq.s32 v58, v48;
	v58 =	vmul.f32 v63, v60;
	v60 =	vadd.s32 v42, v6  }
0x9ef: {  	v45 =	vld.idx.msk [tilespmem:v24+s17+$0x0], $0xffff;
	v6 =	vadd.s32 v43, v6;
	v50 =	vsel vm6, v38, v4;
	vm8 =	vnez.u8 v13  }
0x9f0: {  	v24 =	vld.idx.msk [tilespmem:v22+s17+$0x0], $0xffff;
	v4 =	vadd.s32 v42, v5;
	v6 =	vsel vm8, v6, v60;
	vm8 =	vnez.u8 v39  }
0x9f1: {  	[tilespmem:v28+s19+$0x0] =	vst.idx.add.f32.msk $0xffff, v19;
	v5 =	vadd.s32 v43, v5;
	v16 =	vsel vm8, v9, v62;
	vm8 =	vmmov vm3  }
0x9f2: {  	v22 =	vld [tilespmem:$0x1F9F0];
	v5 =	vsel vm8, v5, v4;
	vm8 =	vcmask $0x3F30;
	_ =	sdelay $0x4  }
0x9f3: {  	[tilespmem:v37+s20+$0x0] =	vst.idx.add.f32.msk $0xffff, v22  }
0x9f4: {  	[tilespmem:v44+s19+$0x0] =	vst.idx.add.f32.msk vm8, v19  }
0x9f5: {  	v9 =	vld [tilespmem:$0x1F7D0];
	_ =	sdelay $0x1  }
0x9f6: {  	v20 =	vsub.f32 $1.000000000e+00, v10;
	_ =	sdelay $0x1  }
0x9f7: {  	v38 =	vsel vm5, v20, v10  }
0x9f8: {  	v10 =	vadd.s32 v42, v0;
	v0 =	vadd.s32 v43, v0;
	vm8 =	vnez.u8 v9  }
0x9f9: {  	v28 =	vsel vm8, v0, v10;
	vm8 =	vcmask $0x3F30  }
0x9fa: {  	v29 =	vld [tilespmem:$0x1FA00];
	_ =	sdelay $0x1  }
0x9fb: {  	s5 =	spop (v2sf)  }
0x9fc: {  	s0 =	sadd.f32 s16, s5  }
0x9fd: {  	vm1 =	vmmov vm4;
	vm4 =	veq.s32 v45, v57  }
0x9fe: {  	v59 =	vmul.f32 v63, v59;
	vm3 =	veq.s32 v45, v48;
	v45 =	vmov s0;
	[tilespmem:v35+s20+$0x0] =	vst.idx.add.f32.msk vm8, v29  }
0x9ff: {  	v63 =	vadd.s32 v40, v7;
	v7 =	vadd.s32 v23, v7;
	v14 =	vadd.f32 $0.0e+00, v45;
	v37 =	vld [tilespmem:$0x1F7E0]  }
0xa00: {  	vm2 =	veq.s32 v24, v57;
	v7 =	vsel vm1, v7, v63  }
0xa01: {  	vm1 =	veq.s32 v24, v48;
	v24 =	vadd.s32 v23, v1;
	v0 =	vbroadcast v14, $0x0  }
0xa02: {  	v9 =	vadd.s32 v40, v1;
	v1 =	vadd.s32 v42, v11;
	v11 =	vadd.s32 v43, v11  }
0xa03: {  	v44 =	vsel vm10, v11, v1;
	v11 =	vadd.s32 v42, v47;
	(erf) = vrcp.f32 v0  }
0xa04: {  	v0 =	vadd.s32 v23, v3;
	[tilespmem:v41+s19+$0x0] =	vst.idx.add.f32.msk $0xffff, v19;
	vm8 =	vnez.u8 v37;
	v37 =	vadd.s32 v40, v3  }
0xa05: {  	vm10 =	vcmask $0x3F30;
	v45 =	vsel vm11, v0, v37;
	v0 =	vadd.s32 v43, v47;
	v47 =	vld [tilespmem:$0x1FA10];
	_ =	sdelay $0x4  }
0xa06: {  	[tilespmem:v33+s20+$0x0] =	vst.idx.add.f32.msk $0xffff, v47  }
0xa07: {  	[tilespmem:v30+s19+$0x0] =	vst.idx.add.f32.msk vm10, v19  }
0xa08: {  	v12 =	vadd.s32 v42, v15;
	v3 =	vadd.s32 v43, v15;
	v30 =	vld [tilespmem:$0x1FA40]  }
0xa09: {  	v13 =	vsel vm9, v3, v12;
	v3 =	vmul.f32 $1.024000000e+03, v18  }
0xa0a: {  	vm11 =	vcmask $0x3F30  }
0xa0b: {  	v39 =	vadd.s32 v23, v21;
	v14 =	vadd.s32 v40, v21;
	v3 =	vtrunc.f32 v3;
	v22 =	vld [tilespmem:$0x1FA20]  }
0xa0c: {  	v20 =	vsel vm14, v39, v14;
	v39 =	vcvt.f32.s32 v3;
	_ =	sdelay $0x1  }
0xa0d: {  	vm14 =	vcmask $0x3F30;
	v41 =	vsel vm12, v0, v11;
	vm12 =	vlt.s32 v39, $0x3FF  }
0xa0e: {  	v33 =	vnsel vm12, $0x3FF, v39;
	vm12 =	vcmask $0x3F30;
	[tilespmem:v8+s19+$0x0] =	vst.idx.add.f32.msk $0xffff, v19  }
0xa0f: {  	v15 =	vadd.s32 v23, v49;
	v0 =	vadd.s32 v40, v49;
	v49 =	vmul.f32 $1.024000000e+03, v61;
	[tilespmem:v30+s20+$0x0] =	vst.idx.add.f32.msk vm11, v22  }
0xa10: {  	v22 =	vld [tilespmem:$0x1FA50]  }
0xa11: {  	v21 =	vtrunc.f32 v49;
	[tilespmem:v2+s20+$0x0] =	vst.idx.add.f32.msk $0xffff, v17  }
0xa12: {  	v8 =	vcvt.f32.s32 v21;
	[tilespmem:v6+s19+$0x0] =	vst.idx.add.f32.msk $0xffff, v19  }
0xa13: {  	s16 =	spop (v2sf);
	[tilespmem:v53+s19+$0x0] =	vst.idx.add.f32.msk vm14, v19  }
0xa14: {  	s25 =	spop (v2sf);
	s0 =	sadd.f32 s31, s16;
	v15 =	vsel vm13, v15, v0;
	vm13 =	vlt.s32 v8, $0x3FF;
	[tilespmem:v46+s20+$0x0] =	vst.idx.add.f32.msk vm12, v36  }
0xa15: {  	s1 =	sadd.f32 s30, s25;
	v8 =	vnsel vm13, $0x3FF, v8;
	vm13 =	vcmask $0x3F30;
	v17 =	vld [tilespmem:$0x1F7F0]  }
0xa16: {  	v35 =	vsel vm8, v24, v9;
	v24 =	vmov s0  }
0xa17: {  	v29 =	vmov s1;
	v3 =	vadd.f32 $0.0e+00, v24  }
0xa18: {  	v47 =	vadd.f32 $0.0e+00, v29  }
0xa19: {  	v49 =	vbroadcast v3, $0x0  }
0xa1a: {  	v29 =	vbroadcast v47, $0x0;
	[tilespmem:v60+s20+$0x0] =	vst.idx.add.f32.msk $0xffff, v17  }
0xa1b: {  	(erf) = vrcp.f32 v49;
	[tilespmem:v16+s19+$0x0] =	vst.idx.add.f32.msk vm13, v19  }
0xa1c: {  	(erf) = vrcp.f32 v29;
	v16 =	vld [tilespmem:$0x1F800]  }
0xa1d: {  	v29 =	vadd.s32 v40, v8;
	vm14 =	vcmask $0x3F30;
	[tilespmem:v5+s19+$0x0] =	vst.idx.add.f32.msk $0xffff, v19;
	v5 =	vadd.s32 v23, v8  }
0xa1e: {  	s26 =	spop (v2sf);
	[tilespmem:v4+s20+$0x0] =	vst.idx.add.f32.msk $0xffff, v55;
	v4 =	vsel vm15, v5, v29;
	vm15 =	vcmask $0x3F30  }
0xa1f: {  	s0 =	sadd.f32 s29, s26;
	vm9 =	vcmask $0x3F30  }
0xa20: {  	v39 =	vsub.f32 $1.000000000e+00, v58  }
0xa21: {  	v49 =	vsub.f32 $1.000000000e+00, v59;
	v2 =	vmov s0  }
0xa22: {  	v47 =	vadd.f32 $0.0e+00, v2;
	v2 =	vsel vm4, v39, v58;
	v22 =	vld.idx.msk [tilespmem:v22+s17+$0x0], $0xffff  }
0xa23: {  	v46 =	vsel vm3, v49, v59;
	v59 =	vmul.f32 $1.024000000e+03, v2;
	[tilespmem:v62+s20+$0x0] =	vst.idx.add.f32.msk vm14, v16  }
0xa24: {  	[tilespmem:v7+s19+$0x0] =	vst.idx.add.f32.msk vm15, v19  }
0xa25: {  	v21 =	vadd.s32 v42, v33;
	v24 =	vadd.s32 v43, v33;
	v5 =	vtrunc.f32 v59;
	[tilespmem:v63+s20+$0x0] =	vst.idx.add.f32.msk vm9, v54  }
0xa26: {  	v6 =	vsel vm7, v24, v21;
	v53 =	vmul.f32 $1.024000000e+03, v50;
	v5 =	vcvt.f32.s32 v5;
	v16 =	vld [tilespmem:$0x1F810]  }
0xa27: {  	v58 =	vmul.f32 $1.024000000e+03, v38;
	[tilespmem:v28+s19+$0x0] =	vst.idx.add.f32.msk $0xffff, v19  }
0xa28: {  	vm13 =	vcmask $0x3F30;
	v8 =	vtrunc.f32 v53;
	vm12 =	vlt.s32 v5, $0x3FF;
	v53 =	vld [tilespmem:$0x1F820]  }
0xa29: {  	v5 =	vnsel vm12, $0x3FF, v5;
	vm12 =	vcmask $0x3F30;
	[tilespmem:v10+s20+$0x0] =	vst.idx.add.f32.msk $0xffff, v52  }
0xa2a: {  	v24 =	vtrunc.f32 v58;
	v58 =	vld [tilespmem:$0x1F830]  }
0xa2b: {  	v60 =	vmul.f32 $1.024000000e+03, v46;
	vm14 =	vcmask $0x3F30;
	[tilespmem:v6+s19+$0x0] =	vst.idx.add.f32.msk $0xffff, v19  }
0xa2c: {  	vm8 =	veq.s32 v22, v57;
	vm7 =	veq.s32 v22, v48;
	v22 =	vcvt.f32.s32 v24;
	v62 =	vpop (erf);
	[tilespmem:v21+s20+$0x0] =	vst.idx.add.f32.msk $0xffff, v18  }
0xa2d: {  	v63 =	vmul.f32 v62, v34;
	v24 =	vmul.f32 v62, v16;
	v62 =	vld [tilespmem:$0x1FA60]  }
0xa2e: {  	v6 =	vtrunc.f32 v60;
	[tilespmem:v4+s19+$0x0] =	vst.idx.add.f32.msk vm13, v19  }
0xa2f: {  	v6 =	vcvt.f32.s32 v6;
	[tilespmem:v35+s19+$0x0] =	vst.idx.add.f32.msk vm12, v19;
	vm13 =	vcmask $0x3F30  }
0xa30: {  	[tilespmem:v44+s19+$0x0] =	vst.idx.add.f32.msk $0xffff, v19;
	vm12 =	vcmask $0x3F30  }
0xa31: {  	vm15 =	vlt.s32 v6, $0x3FF;
	[tilespmem:v29+s20+$0x0] =	vst.idx.add.f32.msk vm14, v61;
	vm14 =	vcmask $0x3F30  }
0xa32: {  	s30 =	spop (v2sf);
	v33 =	vbroadcast v47, $0x0;
	[tilespmem:v13+s19+$0x0] =	vst.idx.add.f32.msk $0xffff, v19;
	v6 =	vnsel vm15, $0x3FF, v6;
	vm15 =	vcmask $0x3F30  }
0xa33: {  	s0 =	sadd.f32 s28, s30;
	v8 =	vcvt.f32.s32 v8;
	[tilespmem:v1+s20+$0x0] =	vst.idx.add.f32.msk $0xffff, v25  }
0xa34: {  	v3 =	vbroadcast v32, $0x0;
	(erf) = vrcp.f32 v33;
	vm11 =	vlt.s32 v22, $0x3FF;
	[tilespmem:v12+s20+$0x0] =	vst.idx.add.f32.msk $0xffff, v56  }
0xa35: {  	vm10 =	vlt.s32 v8, $0x3FF;
	v47 =	vpop (erf);
	v22 =	vnsel vm11, $0x3FF, v22;
	v7 =	vmov s0;
	[tilespmem:v9+s20+$0x0] =	vst.idx.add.f32.msk vm13, v31  }
0xa36: {  	v49 =	vmul.f32 v47, v27;
	v7 =	vadd.f32 $0.0e+00, v7;
	v59 =	vsub.f32 $1.000000000e+00, v63;
	[tilespmem:v20+s19+$0x0] =	vst.idx.add.f32.msk vm12, v19  }
0xa37: {  	v8 =	vnsel vm10, $0x3FF, v8;
	v33 =	vadd.s32 v40, v22;
	v22 =	vadd.s32 v23, v22;
	[tilespmem:v45+s19+$0x0] =	vst.idx.add.f32.msk vm14, v19  }
0xa38: {  	v54 =	vpop (erf);
	v7 =	vbroadcast v7, $0x0;
	v39 =	vsel vm2, v59, v63;
	vm14 =	vcmask $0x3F30;
	[tilespmem:v37+s20+$0x0] =	vst.idx.add.f32.msk vm15, v26  }
0xa39: {  	v22 =	vsel vm5, v22, v33;
	v55 =	vmul.f32 v54, v51;
	v18 =	vmul.f32 $1.024000000e+03, v39;
	v9 =	vld [tilespmem:$0x1F840]  }
0xa3a: {  	(erf) = vrcp.f32 v7;
	v4 =	vsub.f32 $1.000000000e+00, v49;
	v34 =	vmul.f32 v47, v53  }
0xa3b: {  	v17 =	vsub.f32 $1.000000000e+00, v55;
	v52 =	vtrunc.f32 v18;
	v36 =	vmul.f32 v54, v58;
	v63 =	vld.idx.msk [tilespmem:v62+s17+$0x0], $0xffff  }
0xa3c: {  	v60 =	vsub.f32 $1.000000000e+00, v24;
	v4 =	vsel vm8, v4, v49;
	v54 =	vadd.s32 v42, v8  }
0xa3d: {  	v10 =	vcvt.f32.s32 v52;
	v8 =	vadd.s32 v43, v8;
	v16 =	vsub.f32 $1.000000000e+00, v34;
	[tilespmem:v41+s19+$0x0] =	vst.idx.add.f32.msk $0xffff, v19  }
0xa3e: {  	v49 =	vmul.f32 $1.024000000e+03, v4;
	v8 =	vsel vm6, v8, v54;
	v24 =	vsel vm1, v60, v24;
	[tilespmem:v14+s20+$0x0] =	vst.idx.add.f32.msk vm14, v9  }
0xa3f: {  	vm10 =	vlt.s32 v10, $0x3FF;
	v21 =	vsel vm7, v16, v34;
	v47 =	vmul.f32 $1.024000000e+03, v24;
	v9 =	vld [tilespmem:$0x1F850]  }
0xa40: {  	v10 =	vnsel vm10, $0x3FF, v10;
	vm10 =	vcmask $0x3F30;
	vm9 =	veq.s32 v63, v57  }
0xa41: {  	v51 =	vmul.f32 $1.024000000e+03, v21;
	v1 =	vsel vm9, v17, v55;
	v55 =	vtrunc.f32 v49  }
0xa42: {  	v53 =	vtrunc.f32 v47;
	v45 =	vadd.s32 v40, v6;
	v29 =	vcvt.f32.s32 v55  }
0xa43: {  	v3 =	vld.idx.msk [tilespmem:v3+s17+$0x0], $0xffff;
	v6 =	vadd.s32 v23, v6;
	v58 =	vtrunc.f32 v51;
	v27 =	vcvt.f32.s32 v53  }
0xa44: {  	v62 =	vsub.f32 $1.000000000e+00, v36;
	v37 =	vadd.s32 v42, v5;
	vm13 =	vlt.s32 v29, $0x3FF;
	[tilespmem:v11+s20+$0x0] =	vst.idx.add.f32.msk $0xffff, v9  }
0xa45: {  	v5 =	vadd.s32 v43, v5;
	v7 =	vnsel vm13, $0x3FF, v29;
	vm13 =	vcmask $0x3F30;
	v9 =	vld [tilespmem:$0x1F860]  }
0xa46: {  	v59 =	vcvt.f32.s32 v58;
	vm11 =	vlt.s32 v27, $0x3FF;
	vm14 =	vcmask $0x3F30;
	v34 =	vld [tilespmem:$0x1FA70]  }
0xa47: {  	v27 =	vnsel vm11, $0x3FF, v27;
	vm11 =	vcmask $0x3F30;
	vm6 =	veq.s32 v63, v48;
	[tilespmem:v15+s19+$0x0] =	vst.idx.add.f32.msk vm10, v19  }
0xa48: {  	v6 =	vsel vm3, v6, v45;
	v30 =	vsel vm6, v62, v36;
	v60 =	vmul.f32 $1.024000000e+03, v1;
	v41 =	vld [tilespmem:$0x1F870]  }
0xa49: {  	v5 =	vsel vm4, v5, v37;
	vm15 =	vlt.s32 v59, $0x3FF;
	v36 =	vmul.f32 $1.024000000e+03, v30;
	[tilespmem:v8+s19+$0x0] =	vst.idx.add.f32.msk $0xffff, v19  }
0xa4a: {  	vm4 =	veq.s32 v3, v57;
	v25 =	vnsel vm15, $0x3FF, v59;
	v26 =	vtrunc.f32 v60;
	[tilespmem:v54+s20+$0x0] =	vst.idx.add.f32.msk $0xffff, v50  }
0xa4b: {  	vm15 =	vcmask $0x3F30;
	v44 =	vtrunc.f32 v36;
	v13 =	vcvt.f32.s32 v26;
	[tilespmem:v22+s19+$0x0] =	vst.idx.add.f32.msk vm13, v19  }
0xa4c: {  	v56 =	vadd.s32 v23, v25;
	v49 =	vadd.s32 v40, v27;
	v18 =	vcvt.f32.s32 v44;
	[tilespmem:v33+s20+$0x0] =	vst.idx.add.f32.msk vm14, v38  }
0xa4d: {  	v61 =	vpop (erf);
	v51 =	vadd.s32 v42, v7;
	v7 =	vadd.s32 v43, v7;
	vm5 =	vlt.s32 v13, $0x3FF;
	[tilespmem:v0+s20+$0x0] =	vst.idx.add.f32.msk vm11, v41  }
0xa4e: {  	vm12 =	vlt.s32 v18, $0x3FF;
	v7 =	vsel vm8, v7, v51;
	v63 =	vmul.f32 v61, v9;
	v9 =	vld [tilespmem:$0x1F880]  }
0xa4f: {  	vm8 =	vcmask $0x3F30;
	v17 =	vnsel vm5, $0x3FF, v13;
	v47 =	vnsel vm12, $0x3FF, v18;
	[tilespmem:v5+s19+$0x0] =	vst.idx.add.f32.msk $0xffff, v19  }
0xa50: {  	vm5 =	vcmask $0x3F30;
	v8 =	vadd.s32 v42, v10;
	v50 =	vadd.s32 v23, v27;
	v35 =	vld.idx.msk [tilespmem:v34+s17+$0x0], $0xffff  }
0xa51: {  	v10 =	vadd.s32 v43, v10;
	v18 =	vsel vm1, v50, v49;
	vm1 =	veq.s32 v3, v48;
	v3 =	vld [tilespmem:$0x1F890]  }
0xa52: {  	v58 =	vadd.s32 v42, v17;
	v59 =	vadd.s32 v43, v17;
	v60 =	vadd.s32 v23, v47;
	v53 =	vld [tilespmem:$0x1F8A0]  }
0xa53: {  	vm12 =	vcmask $0x3F30;
	v10 =	vsel vm2, v10, v8;
	v15 =	vsel vm9, v59, v58;
	[tilespmem:v37+s20+$0x0] =	vst.idx.add.f32.msk $0xffff, v2  }
0xa54: {  	vm9 =	vcmask $0x3F30;
	vm14 =	vcmask $0x3F30;
	vm11 =	vcmask $0x3F30;
	[tilespmem:v7+s19+$0x0] =	vst.idx.add.f32.msk $0xffff, v19  }
0xa55: {  	v52 =	vpop (erf);
	v0 =	vsub.f32 $1.000000000e+00, v63;
	v7 =	vadd.s32 v40, v47;
	[tilespmem:v6+s19+$0x0] =	vst.idx.add.f32.msk vm15, v19;
	v14 =	vmul.f32 v61, v9  }
0xa56: {  	v6 =	vadd.s32 v40, v25;
	vm3 =	veq.s32 v35, v57;
	v3 =	vmul.f32 v52, v3  }
0xa57: {  	v54 =	vmul.f32 v52, v53;
	v0 =	vsel vm3, v0, v63;
	v2 =	vsub.f32 $1.000000000e+00, v14  }
0xa58: {  	vm2 =	veq.s32 v35, v48;
	v11 =	vmul.f32 $1.024000000e+03, v0;
	v55 =	vsub.f32 $1.000000000e+00, v3  }
0xa59: {  	[tilespmem:v10+s19+$0x0] =	vst.idx.add.f32.msk $0xffff, v19;
	v16 =	vsel vm7, v56, v6;
	v9 =	vsub.f32 $1.000000000e+00, v54;
	v2 =	vsel vm2, v2, v14  }
0xa5a: {  	[tilespmem:v15+s19+$0x0] =	vst.idx.add.f32.msk $0xffff, v19;
	v5 =	vtrunc.f32 v11;
	v3 =	vsel vm4, v55, v3;
	v57 =	vmul.f32 $1.024000000e+03, v2  }
0xa5b: {  	[tilespmem:v8+s20+$0x0] =	vst.idx.add.f32.msk $0xffff, v39;
	v9 =	vsel vm1, v9, v54;
	v5 =	vcvt.f32.s32 v5;
	v8 =	vmul.f32 $1.024000000e+03, v3  }
0xa5c: {  	[tilespmem:v51+s20+$0x0] =	vst.idx.add.f32.msk $0xffff, v4;
	v61 =	vsel vm6, v60, v7;
	v11 =	vmul.f32 $1.024000000e+03, v9;
	v10 =	vtrunc.f32 v57  }
0xa5d: {  	[tilespmem:v58+s20+$0x0] =	vst.idx.add.f32.msk $0xffff, v1;
	vm7 =	vlt.s32 v5, $0x3FF;
	v8 =	vtrunc.f32 v8;
	v10 =	vcvt.f32.s32 v10  }
0xa5e: {  	[tilespmem:v45+s20+$0x0] =	vst.idx.add.f32.msk vm5, v46;
	v4 =	vtrunc.f32 v11;
	v5 =	vnsel vm7, $0x3FF, v5;
	v8 =	vcvt.f32.s32 v8  }
0xa5f: {  	[tilespmem:v18+s19+$0x0] =	vst.idx.add.f32.msk vm8, v19;
	vm10 =	vlt.s32 v10, $0x3FF;
	v62 =	vadd.s32 v42, v5;
	v5 =	vadd.s32 v43, v5  }
0xa60: {  	[tilespmem:v16+s19+$0x0] =	vst.idx.add.f32.msk vm11, v19;
	v4 =	vcvt.f32.s32 v4;
	v10 =	vnsel vm10, $0x3FF, v10;
	v5 =	vsel vm3, v5, v62  }
0xa61: {  	[tilespmem:v6+s20+$0x0] =	vst.idx.add.f32.msk vm12, v21;
	vm13 =	vlt.s32 v8, $0x3FF;
	v6 =	vadd.s32 v40, v10;
	v10 =	vadd.s32 v23, v10  }
0xa62: {  	[tilespmem:v49+s20+$0x0] =	vst.idx.add.f32.msk vm9, v24;
	v8 =	vnsel vm13, $0x3FF, v8;
	v1 =	vsel vm2, v10, v6  }
0xa63: {  	[tilespmem:v61+s19+$0x0] =	vst.idx.add.f32.msk vm14, v19;
	vm15 =	vlt.s32 v4, $0x3FF;
	v63 =	vadd.s32 v42, v8;
	v8 =	vadd.s32 v43, v8  }
0xa64: {  	[tilespmem:v7+s20+$0x0] =	vst.idx.add.f32.msk vm14, v30;
	v4 =	vnsel vm15, $0x3FF, v4;
	v8 =	vsel vm4, v8, v63  }
0xa65: {  	[tilespmem:v5+s19+$0x0] =	vst.idx.add.f32.msk $0xffff, v19;
	v5 =	vadd.s32 v40, v4;
	v4 =	vadd.s32 v23, v4  }
0xa66: {  	v4 =	vsel vm1, v4, v5;
	[tilespmem:v62+s20+$0x0] =	vst.idx.add.f32.msk $0xffff, v0  }
0xa67: {  	[tilespmem:v1+s19+$0x0] =	vst.idx.add.f32.msk vm14, v19  }
0xa68: {  	[tilespmem:v6+s20+$0x0] =	vst.idx.add.f32.msk vm14, v2  }
0xa69: {  	[tilespmem:v8+s19+$0x0] =	vst.idx.add.f32.msk $0xffff, v19  }
0xa6a: {  	[tilespmem:v63+s20+$0x0] =	vst.idx.add.f32.msk $0xffff, v3  }
0xa6b: {  	[tilespmem:v4+s19+$0x0] =	vst.idx.add.f32.msk vm14, v19  }
0xa6c: {  	[tilespmem:v5+s20+$0x0] =	vst.idx.add.f32.msk vm14, v9  }
0xa6d: {  	[hbm4b:s11+s22] =	stream.strided.scatter [tilespmem:s19], [sflag:$0x3], $0x5000, s23, s22, $0x38;
	[tilespmem:$0x19800] =	vst v63  }
0xa6e: {  	_ =	swait.ge [sflag:s24], $0x5000  }
0xa6f: {  	[sflag:s24] =	ssyncset.done $0x0  }
0xa70: {  	s31 =	simm.s32 $0xF800;
	[sflag:s24] =	ssyncadd.s32 $0xFFFFB000  }
0xa71: {  	[hbm4b:s12+s22] =	stream.strided.scatter [tilespmem:s31], [sflag:$0x3], $0x5000, s23, s22, $0x38;
	[tilespmem:$0x19800] =	vst v63  }
0xa72: {  	s2 =	sadd.s32 $0x1, s2;
	_ =	swait.ge [sflag:s24], $0x5000  }
0xa73: {  	p0 =	sne.s32 s2, s14;
	[sflag:s24] =	ssyncset.done $0x0  }
.Ltmp5:
0xa74: {  	[sflag:s24] =	ssyncadd.s32 $0xFFFFB000;
	(pc) =	sbr.rel @p0 .LBB2_1-.Ltmp5, $4  }
0xa75: {  	[hbm4b:s13+s22] =	stream.strided.scatter [tilespmem:s20], [sflag:$0x3], $0x5000, s23, s22, $0x38;
	[tilespmem:$0x19800] =	vst v63  }
0xa76: {  	_ =	swait.ge [sflag:s24], $0x5000  }
0xa77: {  	v36 =	vmov v23;
	[sflag:s24] =	ssyncset.done $0x0  }
0xa78: {  	v7 =	vmovc v40;
	v0 =	vimm.f32 $0.0e+00;
	v3 =	vlaneseq.u32;
	v4 =	vmovc v42;
	v5 =	vimm.f32 $1.000000000e+00;
	[sflag:s24] =	ssyncadd.s32 $0xFFFFB000  }
0xa79: {  	_ =	sfence.sel $0x180000  }
0xa7a: {  	[bflag:$0x0] =	sbarrier.arrive $0xFFFF  }
0xa7b: {  	_ =	strace $0x90000047  }
0xa7c: {  	s0 =	stileid.u32;
	[bflag:$0x2] =	sbarrier.arrive $0xFFFF  }
0xa7d: {  	p0 =	sne.s32 s0, $0x0;
	s0 =	rddreg [dreg:$0x2]  }
0xa7e: {  	s0 =	sadd.s32 @!p0 $0x100000, s0  }
0xa7f: {  	[sflag:s0] =	ssyncadd.tile.s32 @!p0 $0x1;
	_ =	shalt  }
.Lfunc_end2:
_tile_overlayer_lowered:
.L_overlay_start_2:
0xa80: {  	(tag) =	ssettag $0x2  }
0xa81: {  	s0 =	rddreg [dreg:$0x0];
	s2 =	stileid.u32  }
0xa82: {  	s1 =	rddreg [dreg:$0x1];
	p0 =	sne.s32 s2, $0x0  }
0xa83: {  	s3 =	rddreg [dreg:$0x2];
	[bflag:$0x3] =	sbarrier.arrive $0xFFFF;
	s2 =	simm.s32 @!p0 $0x1C03  }
0xa84: {  	[timem:s3], [sflag:s2] =	dma.local @!p0 [hbm:s0], s1  }
0xa85: {  	s0 =	simm.s32 @!p0 $0x3  }
0xa86: {  	_ =	swait.ge @!p0 [sflag:s0], s1  }
0xa87: {  	s1 =	ssub.s32 @!p0 $0x0, s1;
	[sflag:s0] =	ssyncset.done @!p0 $0x0  }
0xa88: {  	[sflag:s0] =	ssyncadd.s32 @!p0 s1  }
0xa89: {  	[bflag:$0x3] =	sbarrier.arrive $0xFFFF  }
0xa8a: {  	_ =	shalt  }

</sc_bundles>
